<compile_context>
chip_gen: v7x
topology: tpu7x:2x2x1
jax: 0.10.2.dev20260603
libtpu: 0.0.44.dev20260713+nightly
codegen_flags: <defaults>
</compile_context>

<pallas_src>
import math

import jax
import jax.numpy as jnp
from jax import lax
from jax.experimental import pallas as pl
from jax.experimental.pallas import tpu as pltpu
from jax.experimental.pallas import tpu_sc as plsc

NC = 2
NS = 16
NW = NC * NS
LANES = 16


def _make_sc_embed(B, S, D, scale):
    P_W = S // NW
    P_C = 8
    NCHUNK = P_W // P_C
    ROWS_C = B * P_C
    CB = D // LANES

    NBUF = 3

    mesh = plsc.VectorSubcoreMesh(
        core_axis_name="c", subcore_axis_name="s",
        num_cores=NC, num_subcores=NS)

    grid_kernel = pl.kernel(
        out_type=jax.ShapeDtypeStruct((B * S, D), jnp.float32),
        mesh=mesh,
        scratch_types=(
            [pltpu.VMEM((B * P_W,), jnp.int32)]
            + [pltpu.VMEM((ROWS_C, D), jnp.float32)] * NBUF
            + [pltpu.VMEM((P_C, D), jnp.float32)] * NBUF
            + [pltpu.SemaphoreType.DMA] * (1 + 3 * NBUF)
        ),
    )

    def body(ids_hbm, tok_hbm, pos_hbm, out_hbm, *scratch):
        idx_r = scratch[0]
        tok = scratch[1:1 + NBUF]
        pos = scratch[1 + NBUF:1 + 2 * NBUF]
        isem = scratch[1 + 2 * NBUF]
        gsem = scratch[2 + 2 * NBUF:2 + 2 * NBUF + NBUF]
        psem = scratch[2 + 3 * NBUF:2 + 3 * NBUF + NBUF]
        osem = scratch[2 + 4 * NBUF:2 + 4 * NBUF + NBUF]
        wid = lax.axis_index("s") * NC + lax.axis_index("c")
        s0 = wid * P_W

        def stage_idx(j):
            return [pltpu.async_copy(
                ids_hbm.at[pl.ds(b * S + s0 + j * P_C, P_C)],
                idx_r.at[pl.ds(j * ROWS_C + b * P_C, P_C)], isem)
                for b in range(B)]

        def issue_in(j):
            pr = j % NBUF
            waits = [pltpu.async_copy(
                tok_hbm.at[idx_r.at[pl.ds(j * ROWS_C, ROWS_C)]],
                tok[pr], gsem[pr])]
            waits.append(pltpu.async_copy(
                pos_hbm.at[pl.ds(s0 + j * P_C, P_C)], pos[pr], psem[pr]))
            return waits

        def issue_out(j):
            pr = j % NBUF
            return [pltpu.async_copy(
                tok[pr].at[pl.ds(b * P_C, P_C)],
                out_hbm.at[pl.ds(b * S + s0 + j * P_C, P_C)], osem[pr])
                for b in range(B)]

        def compute(j):
            pr = j % NBUF
            tbuf, pbuf = tok[pr], pos[pr]

            @plsc.parallel_loop(0, P_C * CB, 1, unroll=4)
            def _blk(i):
                p = i // CB
                cb = i - p * CB
                sl = pl.ds(cb * LANES, LANES)
                pv = pbuf[p, sl]
                for b in range(B):
                    r = b * P_C + p
                    tbuf[r, sl] = tbuf[r, sl] * scale + pv

        w0 = stage_idx(0)
        rest = [w for j in range(1, NCHUNK) for w in stage_idx(j)]
        for wdesc in w0:
            wdesc.wait()
        in_flight = {0: issue_in(0)}
        for wdesc in rest:
            wdesc.wait()
        for j in range(1, min(NBUF - 1, NCHUNK)):
            in_flight[j] = issue_in(j)
        out_flight = {}
        for j in range(NCHUNK):
            nj = j + NBUF - 1
            if nj < NCHUNK:
                if nj - NBUF in out_flight:
                    for wdesc in out_flight.pop(nj - NBUF):
                        wdesc.wait()
                in_flight[nj] = issue_in(nj)
            for wdesc in in_flight.pop(j):
                wdesc.wait()
            compute(j)
            out_flight[j] = issue_out(j)
        for waits in out_flight.values():
            for wdesc in waits:
                wdesc.wait()

    return grid_kernel(body)


def kernel(input_ids, token_table, pos_table):
    B, S = input_ids.shape
    V, D = token_table.shape
    ids = input_ids.reshape(B * S).astype(jnp.int32)
    scale = float(math.sqrt(D))
    out = _make_sc_embed(B, S, D, scale)(ids, token_table, pos_table)
    return out.reshape(B, S, D)

# --- scband reference (transcript-rebuilt; emitter-appended) ---
"""Pipeline reference for scband-gpt2-embeddings-50019189129288 (READ-ONLY COPY).

The authoritative reference and input builder live on the scoring server;
editing this copy changes nothing except your own understanding.
"""

import jax, jax.numpy as jnp
import numpy as np
import math

VOCAB_SIZE = 50257
EMBED_DIM = 1024
MAX_SEQ_LEN = 2048

def setup_inputs(seed: int = 0) -> dict:
    key = jax.random.key(seed)
    k1, k2, k3 = jax.random.split(key, 3)
    input_ids = jax.random.randint(k1, (4, 2048), 0, VOCAB_SIZE, dtype=jnp.int64 if jax.config.jax_enable_x64 else jnp.int32)
    token_table = jax.random.normal(k2, (VOCAB_SIZE, EMBED_DIM), dtype=jnp.float32) * 0.02
    pos_table = jax.random.normal(k3, (MAX_SEQ_LEN, EMBED_DIM), dtype=jnp.float32) * 0.02
    return {"input_ids": input_ids, "token_table": token_table, "pos_table": pos_table}

def reference(input_ids, token_table, pos_table):
    # TokenEmbedding: table lookup scaled by sqrt(embed_dim)
    embed_dim = token_table.shape[1]
    token_embeds = jnp.take(token_table, input_ids, axis=0) * math.sqrt(embed_dim)
    # PositionEmbedding: learned positional lookup for [0, seq_len), shape [1, S, D]
    seq_len = input_ids.shape[1]
    positions = jnp.arange(seq_len)[None, :]
    pos_embeds = jnp.take(pos_table, positions, axis=0)
    # Combined (dropout is identity in eval / deterministic mode)
    embeddings = token_embeds + pos_embeds
    return embeddings

if __name__ == "__main__":
    import jax
    _d = setup_inputs()
    print(jax.jit(kernel)(*tuple(_d.values())))

</pallas_src>

<mosaic_0001>
#map = affine_map<(d0, d1) -> (0)>
#map1 = affine_map<(d0, d1) -> (0, 0)>
module attributes {stable_mosaic.version = 14 : i64} {
  func.func @body(%arg0: i32, %arg1: i32, %arg2: memref<8192xi32, #tpu.memory_space<hbm>>, %arg3: memref<50257x1024xf32, #tpu.memory_space<hbm>>, %arg4: memref<2048x1024xf32, #tpu.memory_space<hbm>>, %arg5: memref<8192x1024xf32, #tpu.memory_space<hbm>>, %arg6: memref<256xi32, #tpu.memory_space<vmem>>, %arg7: memref<32x1024xf32, #tpu.memory_space<vmem>>, %arg8: memref<32x1024xf32, #tpu.memory_space<vmem>>, %arg9: memref<32x1024xf32, #tpu.memory_space<vmem>>, %arg10: memref<8x1024xf32, #tpu.memory_space<vmem>>, %arg11: memref<8x1024xf32, #tpu.memory_space<vmem>>, %arg12: memref<8x1024xf32, #tpu.memory_space<vmem>>, %arg13: memref<!tpu.dma_semaphore, #tpu.memory_space<semaphore_mem>>, %arg14: memref<!tpu.dma_semaphore, #tpu.memory_space<semaphore_mem>>, %arg15: memref<!tpu.dma_semaphore, #tpu.memory_space<semaphore_mem>>, %arg16: memref<!tpu.dma_semaphore, #tpu.memory_space<semaphore_mem>>, %arg17: memref<!tpu.dma_semaphore, #tpu.memory_space<semaphore_mem>>, %arg18: memref<!tpu.dma_semaphore, #tpu.memory_space<semaphore_mem>>, %arg19: memref<!tpu.dma_semaphore, #tpu.memory_space<semaphore_mem>>, %arg20: memref<!tpu.dma_semaphore, #tpu.memory_space<semaphore_mem>>, %arg21: memref<!tpu.dma_semaphore, #tpu.memory_space<semaphore_mem>>, %arg22: memref<!tpu.dma_semaphore, #tpu.memory_space<semaphore_mem>>) attributes {dimension_semantics = [#tpu.dimension_semantics<core_parallel>, #tpu.dimension_semantics<subcore_parallel>], iteration_bounds = array<i64: 2, 16>, scalar_prefetch = 0 : i64, scratch_operands = 17 : i64, tpu.core_type = #tpu.core_type<sc_vector_subcore>, window_params = [{transform_indices = #map}, {transform_indices = #map1}, {transform_indices = #map1}, {transform_indices = #map1}]} {
    %mul3A = arith.constant 2 : i32
    %mul3A_0 = arith.muli %arg1, %mul3A : i32
    %add3A = arith.addi %mul3A_0, %arg0 : i32
    %mul3A_1 = arith.constant 64 : i32
    %mul3A_2 = arith.muli %add3A, %mul3A_1 : i32
    %add3A_3 = arith.constant 0 : i32
    %add3A_4 = arith.addi %add3A_3, %mul3A_2 : i32
    %add3A_5 = arith.constant 0 : i32
    %add3A_6 = arith.addi %add3A_4, %add3A_5 : i32
    %dma_start3A = arith.constant 0 : i32
    %dma_start3A_7 = tpu.memref_slice %arg6[%dma_start3A] : memref<256xi32, #tpu.memory_space<vmem>> -> memref<8xi32, #tpu.memory_space<vmem>>
    %dma_start3A_8 = tpu.memref_slice %arg2[%add3A_6] : memref<8192xi32, #tpu.memory_space<hbm>> -> memref<8xi32, #tpu.memory_space<hbm>>
    %dma_start3A_9 = arith.constant 0 : i32
    %dma_start3A_10 = tpu.memref_slice %arg6[%dma_start3A_9] : memref<256xi32, #tpu.memory_space<vmem>> -> memref<8xi32, #tpu.memory_space<vmem>>
    %dma_start3A_11 = tpu.memref_slice %arg2[%add3A_6] : memref<8192xi32, #tpu.memory_space<hbm>> -> memref<8xi32, #tpu.memory_space<hbm>>
    tpu.enqueue_dma source(%dma_start3A_11 : memref<8xi32, #tpu.memory_space<hbm>>) target(%dma_start3A_10 : memref<8xi32, #tpu.memory_space<vmem>>) target_semaphore(%arg13 : memref<!tpu.dma_semaphore, #tpu.memory_space<semaphore_mem>>)
    %add3A_12 = arith.constant 2048 : i32
    %add3A_13 = arith.addi %add3A_12, %mul3A_2 : i32
    %add3A_14 = arith.constant 0 : i32
    %add3A_15 = arith.addi %add3A_13, %add3A_14 : i32
    %dma_start3A_16 = arith.constant 8 : i32
    %dma_start3A_17 = tpu.memref_slice %arg6[%dma_start3A_16] : memref<256xi32, #tpu.memory_space<vmem>> -> memref<8xi32, #tpu.memory_space<vmem>>
    %dma_start3A_18 = tpu.memref_slice %arg2[%add3A_15] : memref<8192xi32, #tpu.memory_space<hbm>> -> memref<8xi32, #tpu.memory_space<hbm>>
    %dma_start3A_19 = arith.constant 8 : i32
    %dma_start3A_20 = tpu.memref_slice %arg6[%dma_start3A_19] : memref<256xi32, #tpu.memory_space<vmem>> -> memref<8xi32, #tpu.memory_space<vmem>>
    %dma_start3A_21 = tpu.memref_slice %arg2[%add3A_15] : memref<8192xi32, #tpu.memory_space<hbm>> -> memref<8xi32, #tpu.memory_space<hbm>>
    tpu.enqueue_dma source(%dma_start3A_21 : memref<8xi32, #tpu.memory_space<hbm>>) target(%dma_start3A_20 : memref<8xi32, #tpu.memory_space<vmem>>) target_semaphore(%arg13 : memref<!tpu.dma_semaphore, #tpu.memory_space<semaphore_mem>>)
    %add3A_22 = arith.constant 4096 : i32
    %add3A_23 = arith.addi %add3A_22, %mul3A_2 : i32
    %add3A_24 = arith.constant 0 : i32
    %add3A_25 = arith.addi %add3A_23, %add3A_24 : i32
    %dma_start3A_26 = arith.constant 16 : i32
    %dma_start3A_27 = tpu.memref_slice %arg6[%dma_start3A_26] : memref<256xi32, #tpu.memory_space<vmem>> -> memref<8xi32, #tpu.memory_space<vmem>>
    %dma_start3A_28 = tpu.memref_slice %arg2[%add3A_25] : memref<8192xi32, #tpu.memory_space<hbm>> -> memref<8xi32, #tpu.memory_space<hbm>>
    %dma_start3A_29 = arith.constant 16 : i32
    %dma_start3A_30 = tpu.memref_slice %arg6[%dma_start3A_29] : memref<256xi32, #tpu.memory_space<vmem>> -> memref<8xi32, #tpu.memory_space<vmem>>
    %dma_start3A_31 = tpu.memref_slice %arg2[%add3A_25] : memref<8192xi32, #tpu.memory_space<hbm>> -> memref<8xi32, #tpu.memory_space<hbm>>
    tpu.enqueue_dma source(%dma_start3A_31 : memref<8xi32, #tpu.memory_space<hbm>>) target(%dma_start3A_30 : memref<8xi32, #tpu.memory_space<vmem>>) target_semaphore(%arg13 : memref<!tpu.dma_semaphore, #tpu.memory_space<semaphore_mem>>)
    %add3A_32 = arith.constant 6144 : i32
    %add3A_33 = arith.addi %add3A_32, %mul3A_2 : i32
    %add3A_34 = arith.constant 0 : i32
    %add3A_35 = arith.addi %add3A_33, %add3A_34 : i32
    %dma_start3A_36 = arith.constant 24 : i32
    %dma_start3A_37 = tpu.memref_slice %arg6[%dma_start3A_36] : memref<256xi32, #tpu.memory_space<vmem>> -> memref<8xi32, #tpu.memory_space<vmem>>
    %dma_start3A_38 = tpu.memref_slice %arg2[%add3A_35] : memref<8192xi32, #tpu.memory_space<hbm>> -> memref<8xi32, #tpu.memory_space<hbm>>
    %dma_start3A_39 = arith.constant 24 : i32
    %dma_start3A_40 = tpu.memref_slice %arg6[%dma_start3A_39] : memref<256xi32, #tpu.memory_space<vmem>> -> memref<8xi32, #tpu.memory_space<vmem>>
    %dma_start3A_41 = tpu.memref_slice %arg2[%add3A_35] : memref<8192xi32, #tpu.memory_space<hbm>> -> memref<8xi32, #tpu.memory_space<hbm>>
    tpu.enqueue_dma source(%dma_start3A_41 : memref<8xi32, #tpu.memory_space<hbm>>) target(%dma_start3A_40 : memref<8xi32, #tpu.memory_space<vmem>>) target_semaphore(%arg13 : memref<!tpu.dma_semaphore, #tpu.memory_space<semaphore_mem>>)
    %add3A_42 = arith.constant 0 : i32
    %add3A_43 = arith.addi %add3A_42, %mul3A_2 : i32
    %add3A_44 = arith.constant 8 : i32
    %add3A_45 = arith.addi %add3A_43, %add3A_44 : i32
    %dma_start3A_46 = arith.constant 32 : i32
    %dma_start3A_47 = tpu.memref_slice %arg6[%dma_start3A_46] : memref<256xi32, #tpu.memory_space<vmem>> -> memref<8xi32, #tpu.memory_space<vmem>>
    %dma_start3A_48 = tpu.memref_slice %arg2[%add3A_45] : memref<8192xi32, #tpu.memory_space<hbm>> -> memref<8xi32, #tpu.memory_space<hbm>>
    %dma_start3A_49 = arith.constant 32 : i32
    %dma_start3A_50 = tpu.memref_slice %arg6[%dma_start3A_49] : memref<256xi32, #tpu.memory_space<vmem>> -> memref<8xi32, #tpu.memory_space<vmem>>
    %dma_start3A_51 = tpu.memref_slice %arg2[%add3A_45] : memref<8192xi32, #tpu.memory_space<hbm>> -> memref<8xi32, #tpu.memory_space<hbm>>
    tpu.enqueue_dma source(%dma_start3A_51 : memref<8xi32, #tpu.memory_space<hbm>>) target(%dma_start3A_50 : memref<8xi32, #tpu.memory_space<vmem>>) target_semaphore(%arg13 : memref<!tpu.dma_semaphore, #tpu.memory_space<semaphore_mem>>)
    %add3A_52 = arith.constant 2048 : i32
    %add3A_53 = arith.addi %add3A_52, %mul3A_2 : i32
    %add3A_54 = arith.constant 8 : i32
    %add3A_55 = arith.addi %add3A_53, %add3A_54 : i32
    %dma_start3A_56 = arith.constant 40 : i32
    %dma_start3A_57 = tpu.memref_slice %arg6[%dma_start3A_56] : memref<256xi32, #tpu.memory_space<vmem>> -> memref<8xi32, #tpu.memory_space<vmem>>
    %dma_start3A_58 = tpu.memref_slice %arg2[%add3A_55] : memref<8192xi32, #tpu.memory_space<hbm>> -> memref<8xi32, #tpu.memory_space<hbm>>
    %dma_start3A_59 = arith.constant 40 : i32
    %dma_start3A_60 = tpu.memref_slice %arg6[%dma_start3A_59] : memref<256xi32, #tpu.memory_space<vmem>> -> memref<8xi32, #tpu.memory_space<vmem>>
    %dma_start3A_61 = tpu.memref_slice %arg2[%add3A_55] : memref<8192xi32, #tpu.memory_space<hbm>> -> memref<8xi32, #tpu.memory_space<hbm>>
    tpu.enqueue_dma source(%dma_start3A_61 : memref<8xi32, #tpu.memory_space<hbm>>) target(%dma_start3A_60 : memref<8xi32, #tpu.memory_space<vmem>>) target_semaphore(%arg13 : memref<!tpu.dma_semaphore, #tpu.memory_space<semaphore_mem>>)
    %add3A_62 = arith.constant 4096 : i32
    %add3A_63 = arith.addi %add3A_62, %mul3A_2 : i32
    %add3A_64 = arith.constant 8 : i32
    %add3A_65 = arith.addi %add3A_63, %add3A_64 : i32
    %dma_start3A_66 = arith.constant 48 : i32
    %dma_start3A_67 = tpu.memref_slice %arg6[%dma_start3A_66] : memref<256xi32, #tpu.memory_space<vmem>> -> memref<8xi32, #tpu.memory_space<vmem>>
    %dma_start3A_68 = tpu.memref_slice %arg2[%add3A_65] : memref<8192xi32, #tpu.memory_space<hbm>> -> memref<8xi32, #tpu.memory_space<hbm>>
    %dma_start3A_69 = arith.constant 48 : i32
    %dma_start3A_70 = tpu.memref_slice %arg6[%dma_start3A_69] : memref<256xi32, #tpu.memory_space<vmem>> -> memref<8xi32, #tpu.memory_space<vmem>>
    %dma_start3A_71 = tpu.memref_slice %arg2[%add3A_65] : memref<8192xi32, #tpu.memory_space<hbm>> -> memref<8xi32, #tpu.memory_space<hbm>>
    tpu.enqueue_dma source(%dma_start3A_71 : memref<8xi32, #tpu.memory_space<hbm>>) target(%dma_start3A_70 : memref<8xi32, #tpu.memory_space<vmem>>) target_semaphore(%arg13 : memref<!tpu.dma_semaphore, #tpu.memory_space<semaphore_mem>>)
    %add3A_72 = arith.constant 6144 : i32
    %add3A_73 = arith.addi %add3A_72, %mul3A_2 : i32
    %add3A_74 = arith.constant 8 : i32
    %add3A_75 = arith.addi %add3A_73, %add3A_74 : i32
    %dma_start3A_76 = arith.constant 56 : i32
    %dma_start3A_77 = tpu.memref_slice %arg6[%dma_start3A_76] : memref<256xi32, #tpu.memory_space<vmem>> -> memref<8xi32, #tpu.memory_space<vmem>>
    %dma_start3A_78 = tpu.memref_slice %arg2[%add3A_75] : memref<8192xi32, #tpu.memory_space<hbm>> -> memref<8xi32, #tpu.memory_space<hbm>>
    %dma_start3A_79 = arith.constant 56 : i32
    %dma_start3A_80 = tpu.memref_slice %arg6[%dma_start3A_79] : memref<256xi32, #tpu.memory_space<vmem>> -> memref<8xi32, #tpu.memory_space<vmem>>
    %dma_start3A_81 = tpu.memref_slice %arg2[%add3A_75] : memref<8192xi32, #tpu.memory_space<hbm>> -> memref<8xi32, #tpu.memory_space<hbm>>
    tpu.enqueue_dma source(%dma_start3A_81 : memref<8xi32, #tpu.memory_space<hbm>>) target(%dma_start3A_80 : memref<8xi32, #tpu.memory_space<vmem>>) target_semaphore(%arg13 : memref<!tpu.dma_semaphore, #tpu.memory_space<semaphore_mem>>)
    %add3A_82 = arith.constant 0 : i32
    %add3A_83 = arith.addi %add3A_82, %mul3A_2 : i32
    %add3A_84 = arith.constant 16 : i32
    %add3A_85 = arith.addi %add3A_83, %add3A_84 : i32
    %dma_start3A_86 = arith.constant 64 : i32
    %dma_start3A_87 = tpu.memref_slice %arg6[%dma_start3A_86] : memref<256xi32, #tpu.memory_space<vmem>> -> memref<8xi32, #tpu.memory_space<vmem>>
    %dma_start3A_88 = tpu.memref_slice %arg2[%add3A_85] : memref<8192xi32, #tpu.memory_space<hbm>> -> memref<8xi32, #tpu.memory_space<hbm>>
    %dma_start3A_89 = arith.constant 64 : i32
    %dma_start3A_90 = tpu.memref_slice %arg6[%dma_start3A_89] : memref<256xi32, #tpu.memory_space<vmem>> -> memref<8xi32, #tpu.memory_space<vmem>>
    %dma_start3A_91 = tpu.memref_slice %arg2[%add3A_85] : memref<8192xi32, #tpu.memory_space<hbm>> -> memref<8xi32, #tpu.memory_space<hbm>>
    tpu.enqueue_dma source(%dma_start3A_91 : memref<8xi32, #tpu.memory_space<hbm>>) target(%dma_start3A_90 : memref<8xi32, #tpu.memory_space<vmem>>) target_semaphore(%arg13 : memref<!tpu.dma_semaphore, #tpu.memory_space<semaphore_mem>>)
    %add3A_92 = arith.constant 2048 : i32
    %add3A_93 = arith.addi %add3A_92, %mul3A_2 : i32
    %add3A_94 = arith.constant 16 : i32
    %add3A_95 = arith.addi %add3A_93, %add3A_94 : i32
    %dma_start3A_96 = arith.constant 72 : i32
    %dma_start3A_97 = tpu.memref_slice %arg6[%dma_start3A_96] : memref<256xi32, #tpu.memory_space<vmem>> -> memref<8xi32, #tpu.memory_space<vmem>>
    %dma_start3A_98 = tpu.memref_slice %arg2[%add3A_95] : memref<8192xi32, #tpu.memory_space<hbm>> -> memref<8xi32, #tpu.memory_space<hbm>>
    %dma_start3A_99 = arith.constant 72 : i32
    %dma_start3A_100 = tpu.memref_slice %arg6[%dma_start3A_99] : memref<256xi32, #tpu.memory_space<vmem>> -> memref<8xi32, #tpu.memory_space<vmem>>
    %dma_start3A_101 = tpu.memref_slice %arg2[%add3A_95] : memref<8192xi32, #tpu.memory_space<hbm>> -> memref<8xi32, #tpu.memory_space<hbm>>
    tpu.enqueue_dma source(%dma_start3A_101 : memref<8xi32, #tpu.memory_space<hbm>>) target(%dma_start3A_100 : memref<8xi32, #tpu.memory_space<vmem>>) target_semaphore(%arg13 : memref<!tpu.dma_semaphore, #tpu.memory_space<semaphore_mem>>)
    %add3A_102 = arith.constant 4096 : i32
    %add3A_103 = arith.addi %add3A_102, %mul3A_2 : i32
    %add3A_104 = arith.constant 16 : i32
    %add3A_105 = arith.addi %add3A_103, %add3A_104 : i32
    %dma_start3A_106 = arith.constant 80 : i32
    %dma_start3A_107 = tpu.memref_slice %arg6[%dma_start3A_106] : memref<256xi32, #tpu.memory_space<vmem>> -> memref<8xi32, #tpu.memory_space<vmem>>
    %dma_start3A_108 = tpu.memref_slice %arg2[%add3A_105] : memref<8192xi32, #tpu.memory_space<hbm>> -> memref<8xi32, #tpu.memory_space<hbm>>
    %dma_start3A_109 = arith.constant 80 : i32
    %dma_start3A_110 = tpu.memref_slice %arg6[%dma_start3A_109] : memref<256xi32, #tpu.memory_space<vmem>> -> memref<8xi32, #tpu.memory_space<vmem>>
    %dma_start3A_111 = tpu.memref_slice %arg2[%add3A_105] : memref<8192xi32, #tpu.memory_space<hbm>> -> memref<8xi32, #tpu.memory_space<hbm>>
    tpu.enqueue_dma source(%dma_start3A_111 : memref<8xi32, #tpu.memory_space<hbm>>) target(%dma_start3A_110 : memref<8xi32, #tpu.memory_space<vmem>>) target_semaphore(%arg13 : memref<!tpu.dma_semaphore, #tpu.memory_space<semaphore_mem>>)
    %add3A_112 = arith.constant 6144 : i32
    %add3A_113 = arith.addi %add3A_112, %mul3A_2 : i32
    %add3A_114 = arith.constant 16 : i32
    %add3A_115 = arith.addi %add3A_113, %add3A_114 : i32
    %dma_start3A_116 = arith.constant 88 : i32
    %dma_start3A_117 = tpu.memref_slice %arg6[%dma_start3A_116] : memref<256xi32, #tpu.memory_space<vmem>> -> memref<8xi32, #tpu.memory_space<vmem>>
    %dma_start3A_118 = tpu.memref_slice %arg2[%add3A_115] : memref<8192xi32, #tpu.memory_space<hbm>> -> memref<8xi32, #tpu.memory_space<hbm>>
    %dma_start3A_119 = arith.constant 88 : i32
    %dma_start3A_120 = tpu.memref_slice %arg6[%dma_start3A_119] : memref<256xi32, #tpu.memory_space<vmem>> -> memref<8xi32, #tpu.memory_space<vmem>>
    %dma_start3A_121 = tpu.memref_slice %arg2[%add3A_115] : memref<8192xi32, #tpu.memory_space<hbm>> -> memref<8xi32, #tpu.memory_space<hbm>>
    tpu.enqueue_dma source(%dma_start3A_121 : memref<8xi32, #tpu.memory_space<hbm>>) target(%dma_start3A_120 : memref<8xi32, #tpu.memory_space<vmem>>) target_semaphore(%arg13 : memref<!tpu.dma_semaphore, #tpu.memory_space<semaphore_mem>>)
    %add3A_122 = arith.constant 0 : i32
    %add3A_123 = arith.addi %add3A_122, %mul3A_2 : i32
    %add3A_124 = arith.constant 24 : i32
    %add3A_125 = arith.addi %add3A_123, %add3A_124 : i32
    %dma_start3A_126 = arith.constant 96 : i32
    %dma_start3A_127 = tpu.memref_slice %arg6[%dma_start3A_126] : memref<256xi32, #tpu.memory_space<vmem>> -> memref<8xi32, #tpu.memory_space<vmem>>
    %dma_start3A_128 = tpu.memref_slice %arg2[%add3A_125] : memref<8192xi32, #tpu.memory_space<hbm>> -> memref<8xi32, #tpu.memory_space<hbm>>
    %dma_start3A_129 = arith.constant 96 : i32
    %dma_start3A_130 = tpu.memref_slice %arg6[%dma_start3A_129] : memref<256xi32, #tpu.memory_space<vmem>> -> memref<8xi32, #tpu.memory_space<vmem>>
    %dma_start3A_131 = tpu.memref_slice %arg2[%add3A_125] : memref<8192xi32, #tpu.memory_space<hbm>> -> memref<8xi32, #tpu.memory_space<hbm>>
    tpu.enqueue_dma source(%dma_start3A_131 : memref<8xi32, #tpu.memory_space<hbm>>) target(%dma_start3A_130 : memref<8xi32, #tpu.memory_space<vmem>>) target_semaphore(%arg13 : memref<!tpu.dma_semaphore, #tpu.memory_space<semaphore_mem>>)
    %add3A_132 = arith.constant 2048 : i32
    %add3A_133 = arith.addi %add3A_132, %mul3A_2 : i32
    %add3A_134 = arith.constant 24 : i32
    %add3A_135 = arith.addi %add3A_133, %add3A_134 : i32
    %dma_start3A_136 = arith.constant 104 : i32
    %dma_start3A_137 = tpu.memref_slice %arg6[%dma_start3A_136] : memref<256xi32, #tpu.memory_space<vmem>> -> memref<8xi32, #tpu.memory_space<vmem>>
    %dma_start3A_138 = tpu.memref_slice %arg2[%add3A_135] : memref<8192xi32, #tpu.memory_space<hbm>> -> memref<8xi32, #tpu.memory_space<hbm>>
    %dma_start3A_139 = arith.constant 104 : i32
    %dma_start3A_140 = tpu.memref_slice %arg6[%dma_start3A_139] : memref<256xi32, #tpu.memory_space<vmem>> -> memref<8xi32, #tpu.memory_space<vmem>>
    %dma_start3A_141 = tpu.memref_slice %arg2[%add3A_135] : memref<8192xi32, #tpu.memory_space<hbm>> -> memref<8xi32, #tpu.memory_space<hbm>>
    tpu.enqueue_dma source(%dma_start3A_141 : memref<8xi32, #tpu.memory_space<hbm>>) target(%dma_start3A_140 : memref<8xi32, #tpu.memory_space<vmem>>) target_semaphore(%arg13 : memref<!tpu.dma_semaphore, #tpu.memory_space<semaphore_mem>>)
    %add3A_142 = arith.constant 4096 : i32
    %add3A_143 = arith.addi %add3A_142, %mul3A_2 : i32
    %add3A_144 = arith.constant 24 : i32
    %add3A_145 = arith.addi %add3A_143, %add3A_144 : i32
    %dma_start3A_146 = arith.constant 112 : i32
    %dma_start3A_147 = tpu.memref_slice %arg6[%dma_start3A_146] : memref<256xi32, #tpu.memory_space<vmem>> -> memref<8xi32, #tpu.memory_space<vmem>>
    %dma_start3A_148 = tpu.memref_slice %arg2[%add3A_145] : memref<8192xi32, #tpu.memory_space<hbm>> -> memref<8xi32, #tpu.memory_space<hbm>>
    %dma_start3A_149 = arith.constant 112 : i32
    %dma_start3A_150 = tpu.memref_slice %arg6[%dma_start3A_149] : memref<256xi32, #tpu.memory_space<vmem>> -> memref<8xi32, #tpu.memory_space<vmem>>
    %dma_start3A_151 = tpu.memref_slice %arg2[%add3A_145] : memref<8192xi32, #tpu.memory_space<hbm>> -> memref<8xi32, #tpu.memory_space<hbm>>
    tpu.enqueue_dma source(%dma_start3A_151 : memref<8xi32, #tpu.memory_space<hbm>>) target(%dma_start3A_150 : memref<8xi32, #tpu.memory_space<vmem>>) target_semaphore(%arg13 : memref<!tpu.dma_semaphore, #tpu.memory_space<semaphore_mem>>)
    %add3A_152 = arith.constant 6144 : i32
    %add3A_153 = arith.addi %add3A_152, %mul3A_2 : i32
    %add3A_154 = arith.constant 24 : i32
    %add3A_155 = arith.addi %add3A_153, %add3A_154 : i32
    %dma_start3A_156 = arith.constant 120 : i32
    %dma_start3A_157 = tpu.memref_slice %arg6[%dma_start3A_156] : memref<256xi32, #tpu.memory_space<vmem>> -> memref<8xi32, #tpu.memory_space<vmem>>
    %dma_start3A_158 = tpu.memref_slice %arg2[%add3A_155] : memref<8192xi32, #tpu.memory_space<hbm>> -> memref<8xi32, #tpu.memory_space<hbm>>
    %dma_start3A_159 = arith.constant 120 : i32
    %dma_start3A_160 = tpu.memref_slice %arg6[%dma_start3A_159] : memref<256xi32, #tpu.memory_space<vmem>> -> memref<8xi32, #tpu.memory_space<vmem>>
    %dma_start3A_161 = tpu.memref_slice %arg2[%add3A_155] : memref<8192xi32, #tpu.memory_space<hbm>> -> memref<8xi32, #tpu.memory_space<hbm>>
    tpu.enqueue_dma source(%dma_start3A_161 : memref<8xi32, #tpu.memory_space<hbm>>) target(%dma_start3A_160 : memref<8xi32, #tpu.memory_space<vmem>>) target_semaphore(%arg13 : memref<!tpu.dma_semaphore, #tpu.memory_space<semaphore_mem>>)
    %add3A_162 = arith.constant 0 : i32
    %add3A_163 = arith.addi %add3A_162, %mul3A_2 : i32
    %add3A_164 = arith.constant 32 : i32
    %add3A_165 = arith.addi %add3A_163, %add3A_164 : i32
    %dma_start3A_166 = arith.constant 128 : i32
    %dma_start3A_167 = tpu.memref_slice %arg6[%dma_start3A_166] : memref<256xi32, #tpu.memory_space<vmem>> -> memref<8xi32, #tpu.memory_space<vmem>>
    %dma_start3A_168 = tpu.memref_slice %arg2[%add3A_165] : memref<8192xi32, #tpu.memory_space<hbm>> -> memref<8xi32, #tpu.memory_space<hbm>>
    %dma_start3A_169 = arith.constant 128 : i32
    %dma_start3A_170 = tpu.memref_slice %arg6[%dma_start3A_169] : memref<256xi32, #tpu.memory_space<vmem>> -> memref<8xi32, #tpu.memory_space<vmem>>
    %dma_start3A_171 = tpu.memref_slice %arg2[%add3A_165] : memref<8192xi32, #tpu.memory_space<hbm>> -> memref<8xi32, #tpu.memory_space<hbm>>
    tpu.enqueue_dma source(%dma_start3A_171 : memref<8xi32, #tpu.memory_space<hbm>>) target(%dma_start3A_170 : memref<8xi32, #tpu.memory_space<vmem>>) target_semaphore(%arg13 : memref<!tpu.dma_semaphore, #tpu.memory_space<semaphore_mem>>)
    %add3A_172 = arith.constant 2048 : i32
    %add3A_173 = arith.addi %add3A_172, %mul3A_2 : i32
    %add3A_174 = arith.constant 32 : i32
    %add3A_175 = arith.addi %add3A_173, %add3A_174 : i32
    %dma_start3A_176 = arith.constant 136 : i32
    %dma_start3A_177 = tpu.memref_slice %arg6[%dma_start3A_176] : memref<256xi32, #tpu.memory_space<vmem>> -> memref<8xi32, #tpu.memory_space<vmem>>
    %dma_start3A_178 = tpu.memref_slice %arg2[%add3A_175] : memref<8192xi32, #tpu.memory_space<hbm>> -> memref<8xi32, #tpu.memory_space<hbm>>
    %dma_start3A_179 = arith.constant 136 : i32
    %dma_start3A_180 = tpu.memref_slice %arg6[%dma_start3A_179] : memref<256xi32, #tpu.memory_space<vmem>> -> memref<8xi32, #tpu.memory_space<vmem>>
    %dma_start3A_181 = tpu.memref_slice %arg2[%add3A_175] : memref<8192xi32, #tpu.memory_space<hbm>> -> memref<8xi32, #tpu.memory_space<hbm>>
    tpu.enqueue_dma source(%dma_start3A_181 : memref<8xi32, #tpu.memory_space<hbm>>) target(%dma_start3A_180 : memref<8xi32, #tpu.memory_space<vmem>>) target_semaphore(%arg13 : memref<!tpu.dma_semaphore, #tpu.memory_space<semaphore_mem>>)
    %add3A_182 = arith.constant 4096 : i32
    %add3A_183 = arith.addi %add3A_182, %mul3A_2 : i32
    %add3A_184 = arith.constant 32 : i32
    %add3A_185 = arith.addi %add3A_183, %add3A_184 : i32
    %dma_start3A_186 = arith.constant 144 : i32
    %dma_start3A_187 = tpu.memref_slice %arg6[%dma_start3A_186] : memref<256xi32, #tpu.memory_space<vmem>> -> memref<8xi32, #tpu.memory_space<vmem>>
    %dma_start3A_188 = tpu.memref_slice %arg2[%add3A_185] : memref<8192xi32, #tpu.memory_space<hbm>> -> memref<8xi32, #tpu.memory_space<hbm>>
    %dma_start3A_189 = arith.constant 144 : i32
    %dma_start3A_190 = tpu.memref_slice %arg6[%dma_start3A_189] : memref<256xi32, #tpu.memory_space<vmem>> -> memref<8xi32, #tpu.memory_space<vmem>>
    %dma_start3A_191 = tpu.memref_slice %arg2[%add3A_185] : memref<8192xi32, #tpu.memory_space<hbm>> -> memref<8xi32, #tpu.memory_space<hbm>>
    tpu.enqueue_dma source(%dma_start3A_191 : memref<8xi32, #tpu.memory_space<hbm>>) target(%dma_start3A_190 : memref<8xi32, #tpu.memory_space<vmem>>) target_semaphore(%arg13 : memref<!tpu.dma_semaphore, #tpu.memory_space<semaphore_mem>>)
    %add3A_192 = arith.constant 6144 : i32
    %add3A_193 = arith.addi %add3A_192, %mul3A_2 : i32
    %add3A_194 = arith.constant 32 : i32
    %add3A_195 = arith.addi %add3A_193, %add3A_194 : i32
    %dma_start3A_196 = arith.constant 152 : i32
    %dma_start3A_197 = tpu.memref_slice %arg6[%dma_start3A_196] : memref<256xi32, #tpu.memory_space<vmem>> -> memref<8xi32, #tpu.memory_space<vmem>>
    %dma_start3A_198 = tpu.memref_slice %arg2[%add3A_195] : memref<8192xi32, #tpu.memory_space<hbm>> -> memref<8xi32, #tpu.memory_space<hbm>>
    %dma_start3A_199 = arith.constant 152 : i32
    %dma_start3A_200 = tpu.memref_slice %arg6[%dma_start3A_199] : memref<256xi32, #tpu.memory_space<vmem>> -> memref<8xi32, #tpu.memory_space<vmem>>
    %dma_start3A_201 = tpu.memref_slice %arg2[%add3A_195] : memref<8192xi32, #tpu.memory_space<hbm>> -> memref<8xi32, #tpu.memory_space<hbm>>
    tpu.enqueue_dma source(%dma_start3A_201 : memref<8xi32, #tpu.memory_space<hbm>>) target(%dma_start3A_200 : memref<8xi32, #tpu.memory_space<vmem>>) target_semaphore(%arg13 : memref<!tpu.dma_semaphore, #tpu.memory_space<semaphore_mem>>)
    %add3A_202 = arith.constant 0 : i32
    %add3A_203 = arith.addi %add3A_202, %mul3A_2 : i32
    %add3A_204 = arith.constant 40 : i32
    %add3A_205 = arith.addi %add3A_203, %add3A_204 : i32
    %dma_start3A_206 = arith.constant 160 : i32
    %dma_start3A_207 = tpu.memref_slice %arg6[%dma_start3A_206] : memref<256xi32, #tpu.memory_space<vmem>> -> memref<8xi32, #tpu.memory_space<vmem>>
    %dma_start3A_208 = tpu.memref_slice %arg2[%add3A_205] : memref<8192xi32, #tpu.memory_space<hbm>> -> memref<8xi32, #tpu.memory_space<hbm>>
    %dma_start3A_209 = arith.constant 160 : i32
    %dma_start3A_210 = tpu.memref_slice %arg6[%dma_start3A_209] : memref<256xi32, #tpu.memory_space<vmem>> -> memref<8xi32, #tpu.memory_space<vmem>>
    %dma_start3A_211 = tpu.memref_slice %arg2[%add3A_205] : memref<8192xi32, #tpu.memory_space<hbm>> -> memref<8xi32, #tpu.memory_space<hbm>>
    tpu.enqueue_dma source(%dma_start3A_211 : memref<8xi32, #tpu.memory_space<hbm>>) target(%dma_start3A_210 : memref<8xi32, #tpu.memory_space<vmem>>) target_semaphore(%arg13 : memref<!tpu.dma_semaphore, #tpu.memory_space<semaphore_mem>>)
    %add3A_212 = arith.constant 2048 : i32
    %add3A_213 = arith.addi %add3A_212, %mul3A_2 : i32
    %add3A_214 = arith.constant 40 : i32
    %add3A_215 = arith.addi %add3A_213, %add3A_214 : i32
    %dma_start3A_216 = arith.constant 168 : i32
    %dma_start3A_217 = tpu.memref_slice %arg6[%dma_start3A_216] : memref<256xi32, #tpu.memory_space<vmem>> -> memref<8xi32, #tpu.memory_space<vmem>>
    %dma_start3A_218 = tpu.memref_slice %arg2[%add3A_215] : memref<8192xi32, #tpu.memory_space<hbm>> -> memref<8xi32, #tpu.memory_space<hbm>>
    %dma_start3A_219 = arith.constant 168 : i32
    %dma_start3A_220 = tpu.memref_slice %arg6[%dma_start3A_219] : memref<256xi32, #tpu.memory_space<vmem>> -> memref<8xi32, #tpu.memory_space<vmem>>
    %dma_start3A_221 = tpu.memref_slice %arg2[%add3A_215] : memref<8192xi32, #tpu.memory_space<hbm>> -> memref<8xi32, #tpu.memory_space<hbm>>
    tpu.enqueue_dma source(%dma_start3A_221 : memref<8xi32, #tpu.memory_space<hbm>>) target(%dma_start3A_220 : memref<8xi32, #tpu.memory_space<vmem>>) target_semaphore(%arg13 : memref<!tpu.dma_semaphore, #tpu.memory_space<semaphore_mem>>)
    %add3A_222 = arith.constant 4096 : i32
    %add3A_223 = arith.addi %add3A_222, %mul3A_2 : i32
    %add3A_224 = arith.constant 40 : i32
    %add3A_225 = arith.addi %add3A_223, %add3A_224 : i32
    %dma_start3A_226 = arith.constant 176 : i32
    %dma_start3A_227 = tpu.memref_slice %arg6[%dma_start3A_226] : memref<256xi32, #tpu.memory_space<vmem>> -> memref<8xi32, #tpu.memory_space<vmem>>
    %dma_start3A_228 = tpu.memref_slice %arg2[%add3A_225] : memref<8192xi32, #tpu.memory_space<hbm>> -> memref<8xi32, #tpu.memory_space<hbm>>
    %dma_start3A_229 = arith.constant 176 : i32
    %dma_start3A_230 = tpu.memref_slice %arg6[%dma_start3A_229] : memref<256xi32, #tpu.memory_space<vmem>> -> memref<8xi32, #tpu.memory_space<vmem>>
    %dma_start3A_231 = tpu.memref_slice %arg2[%add3A_225] : memref<8192xi32, #tpu.memory_space<hbm>> -> memref<8xi32, #tpu.memory_space<hbm>>
    tpu.enqueue_dma source(%dma_start3A_231 : memref<8xi32, #tpu.memory_space<hbm>>) target(%dma_start3A_230 : memref<8xi32, #tpu.memory_space<vmem>>) target_semaphore(%arg13 : memref<!tpu.dma_semaphore, #tpu.memory_space<semaphore_mem>>)
    %add3A_232 = arith.constant 6144 : i32
    %add3A_233 = arith.addi %add3A_232, %mul3A_2 : i32
    %add3A_234 = arith.constant 40 : i32
    %add3A_235 = arith.addi %add3A_233, %add3A_234 : i32
    %dma_start3A_236 = arith.constant 184 : i32
    %dma_start3A_237 = tpu.memref_slice %arg6[%dma_start3A_236] : memref<256xi32, #tpu.memory_space<vmem>> -> memref<8xi32, #tpu.memory_space<vmem>>
    %dma_start3A_238 = tpu.memref_slice %arg2[%add3A_235] : memref<8192xi32, #tpu.memory_space<hbm>> -> memref<8xi32, #tpu.memory_space<hbm>>
    %dma_start3A_239 = arith.constant 184 : i32
    %dma_start3A_240 = tpu.memref_slice %arg6[%dma_start3A_239] : memref<256xi32, #tpu.memory_space<vmem>> -> memref<8xi32, #tpu.memory_space<vmem>>
    %dma_start3A_241 = tpu.memref_slice %arg2[%add3A_235] : memref<8192xi32, #tpu.memory_space<hbm>> -> memref<8xi32, #tpu.memory_space<hbm>>
    tpu.enqueue_dma source(%dma_start3A_241 : memref<8xi32, #tpu.memory_space<hbm>>) target(%dma_start3A_240 : memref<8xi32, #tpu.memory_space<vmem>>) target_semaphore(%arg13 : memref<!tpu.dma_semaphore, #tpu.memory_space<semaphore_mem>>)
    %add3A_242 = arith.constant 0 : i32
    %add3A_243 = arith.addi %add3A_242, %mul3A_2 : i32
    %add3A_244 = arith.constant 48 : i32
    %add3A_245 = arith.addi %add3A_243, %add3A_244 : i32
    %dma_start3A_246 = arith.constant 192 : i32
    %dma_start3A_247 = tpu.memref_slice %arg6[%dma_start3A_246] : memref<256xi32, #tpu.memory_space<vmem>> -> memref<8xi32, #tpu.memory_space<vmem>>
    %dma_start3A_248 = tpu.memref_slice %arg2[%add3A_245] : memref<8192xi32, #tpu.memory_space<hbm>> -> memref<8xi32, #tpu.memory_space<hbm>>
    %dma_start3A_249 = arith.constant 192 : i32
    %dma_start3A_250 = tpu.memref_slice %arg6[%dma_start3A_249] : memref<256xi32, #tpu.memory_space<vmem>> -> memref<8xi32, #tpu.memory_space<vmem>>
    %dma_start3A_251 = tpu.memref_slice %arg2[%add3A_245] : memref<8192xi32, #tpu.memory_space<hbm>> -> memref<8xi32, #tpu.memory_space<hbm>>
    tpu.enqueue_dma source(%dma_start3A_251 : memref<8xi32, #tpu.memory_space<hbm>>) target(%dma_start3A_250 : memref<8xi32, #tpu.memory_space<vmem>>) target_semaphore(%arg13 : memref<!tpu.dma_semaphore, #tpu.memory_space<semaphore_mem>>)
    %add3A_252 = arith.constant 2048 : i32
    %add3A_253 = arith.addi %add3A_252, %mul3A_2 : i32
    %add3A_254 = arith.constant 48 : i32
    %add3A_255 = arith.addi %add3A_253, %add3A_254 : i32
    %dma_start3A_256 = arith.constant 200 : i32
    %dma_start3A_257 = tpu.memref_slice %arg6[%dma_start3A_256] : memref<256xi32, #tpu.memory_space<vmem>> -> memref<8xi32, #tpu.memory_space<vmem>>
    %dma_start3A_258 = tpu.memref_slice %arg2[%add3A_255] : memref<8192xi32, #tpu.memory_space<hbm>> -> memref<8xi32, #tpu.memory_space<hbm>>
    %dma_start3A_259 = arith.constant 200 : i32
    %dma_start3A_260 = tpu.memref_slice %arg6[%dma_start3A_259] : memref<256xi32, #tpu.memory_space<vmem>> -> memref<8xi32, #tpu.memory_space<vmem>>
    %dma_start3A_261 = tpu.memref_slice %arg2[%add3A_255] : memref<8192xi32, #tpu.memory_space<hbm>> -> memref<8xi32, #tpu.memory_space<hbm>>
    tpu.enqueue_dma source(%dma_start3A_261 : memref<8xi32, #tpu.memory_space<hbm>>) target(%dma_start3A_260 : memref<8xi32, #tpu.memory_space<vmem>>) target_semaphore(%arg13 : memref<!tpu.dma_semaphore, #tpu.memory_space<semaphore_mem>>)
    %add3A_262 = arith.constant 4096 : i32
    %add3A_263 = arith.addi %add3A_262, %mul3A_2 : i32
    %add3A_264 = arith.constant 48 : i32
    %add3A_265 = arith.addi %add3A_263, %add3A_264 : i32
    %dma_start3A_266 = arith.constant 208 : i32
    %dma_start3A_267 = tpu.memref_slice %arg6[%dma_start3A_266] : memref<256xi32, #tpu.memory_space<vmem>> -> memref<8xi32, #tpu.memory_space<vmem>>
    %dma_start3A_268 = tpu.memref_slice %arg2[%add3A_265] : memref<8192xi32, #tpu.memory_space<hbm>> -> memref<8xi32, #tpu.memory_space<hbm>>
    %dma_start3A_269 = arith.constant 208 : i32
    %dma_start3A_270 = tpu.memref_slice %arg6[%dma_start3A_269] : memref<256xi32, #tpu.memory_space<vmem>> -> memref<8xi32, #tpu.memory_space<vmem>>
    %dma_start3A_271 = tpu.memref_slice %arg2[%add3A_265] : memref<8192xi32, #tpu.memory_space<hbm>> -> memref<8xi32, #tpu.memory_space<hbm>>
    tpu.enqueue_dma source(%dma_start3A_271 : memref<8xi32, #tpu.memory_space<hbm>>) target(%dma_start3A_270 : memref<8xi32, #tpu.memory_space<vmem>>) target_semaphore(%arg13 : memref<!tpu.dma_semaphore, #tpu.memory_space<semaphore_mem>>)
    %add3A_272 = arith.constant 6144 : i32
    %add3A_273 = arith.addi %add3A_272, %mul3A_2 : i32
    %add3A_274 = arith.constant 48 : i32
    %add3A_275 = arith.addi %add3A_273, %add3A_274 : i32
    %dma_start3A_276 = arith.constant 216 : i32
    %dma_start3A_277 = tpu.memref_slice %arg6[%dma_start3A_276] : memref<256xi32, #tpu.memory_space<vmem>> -> memref<8xi32, #tpu.memory_space<vmem>>
    %dma_start3A_278 = tpu.memref_slice %arg2[%add3A_275] : memref<8192xi32, #tpu.memory_space<hbm>> -> memref<8xi32, #tpu.memory_space<hbm>>
    %dma_start3A_279 = arith.constant 216 : i32
    %dma_start3A_280 = tpu.memref_slice %arg6[%dma_start3A_279] : memref<256xi32, #tpu.memory_space<vmem>> -> memref<8xi32, #tpu.memory_space<vmem>>
    %dma_start3A_281 = tpu.memref_slice %arg2[%add3A_275] : memref<8192xi32, #tpu.memory_space<hbm>> -> memref<8xi32, #tpu.memory_space<hbm>>
    tpu.enqueue_dma source(%dma_start3A_281 : memref<8xi32, #tpu.memory_space<hbm>>) target(%dma_start3A_280 : memref<8xi32, #tpu.memory_space<vmem>>) target_semaphore(%arg13 : memref<!tpu.dma_semaphore, #tpu.memory_space<semaphore_mem>>)
    %add3A_282 = arith.constant 0 : i32
    %add3A_283 = arith.addi %add3A_282, %mul3A_2 : i32
    %add3A_284 = arith.constant 56 : i32
    %add3A_285 = arith.addi %add3A_283, %add3A_284 : i32
    %dma_start3A_286 = arith.constant 224 : i32
    %dma_start3A_287 = tpu.memref_slice %arg6[%dma_start3A_286] : memref<256xi32, #tpu.memory_space<vmem>> -> memref<8xi32, #tpu.memory_space<vmem>>
    %dma_start3A_288 = tpu.memref_slice %arg2[%add3A_285] : memref<8192xi32, #tpu.memory_space<hbm>> -> memref<8xi32, #tpu.memory_space<hbm>>
    %dma_start3A_289 = arith.constant 224 : i32
    %dma_start3A_290 = tpu.memref_slice %arg6[%dma_start3A_289] : memref<256xi32, #tpu.memory_space<vmem>> -> memref<8xi32, #tpu.memory_space<vmem>>
    %dma_start3A_291 = tpu.memref_slice %arg2[%add3A_285] : memref<8192xi32, #tpu.memory_space<hbm>> -> memref<8xi32, #tpu.memory_space<hbm>>
    tpu.enqueue_dma source(%dma_start3A_291 : memref<8xi32, #tpu.memory_space<hbm>>) target(%dma_start3A_290 : memref<8xi32, #tpu.memory_space<vmem>>) target_semaphore(%arg13 : memref<!tpu.dma_semaphore, #tpu.memory_space<semaphore_mem>>)
    %add3A_292 = arith.constant 2048 : i32
    %add3A_293 = arith.addi %add3A_292, %mul3A_2 : i32
    %add3A_294 = arith.constant 56 : i32
    %add3A_295 = arith.addi %add3A_293, %add3A_294 : i32
    %dma_start3A_296 = arith.constant 232 : i32
    %dma_start3A_297 = tpu.memref_slice %arg6[%dma_start3A_296] : memref<256xi32, #tpu.memory_space<vmem>> -> memref<8xi32, #tpu.memory_space<vmem>>
    %dma_start3A_298 = tpu.memref_slice %arg2[%add3A_295] : memref<8192xi32, #tpu.memory_space<hbm>> -> memref<8xi32, #tpu.memory_space<hbm>>
    %dma_start3A_299 = arith.constant 232 : i32
    %dma_start3A_300 = tpu.memref_slice %arg6[%dma_start3A_299] : memref<256xi32, #tpu.memory_space<vmem>> -> memref<8xi32, #tpu.memory_space<vmem>>
    %dma_start3A_301 = tpu.memref_slice %arg2[%add3A_295] : memref<8192xi32, #tpu.memory_space<hbm>> -> memref<8xi32, #tpu.memory_space<hbm>>
    tpu.enqueue_dma source(%dma_start3A_301 : memref<8xi32, #tpu.memory_space<hbm>>) target(%dma_start3A_300 : memref<8xi32, #tpu.memory_space<vmem>>) target_semaphore(%arg13 : memref<!tpu.dma_semaphore, #tpu.memory_space<semaphore_mem>>)
    %add3A_302 = arith.constant 4096 : i32
    %add3A_303 = arith.addi %add3A_302, %mul3A_2 : i32
    %add3A_304 = arith.constant 56 : i32
    %add3A_305 = arith.addi %add3A_303, %add3A_304 : i32
    %dma_start3A_306 = arith.constant 240 : i32
    %dma_start3A_307 = tpu.memref_slice %arg6[%dma_start3A_306] : memref<256xi32, #tpu.memory_space<vmem>> -> memref<8xi32, #tpu.memory_space<vmem>>
    %dma_start3A_308 = tpu.memref_slice %arg2[%add3A_305] : memref<8192xi32, #tpu.memory_space<hbm>> -> memref<8xi32, #tpu.memory_space<hbm>>
    %dma_start3A_309 = arith.constant 240 : i32
    %dma_start3A_310 = tpu.memref_slice %arg6[%dma_start3A_309] : memref<256xi32, #tpu.memory_space<vmem>> -> memref<8xi32, #tpu.memory_space<vmem>>
    %dma_start3A_311 = tpu.memref_slice %arg2[%add3A_305] : memref<8192xi32, #tpu.memory_space<hbm>> -> memref<8xi32, #tpu.memory_space<hbm>>
    tpu.enqueue_dma source(%dma_start3A_311 : memref<8xi32, #tpu.memory_space<hbm>>) target(%dma_start3A_310 : memref<8xi32, #tpu.memory_space<vmem>>) target_semaphore(%arg13 : memref<!tpu.dma_semaphore, #tpu.memory_space<semaphore_mem>>)
    %add3A_312 = arith.constant 6144 : i32
    %add3A_313 = arith.addi %add3A_312, %mul3A_2 : i32
    %add3A_314 = arith.constant 56 : i32
    %add3A_315 = arith.addi %add3A_313, %add3A_314 : i32
    %dma_start3A_316 = arith.constant 248 : i32
    %dma_start3A_317 = tpu.memref_slice %arg6[%dma_start3A_316] : memref<256xi32, #tpu.memory_space<vmem>> -> memref<8xi32, #tpu.memory_space<vmem>>
    %dma_start3A_318 = tpu.memref_slice %arg2[%add3A_315] : memref<8192xi32, #tpu.memory_space<hbm>> -> memref<8xi32, #tpu.memory_space<hbm>>
    %dma_start3A_319 = arith.constant 248 : i32
    %dma_start3A_320 = tpu.memref_slice %arg6[%dma_start3A_319] : memref<256xi32, #tpu.memory_space<vmem>> -> memref<8xi32, #tpu.memory_space<vmem>>
    %dma_start3A_321 = tpu.memref_slice %arg2[%add3A_315] : memref<8192xi32, #tpu.memory_space<hbm>> -> memref<8xi32, #tpu.memory_space<hbm>>
    tpu.enqueue_dma source(%dma_start3A_321 : memref<8xi32, #tpu.memory_space<hbm>>) target(%dma_start3A_320 : memref<8xi32, #tpu.memory_space<vmem>>) target_semaphore(%arg13 : memref<!tpu.dma_semaphore, #tpu.memory_space<semaphore_mem>>)
    %dma_wait3A = arith.constant 0 : i32
    %dma_wait3A_322 = tpu.memref_slice %arg6[%dma_wait3A] : memref<256xi32, #tpu.memory_space<vmem>> -> memref<8xi32, #tpu.memory_space<vmem>>
    %dma_wait3A_323 = tpu.memref_slice %arg2[%add3A_6] : memref<8192xi32, #tpu.memory_space<hbm>> -> memref<8xi32, #tpu.memory_space<hbm>>
    %dma_wait3A_324 = arith.constant 0 : i32
    %dma_wait3A_325 = tpu.memref_slice %arg6[%dma_wait3A_324] : memref<256xi32, #tpu.memory_space<vmem>> -> memref<8xi32, #tpu.memory_space<vmem>>
    %dma_wait3A_326 = tpu.memref_slice %arg2[%add3A_6] : memref<8192xi32, #tpu.memory_space<hbm>> -> memref<8xi32, #tpu.memory_space<hbm>>
    tpu.wait_dma2 semaphore(%arg13 : memref<!tpu.dma_semaphore, #tpu.memory_space<semaphore_mem>>) src(%dma_wait3A_326 : memref<8xi32, #tpu.memory_space<hbm>>) dst(%dma_wait3A_325 : memref<8xi32, #tpu.memory_space<vmem>>)
    %dma_wait3A_327 = arith.constant 8 : i32
    %dma_wait3A_328 = tpu.memref_slice %arg6[%dma_wait3A_327] : memref<256xi32, #tpu.memory_space<vmem>> -> memref<8xi32, #tpu.memory_space<vmem>>
    %dma_wait3A_329 = tpu.memref_slice %arg2[%add3A_15] : memref<8192xi32, #tpu.memory_space<hbm>> -> memref<8xi32, #tpu.memory_space<hbm>>
    %dma_wait3A_330 = arith.constant 8 : i32
    %dma_wait3A_331 = tpu.memref_slice %arg6[%dma_wait3A_330] : memref<256xi32, #tpu.memory_space<vmem>> -> memref<8xi32, #tpu.memory_space<vmem>>
    %dma_wait3A_332 = tpu.memref_slice %arg2[%add3A_15] : memref<8192xi32, #tpu.memory_space<hbm>> -> memref<8xi32, #tpu.memory_space<hbm>>
    tpu.wait_dma2 semaphore(%arg13 : memref<!tpu.dma_semaphore, #tpu.memory_space<semaphore_mem>>) src(%dma_wait3A_332 : memref<8xi32, #tpu.memory_space<hbm>>) dst(%dma_wait3A_331 : memref<8xi32, #tpu.memory_space<vmem>>)
    %dma_wait3A_333 = arith.constant 16 : i32
    %dma_wait3A_334 = tpu.memref_slice %arg6[%dma_wait3A_333] : memref<256xi32, #tpu.memory_space<vmem>> -> memref<8xi32, #tpu.memory_space<vmem>>
    %dma_wait3A_335 = tpu.memref_slice %arg2[%add3A_25] : memref<8192xi32, #tpu.memory_space<hbm>> -> memref<8xi32, #tpu.memory_space<hbm>>
    %dma_wait3A_336 = arith.constant 16 : i32
    %dma_wait3A_337 = tpu.memref_slice %arg6[%dma_wait3A_336] : memref<256xi32, #tpu.memory_space<vmem>> -> memref<8xi32, #tpu.memory_space<vmem>>
    %dma_wait3A_338 = tpu.memref_slice %arg2[%add3A_25] : memref<8192xi32, #tpu.memory_space<hbm>> -> memref<8xi32, #tpu.memory_space<hbm>>
    tpu.wait_dma2 semaphore(%arg13 : memref<!tpu.dma_semaphore, #tpu.memory_space<semaphore_mem>>) src(%dma_wait3A_338 : memref<8xi32, #tpu.memory_space<hbm>>) dst(%dma_wait3A_337 : memref<8xi32, #tpu.memory_space<vmem>>)
    %dma_wait3A_339 = arith.constant 24 : i32
    %dma_wait3A_340 = tpu.memref_slice %arg6[%dma_wait3A_339] : memref<256xi32, #tpu.memory_space<vmem>> -> memref<8xi32, #tpu.memory_space<vmem>>
    %dma_wait3A_341 = tpu.memref_slice %arg2[%add3A_35] : memref<8192xi32, #tpu.memory_space<hbm>> -> memref<8xi32, #tpu.memory_space<hbm>>
    %dma_wait3A_342 = arith.constant 24 : i32
    %dma_wait3A_343 = tpu.memref_slice %arg6[%dma_wait3A_342] : memref<256xi32, #tpu.memory_space<vmem>> -> memref<8xi32, #tpu.memory_space<vmem>>
    %dma_wait3A_344 = tpu.memref_slice %arg2[%add3A_35] : memref<8192xi32, #tpu.memory_space<hbm>> -> memref<8xi32, #tpu.memory_space<hbm>>
    tpu.wait_dma2 semaphore(%arg13 : memref<!tpu.dma_semaphore, #tpu.memory_space<semaphore_mem>>) src(%dma_wait3A_344 : memref<8xi32, #tpu.memory_space<hbm>>) dst(%dma_wait3A_343 : memref<8xi32, #tpu.memory_space<vmem>>)
    %dma_start3A_345 = arith.constant 0 : i32
    %dma_start3A_346 = tpu.memref_slice %arg6[%dma_start3A_345] : memref<256xi32, #tpu.memory_space<vmem>> -> memref<32xi32, #tpu.memory_space<vmem>>
    %dma_start3A_347 = arith.constant 0 : i32
    %dma_start3A_348 = arith.constant 0 : i32
    %dma_start3A_349 = tpu.memref_slice %arg3[%dma_start3A_347, %dma_start3A_348] : memref<50257x1024xf32, #tpu.memory_space<hbm>> -> memref<50257x1024xf32, #tpu.memory_space<hbm>>
    tpu.enqueue_indirect_dma source(%dma_start3A_349 : memref<50257x1024xf32, #tpu.memory_space<hbm>>) target(%arg7 : memref<32x1024xf32, #tpu.memory_space<vmem>>) offsets(%dma_start3A_346 : memref<32xi32, #tpu.memory_space<vmem>>) semaphore(%arg14 : memref<!tpu.dma_semaphore, #tpu.memory_space<semaphore_mem>>)
    %add3A_350 = arith.constant 0 : i32
    %add3A_351 = arith.addi %mul3A_2, %add3A_350 : i32
    %dma_start3A_352 = arith.constant 0 : i32
    %dma_start3A_353 = tpu.memref_slice %arg4[%add3A_351, %dma_start3A_352] : memref<2048x1024xf32, #tpu.memory_space<hbm>> -> memref<8x1024xf32, #tpu.memory_space<hbm>>
    %dma_start3A_354 = arith.constant 0 : i32
    %dma_start3A_355 = tpu.memref_slice %arg4[%add3A_351, %dma_start3A_354] : memref<2048x1024xf32, #tpu.memory_space<hbm>> -> memref<8x1024xf32, #tpu.memory_space<hbm>>
    tpu.enqueue_dma source(%dma_start3A_355 : memref<8x1024xf32, #tpu.memory_space<hbm>>) target(%arg10 : memref<8x1024xf32, #tpu.memory_space<vmem>>) target_semaphore(%arg17 : memref<!tpu.dma_semaphore, #tpu.memory_space<semaphore_mem>>)
    %dma_wait3A_356 = arith.constant 32 : i32
    %dma_wait3A_357 = tpu.memref_slice %arg6[%dma_wait3A_356] : memref<256xi32, #tpu.memory_space<vmem>> -> memref<8xi32, #tpu.memory_space<vmem>>
    %dma_wait3A_358 = tpu.memref_slice %arg2[%add3A_45] : memref<8192xi32, #tpu.memory_space<hbm>> -> memref<8xi32, #tpu.memory_space<hbm>>
    %dma_wait3A_359 = arith.constant 32 : i32
    %dma_wait3A_360 = tpu.memref_slice %arg6[%dma_wait3A_359] : memref<256xi32, #tpu.memory_space<vmem>> -> memref<8xi32, #tpu.memory_space<vmem>>
    %dma_wait3A_361 = tpu.memref_slice %arg2[%add3A_45] : memref<8192xi32, #tpu.memory_space<hbm>> -> memref<8xi32, #tpu.memory_space<hbm>>
    tpu.wait_dma2 semaphore(%arg13 : memref<!tpu.dma_semaphore, #tpu.memory_space<semaphore_mem>>) src(%dma_wait3A_361 : memref<8xi32, #tpu.memory_space<hbm>>) dst(%dma_wait3A_360 : memref<8xi32, #tpu.memory_space<vmem>>)
    %dma_wait3A_362 = arith.constant 40 : i32
    %dma_wait3A_363 = tpu.memref_slice %arg6[%dma_wait3A_362] : memref<256xi32, #tpu.memory_space<vmem>> -> memref<8xi32, #tpu.memory_space<vmem>>
    %dma_wait3A_364 = tpu.memref_slice %arg2[%add3A_55] : memref<8192xi32, #tpu.memory_space<hbm>> -> memref<8xi32, #tpu.memory_space<hbm>>
    %dma_wait3A_365 = arith.constant 40 : i32
    %dma_wait3A_366 = tpu.memref_slice %arg6[%dma_wait3A_365] : memref<256xi32, #tpu.memory_space<vmem>> -> memref<8xi32, #tpu.memory_space<vmem>>
    %dma_wait3A_367 = tpu.memref_slice %arg2[%add3A_55] : memref<8192xi32, #tpu.memory_space<hbm>> -> memref<8xi32, #tpu.memory_space<hbm>>
    tpu.wait_dma2 semaphore(%arg13 : memref<!tpu.dma_semaphore, #tpu.memory_space<semaphore_mem>>) src(%dma_wait3A_367 : memref<8xi32, #tpu.memory_space<hbm>>) dst(%dma_wait3A_366 : memref<8xi32, #tpu.memory_space<vmem>>)
    %dma_wait3A_368 = arith.constant 48 : i32
    %dma_wait3A_369 = tpu.memref_slice %arg6[%dma_wait3A_368] : memref<256xi32, #tpu.memory_space<vmem>> -> memref<8xi32, #tpu.memory_space<vmem>>
    %dma_wait3A_370 = tpu.memref_slice %arg2[%add3A_65] : memref<8192xi32, #tpu.memory_space<hbm>> -> memref<8xi32, #tpu.memory_space<hbm>>
    %dma_wait3A_371 = arith.constant 48 : i32
    %dma_wait3A_372 = tpu.memref_slice %arg6[%dma_wait3A_371] : memref<256xi32, #tpu.memory_space<vmem>> -> memref<8xi32, #tpu.memory_space<vmem>>
    %dma_wait3A_373 = tpu.memref_slice %arg2[%add3A_65] : memref<8192xi32, #tpu.memory_space<hbm>> -> memref<8xi32, #tpu.memory_space<hbm>>
    tpu.wait_dma2 semaphore(%arg13 : memref<!tpu.dma_semaphore, #tpu.memory_space<semaphore_mem>>) src(%dma_wait3A_373 : memref<8xi32, #tpu.memory_space<hbm>>) dst(%dma_wait3A_372 : memref<8xi32, #tpu.memory_space<vmem>>)
    %dma_wait3A_374 = arith.constant 56 : i32
    %dma_wait3A_375 = tpu.memref_slice %arg6[%dma_wait3A_374] : memref<256xi32, #tpu.memory_space<vmem>> -> memref<8xi32, #tpu.memory_space<vmem>>
    %dma_wait3A_376 = tpu.memref_slice %arg2[%add3A_75] : memref<8192xi32, #tpu.memory_space<hbm>> -> memref<8xi32, #tpu.memory_space<hbm>>
    %dma_wait3A_377 = arith.constant 56 : i32
    %dma_wait3A_378 = tpu.memref_slice %arg6[%dma_wait3A_377] : memref<256xi32, #tpu.memory_space<vmem>> -> memref<8xi32, #tpu.memory_space<vmem>>
    %dma_wait3A_379 = tpu.memref_slice %arg2[%add3A_75] : memref<8192xi32, #tpu.memory_space<hbm>> -> memref<8xi32, #tpu.memory_space<hbm>>
    tpu.wait_dma2 semaphore(%arg13 : memref<!tpu.dma_semaphore, #tpu.memory_space<semaphore_mem>>) src(%dma_wait3A_379 : memref<8xi32, #tpu.memory_space<hbm>>) dst(%dma_wait3A_378 : memref<8xi32, #tpu.memory_space<vmem>>)
    %dma_wait3A_380 = arith.constant 64 : i32
    %dma_wait3A_381 = tpu.memref_slice %arg6[%dma_wait3A_380] : memref<256xi32, #tpu.memory_space<vmem>> -> memref<8xi32, #tpu.memory_space<vmem>>
    %dma_wait3A_382 = tpu.memref_slice %arg2[%add3A_85] : memref<8192xi32, #tpu.memory_space<hbm>> -> memref<8xi32, #tpu.memory_space<hbm>>
    %dma_wait3A_383 = arith.constant 64 : i32
    %dma_wait3A_384 = tpu.memref_slice %arg6[%dma_wait3A_383] : memref<256xi32, #tpu.memory_space<vmem>> -> memref<8xi32, #tpu.memory_space<vmem>>
    %dma_wait3A_385 = tpu.memref_slice %arg2[%add3A_85] : memref<8192xi32, #tpu.memory_space<hbm>> -> memref<8xi32, #tpu.memory_space<hbm>>
    tpu.wait_dma2 semaphore(%arg13 : memref<!tpu.dma_semaphore, #tpu.memory_space<semaphore_mem>>) src(%dma_wait3A_385 : memref<8xi32, #tpu.memory_space<hbm>>) dst(%dma_wait3A_384 : memref<8xi32, #tpu.memory_space<vmem>>)
    %dma_wait3A_386 = arith.constant 72 : i32
    %dma_wait3A_387 = tpu.memref_slice %arg6[%dma_wait3A_386] : memref<256xi32, #tpu.memory_space<vmem>> -> memref<8xi32, #tpu.memory_space<vmem>>
    %dma_wait3A_388 = tpu.memref_slice %arg2[%add3A_95] : memref<8192xi32, #tpu.memory_space<hbm>> -> memref<8xi32, #tpu.memory_space<hbm>>
    %dma_wait3A_389 = arith.constant 72 : i32
    %dma_wait3A_390 = tpu.memref_slice %arg6[%dma_wait3A_389] : memref<256xi32, #tpu.memory_space<vmem>> -> memref<8xi32, #tpu.memory_space<vmem>>
    %dma_wait3A_391 = tpu.memref_slice %arg2[%add3A_95] : memref<8192xi32, #tpu.memory_space<hbm>> -> memref<8xi32, #tpu.memory_space<hbm>>
    tpu.wait_dma2 semaphore(%arg13 : memref<!tpu.dma_semaphore, #tpu.memory_space<semaphore_mem>>) src(%dma_wait3A_391 : memref<8xi32, #tpu.memory_space<hbm>>) dst(%dma_wait3A_390 : memref<8xi32, #tpu.memory_space<vmem>>)
    %dma_wait3A_392 = arith.constant 80 : i32
    %dma_wait3A_393 = tpu.memref_slice %arg6[%dma_wait3A_392] : memref<256xi32, #tpu.memory_space<vmem>> -> memref<8xi32, #tpu.memory_space<vmem>>
    %dma_wait3A_394 = tpu.memref_slice %arg2[%add3A_105] : memref<8192xi32, #tpu.memory_space<hbm>> -> memref<8xi32, #tpu.memory_space<hbm>>
    %dma_wait3A_395 = arith.constant 80 : i32
    %dma_wait3A_396 = tpu.memref_slice %arg6[%dma_wait3A_395] : memref<256xi32, #tpu.memory_space<vmem>> -> memref<8xi32, #tpu.memory_space<vmem>>
    %dma_wait3A_397 = tpu.memref_slice %arg2[%add3A_105] : memref<8192xi32, #tpu.memory_space<hbm>> -> memref<8xi32, #tpu.memory_space<hbm>>
    tpu.wait_dma2 semaphore(%arg13 : memref<!tpu.dma_semaphore, #tpu.memory_space<semaphore_mem>>) src(%dma_wait3A_397 : memref<8xi32, #tpu.memory_space<hbm>>) dst(%dma_wait3A_396 : memref<8xi32, #tpu.memory_space<vmem>>)
    %dma_wait3A_398 = arith.constant 88 : i32
    %dma_wait3A_399 = tpu.memref_slice %arg6[%dma_wait3A_398] : memref<256xi32, #tpu.memory_space<vmem>> -> memref<8xi32, #tpu.memory_space<vmem>>
    %dma_wait3A_400 = tpu.memref_slice %arg2[%add3A_115] : memref<8192xi32, #tpu.memory_space<hbm>> -> memref<8xi32, #tpu.memory_space<hbm>>
    %dma_wait3A_401 = arith.constant 88 : i32
    %dma_wait3A_402 = tpu.memref_slice %arg6[%dma_wait3A_401] : memref<256xi32, #tpu.memory_space<vmem>> -> memref<8xi32, #tpu.memory_space<vmem>>
    %dma_wait3A_403 = tpu.memref_slice %arg2[%add3A_115] : memref<8192xi32, #tpu.memory_space<hbm>> -> memref<8xi32, #tpu.memory_space<hbm>>
    tpu.wait_dma2 semaphore(%arg13 : memref<!tpu.dma_semaphore, #tpu.memory_space<semaphore_mem>>) src(%dma_wait3A_403 : memref<8xi32, #tpu.memory_space<hbm>>) dst(%dma_wait3A_402 : memref<8xi32, #tpu.memory_space<vmem>>)
    %dma_wait3A_404 = arith.constant 96 : i32
    %dma_wait3A_405 = tpu.memref_slice %arg6[%dma_wait3A_404] : memref<256xi32, #tpu.memory_space<vmem>> -> memref<8xi32, #tpu.memory_space<vmem>>
    %dma_wait3A_406 = tpu.memref_slice %arg2[%add3A_125] : memref<8192xi32, #tpu.memory_space<hbm>> -> memref<8xi32, #tpu.memory_space<hbm>>
    %dma_wait3A_407 = arith.constant 96 : i32
    %dma_wait3A_408 = tpu.memref_slice %arg6[%dma_wait3A_407] : memref<256xi32, #tpu.memory_space<vmem>> -> memref<8xi32, #tpu.memory_space<vmem>>
    %dma_wait3A_409 = tpu.memref_slice %arg2[%add3A_125] : memref<8192xi32, #tpu.memory_space<hbm>> -> memref<8xi32, #tpu.memory_space<hbm>>
    tpu.wait_dma2 semaphore(%arg13 : memref<!tpu.dma_semaphore, #tpu.memory_space<semaphore_mem>>) src(%dma_wait3A_409 : memref<8xi32, #tpu.memory_space<hbm>>) dst(%dma_wait3A_408 : memref<8xi32, #tpu.memory_space<vmem>>)
    %dma_wait3A_410 = arith.constant 104 : i32
    %dma_wait3A_411 = tpu.memref_slice %arg6[%dma_wait3A_410] : memref<256xi32, #tpu.memory_space<vmem>> -> memref<8xi32, #tpu.memory_space<vmem>>
    %dma_wait3A_412 = tpu.memref_slice %arg2[%add3A_135] : memref<8192xi32, #tpu.memory_space<hbm>> -> memref<8xi32, #tpu.memory_space<hbm>>
    %dma_wait3A_413 = arith.constant 104 : i32
    %dma_wait3A_414 = tpu.memref_slice %arg6[%dma_wait3A_413] : memref<256xi32, #tpu.memory_space<vmem>> -> memref<8xi32, #tpu.memory_space<vmem>>
    %dma_wait3A_415 = tpu.memref_slice %arg2[%add3A_135] : memref<8192xi32, #tpu.memory_space<hbm>> -> memref<8xi32, #tpu.memory_space<hbm>>
    tpu.wait_dma2 semaphore(%arg13 : memref<!tpu.dma_semaphore, #tpu.memory_space<semaphore_mem>>) src(%dma_wait3A_415 : memref<8xi32, #tpu.memory_space<hbm>>) dst(%dma_wait3A_414 : memref<8xi32, #tpu.memory_space<vmem>>)
    %dma_wait3A_416 = arith.constant 112 : i32
    %dma_wait3A_417 = tpu.memref_slice %arg6[%dma_wait3A_416] : memref<256xi32, #tpu.memory_space<vmem>> -> memref<8xi32, #tpu.memory_space<vmem>>
    %dma_wait3A_418 = tpu.memref_slice %arg2[%add3A_145] : memref<8192xi32, #tpu.memory_space<hbm>> -> memref<8xi32, #tpu.memory_space<hbm>>
    %dma_wait3A_419 = arith.constant 112 : i32
    %dma_wait3A_420 = tpu.memref_slice %arg6[%dma_wait3A_419] : memref<256xi32, #tpu.memory_space<vmem>> -> memref<8xi32, #tpu.memory_space<vmem>>
    %dma_wait3A_421 = tpu.memref_slice %arg2[%add3A_145] : memref<8192xi32, #tpu.memory_space<hbm>> -> memref<8xi32, #tpu.memory_space<hbm>>
    tpu.wait_dma2 semaphore(%arg13 : memref<!tpu.dma_semaphore, #tpu.memory_space<semaphore_mem>>) src(%dma_wait3A_421 : memref<8xi32, #tpu.memory_space<hbm>>) dst(%dma_wait3A_420 : memref<8xi32, #tpu.memory_space<vmem>>)
    %dma_wait3A_422 = arith.constant 120 : i32
    %dma_wait3A_423 = tpu.memref_slice %arg6[%dma_wait3A_422] : memref<256xi32, #tpu.memory_space<vmem>> -> memref<8xi32, #tpu.memory_space<vmem>>
    %dma_wait3A_424 = tpu.memref_slice %arg2[%add3A_155] : memref<8192xi32, #tpu.memory_space<hbm>> -> memref<8xi32, #tpu.memory_space<hbm>>
    %dma_wait3A_425 = arith.constant 120 : i32
    %dma_wait3A_426 = tpu.memref_slice %arg6[%dma_wait3A_425] : memref<256xi32, #tpu.memory_space<vmem>> -> memref<8xi32, #tpu.memory_space<vmem>>
    %dma_wait3A_427 = tpu.memref_slice %arg2[%add3A_155] : memref<8192xi32, #tpu.memory_space<hbm>> -> memref<8xi32, #tpu.memory_space<hbm>>
    tpu.wait_dma2 semaphore(%arg13 : memref<!tpu.dma_semaphore, #tpu.memory_space<semaphore_mem>>) src(%dma_wait3A_427 : memref<8xi32, #tpu.memory_space<hbm>>) dst(%dma_wait3A_426 : memref<8xi32, #tpu.memory_space<vmem>>)
    %dma_wait3A_428 = arith.constant 128 : i32
    %dma_wait3A_429 = tpu.memref_slice %arg6[%dma_wait3A_428] : memref<256xi32, #tpu.memory_space<vmem>> -> memref<8xi32, #tpu.memory_space<vmem>>
    %dma_wait3A_430 = tpu.memref_slice %arg2[%add3A_165] : memref<8192xi32, #tpu.memory_space<hbm>> -> memref<8xi32, #tpu.memory_space<hbm>>
    %dma_wait3A_431 = arith.constant 128 : i32
    %dma_wait3A_432 = tpu.memref_slice %arg6[%dma_wait3A_431] : memref<256xi32, #tpu.memory_space<vmem>> -> memref<8xi32, #tpu.memory_space<vmem>>
    %dma_wait3A_433 = tpu.memref_slice %arg2[%add3A_165] : memref<8192xi32, #tpu.memory_space<hbm>> -> memref<8xi32, #tpu.memory_space<hbm>>
    tpu.wait_dma2 semaphore(%arg13 : memref<!tpu.dma_semaphore, #tpu.memory_space<semaphore_mem>>) src(%dma_wait3A_433 : memref<8xi32, #tpu.memory_space<hbm>>) dst(%dma_wait3A_432 : memref<8xi32, #tpu.memory_space<vmem>>)
    %dma_wait3A_434 = arith.constant 136 : i32
    %dma_wait3A_435 = tpu.memref_slice %arg6[%dma_wait3A_434] : memref<256xi32, #tpu.memory_space<vmem>> -> memref<8xi32, #tpu.memory_space<vmem>>
    %dma_wait3A_436 = tpu.memref_slice %arg2[%add3A_175] : memref<8192xi32, #tpu.memory_space<hbm>> -> memref<8xi32, #tpu.memory_space<hbm>>
    %dma_wait3A_437 = arith.constant 136 : i32
    %dma_wait3A_438 = tpu.memref_slice %arg6[%dma_wait3A_437] : memref<256xi32, #tpu.memory_space<vmem>> -> memref<8xi32, #tpu.memory_space<vmem>>
    %dma_wait3A_439 = tpu.memref_slice %arg2[%add3A_175] : memref<8192xi32, #tpu.memory_space<hbm>> -> memref<8xi32, #tpu.memory_space<hbm>>
    tpu.wait_dma2 semaphore(%arg13 : memref<!tpu.dma_semaphore, #tpu.memory_space<semaphore_mem>>) src(%dma_wait3A_439 : memref<8xi32, #tpu.memory_space<hbm>>) dst(%dma_wait3A_438 : memref<8xi32, #tpu.memory_space<vmem>>)
    %dma_wait3A_440 = arith.constant 144 : i32
    %dma_wait3A_441 = tpu.memref_slice %arg6[%dma_wait3A_440] : memref<256xi32, #tpu.memory_space<vmem>> -> memref<8xi32, #tpu.memory_space<vmem>>
    %dma_wait3A_442 = tpu.memref_slice %arg2[%add3A_185] : memref<8192xi32, #tpu.memory_space<hbm>> -> memref<8xi32, #tpu.memory_space<hbm>>
    %dma_wait3A_443 = arith.constant 144 : i32
    %dma_wait3A_444 = tpu.memref_slice %arg6[%dma_wait3A_443] : memref<256xi32, #tpu.memory_space<vmem>> -> memref<8xi32, #tpu.memory_space<vmem>>
    %dma_wait3A_445 = tpu.memref_slice %arg2[%add3A_185] : memref<8192xi32, #tpu.memory_space<hbm>> -> memref<8xi32, #tpu.memory_space<hbm>>
    tpu.wait_dma2 semaphore(%arg13 : memref<!tpu.dma_semaphore, #tpu.memory_space<semaphore_mem>>) src(%dma_wait3A_445 : memref<8xi32, #tpu.memory_space<hbm>>) dst(%dma_wait3A_444 : memref<8xi32, #tpu.memory_space<vmem>>)
    %dma_wait3A_446 = arith.constant 152 : i32
    %dma_wait3A_447 = tpu.memref_slice %arg6[%dma_wait3A_446] : memref<256xi32, #tpu.memory_space<vmem>> -> memref<8xi32, #tpu.memory_space<vmem>>
    %dma_wait3A_448 = tpu.memref_slice %arg2[%add3A_195] : memref<8192xi32, #tpu.memory_space<hbm>> -> memref<8xi32, #tpu.memory_space<hbm>>
    %dma_wait3A_449 = arith.constant 152 : i32
    %dma_wait3A_450 = tpu.memref_slice %arg6[%dma_wait3A_449] : memref<256xi32, #tpu.memory_space<vmem>> -> memref<8xi32, #tpu.memory_space<vmem>>
    %dma_wait3A_451 = tpu.memref_slice %arg2[%add3A_195] : memref<8192xi32, #tpu.memory_space<hbm>> -> memref<8xi32, #tpu.memory_space<hbm>>
    tpu.wait_dma2 semaphore(%arg13 : memref<!tpu.dma_semaphore, #tpu.memory_space<semaphore_mem>>) src(%dma_wait3A_451 : memref<8xi32, #tpu.memory_space<hbm>>) dst(%dma_wait3A_450 : memref<8xi32, #tpu.memory_space<vmem>>)
    %dma_wait3A_452 = arith.constant 160 : i32
    %dma_wait3A_453 = tpu.memref_slice %arg6[%dma_wait3A_452] : memref<256xi32, #tpu.memory_space<vmem>> -> memref<8xi32, #tpu.memory_space<vmem>>
    %dma_wait3A_454 = tpu.memref_slice %arg2[%add3A_205] : memref<8192xi32, #tpu.memory_space<hbm>> -> memref<8xi32, #tpu.memory_space<hbm>>
    %dma_wait3A_455 = arith.constant 160 : i32
    %dma_wait3A_456 = tpu.memref_slice %arg6[%dma_wait3A_455] : memref<256xi32, #tpu.memory_space<vmem>> -> memref<8xi32, #tpu.memory_space<vmem>>
    %dma_wait3A_457 = tpu.memref_slice %arg2[%add3A_205] : memref<8192xi32, #tpu.memory_space<hbm>> -> memref<8xi32, #tpu.memory_space<hbm>>
    tpu.wait_dma2 semaphore(%arg13 : memref<!tpu.dma_semaphore, #tpu.memory_space<semaphore_mem>>) src(%dma_wait3A_457 : memref<8xi32, #tpu.memory_space<hbm>>) dst(%dma_wait3A_456 : memref<8xi32, #tpu.memory_space<vmem>>)
    %dma_wait3A_458 = arith.constant 168 : i32
    %dma_wait3A_459 = tpu.memref_slice %arg6[%dma_wait3A_458] : memref<256xi32, #tpu.memory_space<vmem>> -> memref<8xi32, #tpu.memory_space<vmem>>
    %dma_wait3A_460 = tpu.memref_slice %arg2[%add3A_215] : memref<8192xi32, #tpu.memory_space<hbm>> -> memref<8xi32, #tpu.memory_space<hbm>>
    %dma_wait3A_461 = arith.constant 168 : i32
    %dma_wait3A_462 = tpu.memref_slice %arg6[%dma_wait3A_461] : memref<256xi32, #tpu.memory_space<vmem>> -> memref<8xi32, #tpu.memory_space<vmem>>
    %dma_wait3A_463 = tpu.memref_slice %arg2[%add3A_215] : memref<8192xi32, #tpu.memory_space<hbm>> -> memref<8xi32, #tpu.memory_space<hbm>>
    tpu.wait_dma2 semaphore(%arg13 : memref<!tpu.dma_semaphore, #tpu.memory_space<semaphore_mem>>) src(%dma_wait3A_463 : memref<8xi32, #tpu.memory_space<hbm>>) dst(%dma_wait3A_462 : memref<8xi32, #tpu.memory_space<vmem>>)
    %dma_wait3A_464 = arith.constant 176 : i32
    %dma_wait3A_465 = tpu.memref_slice %arg6[%dma_wait3A_464] : memref<256xi32, #tpu.memory_space<vmem>> -> memref<8xi32, #tpu.memory_space<vmem>>
    %dma_wait3A_466 = tpu.memref_slice %arg2[%add3A_225] : memref<8192xi32, #tpu.memory_space<hbm>> -> memref<8xi32, #tpu.memory_space<hbm>>
    %dma_wait3A_467 = arith.constant 176 : i32
    %dma_wait3A_468 = tpu.memref_slice %arg6[%dma_wait3A_467] : memref<256xi32, #tpu.memory_space<vmem>> -> memref<8xi32, #tpu.memory_space<vmem>>
    %dma_wait3A_469 = tpu.memref_slice %arg2[%add3A_225] : memref<8192xi32, #tpu.memory_space<hbm>> -> memref<8xi32, #tpu.memory_space<hbm>>
    tpu.wait_dma2 semaphore(%arg13 : memref<!tpu.dma_semaphore, #tpu.memory_space<semaphore_mem>>) src(%dma_wait3A_469 : memref<8xi32, #tpu.memory_space<hbm>>) dst(%dma_wait3A_468 : memref<8xi32, #tpu.memory_space<vmem>>)
    %dma_wait3A_470 = arith.constant 184 : i32
    %dma_wait3A_471 = tpu.memref_slice %arg6[%dma_wait3A_470] : memref<256xi32, #tpu.memory_space<vmem>> -> memref<8xi32, #tpu.memory_space<vmem>>
    %dma_wait3A_472 = tpu.memref_slice %arg2[%add3A_235] : memref<8192xi32, #tpu.memory_space<hbm>> -> memref<8xi32, #tpu.memory_space<hbm>>
    %dma_wait3A_473 = arith.constant 184 : i32
    %dma_wait3A_474 = tpu.memref_slice %arg6[%dma_wait3A_473] : memref<256xi32, #tpu.memory_space<vmem>> -> memref<8xi32, #tpu.memory_space<vmem>>
    %dma_wait3A_475 = tpu.memref_slice %arg2[%add3A_235] : memref<8192xi32, #tpu.memory_space<hbm>> -> memref<8xi32, #tpu.memory_space<hbm>>
    tpu.wait_dma2 semaphore(%arg13 : memref<!tpu.dma_semaphore, #tpu.memory_space<semaphore_mem>>) src(%dma_wait3A_475 : memref<8xi32, #tpu.memory_space<hbm>>) dst(%dma_wait3A_474 : memref<8xi32, #tpu.memory_space<vmem>>)
    %dma_wait3A_476 = arith.constant 192 : i32
    %dma_wait3A_477 = tpu.memref_slice %arg6[%dma_wait3A_476] : memref<256xi32, #tpu.memory_space<vmem>> -> memref<8xi32, #tpu.memory_space<vmem>>
    %dma_wait3A_478 = tpu.memref_slice %arg2[%add3A_245] : memref<8192xi32, #tpu.memory_space<hbm>> -> memref<8xi32, #tpu.memory_space<hbm>>
    %dma_wait3A_479 = arith.constant 192 : i32
    %dma_wait3A_480 = tpu.memref_slice %arg6[%dma_wait3A_479] : memref<256xi32, #tpu.memory_space<vmem>> -> memref<8xi32, #tpu.memory_space<vmem>>
    %dma_wait3A_481 = tpu.memref_slice %arg2[%add3A_245] : memref<8192xi32, #tpu.memory_space<hbm>> -> memref<8xi32, #tpu.memory_space<hbm>>
    tpu.wait_dma2 semaphore(%arg13 : memref<!tpu.dma_semaphore, #tpu.memory_space<semaphore_mem>>) src(%dma_wait3A_481 : memref<8xi32, #tpu.memory_space<hbm>>) dst(%dma_wait3A_480 : memref<8xi32, #tpu.memory_space<vmem>>)
    %dma_wait3A_482 = arith.constant 200 : i32
    %dma_wait3A_483 = tpu.memref_slice %arg6[%dma_wait3A_482] : memref<256xi32, #tpu.memory_space<vmem>> -> memref<8xi32, #tpu.memory_space<vmem>>
    %dma_wait3A_484 = tpu.memref_slice %arg2[%add3A_255] : memref<8192xi32, #tpu.memory_space<hbm>> -> memref<8xi32, #tpu.memory_space<hbm>>
    %dma_wait3A_485 = arith.constant 200 : i32
    %dma_wait3A_486 = tpu.memref_slice %arg6[%dma_wait3A_485] : memref<256xi32, #tpu.memory_space<vmem>> -> memref<8xi32, #tpu.memory_space<vmem>>
    %dma_wait3A_487 = tpu.memref_slice %arg2[%add3A_255] : memref<8192xi32, #tpu.memory_space<hbm>> -> memref<8xi32, #tpu.memory_space<hbm>>
    tpu.wait_dma2 semaphore(%arg13 : memref<!tpu.dma_semaphore, #tpu.memory_space<semaphore_mem>>) src(%dma_wait3A_487 : memref<8xi32, #tpu.memory_space<hbm>>) dst(%dma_wait3A_486 : memref<8xi32, #tpu.memory_space<vmem>>)
    %dma_wait3A_488 = arith.constant 208 : i32
    %dma_wait3A_489 = tpu.memref_slice %arg6[%dma_wait3A_488] : memref<256xi32, #tpu.memory_space<vmem>> -> memref<8xi32, #tpu.memory_space<vmem>>
    %dma_wait3A_490 = tpu.memref_slice %arg2[%add3A_265] : memref<8192xi32, #tpu.memory_space<hbm>> -> memref<8xi32, #tpu.memory_space<hbm>>
    %dma_wait3A_491 = arith.constant 208 : i32
    %dma_wait3A_492 = tpu.memref_slice %arg6[%dma_wait3A_491] : memref<256xi32, #tpu.memory_space<vmem>> -> memref<8xi32, #tpu.memory_space<vmem>>
    %dma_wait3A_493 = tpu.memref_slice %arg2[%add3A_265] : memref<8192xi32, #tpu.memory_space<hbm>> -> memref<8xi32, #tpu.memory_space<hbm>>
    tpu.wait_dma2 semaphore(%arg13 : memref<!tpu.dma_semaphore, #tpu.memory_space<semaphore_mem>>) src(%dma_wait3A_493 : memref<8xi32, #tpu.memory_space<hbm>>) dst(%dma_wait3A_492 : memref<8xi32, #tpu.memory_space<vmem>>)
    %dma_wait3A_494 = arith.constant 216 : i32
    %dma_wait3A_495 = tpu.memref_slice %arg6[%dma_wait3A_494] : memref<256xi32, #tpu.memory_space<vmem>> -> memref<8xi32, #tpu.memory_space<vmem>>
    %dma_wait3A_496 = tpu.memref_slice %arg2[%add3A_275] : memref<8192xi32, #tpu.memory_space<hbm>> -> memref<8xi32, #tpu.memory_space<hbm>>
    %dma_wait3A_497 = arith.constant 216 : i32
    %dma_wait3A_498 = tpu.memref_slice %arg6[%dma_wait3A_497] : memref<256xi32, #tpu.memory_space<vmem>> -> memref<8xi32, #tpu.memory_space<vmem>>
    %dma_wait3A_499 = tpu.memref_slice %arg2[%add3A_275] : memref<8192xi32, #tpu.memory_space<hbm>> -> memref<8xi32, #tpu.memory_space<hbm>>
    tpu.wait_dma2 semaphore(%arg13 : memref<!tpu.dma_semaphore, #tpu.memory_space<semaphore_mem>>) src(%dma_wait3A_499 : memref<8xi32, #tpu.memory_space<hbm>>) dst(%dma_wait3A_498 : memref<8xi32, #tpu.memory_space<vmem>>)
    %dma_wait3A_500 = arith.constant 224 : i32
    %dma_wait3A_501 = tpu.memref_slice %arg6[%dma_wait3A_500] : memref<256xi32, #tpu.memory_space<vmem>> -> memref<8xi32, #tpu.memory_space<vmem>>
    %dma_wait3A_502 = tpu.memref_slice %arg2[%add3A_285] : memref<8192xi32, #tpu.memory_space<hbm>> -> memref<8xi32, #tpu.memory_space<hbm>>
    %dma_wait3A_503 = arith.constant 224 : i32
    %dma_wait3A_504 = tpu.memref_slice %arg6[%dma_wait3A_503] : memref<256xi32, #tpu.memory_space<vmem>> -> memref<8xi32, #tpu.memory_space<vmem>>
    %dma_wait3A_505 = tpu.memref_slice %arg2[%add3A_285] : memref<8192xi32, #tpu.memory_space<hbm>> -> memref<8xi32, #tpu.memory_space<hbm>>
    tpu.wait_dma2 semaphore(%arg13 : memref<!tpu.dma_semaphore, #tpu.memory_space<semaphore_mem>>) src(%dma_wait3A_505 : memref<8xi32, #tpu.memory_space<hbm>>) dst(%dma_wait3A_504 : memref<8xi32, #tpu.memory_space<vmem>>)
    %dma_wait3A_506 = arith.constant 232 : i32
    %dma_wait3A_507 = tpu.memref_slice %arg6[%dma_wait3A_506] : memref<256xi32, #tpu.memory_space<vmem>> -> memref<8xi32, #tpu.memory_space<vmem>>
    %dma_wait3A_508 = tpu.memref_slice %arg2[%add3A_295] : memref<8192xi32, #tpu.memory_space<hbm>> -> memref<8xi32, #tpu.memory_space<hbm>>
    %dma_wait3A_509 = arith.constant 232 : i32
    %dma_wait3A_510 = tpu.memref_slice %arg6[%dma_wait3A_509] : memref<256xi32, #tpu.memory_space<vmem>> -> memref<8xi32, #tpu.memory_space<vmem>>
    %dma_wait3A_511 = tpu.memref_slice %arg2[%add3A_295] : memref<8192xi32, #tpu.memory_space<hbm>> -> memref<8xi32, #tpu.memory_space<hbm>>
    tpu.wait_dma2 semaphore(%arg13 : memref<!tpu.dma_semaphore, #tpu.memory_space<semaphore_mem>>) src(%dma_wait3A_511 : memref<8xi32, #tpu.memory_space<hbm>>) dst(%dma_wait3A_510 : memref<8xi32, #tpu.memory_space<vmem>>)
    %dma_wait3A_512 = arith.constant 240 : i32
    %dma_wait3A_513 = tpu.memref_slice %arg6[%dma_wait3A_512] : memref<256xi32, #tpu.memory_space<vmem>> -> memref<8xi32, #tpu.memory_space<vmem>>
    %dma_wait3A_514 = tpu.memref_slice %arg2[%add3A_305] : memref<8192xi32, #tpu.memory_space<hbm>> -> memref<8xi32, #tpu.memory_space<hbm>>
    %dma_wait3A_515 = arith.constant 240 : i32
    %dma_wait3A_516 = tpu.memref_slice %arg6[%dma_wait3A_515] : memref<256xi32, #tpu.memory_space<vmem>> -> memref<8xi32, #tpu.memory_space<vmem>>
    %dma_wait3A_517 = tpu.memref_slice %arg2[%add3A_305] : memref<8192xi32, #tpu.memory_space<hbm>> -> memref<8xi32, #tpu.memory_space<hbm>>
    tpu.wait_dma2 semaphore(%arg13 : memref<!tpu.dma_semaphore, #tpu.memory_space<semaphore_mem>>) src(%dma_wait3A_517 : memref<8xi32, #tpu.memory_space<hbm>>) dst(%dma_wait3A_516 : memref<8xi32, #tpu.memory_space<vmem>>)
    %dma_wait3A_518 = arith.constant 248 : i32
    %dma_wait3A_519 = tpu.memref_slice %arg6[%dma_wait3A_518] : memref<256xi32, #tpu.memory_space<vmem>> -> memref<8xi32, #tpu.memory_space<vmem>>
    %dma_wait3A_520 = tpu.memref_slice %arg2[%add3A_315] : memref<8192xi32, #tpu.memory_space<hbm>> -> memref<8xi32, #tpu.memory_space<hbm>>
    %dma_wait3A_521 = arith.constant 248 : i32
    %dma_wait3A_522 = tpu.memref_slice %arg6[%dma_wait3A_521] : memref<256xi32, #tpu.memory_space<vmem>> -> memref<8xi32, #tpu.memory_space<vmem>>
    %dma_wait3A_523 = tpu.memref_slice %arg2[%add3A_315] : memref<8192xi32, #tpu.memory_space<hbm>> -> memref<8xi32, #tpu.memory_space<hbm>>
    tpu.wait_dma2 semaphore(%arg13 : memref<!tpu.dma_semaphore, #tpu.memory_space<semaphore_mem>>) src(%dma_wait3A_523 : memref<8xi32, #tpu.memory_space<hbm>>) dst(%dma_wait3A_522 : memref<8xi32, #tpu.memory_space<vmem>>)
    %dma_start3A_524 = arith.constant 32 : i32
    %dma_start3A_525 = tpu.memref_slice %arg6[%dma_start3A_524] : memref<256xi32, #tpu.memory_space<vmem>> -> memref<32xi32, #tpu.memory_space<vmem>>
    %dma_start3A_526 = arith.constant 0 : i32
    %dma_start3A_527 = arith.constant 0 : i32
    %dma_start3A_528 = tpu.memref_slice %arg3[%dma_start3A_526, %dma_start3A_527] : memref<50257x1024xf32, #tpu.memory_space<hbm>> -> memref<50257x1024xf32, #tpu.memory_space<hbm>>
    tpu.enqueue_indirect_dma source(%dma_start3A_528 : memref<50257x1024xf32, #tpu.memory_space<hbm>>) target(%arg8 : memref<32x1024xf32, #tpu.memory_space<vmem>>) offsets(%dma_start3A_525 : memref<32xi32, #tpu.memory_space<vmem>>) semaphore(%arg15 : memref<!tpu.dma_semaphore, #tpu.memory_space<semaphore_mem>>)
    %add3A_529 = arith.constant 8 : i32
    %add3A_530 = arith.addi %mul3A_2, %add3A_529 : i32
    %dma_start3A_531 = arith.constant 0 : i32
    %dma_start3A_532 = tpu.memref_slice %arg4[%add3A_530, %dma_start3A_531] : memref<2048x1024xf32, #tpu.memory_space<hbm>> -> memref<8x1024xf32, #tpu.memory_space<hbm>>
    %dma_start3A_533 = arith.constant 0 : i32
    %dma_start3A_534 = tpu.memref_slice %arg4[%add3A_530, %dma_start3A_533] : memref<2048x1024xf32, #tpu.memory_space<hbm>> -> memref<8x1024xf32, #tpu.memory_space<hbm>>
    tpu.enqueue_dma source(%dma_start3A_534 : memref<8x1024xf32, #tpu.memory_space<hbm>>) target(%arg11 : memref<8x1024xf32, #tpu.memory_space<vmem>>) target_semaphore(%arg18 : memref<!tpu.dma_semaphore, #tpu.memory_space<semaphore_mem>>)
    %dma_start3A_535 = arith.constant 64 : i32
    %dma_start3A_536 = tpu.memref_slice %arg6[%dma_start3A_535] : memref<256xi32, #tpu.memory_space<vmem>> -> memref<32xi32, #tpu.memory_space<vmem>>
    %dma_start3A_537 = arith.constant 0 : i32
    %dma_start3A_538 = arith.constant 0 : i32
    %dma_start3A_539 = tpu.memref_slice %arg3[%dma_start3A_537, %dma_start3A_538] : memref<50257x1024xf32, #tpu.memory_space<hbm>> -> memref<50257x1024xf32, #tpu.memory_space<hbm>>
    tpu.enqueue_indirect_dma source(%dma_start3A_539 : memref<50257x1024xf32, #tpu.memory_space<hbm>>) target(%arg9 : memref<32x1024xf32, #tpu.memory_space<vmem>>) offsets(%dma_start3A_536 : memref<32xi32, #tpu.memory_space<vmem>>) semaphore(%arg16 : memref<!tpu.dma_semaphore, #tpu.memory_space<semaphore_mem>>)
    %add3A_540 = arith.constant 16 : i32
    %add3A_541 = arith.addi %mul3A_2, %add3A_540 : i32
    %dma_start3A_542 = arith.constant 0 : i32
    %dma_start3A_543 = tpu.memref_slice %arg4[%add3A_541, %dma_start3A_542] : memref<2048x1024xf32, #tpu.memory_space<hbm>> -> memref<8x1024xf32, #tpu.memory_space<hbm>>
    %dma_start3A_544 = arith.constant 0 : i32
    %dma_start3A_545 = tpu.memref_slice %arg4[%add3A_541, %dma_start3A_544] : memref<2048x1024xf32, #tpu.memory_space<hbm>> -> memref<8x1024xf32, #tpu.memory_space<hbm>>
    tpu.enqueue_dma source(%dma_start3A_545 : memref<8x1024xf32, #tpu.memory_space<hbm>>) target(%arg12 : memref<8x1024xf32, #tpu.memory_space<vmem>>) target_semaphore(%arg19 : memref<!tpu.dma_semaphore, #tpu.memory_space<semaphore_mem>>)
    %dma_wait3A_546 = arith.constant 0 : i32
    %dma_wait3A_547 = tpu.memref_slice %arg6[%dma_wait3A_546] : memref<256xi32, #tpu.memory_space<vmem>> -> memref<32xi32, #tpu.memory_space<vmem>>
    %dma_wait3A_548 = arith.constant 0 : i32
    %dma_wait3A_549 = arith.constant 0 : i32
    %dma_wait3A_550 = tpu.memref_slice %arg3[%dma_wait3A_548, %dma_wait3A_549] : memref<50257x1024xf32, #tpu.memory_space<hbm>> -> memref<50257x1024xf32, #tpu.memory_space<hbm>>
    tpu.wait_indirect_dma semaphore(%arg14 : memref<!tpu.dma_semaphore, #tpu.memory_space<semaphore_mem>>) src(%dma_wait3A_550 : memref<50257x1024xf32, #tpu.memory_space<hbm>>) dst(%arg7 : memref<32x1024xf32, #tpu.memory_space<vmem>>)
    %dma_wait3A_551 = arith.constant 0 : i32
    %dma_wait3A_552 = tpu.memref_slice %arg4[%add3A_351, %dma_wait3A_551] : memref<2048x1024xf32, #tpu.memory_space<hbm>> -> memref<8x1024xf32, #tpu.memory_space<hbm>>
    %dma_wait3A_553 = arith.constant 0 : i32
    %dma_wait3A_554 = tpu.memref_slice %arg4[%add3A_351, %dma_wait3A_553] : memref<2048x1024xf32, #tpu.memory_space<hbm>> -> memref<8x1024xf32, #tpu.memory_space<hbm>>
    tpu.wait_dma2 semaphore(%arg17 : memref<!tpu.dma_semaphore, #tpu.memory_space<semaphore_mem>>) src(%dma_wait3A_554 : memref<8x1024xf32, #tpu.memory_space<hbm>>) dst(%arg10 : memref<8x1024xf32, #tpu.memory_space<vmem>>)
    %parallel_loop3A = arith.constant 0 : i32
    %parallel_loop3A_555 = arith.constant 512 : i32
    %parallel_loop3A_556 = arith.constant 1 : i32
    scf.for %parallel_loop3A_1464 = %parallel_loop3A to %parallel_loop3A_555 step %parallel_loop3A_556  : i32 {
      %parallel_loop3A_1465 = arith.constant 64 : i32
      %parallel_loop3A_1466 = arith.divsi %parallel_loop3A_1464, %parallel_loop3A_1465 : i32
      %parallel_loop3A_1467 = arith.constant 0 : i32
      %parallel_loop3A_1468 = arith.cmpi sgt, %parallel_loop3A_1464, %parallel_loop3A_1467 : i32
      %parallel_loop3A_1469 = arith.extui %parallel_loop3A_1468 : i1 to i32
      %parallel_loop3A_1470 = arith.constant 0 : i32
      %parallel_loop3A_1471 = arith.cmpi slt, %parallel_loop3A_1464, %parallel_loop3A_1470 : i32
      %parallel_loop3A_1472 = arith.extui %parallel_loop3A_1471 : i1 to i32
      %parallel_loop3A_1473 = arith.subi %parallel_loop3A_1469, %parallel_loop3A_1472 : i32
      %parallel_loop3A_1474 = arith.constant 0 : i32
      %parallel_loop3A_1475 = arith.cmpi sgt, %parallel_loop3A_1465, %parallel_loop3A_1474 : i32
      %parallel_loop3A_1476 = arith.extui %parallel_loop3A_1475 : i1 to i32
      %parallel_loop3A_1477 = arith.constant 0 : i32
      %parallel_loop3A_1478 = arith.cmpi slt, %parallel_loop3A_1465, %parallel_loop3A_1477 : i32
      %parallel_loop3A_1479 = arith.extui %parallel_loop3A_1478 : i1 to i32
      %parallel_loop3A_1480 = arith.subi %parallel_loop3A_1476, %parallel_loop3A_1479 : i32
      %parallel_loop3A_1481 = arith.cmpi ne, %parallel_loop3A_1473, %parallel_loop3A_1480 : i32
      %parallel_loop3A_1482 = arith.remsi %parallel_loop3A_1464, %parallel_loop3A_1465 : i32
      %parallel_loop3A_1483 = arith.constant 0 : i32
      %parallel_loop3A_1484 = arith.cmpi ne, %parallel_loop3A_1482, %parallel_loop3A_1483 : i32
      %parallel_loop3A_1485 = arith.andi %parallel_loop3A_1481, %parallel_loop3A_1484 : i1
      %parallel_loop3A_1486 = arith.constant 1 : i32
      %parallel_loop3A_1487 = arith.subi %parallel_loop3A_1466, %parallel_loop3A_1486 : i32
      %parallel_loop3A_1488 = arith.select %parallel_loop3A_1485, %parallel_loop3A_1487, %parallel_loop3A_1466 : i32
      %parallel_loop3A_1489 = arith.constant 64 : i32
      %parallel_loop3A_1490 = arith.muli %parallel_loop3A_1488, %parallel_loop3A_1489 : i32
      %parallel_loop3A_1491 = arith.subi %parallel_loop3A_1464, %parallel_loop3A_1490 : i32
      %parallel_loop3A_1492 = arith.constant 16 : i32
      %parallel_loop3A_1493 = arith.muli %parallel_loop3A_1491, %parallel_loop3A_1492 : i32
      %parallel_loop3A_1494 = arith.index_cast %parallel_loop3A_1488 : i32 to index
      %parallel_loop3A_1495 = arith.index_cast %parallel_loop3A_1493 : i32 to index
      %parallel_loop3A_1496 = tpu.vector_load %arg10[%parallel_loop3A_1494, %parallel_loop3A_1495] {strides = array<i32>} : memref<8x1024xf32, #tpu.memory_space<vmem>>, vector<1x16xf32>,
      %parallel_loop3A_1497 = vector.shape_cast %parallel_loop3A_1496 : vector<1x16xf32> to vector<16xf32>
      %parallel_loop3A_1498 = arith.constant 0 : i32
      %parallel_loop3A_1499 = arith.addi %parallel_loop3A_1498, %parallel_loop3A_1488 : i32
      %parallel_loop3A_1500 = arith.index_cast %parallel_loop3A_1499 : i32 to index
      %parallel_loop3A_1501 = arith.index_cast %parallel_loop3A_1493 : i32 to index
      %parallel_loop3A_1502 = tpu.vector_load %arg7[%parallel_loop3A_1500, %parallel_loop3A_1501] {strides = array<i32>} : memref<32x1024xf32, #tpu.memory_space<vmem>>, vector<1x16xf32>,
      %parallel_loop3A_1503 = vector.shape_cast %parallel_loop3A_1502 : vector<1x16xf32> to vector<16xf32>
      %parallel_loop3A_1504 = arith.constant 3.200000e+01 : f32
      %parallel_loop3A_1505 = vector.broadcast %parallel_loop3A_1504 : f32 to vector<16xf32>
      %parallel_loop3A_1506 = arith.mulf %parallel_loop3A_1503, %parallel_loop3A_1505 : vector<16xf32>
      %parallel_loop3A_1507 = arith.addf %parallel_loop3A_1506, %parallel_loop3A_1497 : vector<16xf32>
      %parallel_loop3A_1508 = arith.index_cast %parallel_loop3A_1499 : i32 to index
      %parallel_loop3A_1509 = arith.index_cast %parallel_loop3A_1493 : i32 to index
      %parallel_loop3A_1510 = tpu.vector_load %arg7[%parallel_loop3A_1508, %parallel_loop3A_1509] {strides = array<i32>} : memref<32x1024xf32, #tpu.memory_space<vmem>>, vector<1x16xf32>,
      %parallel_loop3A_1511 = vector.shape_cast %parallel_loop3A_1510 : vector<1x16xf32> to vector<16xf32>
      %parallel_loop3A_1512 = vector.shape_cast %parallel_loop3A_1507 : vector<16xf32> to vector<1x16xf32>
      tpu.vector_store %arg7[%parallel_loop3A_1508, %parallel_loop3A_1509], %parallel_loop3A_1512 {strides = array<i32>} : memref<32x1024xf32, #tpu.memory_space<vmem>>, vector<1x16xf32>,
      %parallel_loop3A_1513 = arith.constant 8 : i32
      %parallel_loop3A_1514 = arith.addi %parallel_loop3A_1513, %parallel_loop3A_1488 : i32
      %parallel_loop3A_1515 = arith.index_cast %parallel_loop3A_1514 : i32 to index
      %parallel_loop3A_1516 = arith.index_cast %parallel_loop3A_1493 : i32 to index
      %parallel_loop3A_1517 = tpu.vector_load %arg7[%parallel_loop3A_1515, %parallel_loop3A_1516] {strides = array<i32>} : memref<32x1024xf32, #tpu.memory_space<vmem>>, vector<1x16xf32>,
      %parallel_loop3A_1518 = vector.shape_cast %parallel_loop3A_1517 : vector<1x16xf32> to vector<16xf32>
      %parallel_loop3A_1519 = arith.constant 3.200000e+01 : f32
      %parallel_loop3A_1520 = vector.broadcast %parallel_loop3A_1519 : f32 to vector<16xf32>
      %parallel_loop3A_1521 = arith.mulf %parallel_loop3A_1518, %parallel_loop3A_1520 : vector<16xf32>
      %parallel_loop3A_1522 = arith.addf %parallel_loop3A_1521, %parallel_loop3A_1497 : vector<16xf32>
      %parallel_loop3A_1523 = arith.index_cast %parallel_loop3A_1514 : i32 to index
      %parallel_loop3A_1524 = arith.index_cast %parallel_loop3A_1493 : i32 to index
      %parallel_loop3A_1525 = tpu.vector_load %arg7[%parallel_loop3A_1523, %parallel_loop3A_1524] {strides = array<i32>} : memref<32x1024xf32, #tpu.memory_space<vmem>>, vector<1x16xf32>,
      %parallel_loop3A_1526 = vector.shape_cast %parallel_loop3A_1525 : vector<1x16xf32> to vector<16xf32>
      %parallel_loop3A_1527 = vector.shape_cast %parallel_loop3A_1522 : vector<16xf32> to vector<1x16xf32>
      tpu.vector_store %arg7[%parallel_loop3A_1523, %parallel_loop3A_1524], %parallel_loop3A_1527 {strides = array<i32>} : memref<32x1024xf32, #tpu.memory_space<vmem>>, vector<1x16xf32>,
      %parallel_loop3A_1528 = arith.constant 16 : i32
      %parallel_loop3A_1529 = arith.addi %parallel_loop3A_1528, %parallel_loop3A_1488 : i32
      %parallel_loop3A_1530 = arith.index_cast %parallel_loop3A_1529 : i32 to index
      %parallel_loop3A_1531 = arith.index_cast %parallel_loop3A_1493 : i32 to index
      %parallel_loop3A_1532 = tpu.vector_load %arg7[%parallel_loop3A_1530, %parallel_loop3A_1531] {strides = array<i32>} : memref<32x1024xf32, #tpu.memory_space<vmem>>, vector<1x16xf32>,
      %parallel_loop3A_1533 = vector.shape_cast %parallel_loop3A_1532 : vector<1x16xf32> to vector<16xf32>
      %parallel_loop3A_1534 = arith.constant 3.200000e+01 : f32
      %parallel_loop3A_1535 = vector.broadcast %parallel_loop3A_1534 : f32 to vector<16xf32>
      %parallel_loop3A_1536 = arith.mulf %parallel_loop3A_1533, %parallel_loop3A_1535 : vector<16xf32>
      %parallel_loop3A_1537 = arith.addf %parallel_loop3A_1536, %parallel_loop3A_1497 : vector<16xf32>
      %parallel_loop3A_1538 = arith.index_cast %parallel_loop3A_1529 : i32 to index
      %parallel_loop3A_1539 = arith.index_cast %parallel_loop3A_1493 : i32 to index
      %parallel_loop3A_1540 = tpu.vector_load %arg7[%parallel_loop3A_1538, %parallel_loop3A_1539] {strides = array<i32>} : memref<32x1024xf32, #tpu.memory_space<vmem>>, vector<1x16xf32>,
      %parallel_loop3A_1541 = vector.shape_cast %parallel_loop3A_1540 : vector<1x16xf32> to vector<16xf32>
      %parallel_loop3A_1542 = vector.shape_cast %parallel_loop3A_1537 : vector<16xf32> to vector<1x16xf32>
      tpu.vector_store %arg7[%parallel_loop3A_1538, %parallel_loop3A_1539], %parallel_loop3A_1542 {strides = array<i32>} : memref<32x1024xf32, #tpu.memory_space<vmem>>, vector<1x16xf32>,
      %parallel_loop3A_1543 = arith.constant 24 : i32
      %parallel_loop3A_1544 = arith.addi %parallel_loop3A_1543, %parallel_loop3A_1488 : i32
      %parallel_loop3A_1545 = arith.index_cast %parallel_loop3A_1544 : i32 to index
      %parallel_loop3A_1546 = arith.index_cast %parallel_loop3A_1493 : i32 to index
      %parallel_loop3A_1547 = tpu.vector_load %arg7[%parallel_loop3A_1545, %parallel_loop3A_1546] {strides = array<i32>} : memref<32x1024xf32, #tpu.memory_space<vmem>>, vector<1x16xf32>,
      %parallel_loop3A_1548 = vector.shape_cast %parallel_loop3A_1547 : vector<1x16xf32> to vector<16xf32>
      %parallel_loop3A_1549 = arith.constant 3.200000e+01 : f32
      %parallel_loop3A_1550 = vector.broadcast %parallel_loop3A_1549 : f32 to vector<16xf32>
      %parallel_loop3A_1551 = arith.mulf %parallel_loop3A_1548, %parallel_loop3A_1550 : vector<16xf32>
      %parallel_loop3A_1552 = arith.addf %parallel_loop3A_1551, %parallel_loop3A_1497 : vector<16xf32>
      %parallel_loop3A_1553 = arith.index_cast %parallel_loop3A_1544 : i32 to index
      %parallel_loop3A_1554 = arith.index_cast %parallel_loop3A_1493 : i32 to index
      %parallel_loop3A_1555 = tpu.vector_load %arg7[%parallel_loop3A_1553, %parallel_loop3A_1554] {strides = array<i32>} : memref<32x1024xf32, #tpu.memory_space<vmem>>, vector<1x16xf32>,
      %parallel_loop3A_1556 = vector.shape_cast %parallel_loop3A_1555 : vector<1x16xf32> to vector<16xf32>
      %parallel_loop3A_1557 = vector.shape_cast %parallel_loop3A_1552 : vector<16xf32> to vector<1x16xf32>
      tpu.vector_store %arg7[%parallel_loop3A_1553, %parallel_loop3A_1554], %parallel_loop3A_1557 {strides = array<i32>} : memref<32x1024xf32, #tpu.memory_space<vmem>>, vector<1x16xf32>,
    } {sc.loop_unroll_factor = 4 : i64, sc.parallel_access}
    %add3A_557 = arith.constant 0 : i32
    %add3A_558 = arith.addi %add3A_557, %mul3A_2 : i32
    %add3A_559 = arith.constant 0 : i32
    %add3A_560 = arith.addi %add3A_558, %add3A_559 : i32
    %dma_start3A_561 = arith.constant 0 : i32
    %dma_start3A_562 = arith.constant 0 : i32
    %dma_start3A_563 = tpu.memref_slice %arg7[%dma_start3A_561, %dma_start3A_562] : memref<32x1024xf32, #tpu.memory_space<vmem>> -> memref<8x1024xf32, #tpu.memory_space<vmem>>
    %dma_start3A_564 = arith.constant 0 : i32
    %dma_start3A_565 = tpu.memref_slice %arg5[%add3A_560, %dma_start3A_564] : memref<8192x1024xf32, #tpu.memory_space<hbm>> -> memref<8x1024xf32, #tpu.memory_space<hbm>>
    %dma_start3A_566 = arith.constant 0 : i32
    %dma_start3A_567 = tpu.memref_slice %arg5[%add3A_560, %dma_start3A_566] : memref<8192x1024xf32, #tpu.memory_space<hbm>> -> memref<8x1024xf32, #tpu.memory_space<hbm>>
    %dma_start3A_568 = arith.constant 0 : i32
    %dma_start3A_569 = arith.constant 0 : i32
    %dma_start3A_570 = tpu.memref_slice %arg7[%dma_start3A_568, %dma_start3A_569] : memref<32x1024xf32, #tpu.memory_space<vmem>> -> memref<8x1024xf32, #tpu.memory_space<vmem>>
    tpu.enqueue_dma source(%dma_start3A_570 : memref<8x1024xf32, #tpu.memory_space<vmem>>) target(%dma_start3A_567 : memref<8x1024xf32, #tpu.memory_space<hbm>>) target_semaphore(%arg20 : memref<!tpu.dma_semaphore, #tpu.memory_space<semaphore_mem>>)
    %add3A_571 = arith.constant 2048 : i32
    %add3A_572 = arith.addi %add3A_571, %mul3A_2 : i32
    %add3A_573 = arith.constant 0 : i32
    %add3A_574 = arith.addi %add3A_572, %add3A_573 : i32
    %dma_start3A_575 = arith.constant 8 : i32
    %dma_start3A_576 = arith.constant 0 : i32
    %dma_start3A_577 = tpu.memref_slice %arg7[%dma_start3A_575, %dma_start3A_576] : memref<32x1024xf32, #tpu.memory_space<vmem>> -> memref<8x1024xf32, #tpu.memory_space<vmem>>
    %dma_start3A_578 = arith.constant 0 : i32
    %dma_start3A_579 = tpu.memref_slice %arg5[%add3A_574, %dma_start3A_578] : memref<8192x1024xf32, #tpu.memory_space<hbm>> -> memref<8x1024xf32, #tpu.memory_space<hbm>>
    %dma_start3A_580 = arith.constant 0 : i32
    %dma_start3A_581 = tpu.memref_slice %arg5[%add3A_574, %dma_start3A_580] : memref<8192x1024xf32, #tpu.memory_space<hbm>> -> memref<8x1024xf32, #tpu.memory_space<hbm>>
    %dma_start3A_582 = arith.constant 8 : i32
    %dma_start3A_583 = arith.constant 0 : i32
    %dma_start3A_584 = tpu.memref_slice %arg7[%dma_start3A_582, %dma_start3A_583] : memref<32x1024xf32, #tpu.memory_space<vmem>> -> memref<8x1024xf32, #tpu.memory_space<vmem>>
    tpu.enqueue_dma source(%dma_start3A_584 : memref<8x1024xf32, #tpu.memory_space<vmem>>) target(%dma_start3A_581 : memref<8x1024xf32, #tpu.memory_space<hbm>>) target_semaphore(%arg20 : memref<!tpu.dma_semaphore, #tpu.memory_space<semaphore_mem>>)
    %add3A_585 = arith.constant 4096 : i32
    %add3A_586 = arith.addi %add3A_585, %mul3A_2 : i32
    %add3A_587 = arith.constant 0 : i32
    %add3A_588 = arith.addi %add3A_586, %add3A_587 : i32
    %dma_start3A_589 = arith.constant 16 : i32
    %dma_start3A_590 = arith.constant 0 : i32
    %dma_start3A_591 = tpu.memref_slice %arg7[%dma_start3A_589, %dma_start3A_590] : memref<32x1024xf32, #tpu.memory_space<vmem>> -> memref<8x1024xf32, #tpu.memory_space<vmem>>
    %dma_start3A_592 = arith.constant 0 : i32
    %dma_start3A_593 = tpu.memref_slice %arg5[%add3A_588, %dma_start3A_592] : memref<8192x1024xf32, #tpu.memory_space<hbm>> -> memref<8x1024xf32, #tpu.memory_space<hbm>>
    %dma_start3A_594 = arith.constant 0 : i32
    %dma_start3A_595 = tpu.memref_slice %arg5[%add3A_588, %dma_start3A_594] : memref<8192x1024xf32, #tpu.memory_space<hbm>> -> memref<8x1024xf32, #tpu.memory_space<hbm>>
    %dma_start3A_596 = arith.constant 16 : i32
    %dma_start3A_597 = arith.constant 0 : i32
    %dma_start3A_598 = tpu.memref_slice %arg7[%dma_start3A_596, %dma_start3A_597] : memref<32x1024xf32, #tpu.memory_space<vmem>> -> memref<8x1024xf32, #tpu.memory_space<vmem>>
    tpu.enqueue_dma source(%dma_start3A_598 : memref<8x1024xf32, #tpu.memory_space<vmem>>) target(%dma_start3A_595 : memref<8x1024xf32, #tpu.memory_space<hbm>>) target_semaphore(%arg20 : memref<!tpu.dma_semaphore, #tpu.memory_space<semaphore_mem>>)
    %add3A_599 = arith.constant 6144 : i32
    %add3A_600 = arith.addi %add3A_599, %mul3A_2 : i32
    %add3A_601 = arith.constant 0 : i32
    %add3A_602 = arith.addi %add3A_600, %add3A_601 : i32
    %dma_start3A_603 = arith.constant 24 : i32
    %dma_start3A_604 = arith.constant 0 : i32
    %dma_start3A_605 = tpu.memref_slice %arg7[%dma_start3A_603, %dma_start3A_604] : memref<32x1024xf32, #tpu.memory_space<vmem>> -> memref<8x1024xf32, #tpu.memory_space<vmem>>
    %dma_start3A_606 = arith.constant 0 : i32
    %dma_start3A_607 = tpu.memref_slice %arg5[%add3A_602, %dma_start3A_606] : memref<8192x1024xf32, #tpu.memory_space<hbm>> -> memref<8x1024xf32, #tpu.memory_space<hbm>>
    %dma_start3A_608 = arith.constant 0 : i32
    %dma_start3A_609 = tpu.memref_slice %arg5[%add3A_602, %dma_start3A_608] : memref<8192x1024xf32, #tpu.memory_space<hbm>> -> memref<8x1024xf32, #tpu.memory_space<hbm>>
    %dma_start3A_610 = arith.constant 24 : i32
    %dma_start3A_611 = arith.constant 0 : i32
    %dma_start3A_612 = tpu.memref_slice %arg7[%dma_start3A_610, %dma_start3A_611] : memref<32x1024xf32, #tpu.memory_space<vmem>> -> memref<8x1024xf32, #tpu.memory_space<vmem>>
    tpu.enqueue_dma source(%dma_start3A_612 : memref<8x1024xf32, #tpu.memory_space<vmem>>) target(%dma_start3A_609 : memref<8x1024xf32, #tpu.memory_space<hbm>>) target_semaphore(%arg20 : memref<!tpu.dma_semaphore, #tpu.memory_space<semaphore_mem>>)
    %dma_wait3A_613 = arith.constant 0 : i32
    %dma_wait3A_614 = arith.constant 0 : i32
    %dma_wait3A_615 = tpu.memref_slice %arg7[%dma_wait3A_613, %dma_wait3A_614] : memref<32x1024xf32, #tpu.memory_space<vmem>> -> memref<8x1024xf32, #tpu.memory_space<vmem>>
    %dma_wait3A_616 = arith.constant 0 : i32
    %dma_wait3A_617 = tpu.memref_slice %arg5[%add3A_560, %dma_wait3A_616] : memref<8192x1024xf32, #tpu.memory_space<hbm>> -> memref<8x1024xf32, #tpu.memory_space<hbm>>
    %dma_wait3A_618 = arith.constant 0 : i32
    %dma_wait3A_619 = tpu.memref_slice %arg5[%add3A_560, %dma_wait3A_618] : memref<8192x1024xf32, #tpu.memory_space<hbm>> -> memref<8x1024xf32, #tpu.memory_space<hbm>>
    %dma_wait3A_620 = arith.constant 0 : i32
    %dma_wait3A_621 = arith.constant 0 : i32
    %dma_wait3A_622 = tpu.memref_slice %arg7[%dma_wait3A_620, %dma_wait3A_621] : memref<32x1024xf32, #tpu.memory_space<vmem>> -> memref<8x1024xf32, #tpu.memory_space<vmem>>
    tpu.wait_dma2 semaphore(%arg20 : memref<!tpu.dma_semaphore, #tpu.memory_space<semaphore_mem>>) src(%dma_wait3A_622 : memref<8x1024xf32, #tpu.memory_space<vmem>>) dst(%dma_wait3A_619 : memref<8x1024xf32, #tpu.memory_space<hbm>>)
    %dma_wait3A_623 = arith.constant 8 : i32
    %dma_wait3A_624 = arith.constant 0 : i32
    %dma_wait3A_625 = tpu.memref_slice %arg7[%dma_wait3A_623, %dma_wait3A_624] : memref<32x1024xf32, #tpu.memory_space<vmem>> -> memref<8x1024xf32, #tpu.memory_space<vmem>>
    %dma_wait3A_626 = arith.constant 0 : i32
    %dma_wait3A_627 = tpu.memref_slice %arg5[%add3A_574, %dma_wait3A_626] : memref<8192x1024xf32, #tpu.memory_space<hbm>> -> memref<8x1024xf32, #tpu.memory_space<hbm>>
    %dma_wait3A_628 = arith.constant 0 : i32
    %dma_wait3A_629 = tpu.memref_slice %arg5[%add3A_574, %dma_wait3A_628] : memref<8192x1024xf32, #tpu.memory_space<hbm>> -> memref<8x1024xf32, #tpu.memory_space<hbm>>
    %dma_wait3A_630 = arith.constant 8 : i32
    %dma_wait3A_631 = arith.constant 0 : i32
    %dma_wait3A_632 = tpu.memref_slice %arg7[%dma_wait3A_630, %dma_wait3A_631] : memref<32x1024xf32, #tpu.memory_space<vmem>> -> memref<8x1024xf32, #tpu.memory_space<vmem>>
    tpu.wait_dma2 semaphore(%arg20 : memref<!tpu.dma_semaphore, #tpu.memory_space<semaphore_mem>>) src(%dma_wait3A_632 : memref<8x1024xf32, #tpu.memory_space<vmem>>) dst(%dma_wait3A_629 : memref<8x1024xf32, #tpu.memory_space<hbm>>)
    %dma_wait3A_633 = arith.constant 16 : i32
    %dma_wait3A_634 = arith.constant 0 : i32
    %dma_wait3A_635 = tpu.memref_slice %arg7[%dma_wait3A_633, %dma_wait3A_634] : memref<32x1024xf32, #tpu.memory_space<vmem>> -> memref<8x1024xf32, #tpu.memory_space<vmem>>
    %dma_wait3A_636 = arith.constant 0 : i32
    %dma_wait3A_637 = tpu.memref_slice %arg5[%add3A_588, %dma_wait3A_636] : memref<8192x1024xf32, #tpu.memory_space<hbm>> -> memref<8x1024xf32, #tpu.memory_space<hbm>>
    %dma_wait3A_638 = arith.constant 0 : i32
    %dma_wait3A_639 = tpu.memref_slice %arg5[%add3A_588, %dma_wait3A_638] : memref<8192x1024xf32, #tpu.memory_space<hbm>> -> memref<8x1024xf32, #tpu.memory_space<hbm>>
    %dma_wait3A_640 = arith.constant 16 : i32
    %dma_wait3A_641 = arith.constant 0 : i32
    %dma_wait3A_642 = tpu.memref_slice %arg7[%dma_wait3A_640, %dma_wait3A_641] : memref<32x1024xf32, #tpu.memory_space<vmem>> -> memref<8x1024xf32, #tpu.memory_space<vmem>>
    tpu.wait_dma2 semaphore(%arg20 : memref<!tpu.dma_semaphore, #tpu.memory_space<semaphore_mem>>) src(%dma_wait3A_642 : memref<8x1024xf32, #tpu.memory_space<vmem>>) dst(%dma_wait3A_639 : memref<8x1024xf32, #tpu.memory_space<hbm>>)
    %dma_wait3A_643 = arith.constant 24 : i32
    %dma_wait3A_644 = arith.constant 0 : i32
    %dma_wait3A_645 = tpu.memref_slice %arg7[%dma_wait3A_643, %dma_wait3A_644] : memref<32x1024xf32, #tpu.memory_space<vmem>> -> memref<8x1024xf32, #tpu.memory_space<vmem>>
    %dma_wait3A_646 = arith.constant 0 : i32
    %dma_wait3A_647 = tpu.memref_slice %arg5[%add3A_602, %dma_wait3A_646] : memref<8192x1024xf32, #tpu.memory_space<hbm>> -> memref<8x1024xf32, #tpu.memory_space<hbm>>
    %dma_wait3A_648 = arith.constant 0 : i32
    %dma_wait3A_649 = tpu.memref_slice %arg5[%add3A_602, %dma_wait3A_648] : memref<8192x1024xf32, #tpu.memory_space<hbm>> -> memref<8x1024xf32, #tpu.memory_space<hbm>>
    %dma_wait3A_650 = arith.constant 24 : i32
    %dma_wait3A_651 = arith.constant 0 : i32
    %dma_wait3A_652 = tpu.memref_slice %arg7[%dma_wait3A_650, %dma_wait3A_651] : memref<32x1024xf32, #tpu.memory_space<vmem>> -> memref<8x1024xf32, #tpu.memory_space<vmem>>
    tpu.wait_dma2 semaphore(%arg20 : memref<!tpu.dma_semaphore, #tpu.memory_space<semaphore_mem>>) src(%dma_wait3A_652 : memref<8x1024xf32, #tpu.memory_space<vmem>>) dst(%dma_wait3A_649 : memref<8x1024xf32, #tpu.memory_space<hbm>>)
    %dma_start3A_653 = arith.constant 96 : i32
    %dma_start3A_654 = tpu.memref_slice %arg6[%dma_start3A_653] : memref<256xi32, #tpu.memory_space<vmem>> -> memref<32xi32, #tpu.memory_space<vmem>>
    %dma_start3A_655 = arith.constant 0 : i32
    %dma_start3A_656 = arith.constant 0 : i32
    %dma_start3A_657 = tpu.memref_slice %arg3[%dma_start3A_655, %dma_start3A_656] : memref<50257x1024xf32, #tpu.memory_space<hbm>> -> memref<50257x1024xf32, #tpu.memory_space<hbm>>
    tpu.enqueue_indirect_dma source(%dma_start3A_657 : memref<50257x1024xf32, #tpu.memory_space<hbm>>) target(%arg7 : memref<32x1024xf32, #tpu.memory_space<vmem>>) offsets(%dma_start3A_654 : memref<32xi32, #tpu.memory_space<vmem>>) semaphore(%arg14 : memref<!tpu.dma_semaphore, #tpu.memory_space<semaphore_mem>>)
    %add3A_658 = arith.constant 24 : i32
    %add3A_659 = arith.addi %mul3A_2, %add3A_658 : i32
    %dma_start3A_660 = arith.constant 0 : i32
    %dma_start3A_661 = tpu.memref_slice %arg4[%add3A_659, %dma_start3A_660] : memref<2048x1024xf32, #tpu.memory_space<hbm>> -> memref<8x1024xf32, #tpu.memory_space<hbm>>
    %dma_start3A_662 = arith.constant 0 : i32
    %dma_start3A_663 = tpu.memref_slice %arg4[%add3A_659, %dma_start3A_662] : memref<2048x1024xf32, #tpu.memory_space<hbm>> -> memref<8x1024xf32, #tpu.memory_space<hbm>>
    tpu.enqueue_dma source(%dma_start3A_663 : memref<8x1024xf32, #tpu.memory_space<hbm>>) target(%arg10 : memref<8x1024xf32, #tpu.memory_space<vmem>>) target_semaphore(%arg17 : memref<!tpu.dma_semaphore, #tpu.memory_space<semaphore_mem>>)
    %dma_wait3A_664 = arith.constant 32 : i32
    %dma_wait3A_665 = tpu.memref_slice %arg6[%dma_wait3A_664] : memref<256xi32, #tpu.memory_space<vmem>> -> memref<32xi32, #tpu.memory_space<vmem>>
    %dma_wait3A_666 = arith.constant 0 : i32
    %dma_wait3A_667 = arith.constant 0 : i32
    %dma_wait3A_668 = tpu.memref_slice %arg3[%dma_wait3A_666, %dma_wait3A_667] : memref<50257x1024xf32, #tpu.memory_space<hbm>> -> memref<50257x1024xf32, #tpu.memory_space<hbm>>
    tpu.wait_indirect_dma semaphore(%arg15 : memref<!tpu.dma_semaphore, #tpu.memory_space<semaphore_mem>>) src(%dma_wait3A_668 : memref<50257x1024xf32, #tpu.memory_space<hbm>>) dst(%arg8 : memref<32x1024xf32, #tpu.memory_space<vmem>>)
    %dma_wait3A_669 = arith.constant 0 : i32
    %dma_wait3A_670 = tpu.memref_slice %arg4[%add3A_530, %dma_wait3A_669] : memref<2048x1024xf32, #tpu.memory_space<hbm>> -> memref<8x1024xf32, #tpu.memory_space<hbm>>
    %dma_wait3A_671 = arith.constant 0 : i32
    %dma_wait3A_672 = tpu.memref_slice %arg4[%add3A_530, %dma_wait3A_671] : memref<2048x1024xf32, #tpu.memory_space<hbm>> -> memref<8x1024xf32, #tpu.memory_space<hbm>>
    tpu.wait_dma2 semaphore(%arg18 : memref<!tpu.dma_semaphore, #tpu.memory_space<semaphore_mem>>) src(%dma_wait3A_672 : memref<8x1024xf32, #tpu.memory_space<hbm>>) dst(%arg11 : memref<8x1024xf32, #tpu.memory_space<vmem>>)
    %parallel_loop3A_673 = arith.constant 0 : i32
    %parallel_loop3A_674 = arith.constant 512 : i32
    %parallel_loop3A_675 = arith.constant 1 : i32
    scf.for %parallel_loop3A_1464 = %parallel_loop3A_673 to %parallel_loop3A_674 step %parallel_loop3A_675  : i32 {
      %parallel_loop3A_1465 = arith.constant 64 : i32
      %parallel_loop3A_1466 = arith.divsi %parallel_loop3A_1464, %parallel_loop3A_1465 : i32
      %parallel_loop3A_1467 = arith.constant 0 : i32
      %parallel_loop3A_1468 = arith.cmpi sgt, %parallel_loop3A_1464, %parallel_loop3A_1467 : i32
      %parallel_loop3A_1469 = arith.extui %parallel_loop3A_1468 : i1 to i32
      %parallel_loop3A_1470 = arith.constant 0 : i32
      %parallel_loop3A_1471 = arith.cmpi slt, %parallel_loop3A_1464, %parallel_loop3A_1470 : i32
      %parallel_loop3A_1472 = arith.extui %parallel_loop3A_1471 : i1 to i32
      %parallel_loop3A_1473 = arith.subi %parallel_loop3A_1469, %parallel_loop3A_1472 : i32
      %parallel_loop3A_1474 = arith.constant 0 : i32
      %parallel_loop3A_1475 = arith.cmpi sgt, %parallel_loop3A_1465, %parallel_loop3A_1474 : i32
      %parallel_loop3A_1476 = arith.extui %parallel_loop3A_1475 : i1 to i32
      %parallel_loop3A_1477 = arith.constant 0 : i32
      %parallel_loop3A_1478 = arith.cmpi slt, %parallel_loop3A_1465, %parallel_loop3A_1477 : i32
      %parallel_loop3A_1479 = arith.extui %parallel_loop3A_1478 : i1 to i32
      %parallel_loop3A_1480 = arith.subi %parallel_loop3A_1476, %parallel_loop3A_1479 : i32
      %parallel_loop3A_1481 = arith.cmpi ne, %parallel_loop3A_1473, %parallel_loop3A_1480 : i32
      %parallel_loop3A_1482 = arith.remsi %parallel_loop3A_1464, %parallel_loop3A_1465 : i32
      %parallel_loop3A_1483 = arith.constant 0 : i32
      %parallel_loop3A_1484 = arith.cmpi ne, %parallel_loop3A_1482, %parallel_loop3A_1483 : i32
      %parallel_loop3A_1485 = arith.andi %parallel_loop3A_1481, %parallel_loop3A_1484 : i1
      %parallel_loop3A_1486 = arith.constant 1 : i32
      %parallel_loop3A_1487 = arith.subi %parallel_loop3A_1466, %parallel_loop3A_1486 : i32
      %parallel_loop3A_1488 = arith.select %parallel_loop3A_1485, %parallel_loop3A_1487, %parallel_loop3A_1466 : i32
      %parallel_loop3A_1489 = arith.constant 64 : i32
      %parallel_loop3A_1490 = arith.muli %parallel_loop3A_1488, %parallel_loop3A_1489 : i32
      %parallel_loop3A_1491 = arith.subi %parallel_loop3A_1464, %parallel_loop3A_1490 : i32
      %parallel_loop3A_1492 = arith.constant 16 : i32
      %parallel_loop3A_1493 = arith.muli %parallel_loop3A_1491, %parallel_loop3A_1492 : i32
      %parallel_loop3A_1494 = arith.index_cast %parallel_loop3A_1488 : i32 to index
      %parallel_loop3A_1495 = arith.index_cast %parallel_loop3A_1493 : i32 to index
      %parallel_loop3A_1496 = tpu.vector_load %arg11[%parallel_loop3A_1494, %parallel_loop3A_1495] {strides = array<i32>} : memref<8x1024xf32, #tpu.memory_space<vmem>>, vector<1x16xf32>,
      %parallel_loop3A_1497 = vector.shape_cast %parallel_loop3A_1496 : vector<1x16xf32> to vector<16xf32>
      %parallel_loop3A_1498 = arith.constant 0 : i32
      %parallel_loop3A_1499 = arith.addi %parallel_loop3A_1498, %parallel_loop3A_1488 : i32
      %parallel_loop3A_1500 = arith.index_cast %parallel_loop3A_1499 : i32 to index
      %parallel_loop3A_1501 = arith.index_cast %parallel_loop3A_1493 : i32 to index
      %parallel_loop3A_1502 = tpu.vector_load %arg8[%parallel_loop3A_1500, %parallel_loop3A_1501] {strides = array<i32>} : memref<32x1024xf32, #tpu.memory_space<vmem>>, vector<1x16xf32>,
      %parallel_loop3A_1503 = vector.shape_cast %parallel_loop3A_1502 : vector<1x16xf32> to vector<16xf32>
      %parallel_loop3A_1504 = arith.constant 3.200000e+01 : f32
      %parallel_loop3A_1505 = vector.broadcast %parallel_loop3A_1504 : f32 to vector<16xf32>
      %parallel_loop3A_1506 = arith.mulf %parallel_loop3A_1503, %parallel_loop3A_1505 : vector<16xf32>
      %parallel_loop3A_1507 = arith.addf %parallel_loop3A_1506, %parallel_loop3A_1497 : vector<16xf32>
      %parallel_loop3A_1508 = arith.index_cast %parallel_loop3A_1499 : i32 to index
      %parallel_loop3A_1509 = arith.index_cast %parallel_loop3A_1493 : i32 to index
      %parallel_loop3A_1510 = tpu.vector_load %arg8[%parallel_loop3A_1508, %parallel_loop3A_1509] {strides = array<i32>} : memref<32x1024xf32, #tpu.memory_space<vmem>>, vector<1x16xf32>,
      %parallel_loop3A_1511 = vector.shape_cast %parallel_loop3A_1510 : vector<1x16xf32> to vector<16xf32>
      %parallel_loop3A_1512 = vector.shape_cast %parallel_loop3A_1507 : vector<16xf32> to vector<1x16xf32>
      tpu.vector_store %arg8[%parallel_loop3A_1508, %parallel_loop3A_1509], %parallel_loop3A_1512 {strides = array<i32>} : memref<32x1024xf32, #tpu.memory_space<vmem>>, vector<1x16xf32>,
      %parallel_loop3A_1513 = arith.constant 8 : i32
      %parallel_loop3A_1514 = arith.addi %parallel_loop3A_1513, %parallel_loop3A_1488 : i32
      %parallel_loop3A_1515 = arith.index_cast %parallel_loop3A_1514 : i32 to index
      %parallel_loop3A_1516 = arith.index_cast %parallel_loop3A_1493 : i32 to index
      %parallel_loop3A_1517 = tpu.vector_load %arg8[%parallel_loop3A_1515, %parallel_loop3A_1516] {strides = array<i32>} : memref<32x1024xf32, #tpu.memory_space<vmem>>, vector<1x16xf32>,
      %parallel_loop3A_1518 = vector.shape_cast %parallel_loop3A_1517 : vector<1x16xf32> to vector<16xf32>
      %parallel_loop3A_1519 = arith.constant 3.200000e+01 : f32
      %parallel_loop3A_1520 = vector.broadcast %parallel_loop3A_1519 : f32 to vector<16xf32>
      %parallel_loop3A_1521 = arith.mulf %parallel_loop3A_1518, %parallel_loop3A_1520 : vector<16xf32>
      %parallel_loop3A_1522 = arith.addf %parallel_loop3A_1521, %parallel_loop3A_1497 : vector<16xf32>
      %parallel_loop3A_1523 = arith.index_cast %parallel_loop3A_1514 : i32 to index
      %parallel_loop3A_1524 = arith.index_cast %parallel_loop3A_1493 : i32 to index
      %parallel_loop3A_1525 = tpu.vector_load %arg8[%parallel_loop3A_1523, %parallel_loop3A_1524] {strides = array<i32>} : memref<32x1024xf32, #tpu.memory_space<vmem>>, vector<1x16xf32>,
      %parallel_loop3A_1526 = vector.shape_cast %parallel_loop3A_1525 : vector<1x16xf32> to vector<16xf32>
      %parallel_loop3A_1527 = vector.shape_cast %parallel_loop3A_1522 : vector<16xf32> to vector<1x16xf32>
      tpu.vector_store %arg8[%parallel_loop3A_1523, %parallel_loop3A_1524], %parallel_loop3A_1527 {strides = array<i32>} : memref<32x1024xf32, #tpu.memory_space<vmem>>, vector<1x16xf32>,
      %parallel_loop3A_1528 = arith.constant 16 : i32
      %parallel_loop3A_1529 = arith.addi %parallel_loop3A_1528, %parallel_loop3A_1488 : i32
      %parallel_loop3A_1530 = arith.index_cast %parallel_loop3A_1529 : i32 to index
      %parallel_loop3A_1531 = arith.index_cast %parallel_loop3A_1493 : i32 to index
      %parallel_loop3A_1532 = tpu.vector_load %arg8[%parallel_loop3A_1530, %parallel_loop3A_1531] {strides = array<i32>} : memref<32x1024xf32, #tpu.memory_space<vmem>>, vector<1x16xf32>,
      %parallel_loop3A_1533 = vector.shape_cast %parallel_loop3A_1532 : vector<1x16xf32> to vector<16xf32>
      %parallel_loop3A_1534 = arith.constant 3.200000e+01 : f32
      %parallel_loop3A_1535 = vector.broadcast %parallel_loop3A_1534 : f32 to vector<16xf32>
      %parallel_loop3A_1536 = arith.mulf %parallel_loop3A_1533, %parallel_loop3A_1535 : vector<16xf32>
      %parallel_loop3A_1537 = arith.addf %parallel_loop3A_1536, %parallel_loop3A_1497 : vector<16xf32>
      %parallel_loop3A_1538 = arith.index_cast %parallel_loop3A_1529 : i32 to index
      %parallel_loop3A_1539 = arith.index_cast %parallel_loop3A_1493 : i32 to index
      %parallel_loop3A_1540 = tpu.vector_load %arg8[%parallel_loop3A_1538, %parallel_loop3A_1539] {strides = array<i32>} : memref<32x1024xf32, #tpu.memory_space<vmem>>, vector<1x16xf32>,
      %parallel_loop3A_1541 = vector.shape_cast %parallel_loop3A_1540 : vector<1x16xf32> to vector<16xf32>
      %parallel_loop3A_1542 = vector.shape_cast %parallel_loop3A_1537 : vector<16xf32> to vector<1x16xf32>
      tpu.vector_store %arg8[%parallel_loop3A_1538, %parallel_loop3A_1539], %parallel_loop3A_1542 {strides = array<i32>} : memref<32x1024xf32, #tpu.memory_space<vmem>>, vector<1x16xf32>,
      %parallel_loop3A_1543 = arith.constant 24 : i32
      %parallel_loop3A_1544 = arith.addi %parallel_loop3A_1543, %parallel_loop3A_1488 : i32
      %parallel_loop3A_1545 = arith.index_cast %parallel_loop3A_1544 : i32 to index
      %parallel_loop3A_1546 = arith.index_cast %parallel_loop3A_1493 : i32 to index
      %parallel_loop3A_1547 = tpu.vector_load %arg8[%parallel_loop3A_1545, %parallel_loop3A_1546] {strides = array<i32>} : memref<32x1024xf32, #tpu.memory_space<vmem>>, vector<1x16xf32>,
      %parallel_loop3A_1548 = vector.shape_cast %parallel_loop3A_1547 : vector<1x16xf32> to vector<16xf32>
      %parallel_loop3A_1549 = arith.constant 3.200000e+01 : f32
      %parallel_loop3A_1550 = vector.broadcast %parallel_loop3A_1549 : f32 to vector<16xf32>
      %parallel_loop3A_1551 = arith.mulf %parallel_loop3A_1548, %parallel_loop3A_1550 : vector<16xf32>
      %parallel_loop3A_1552 = arith.addf %parallel_loop3A_1551, %parallel_loop3A_1497 : vector<16xf32>
      %parallel_loop3A_1553 = arith.index_cast %parallel_loop3A_1544 : i32 to index
      %parallel_loop3A_1554 = arith.index_cast %parallel_loop3A_1493 : i32 to index
      %parallel_loop3A_1555 = tpu.vector_load %arg8[%parallel_loop3A_1553, %parallel_loop3A_1554] {strides = array<i32>} : memref<32x1024xf32, #tpu.memory_space<vmem>>, vector<1x16xf32>,
      %parallel_loop3A_1556 = vector.shape_cast %parallel_loop3A_1555 : vector<1x16xf32> to vector<16xf32>
      %parallel_loop3A_1557 = vector.shape_cast %parallel_loop3A_1552 : vector<16xf32> to vector<1x16xf32>
      tpu.vector_store %arg8[%parallel_loop3A_1553, %parallel_loop3A_1554], %parallel_loop3A_1557 {strides = array<i32>} : memref<32x1024xf32, #tpu.memory_space<vmem>>, vector<1x16xf32>,
    } {sc.loop_unroll_factor = 4 : i64, sc.parallel_access}
    %add3A_676 = arith.constant 0 : i32
    %add3A_677 = arith.addi %add3A_676, %mul3A_2 : i32
    %add3A_678 = arith.constant 8 : i32
    %add3A_679 = arith.addi %add3A_677, %add3A_678 : i32
    %dma_start3A_680 = arith.constant 0 : i32
    %dma_start3A_681 = arith.constant 0 : i32
    %dma_start3A_682 = tpu.memref_slice %arg8[%dma_start3A_680, %dma_start3A_681] : memref<32x1024xf32, #tpu.memory_space<vmem>> -> memref<8x1024xf32, #tpu.memory_space<vmem>>
    %dma_start3A_683 = arith.constant 0 : i32
    %dma_start3A_684 = tpu.memref_slice %arg5[%add3A_679, %dma_start3A_683] : memref<8192x1024xf32, #tpu.memory_space<hbm>> -> memref<8x1024xf32, #tpu.memory_space<hbm>>
    %dma_start3A_685 = arith.constant 0 : i32
    %dma_start3A_686 = tpu.memref_slice %arg5[%add3A_679, %dma_start3A_685] : memref<8192x1024xf32, #tpu.memory_space<hbm>> -> memref<8x1024xf32, #tpu.memory_space<hbm>>
    %dma_start3A_687 = arith.constant 0 : i32
    %dma_start3A_688 = arith.constant 0 : i32
    %dma_start3A_689 = tpu.memref_slice %arg8[%dma_start3A_687, %dma_start3A_688] : memref<32x1024xf32, #tpu.memory_space<vmem>> -> memref<8x1024xf32, #tpu.memory_space<vmem>>
    tpu.enqueue_dma source(%dma_start3A_689 : memref<8x1024xf32, #tpu.memory_space<vmem>>) target(%dma_start3A_686 : memref<8x1024xf32, #tpu.memory_space<hbm>>) target_semaphore(%arg21 : memref<!tpu.dma_semaphore, #tpu.memory_space<semaphore_mem>>)
    %add3A_690 = arith.constant 2048 : i32
    %add3A_691 = arith.addi %add3A_690, %mul3A_2 : i32
    %add3A_692 = arith.constant 8 : i32
    %add3A_693 = arith.addi %add3A_691, %add3A_692 : i32
    %dma_start3A_694 = arith.constant 8 : i32
    %dma_start3A_695 = arith.constant 0 : i32
    %dma_start3A_696 = tpu.memref_slice %arg8[%dma_start3A_694, %dma_start3A_695] : memref<32x1024xf32, #tpu.memory_space<vmem>> -> memref<8x1024xf32, #tpu.memory_space<vmem>>
    %dma_start3A_697 = arith.constant 0 : i32
    %dma_start3A_698 = tpu.memref_slice %arg5[%add3A_693, %dma_start3A_697] : memref<8192x1024xf32, #tpu.memory_space<hbm>> -> memref<8x1024xf32, #tpu.memory_space<hbm>>
    %dma_start3A_699 = arith.constant 0 : i32
    %dma_start3A_700 = tpu.memref_slice %arg5[%add3A_693, %dma_start3A_699] : memref<8192x1024xf32, #tpu.memory_space<hbm>> -> memref<8x1024xf32, #tpu.memory_space<hbm>>
    %dma_start3A_701 = arith.constant 8 : i32
    %dma_start3A_702 = arith.constant 0 : i32
    %dma_start3A_703 = tpu.memref_slice %arg8[%dma_start3A_701, %dma_start3A_702] : memref<32x1024xf32, #tpu.memory_space<vmem>> -> memref<8x1024xf32, #tpu.memory_space<vmem>>
    tpu.enqueue_dma source(%dma_start3A_703 : memref<8x1024xf32, #tpu.memory_space<vmem>>) target(%dma_start3A_700 : memref<8x1024xf32, #tpu.memory_space<hbm>>) target_semaphore(%arg21 : memref<!tpu.dma_semaphore, #tpu.memory_space<semaphore_mem>>)
    %add3A_704 = arith.constant 4096 : i32
    %add3A_705 = arith.addi %add3A_704, %mul3A_2 : i32
    %add3A_706 = arith.constant 8 : i32
    %add3A_707 = arith.addi %add3A_705, %add3A_706 : i32
    %dma_start3A_708 = arith.constant 16 : i32
    %dma_start3A_709 = arith.constant 0 : i32
    %dma_start3A_710 = tpu.memref_slice %arg8[%dma_start3A_708, %dma_start3A_709] : memref<32x1024xf32, #tpu.memory_space<vmem>> -> memref<8x1024xf32, #tpu.memory_space<vmem>>
    %dma_start3A_711 = arith.constant 0 : i32
    %dma_start3A_712 = tpu.memref_slice %arg5[%add3A_707, %dma_start3A_711] : memref<8192x1024xf32, #tpu.memory_space<hbm>> -> memref<8x1024xf32, #tpu.memory_space<hbm>>
    %dma_start3A_713 = arith.constant 0 : i32
    %dma_start3A_714 = tpu.memref_slice %arg5[%add3A_707, %dma_start3A_713] : memref<8192x1024xf32, #tpu.memory_space<hbm>> -> memref<8x1024xf32, #tpu.memory_space<hbm>>
    %dma_start3A_715 = arith.constant 16 : i32
    %dma_start3A_716 = arith.constant 0 : i32
    %dma_start3A_717 = tpu.memref_slice %arg8[%dma_start3A_715, %dma_start3A_716] : memref<32x1024xf32, #tpu.memory_space<vmem>> -> memref<8x1024xf32, #tpu.memory_space<vmem>>
    tpu.enqueue_dma source(%dma_start3A_717 : memref<8x1024xf32, #tpu.memory_space<vmem>>) target(%dma_start3A_714 : memref<8x1024xf32, #tpu.memory_space<hbm>>) target_semaphore(%arg21 : memref<!tpu.dma_semaphore, #tpu.memory_space<semaphore_mem>>)
    %add3A_718 = arith.constant 6144 : i32
    %add3A_719 = arith.addi %add3A_718, %mul3A_2 : i32
    %add3A_720 = arith.constant 8 : i32
    %add3A_721 = arith.addi %add3A_719, %add3A_720 : i32
    %dma_start3A_722 = arith.constant 24 : i32
    %dma_start3A_723 = arith.constant 0 : i32
    %dma_start3A_724 = tpu.memref_slice %arg8[%dma_start3A_722, %dma_start3A_723] : memref<32x1024xf32, #tpu.memory_space<vmem>> -> memref<8x1024xf32, #tpu.memory_space<vmem>>
    %dma_start3A_725 = arith.constant 0 : i32
    %dma_start3A_726 = tpu.memref_slice %arg5[%add3A_721, %dma_start3A_725] : memref<8192x1024xf32, #tpu.memory_space<hbm>> -> memref<8x1024xf32, #tpu.memory_space<hbm>>
    %dma_start3A_727 = arith.constant 0 : i32
    %dma_start3A_728 = tpu.memref_slice %arg5[%add3A_721, %dma_start3A_727] : memref<8192x1024xf32, #tpu.memory_space<hbm>> -> memref<8x1024xf32, #tpu.memory_space<hbm>>
    %dma_start3A_729 = arith.constant 24 : i32
    %dma_start3A_730 = arith.constant 0 : i32
    %dma_start3A_731 = tpu.memref_slice %arg8[%dma_start3A_729, %dma_start3A_730] : memref<32x1024xf32, #tpu.memory_space<vmem>> -> memref<8x1024xf32, #tpu.memory_space<vmem>>
    tpu.enqueue_dma source(%dma_start3A_731 : memref<8x1024xf32, #tpu.memory_space<vmem>>) target(%dma_start3A_728 : memref<8x1024xf32, #tpu.memory_space<hbm>>) target_semaphore(%arg21 : memref<!tpu.dma_semaphore, #tpu.memory_space<semaphore_mem>>)
    %dma_wait3A_732 = arith.constant 0 : i32
    %dma_wait3A_733 = arith.constant 0 : i32
    %dma_wait3A_734 = tpu.memref_slice %arg8[%dma_wait3A_732, %dma_wait3A_733] : memref<32x1024xf32, #tpu.memory_space<vmem>> -> memref<8x1024xf32, #tpu.memory_space<vmem>>
    %dma_wait3A_735 = arith.constant 0 : i32
    %dma_wait3A_736 = tpu.memref_slice %arg5[%add3A_679, %dma_wait3A_735] : memref<8192x1024xf32, #tpu.memory_space<hbm>> -> memref<8x1024xf32, #tpu.memory_space<hbm>>
    %dma_wait3A_737 = arith.constant 0 : i32
    %dma_wait3A_738 = tpu.memref_slice %arg5[%add3A_679, %dma_wait3A_737] : memref<8192x1024xf32, #tpu.memory_space<hbm>> -> memref<8x1024xf32, #tpu.memory_space<hbm>>
    %dma_wait3A_739 = arith.constant 0 : i32
    %dma_wait3A_740 = arith.constant 0 : i32
    %dma_wait3A_741 = tpu.memref_slice %arg8[%dma_wait3A_739, %dma_wait3A_740] : memref<32x1024xf32, #tpu.memory_space<vmem>> -> memref<8x1024xf32, #tpu.memory_space<vmem>>
    tpu.wait_dma2 semaphore(%arg21 : memref<!tpu.dma_semaphore, #tpu.memory_space<semaphore_mem>>) src(%dma_wait3A_741 : memref<8x1024xf32, #tpu.memory_space<vmem>>) dst(%dma_wait3A_738 : memref<8x1024xf32, #tpu.memory_space<hbm>>)
    %dma_wait3A_742 = arith.constant 8 : i32
    %dma_wait3A_743 = arith.constant 0 : i32
    %dma_wait3A_744 = tpu.memref_slice %arg8[%dma_wait3A_742, %dma_wait3A_743] : memref<32x1024xf32, #tpu.memory_space<vmem>> -> memref<8x1024xf32, #tpu.memory_space<vmem>>
    %dma_wait3A_745 = arith.constant 0 : i32
    %dma_wait3A_746 = tpu.memref_slice %arg5[%add3A_693, %dma_wait3A_745] : memref<8192x1024xf32, #tpu.memory_space<hbm>> -> memref<8x1024xf32, #tpu.memory_space<hbm>>
    %dma_wait3A_747 = arith.constant 0 : i32
    %dma_wait3A_748 = tpu.memref_slice %arg5[%add3A_693, %dma_wait3A_747] : memref<8192x1024xf32, #tpu.memory_space<hbm>> -> memref<8x1024xf32, #tpu.memory_space<hbm>>
    %dma_wait3A_749 = arith.constant 8 : i32
    %dma_wait3A_750 = arith.constant 0 : i32
    %dma_wait3A_751 = tpu.memref_slice %arg8[%dma_wait3A_749, %dma_wait3A_750] : memref<32x1024xf32, #tpu.memory_space<vmem>> -> memref<8x1024xf32, #tpu.memory_space<vmem>>
    tpu.wait_dma2 semaphore(%arg21 : memref<!tpu.dma_semaphore, #tpu.memory_space<semaphore_mem>>) src(%dma_wait3A_751 : memref<8x1024xf32, #tpu.memory_space<vmem>>) dst(%dma_wait3A_748 : memref<8x1024xf32, #tpu.memory_space<hbm>>)
    %dma_wait3A_752 = arith.constant 16 : i32
    %dma_wait3A_753 = arith.constant 0 : i32
    %dma_wait3A_754 = tpu.memref_slice %arg8[%dma_wait3A_752, %dma_wait3A_753] : memref<32x1024xf32, #tpu.memory_space<vmem>> -> memref<8x1024xf32, #tpu.memory_space<vmem>>
    %dma_wait3A_755 = arith.constant 0 : i32
    %dma_wait3A_756 = tpu.memref_slice %arg5[%add3A_707, %dma_wait3A_755] : memref<8192x1024xf32, #tpu.memory_space<hbm>> -> memref<8x1024xf32, #tpu.memory_space<hbm>>
    %dma_wait3A_757 = arith.constant 0 : i32
    %dma_wait3A_758 = tpu.memref_slice %arg5[%add3A_707, %dma_wait3A_757] : memref<8192x1024xf32, #tpu.memory_space<hbm>> -> memref<8x1024xf32, #tpu.memory_space<hbm>>
    %dma_wait3A_759 = arith.constant 16 : i32
    %dma_wait3A_760 = arith.constant 0 : i32
    %dma_wait3A_761 = tpu.memref_slice %arg8[%dma_wait3A_759, %dma_wait3A_760] : memref<32x1024xf32, #tpu.memory_space<vmem>> -> memref<8x1024xf32, #tpu.memory_space<vmem>>
    tpu.wait_dma2 semaphore(%arg21 : memref<!tpu.dma_semaphore, #tpu.memory_space<semaphore_mem>>) src(%dma_wait3A_761 : memref<8x1024xf32, #tpu.memory_space<vmem>>) dst(%dma_wait3A_758 : memref<8x1024xf32, #tpu.memory_space<hbm>>)
    %dma_wait3A_762 = arith.constant 24 : i32
    %dma_wait3A_763 = arith.constant 0 : i32
    %dma_wait3A_764 = tpu.memref_slice %arg8[%dma_wait3A_762, %dma_wait3A_763] : memref<32x1024xf32, #tpu.memory_space<vmem>> -> memref<8x1024xf32, #tpu.memory_space<vmem>>
    %dma_wait3A_765 = arith.constant 0 : i32
    %dma_wait3A_766 = tpu.memref_slice %arg5[%add3A_721, %dma_wait3A_765] : memref<8192x1024xf32, #tpu.memory_space<hbm>> -> memref<8x1024xf32, #tpu.memory_space<hbm>>
    %dma_wait3A_767 = arith.constant 0 : i32
    %dma_wait3A_768 = tpu.memref_slice %arg5[%add3A_721, %dma_wait3A_767] : memref<8192x1024xf32, #tpu.memory_space<hbm>> -> memref<8x1024xf32, #tpu.memory_space<hbm>>
    %dma_wait3A_769 = arith.constant 24 : i32
    %dma_wait3A_770 = arith.constant 0 : i32
    %dma_wait3A_771 = tpu.memref_slice %arg8[%dma_wait3A_769, %dma_wait3A_770] : memref<32x1024xf32, #tpu.memory_space<vmem>> -> memref<8x1024xf32, #tpu.memory_space<vmem>>
    tpu.wait_dma2 semaphore(%arg21 : memref<!tpu.dma_semaphore, #tpu.memory_space<semaphore_mem>>) src(%dma_wait3A_771 : memref<8x1024xf32, #tpu.memory_space<vmem>>) dst(%dma_wait3A_768 : memref<8x1024xf32, #tpu.memory_space<hbm>>)
    %dma_start3A_772 = arith.constant 128 : i32
    %dma_start3A_773 = tpu.memref_slice %arg6[%dma_start3A_772] : memref<256xi32, #tpu.memory_space<vmem>> -> memref<32xi32, #tpu.memory_space<vmem>>
    %dma_start3A_774 = arith.constant 0 : i32
    %dma_start3A_775 = arith.constant 0 : i32
    %dma_start3A_776 = tpu.memref_slice %arg3[%dma_start3A_774, %dma_start3A_775] : memref<50257x1024xf32, #tpu.memory_space<hbm>> -> memref<50257x1024xf32, #tpu.memory_space<hbm>>
    tpu.enqueue_indirect_dma source(%dma_start3A_776 : memref<50257x1024xf32, #tpu.memory_space<hbm>>) target(%arg8 : memref<32x1024xf32, #tpu.memory_space<vmem>>) offsets(%dma_start3A_773 : memref<32xi32, #tpu.memory_space<vmem>>) semaphore(%arg15 : memref<!tpu.dma_semaphore, #tpu.memory_space<semaphore_mem>>)
    %add3A_777 = arith.constant 32 : i32
    %add3A_778 = arith.addi %mul3A_2, %add3A_777 : i32
    %dma_start3A_779 = arith.constant 0 : i32
    %dma_start3A_780 = tpu.memref_slice %arg4[%add3A_778, %dma_start3A_779] : memref<2048x1024xf32, #tpu.memory_space<hbm>> -> memref<8x1024xf32, #tpu.memory_space<hbm>>
    %dma_start3A_781 = arith.constant 0 : i32
    %dma_start3A_782 = tpu.memref_slice %arg4[%add3A_778, %dma_start3A_781] : memref<2048x1024xf32, #tpu.memory_space<hbm>> -> memref<8x1024xf32, #tpu.memory_space<hbm>>
    tpu.enqueue_dma source(%dma_start3A_782 : memref<8x1024xf32, #tpu.memory_space<hbm>>) target(%arg11 : memref<8x1024xf32, #tpu.memory_space<vmem>>) target_semaphore(%arg18 : memref<!tpu.dma_semaphore, #tpu.memory_space<semaphore_mem>>)
    %dma_wait3A_783 = arith.constant 64 : i32
    %dma_wait3A_784 = tpu.memref_slice %arg6[%dma_wait3A_783] : memref<256xi32, #tpu.memory_space<vmem>> -> memref<32xi32, #tpu.memory_space<vmem>>
    %dma_wait3A_785 = arith.constant 0 : i32
    %dma_wait3A_786 = arith.constant 0 : i32
    %dma_wait3A_787 = tpu.memref_slice %arg3[%dma_wait3A_785, %dma_wait3A_786] : memref<50257x1024xf32, #tpu.memory_space<hbm>> -> memref<50257x1024xf32, #tpu.memory_space<hbm>>
    tpu.wait_indirect_dma semaphore(%arg16 : memref<!tpu.dma_semaphore, #tpu.memory_space<semaphore_mem>>) src(%dma_wait3A_787 : memref<50257x1024xf32, #tpu.memory_space<hbm>>) dst(%arg9 : memref<32x1024xf32, #tpu.memory_space<vmem>>)
    %dma_wait3A_788 = arith.constant 0 : i32
    %dma_wait3A_789 = tpu.memref_slice %arg4[%add3A_541, %dma_wait3A_788] : memref<2048x1024xf32, #tpu.memory_space<hbm>> -> memref<8x1024xf32, #tpu.memory_space<hbm>>
    %dma_wait3A_790 = arith.constant 0 : i32
    %dma_wait3A_791 = tpu.memref_slice %arg4[%add3A_541, %dma_wait3A_790] : memref<2048x1024xf32, #tpu.memory_space<hbm>> -> memref<8x1024xf32, #tpu.memory_space<hbm>>
    tpu.wait_dma2 semaphore(%arg19 : memref<!tpu.dma_semaphore, #tpu.memory_space<semaphore_mem>>) src(%dma_wait3A_791 : memref<8x1024xf32, #tpu.memory_space<hbm>>) dst(%arg12 : memref<8x1024xf32, #tpu.memory_space<vmem>>)
    %parallel_loop3A_792 = arith.constant 0 : i32
    %parallel_loop3A_793 = arith.constant 512 : i32
    %parallel_loop3A_794 = arith.constant 1 : i32
    scf.for %parallel_loop3A_1464 = %parallel_loop3A_792 to %parallel_loop3A_793 step %parallel_loop3A_794  : i32 {
      %parallel_loop3A_1465 = arith.constant 64 : i32
      %parallel_loop3A_1466 = arith.divsi %parallel_loop3A_1464, %parallel_loop3A_1465 : i32
      %parallel_loop3A_1467 = arith.constant 0 : i32
      %parallel_loop3A_1468 = arith.cmpi sgt, %parallel_loop3A_1464, %parallel_loop3A_1467 : i32
      %parallel_loop3A_1469 = arith.extui %parallel_loop3A_1468 : i1 to i32
      %parallel_loop3A_1470 = arith.constant 0 : i32
      %parallel_loop3A_1471 = arith.cmpi slt, %parallel_loop3A_1464, %parallel_loop3A_1470 : i32
      %parallel_loop3A_1472 = arith.extui %parallel_loop3A_1471 : i1 to i32
      %parallel_loop3A_1473 = arith.subi %parallel_loop3A_1469, %parallel_loop3A_1472 : i32
      %parallel_loop3A_1474 = arith.constant 0 : i32
      %parallel_loop3A_1475 = arith.cmpi sgt, %parallel_loop3A_1465, %parallel_loop3A_1474 : i32
      %parallel_loop3A_1476 = arith.extui %parallel_loop3A_1475 : i1 to i32
      %parallel_loop3A_1477 = arith.constant 0 : i32
      %parallel_loop3A_1478 = arith.cmpi slt, %parallel_loop3A_1465, %parallel_loop3A_1477 : i32
      %parallel_loop3A_1479 = arith.extui %parallel_loop3A_1478 : i1 to i32
      %parallel_loop3A_1480 = arith.subi %parallel_loop3A_1476, %parallel_loop3A_1479 : i32
      %parallel_loop3A_1481 = arith.cmpi ne, %parallel_loop3A_1473, %parallel_loop3A_1480 : i32
      %parallel_loop3A_1482 = arith.remsi %parallel_loop3A_1464, %parallel_loop3A_1465 : i32
      %parallel_loop3A_1483 = arith.constant 0 : i32
      %parallel_loop3A_1484 = arith.cmpi ne, %parallel_loop3A_1482, %parallel_loop3A_1483 : i32
      %parallel_loop3A_1485 = arith.andi %parallel_loop3A_1481, %parallel_loop3A_1484 : i1
      %parallel_loop3A_1486 = arith.constant 1 : i32
      %parallel_loop3A_1487 = arith.subi %parallel_loop3A_1466, %parallel_loop3A_1486 : i32
      %parallel_loop3A_1488 = arith.select %parallel_loop3A_1485, %parallel_loop3A_1487, %parallel_loop3A_1466 : i32
      %parallel_loop3A_1489 = arith.constant 64 : i32
      %parallel_loop3A_1490 = arith.muli %parallel_loop3A_1488, %parallel_loop3A_1489 : i32
      %parallel_loop3A_1491 = arith.subi %parallel_loop3A_1464, %parallel_loop3A_1490 : i32
      %parallel_loop3A_1492 = arith.constant 16 : i32
      %parallel_loop3A_1493 = arith.muli %parallel_loop3A_1491, %parallel_loop3A_1492 : i32
      %parallel_loop3A_1494 = arith.index_cast %parallel_loop3A_1488 : i32 to index
      %parallel_loop3A_1495 = arith.index_cast %parallel_loop3A_1493 : i32 to index
      %parallel_loop3A_1496 = tpu.vector_load %arg12[%parallel_loop3A_1494, %parallel_loop3A_1495] {strides = array<i32>} : memref<8x1024xf32, #tpu.memory_space<vmem>>, vector<1x16xf32>,
      %parallel_loop3A_1497 = vector.shape_cast %parallel_loop3A_1496 : vector<1x16xf32> to vector<16xf32>
      %parallel_loop3A_1498 = arith.constant 0 : i32
      %parallel_loop3A_1499 = arith.addi %parallel_loop3A_1498, %parallel_loop3A_1488 : i32
      %parallel_loop3A_1500 = arith.index_cast %parallel_loop3A_1499 : i32 to index
      %parallel_loop3A_1501 = arith.index_cast %parallel_loop3A_1493 : i32 to index
      %parallel_loop3A_1502 = tpu.vector_load %arg9[%parallel_loop3A_1500, %parallel_loop3A_1501] {strides = array<i32>} : memref<32x1024xf32, #tpu.memory_space<vmem>>, vector<1x16xf32>,
      %parallel_loop3A_1503 = vector.shape_cast %parallel_loop3A_1502 : vector<1x16xf32> to vector<16xf32>
      %parallel_loop3A_1504 = arith.constant 3.200000e+01 : f32
      %parallel_loop3A_1505 = vector.broadcast %parallel_loop3A_1504 : f32 to vector<16xf32>
      %parallel_loop3A_1506 = arith.mulf %parallel_loop3A_1503, %parallel_loop3A_1505 : vector<16xf32>
      %parallel_loop3A_1507 = arith.addf %parallel_loop3A_1506, %parallel_loop3A_1497 : vector<16xf32>
      %parallel_loop3A_1508 = arith.index_cast %parallel_loop3A_1499 : i32 to index
      %parallel_loop3A_1509 = arith.index_cast %parallel_loop3A_1493 : i32 to index
      %parallel_loop3A_1510 = tpu.vector_load %arg9[%parallel_loop3A_1508, %parallel_loop3A_1509] {strides = array<i32>} : memref<32x1024xf32, #tpu.memory_space<vmem>>, vector<1x16xf32>,
      %parallel_loop3A_1511 = vector.shape_cast %parallel_loop3A_1510 : vector<1x16xf32> to vector<16xf32>
      %parallel_loop3A_1512 = vector.shape_cast %parallel_loop3A_1507 : vector<16xf32> to vector<1x16xf32>
      tpu.vector_store %arg9[%parallel_loop3A_1508, %parallel_loop3A_1509], %parallel_loop3A_1512 {strides = array<i32>} : memref<32x1024xf32, #tpu.memory_space<vmem>>, vector<1x16xf32>,
      %parallel_loop3A_1513 = arith.constant 8 : i32
      %parallel_loop3A_1514 = arith.addi %parallel_loop3A_1513, %parallel_loop3A_1488 : i32
      %parallel_loop3A_1515 = arith.index_cast %parallel_loop3A_1514 : i32 to index
      %parallel_loop3A_1516 = arith.index_cast %parallel_loop3A_1493 : i32 to index
      %parallel_loop3A_1517 = tpu.vector_load %arg9[%parallel_loop3A_1515, %parallel_loop3A_1516] {strides = array<i32>} : memref<32x1024xf32, #tpu.memory_space<vmem>>, vector<1x16xf32>,
      %parallel_loop3A_1518 = vector.shape_cast %parallel_loop3A_1517 : vector<1x16xf32> to vector<16xf32>
      %parallel_loop3A_1519 = arith.constant 3.200000e+01 : f32
      %parallel_loop3A_1520 = vector.broadcast %parallel_loop3A_1519 : f32 to vector<16xf32>
      %parallel_loop3A_1521 = arith.mulf %parallel_loop3A_1518, %parallel_loop3A_1520 : vector<16xf32>
      %parallel_loop3A_1522 = arith.addf %parallel_loop3A_1521, %parallel_loop3A_1497 : vector<16xf32>
      %parallel_loop3A_1523 = arith.index_cast %parallel_loop3A_1514 : i32 to index
      %parallel_loop3A_1524 = arith.index_cast %parallel_loop3A_1493 : i32 to index
      %parallel_loop3A_1525 = tpu.vector_load %arg9[%parallel_loop3A_1523, %parallel_loop3A_1524] {strides = array<i32>} : memref<32x1024xf32, #tpu.memory_space<vmem>>, vector<1x16xf32>,
      %parallel_loop3A_1526 = vector.shape_cast %parallel_loop3A_1525 : vector<1x16xf32> to vector<16xf32>
      %parallel_loop3A_1527 = vector.shape_cast %parallel_loop3A_1522 : vector<16xf32> to vector<1x16xf32>
      tpu.vector_store %arg9[%parallel_loop3A_1523, %parallel_loop3A_1524], %parallel_loop3A_1527 {strides = array<i32>} : memref<32x1024xf32, #tpu.memory_space<vmem>>, vector<1x16xf32>,
      %parallel_loop3A_1528 = arith.constant 16 : i32
      %parallel_loop3A_1529 = arith.addi %parallel_loop3A_1528, %parallel_loop3A_1488 : i32
      %parallel_loop3A_1530 = arith.index_cast %parallel_loop3A_1529 : i32 to index
      %parallel_loop3A_1531 = arith.index_cast %parallel_loop3A_1493 : i32 to index
      %parallel_loop3A_1532 = tpu.vector_load %arg9[%parallel_loop3A_1530, %parallel_loop3A_1531] {strides = array<i32>} : memref<32x1024xf32, #tpu.memory_space<vmem>>, vector<1x16xf32>,
      %parallel_loop3A_1533 = vector.shape_cast %parallel_loop3A_1532 : vector<1x16xf32> to vector<16xf32>
      %parallel_loop3A_1534 = arith.constant 3.200000e+01 : f32
      %parallel_loop3A_1535 = vector.broadcast %parallel_loop3A_1534 : f32 to vector<16xf32>
      %parallel_loop3A_1536 = arith.mulf %parallel_loop3A_1533, %parallel_loop3A_1535 : vector<16xf32>
      %parallel_loop3A_1537 = arith.addf %parallel_loop3A_1536, %parallel_loop3A_1497 : vector<16xf32>
      %parallel_loop3A_1538 = arith.index_cast %parallel_loop3A_1529 : i32 to index
      %parallel_loop3A_1539 = arith.index_cast %parallel_loop3A_1493 : i32 to index
      %parallel_loop3A_1540 = tpu.vector_load %arg9[%parallel_loop3A_1538, %parallel_loop3A_1539] {strides = array<i32>} : memref<32x1024xf32, #tpu.memory_space<vmem>>, vector<1x16xf32>,
      %parallel_loop3A_1541 = vector.shape_cast %parallel_loop3A_1540 : vector<1x16xf32> to vector<16xf32>
      %parallel_loop3A_1542 = vector.shape_cast %parallel_loop3A_1537 : vector<16xf32> to vector<1x16xf32>
      tpu.vector_store %arg9[%parallel_loop3A_1538, %parallel_loop3A_1539], %parallel_loop3A_1542 {strides = array<i32>} : memref<32x1024xf32, #tpu.memory_space<vmem>>, vector<1x16xf32>,
      %parallel_loop3A_1543 = arith.constant 24 : i32
      %parallel_loop3A_1544 = arith.addi %parallel_loop3A_1543, %parallel_loop3A_1488 : i32
      %parallel_loop3A_1545 = arith.index_cast %parallel_loop3A_1544 : i32 to index
      %parallel_loop3A_1546 = arith.index_cast %parallel_loop3A_1493 : i32 to index
      %parallel_loop3A_1547 = tpu.vector_load %arg9[%parallel_loop3A_1545, %parallel_loop3A_1546] {strides = array<i32>} : memref<32x1024xf32, #tpu.memory_space<vmem>>, vector<1x16xf32>,
      %parallel_loop3A_1548 = vector.shape_cast %parallel_loop3A_1547 : vector<1x16xf32> to vector<16xf32>
      %parallel_loop3A_1549 = arith.constant 3.200000e+01 : f32
      %parallel_loop3A_1550 = vector.broadcast %parallel_loop3A_1549 : f32 to vector<16xf32>
      %parallel_loop3A_1551 = arith.mulf %parallel_loop3A_1548, %parallel_loop3A_1550 : vector<16xf32>
      %parallel_loop3A_1552 = arith.addf %parallel_loop3A_1551, %parallel_loop3A_1497 : vector<16xf32>
      %parallel_loop3A_1553 = arith.index_cast %parallel_loop3A_1544 : i32 to index
      %parallel_loop3A_1554 = arith.index_cast %parallel_loop3A_1493 : i32 to index
      %parallel_loop3A_1555 = tpu.vector_load %arg9[%parallel_loop3A_1553, %parallel_loop3A_1554] {strides = array<i32>} : memref<32x1024xf32, #tpu.memory_space<vmem>>, vector<1x16xf32>,
      %parallel_loop3A_1556 = vector.shape_cast %parallel_loop3A_1555 : vector<1x16xf32> to vector<16xf32>
      %parallel_loop3A_1557 = vector.shape_cast %parallel_loop3A_1552 : vector<16xf32> to vector<1x16xf32>
      tpu.vector_store %arg9[%parallel_loop3A_1553, %parallel_loop3A_1554], %parallel_loop3A_1557 {strides = array<i32>} : memref<32x1024xf32, #tpu.memory_space<vmem>>, vector<1x16xf32>,
    } {sc.loop_unroll_factor = 4 : i64, sc.parallel_access}
    %add3A_795 = arith.constant 0 : i32
    %add3A_796 = arith.addi %add3A_795, %mul3A_2 : i32
    %add3A_797 = arith.constant 16 : i32
    %add3A_798 = arith.addi %add3A_796, %add3A_797 : i32
    %dma_start3A_799 = arith.constant 0 : i32
    %dma_start3A_800 = arith.constant 0 : i32
    %dma_start3A_801 = tpu.memref_slice %arg9[%dma_start3A_799, %dma_start3A_800] : memref<32x1024xf32, #tpu.memory_space<vmem>> -> memref<8x1024xf32, #tpu.memory_space<vmem>>
    %dma_start3A_802 = arith.constant 0 : i32
    %dma_start3A_803 = tpu.memref_slice %arg5[%add3A_798, %dma_start3A_802] : memref<8192x1024xf32, #tpu.memory_space<hbm>> -> memref<8x1024xf32, #tpu.memory_space<hbm>>
    %dma_start3A_804 = arith.constant 0 : i32
    %dma_start3A_805 = tpu.memref_slice %arg5[%add3A_798, %dma_start3A_804] : memref<8192x1024xf32, #tpu.memory_space<hbm>> -> memref<8x1024xf32, #tpu.memory_space<hbm>>
    %dma_start3A_806 = arith.constant 0 : i32
    %dma_start3A_807 = arith.constant 0 : i32
    %dma_start3A_808 = tpu.memref_slice %arg9[%dma_start3A_806, %dma_start3A_807] : memref<32x1024xf32, #tpu.memory_space<vmem>> -> memref<8x1024xf32, #tpu.memory_space<vmem>>
    tpu.enqueue_dma source(%dma_start3A_808 : memref<8x1024xf32, #tpu.memory_space<vmem>>) target(%dma_start3A_805 : memref<8x1024xf32, #tpu.memory_space<hbm>>) target_semaphore(%arg22 : memref<!tpu.dma_semaphore, #tpu.memory_space<semaphore_mem>>)
    %add3A_809 = arith.constant 2048 : i32
    %add3A_810 = arith.addi %add3A_809, %mul3A_2 : i32
    %add3A_811 = arith.constant 16 : i32
    %add3A_812 = arith.addi %add3A_810, %add3A_811 : i32
    %dma_start3A_813 = arith.constant 8 : i32
    %dma_start3A_814 = arith.constant 0 : i32
    %dma_start3A_815 = tpu.memref_slice %arg9[%dma_start3A_813, %dma_start3A_814] : memref<32x1024xf32, #tpu.memory_space<vmem>> -> memref<8x1024xf32, #tpu.memory_space<vmem>>
    %dma_start3A_816 = arith.constant 0 : i32
    %dma_start3A_817 = tpu.memref_slice %arg5[%add3A_812, %dma_start3A_816] : memref<8192x1024xf32, #tpu.memory_space<hbm>> -> memref<8x1024xf32, #tpu.memory_space<hbm>>
    %dma_start3A_818 = arith.constant 0 : i32
    %dma_start3A_819 = tpu.memref_slice %arg5[%add3A_812, %dma_start3A_818] : memref<8192x1024xf32, #tpu.memory_space<hbm>> -> memref<8x1024xf32, #tpu.memory_space<hbm>>
    %dma_start3A_820 = arith.constant 8 : i32
    %dma_start3A_821 = arith.constant 0 : i32
    %dma_start3A_822 = tpu.memref_slice %arg9[%dma_start3A_820, %dma_start3A_821] : memref<32x1024xf32, #tpu.memory_space<vmem>> -> memref<8x1024xf32, #tpu.memory_space<vmem>>
    tpu.enqueue_dma source(%dma_start3A_822 : memref<8x1024xf32, #tpu.memory_space<vmem>>) target(%dma_start3A_819 : memref<8x1024xf32, #tpu.memory_space<hbm>>) target_semaphore(%arg22 : memref<!tpu.dma_semaphore, #tpu.memory_space<semaphore_mem>>)
    %add3A_823 = arith.constant 4096 : i32
    %add3A_824 = arith.addi %add3A_823, %mul3A_2 : i32
    %add3A_825 = arith.constant 16 : i32
    %add3A_826 = arith.addi %add3A_824, %add3A_825 : i32
    %dma_start3A_827 = arith.constant 16 : i32
    %dma_start3A_828 = arith.constant 0 : i32
    %dma_start3A_829 = tpu.memref_slice %arg9[%dma_start3A_827, %dma_start3A_828] : memref<32x1024xf32, #tpu.memory_space<vmem>> -> memref<8x1024xf32, #tpu.memory_space<vmem>>
    %dma_start3A_830 = arith.constant 0 : i32
    %dma_start3A_831 = tpu.memref_slice %arg5[%add3A_826, %dma_start3A_830] : memref<8192x1024xf32, #tpu.memory_space<hbm>> -> memref<8x1024xf32, #tpu.memory_space<hbm>>
    %dma_start3A_832 = arith.constant 0 : i32
    %dma_start3A_833 = tpu.memref_slice %arg5[%add3A_826, %dma_start3A_832] : memref<8192x1024xf32, #tpu.memory_space<hbm>> -> memref<8x1024xf32, #tpu.memory_space<hbm>>
    %dma_start3A_834 = arith.constant 16 : i32
    %dma_start3A_835 = arith.constant 0 : i32
    %dma_start3A_836 = tpu.memref_slice %arg9[%dma_start3A_834, %dma_start3A_835] : memref<32x1024xf32, #tpu.memory_space<vmem>> -> memref<8x1024xf32, #tpu.memory_space<vmem>>
    tpu.enqueue_dma source(%dma_start3A_836 : memref<8x1024xf32, #tpu.memory_space<vmem>>) target(%dma_start3A_833 : memref<8x1024xf32, #tpu.memory_space<hbm>>) target_semaphore(%arg22 : memref<!tpu.dma_semaphore, #tpu.memory_space<semaphore_mem>>)
    %add3A_837 = arith.constant 6144 : i32
    %add3A_838 = arith.addi %add3A_837, %mul3A_2 : i32
    %add3A_839 = arith.constant 16 : i32
    %add3A_840 = arith.addi %add3A_838, %add3A_839 : i32
    %dma_start3A_841 = arith.constant 24 : i32
    %dma_start3A_842 = arith.constant 0 : i32
    %dma_start3A_843 = tpu.memref_slice %arg9[%dma_start3A_841, %dma_start3A_842] : memref<32x1024xf32, #tpu.memory_space<vmem>> -> memref<8x1024xf32, #tpu.memory_space<vmem>>
    %dma_start3A_844 = arith.constant 0 : i32
    %dma_start3A_845 = tpu.memref_slice %arg5[%add3A_840, %dma_start3A_844] : memref<8192x1024xf32, #tpu.memory_space<hbm>> -> memref<8x1024xf32, #tpu.memory_space<hbm>>
    %dma_start3A_846 = arith.constant 0 : i32
    %dma_start3A_847 = tpu.memref_slice %arg5[%add3A_840, %dma_start3A_846] : memref<8192x1024xf32, #tpu.memory_space<hbm>> -> memref<8x1024xf32, #tpu.memory_space<hbm>>
    %dma_start3A_848 = arith.constant 24 : i32
    %dma_start3A_849 = arith.constant 0 : i32
    %dma_start3A_850 = tpu.memref_slice %arg9[%dma_start3A_848, %dma_start3A_849] : memref<32x1024xf32, #tpu.memory_space<vmem>> -> memref<8x1024xf32, #tpu.memory_space<vmem>>
    tpu.enqueue_dma source(%dma_start3A_850 : memref<8x1024xf32, #tpu.memory_space<vmem>>) target(%dma_start3A_847 : memref<8x1024xf32, #tpu.memory_space<hbm>>) target_semaphore(%arg22 : memref<!tpu.dma_semaphore, #tpu.memory_space<semaphore_mem>>)
    %dma_wait3A_851 = arith.constant 0 : i32
    %dma_wait3A_852 = arith.constant 0 : i32
    %dma_wait3A_853 = tpu.memref_slice %arg9[%dma_wait3A_851, %dma_wait3A_852] : memref<32x1024xf32, #tpu.memory_space<vmem>> -> memref<8x1024xf32, #tpu.memory_space<vmem>>
    %dma_wait3A_854 = arith.constant 0 : i32
    %dma_wait3A_855 = tpu.memref_slice %arg5[%add3A_798, %dma_wait3A_854] : memref<8192x1024xf32, #tpu.memory_space<hbm>> -> memref<8x1024xf32, #tpu.memory_space<hbm>>
    %dma_wait3A_856 = arith.constant 0 : i32
    %dma_wait3A_857 = tpu.memref_slice %arg5[%add3A_798, %dma_wait3A_856] : memref<8192x1024xf32, #tpu.memory_space<hbm>> -> memref<8x1024xf32, #tpu.memory_space<hbm>>
    %dma_wait3A_858 = arith.constant 0 : i32
    %dma_wait3A_859 = arith.constant 0 : i32
    %dma_wait3A_860 = tpu.memref_slice %arg9[%dma_wait3A_858, %dma_wait3A_859] : memref<32x1024xf32, #tpu.memory_space<vmem>> -> memref<8x1024xf32, #tpu.memory_space<vmem>>
    tpu.wait_dma2 semaphore(%arg22 : memref<!tpu.dma_semaphore, #tpu.memory_space<semaphore_mem>>) src(%dma_wait3A_860 : memref<8x1024xf32, #tpu.memory_space<vmem>>) dst(%dma_wait3A_857 : memref<8x1024xf32, #tpu.memory_space<hbm>>)
    %dma_wait3A_861 = arith.constant 8 : i32
    %dma_wait3A_862 = arith.constant 0 : i32
    %dma_wait3A_863 = tpu.memref_slice %arg9[%dma_wait3A_861, %dma_wait3A_862] : memref<32x1024xf32, #tpu.memory_space<vmem>> -> memref<8x1024xf32, #tpu.memory_space<vmem>>
    %dma_wait3A_864 = arith.constant 0 : i32
    %dma_wait3A_865 = tpu.memref_slice %arg5[%add3A_812, %dma_wait3A_864] : memref<8192x1024xf32, #tpu.memory_space<hbm>> -> memref<8x1024xf32, #tpu.memory_space<hbm>>
    %dma_wait3A_866 = arith.constant 0 : i32
    %dma_wait3A_867 = tpu.memref_slice %arg5[%add3A_812, %dma_wait3A_866] : memref<8192x1024xf32, #tpu.memory_space<hbm>> -> memref<8x1024xf32, #tpu.memory_space<hbm>>
    %dma_wait3A_868 = arith.constant 8 : i32
    %dma_wait3A_869 = arith.constant 0 : i32
    %dma_wait3A_870 = tpu.memref_slice %arg9[%dma_wait3A_868, %dma_wait3A_869] : memref<32x1024xf32, #tpu.memory_space<vmem>> -> memref<8x1024xf32, #tpu.memory_space<vmem>>
    tpu.wait_dma2 semaphore(%arg22 : memref<!tpu.dma_semaphore, #tpu.memory_space<semaphore_mem>>) src(%dma_wait3A_870 : memref<8x1024xf32, #tpu.memory_space<vmem>>) dst(%dma_wait3A_867 : memref<8x1024xf32, #tpu.memory_space<hbm>>)
    %dma_wait3A_871 = arith.constant 16 : i32
    %dma_wait3A_872 = arith.constant 0 : i32
    %dma_wait3A_873 = tpu.memref_slice %arg9[%dma_wait3A_871, %dma_wait3A_872] : memref<32x1024xf32, #tpu.memory_space<vmem>> -> memref<8x1024xf32, #tpu.memory_space<vmem>>
    %dma_wait3A_874 = arith.constant 0 : i32
    %dma_wait3A_875 = tpu.memref_slice %arg5[%add3A_826, %dma_wait3A_874] : memref<8192x1024xf32, #tpu.memory_space<hbm>> -> memref<8x1024xf32, #tpu.memory_space<hbm>>
    %dma_wait3A_876 = arith.constant 0 : i32
    %dma_wait3A_877 = tpu.memref_slice %arg5[%add3A_826, %dma_wait3A_876] : memref<8192x1024xf32, #tpu.memory_space<hbm>> -> memref<8x1024xf32, #tpu.memory_space<hbm>>
    %dma_wait3A_878 = arith.constant 16 : i32
    %dma_wait3A_879 = arith.constant 0 : i32
    %dma_wait3A_880 = tpu.memref_slice %arg9[%dma_wait3A_878, %dma_wait3A_879] : memref<32x1024xf32, #tpu.memory_space<vmem>> -> memref<8x1024xf32, #tpu.memory_space<vmem>>
    tpu.wait_dma2 semaphore(%arg22 : memref<!tpu.dma_semaphore, #tpu.memory_space<semaphore_mem>>) src(%dma_wait3A_880 : memref<8x1024xf32, #tpu.memory_space<vmem>>) dst(%dma_wait3A_877 : memref<8x1024xf32, #tpu.memory_space<hbm>>)
    %dma_wait3A_881 = arith.constant 24 : i32
    %dma_wait3A_882 = arith.constant 0 : i32
    %dma_wait3A_883 = tpu.memref_slice %arg9[%dma_wait3A_881, %dma_wait3A_882] : memref<32x1024xf32, #tpu.memory_space<vmem>> -> memref<8x1024xf32, #tpu.memory_space<vmem>>
    %dma_wait3A_884 = arith.constant 0 : i32
    %dma_wait3A_885 = tpu.memref_slice %arg5[%add3A_840, %dma_wait3A_884] : memref<8192x1024xf32, #tpu.memory_space<hbm>> -> memref<8x1024xf32, #tpu.memory_space<hbm>>
    %dma_wait3A_886 = arith.constant 0 : i32
    %dma_wait3A_887 = tpu.memref_slice %arg5[%add3A_840, %dma_wait3A_886] : memref<8192x1024xf32, #tpu.memory_space<hbm>> -> memref<8x1024xf32, #tpu.memory_space<hbm>>
    %dma_wait3A_888 = arith.constant 24 : i32
    %dma_wait3A_889 = arith.constant 0 : i32
    %dma_wait3A_890 = tpu.memref_slice %arg9[%dma_wait3A_888, %dma_wait3A_889] : memref<32x1024xf32, #tpu.memory_space<vmem>> -> memref<8x1024xf32, #tpu.memory_space<vmem>>
    tpu.wait_dma2 semaphore(%arg22 : memref<!tpu.dma_semaphore, #tpu.memory_space<semaphore_mem>>) src(%dma_wait3A_890 : memref<8x1024xf32, #tpu.memory_space<vmem>>) dst(%dma_wait3A_887 : memref<8x1024xf32, #tpu.memory_space<hbm>>)
    %dma_start3A_891 = arith.constant 160 : i32
    %dma_start3A_892 = tpu.memref_slice %arg6[%dma_start3A_891] : memref<256xi32, #tpu.memory_space<vmem>> -> memref<32xi32, #tpu.memory_space<vmem>>
    %dma_start3A_893 = arith.constant 0 : i32
    %dma_start3A_894 = arith.constant 0 : i32
    %dma_start3A_895 = tpu.memref_slice %arg3[%dma_start3A_893, %dma_start3A_894] : memref<50257x1024xf32, #tpu.memory_space<hbm>> -> memref<50257x1024xf32, #tpu.memory_space<hbm>>
    tpu.enqueue_indirect_dma source(%dma_start3A_895 : memref<50257x1024xf32, #tpu.memory_space<hbm>>) target(%arg9 : memref<32x1024xf32, #tpu.memory_space<vmem>>) offsets(%dma_start3A_892 : memref<32xi32, #tpu.memory_space<vmem>>) semaphore(%arg16 : memref<!tpu.dma_semaphore, #tpu.memory_space<semaphore_mem>>)
    %add3A_896 = arith.constant 40 : i32
    %add3A_897 = arith.addi %mul3A_2, %add3A_896 : i32
    %dma_start3A_898 = arith.constant 0 : i32
    %dma_start3A_899 = tpu.memref_slice %arg4[%add3A_897, %dma_start3A_898] : memref<2048x1024xf32, #tpu.memory_space<hbm>> -> memref<8x1024xf32, #tpu.memory_space<hbm>>
    %dma_start3A_900 = arith.constant 0 : i32
    %dma_start3A_901 = tpu.memref_slice %arg4[%add3A_897, %dma_start3A_900] : memref<2048x1024xf32, #tpu.memory_space<hbm>> -> memref<8x1024xf32, #tpu.memory_space<hbm>>
    tpu.enqueue_dma source(%dma_start3A_901 : memref<8x1024xf32, #tpu.memory_space<hbm>>) target(%arg12 : memref<8x1024xf32, #tpu.memory_space<vmem>>) target_semaphore(%arg19 : memref<!tpu.dma_semaphore, #tpu.memory_space<semaphore_mem>>)
    %dma_wait3A_902 = arith.constant 96 : i32
    %dma_wait3A_903 = tpu.memref_slice %arg6[%dma_wait3A_902] : memref<256xi32, #tpu.memory_space<vmem>> -> memref<32xi32, #tpu.memory_space<vmem>>
    %dma_wait3A_904 = arith.constant 0 : i32
    %dma_wait3A_905 = arith.constant 0 : i32
    %dma_wait3A_906 = tpu.memref_slice %arg3[%dma_wait3A_904, %dma_wait3A_905] : memref<50257x1024xf32, #tpu.memory_space<hbm>> -> memref<50257x1024xf32, #tpu.memory_space<hbm>>
    tpu.wait_indirect_dma semaphore(%arg14 : memref<!tpu.dma_semaphore, #tpu.memory_space<semaphore_mem>>) src(%dma_wait3A_906 : memref<50257x1024xf32, #tpu.memory_space<hbm>>) dst(%arg7 : memref<32x1024xf32, #tpu.memory_space<vmem>>)
    %dma_wait3A_907 = arith.constant 0 : i32
    %dma_wait3A_908 = tpu.memref_slice %arg4[%add3A_659, %dma_wait3A_907] : memref<2048x1024xf32, #tpu.memory_space<hbm>> -> memref<8x1024xf32, #tpu.memory_space<hbm>>
    %dma_wait3A_909 = arith.constant 0 : i32
    %dma_wait3A_910 = tpu.memref_slice %arg4[%add3A_659, %dma_wait3A_909] : memref<2048x1024xf32, #tpu.memory_space<hbm>> -> memref<8x1024xf32, #tpu.memory_space<hbm>>
    tpu.wait_dma2 semaphore(%arg17 : memref<!tpu.dma_semaphore, #tpu.memory_space<semaphore_mem>>) src(%dma_wait3A_910 : memref<8x1024xf32, #tpu.memory_space<hbm>>) dst(%arg10 : memref<8x1024xf32, #tpu.memory_space<vmem>>)
    %parallel_loop3A_911 = arith.constant 0 : i32
    %parallel_loop3A_912 = arith.constant 512 : i32
    %parallel_loop3A_913 = arith.constant 1 : i32
    scf.for %parallel_loop3A_1464 = %parallel_loop3A_911 to %parallel_loop3A_912 step %parallel_loop3A_913  : i32 {
      %parallel_loop3A_1465 = arith.constant 64 : i32
      %parallel_loop3A_1466 = arith.divsi %parallel_loop3A_1464, %parallel_loop3A_1465 : i32
      %parallel_loop3A_1467 = arith.constant 0 : i32
      %parallel_loop3A_1468 = arith.cmpi sgt, %parallel_loop3A_1464, %parallel_loop3A_1467 : i32
      %parallel_loop3A_1469 = arith.extui %parallel_loop3A_1468 : i1 to i32
      %parallel_loop3A_1470 = arith.constant 0 : i32
      %parallel_loop3A_1471 = arith.cmpi slt, %parallel_loop3A_1464, %parallel_loop3A_1470 : i32
      %parallel_loop3A_1472 = arith.extui %parallel_loop3A_1471 : i1 to i32
      %parallel_loop3A_1473 = arith.subi %parallel_loop3A_1469, %parallel_loop3A_1472 : i32
      %parallel_loop3A_1474 = arith.constant 0 : i32
      %parallel_loop3A_1475 = arith.cmpi sgt, %parallel_loop3A_1465, %parallel_loop3A_1474 : i32
      %parallel_loop3A_1476 = arith.extui %parallel_loop3A_1475 : i1 to i32
      %parallel_loop3A_1477 = arith.constant 0 : i32
      %parallel_loop3A_1478 = arith.cmpi slt, %parallel_loop3A_1465, %parallel_loop3A_1477 : i32
      %parallel_loop3A_1479 = arith.extui %parallel_loop3A_1478 : i1 to i32
      %parallel_loop3A_1480 = arith.subi %parallel_loop3A_1476, %parallel_loop3A_1479 : i32
      %parallel_loop3A_1481 = arith.cmpi ne, %parallel_loop3A_1473, %parallel_loop3A_1480 : i32
      %parallel_loop3A_1482 = arith.remsi %parallel_loop3A_1464, %parallel_loop3A_1465 : i32
      %parallel_loop3A_1483 = arith.constant 0 : i32
      %parallel_loop3A_1484 = arith.cmpi ne, %parallel_loop3A_1482, %parallel_loop3A_1483 : i32
      %parallel_loop3A_1485 = arith.andi %parallel_loop3A_1481, %parallel_loop3A_1484 : i1
      %parallel_loop3A_1486 = arith.constant 1 : i32
      %parallel_loop3A_1487 = arith.subi %parallel_loop3A_1466, %parallel_loop3A_1486 : i32
      %parallel_loop3A_1488 = arith.select %parallel_loop3A_1485, %parallel_loop3A_1487, %parallel_loop3A_1466 : i32
      %parallel_loop3A_1489 = arith.constant 64 : i32
      %parallel_loop3A_1490 = arith.muli %parallel_loop3A_1488, %parallel_loop3A_1489 : i32
      %parallel_loop3A_1491 = arith.subi %parallel_loop3A_1464, %parallel_loop3A_1490 : i32
      %parallel_loop3A_1492 = arith.constant 16 : i32
      %parallel_loop3A_1493 = arith.muli %parallel_loop3A_1491, %parallel_loop3A_1492 : i32
      %parallel_loop3A_1494 = arith.index_cast %parallel_loop3A_1488 : i32 to index
      %parallel_loop3A_1495 = arith.index_cast %parallel_loop3A_1493 : i32 to index
      %parallel_loop3A_1496 = tpu.vector_load %arg10[%parallel_loop3A_1494, %parallel_loop3A_1495] {strides = array<i32>} : memref<8x1024xf32, #tpu.memory_space<vmem>>, vector<1x16xf32>,
      %parallel_loop3A_1497 = vector.shape_cast %parallel_loop3A_1496 : vector<1x16xf32> to vector<16xf32>
      %parallel_loop3A_1498 = arith.constant 0 : i32
      %parallel_loop3A_1499 = arith.addi %parallel_loop3A_1498, %parallel_loop3A_1488 : i32
      %parallel_loop3A_1500 = arith.index_cast %parallel_loop3A_1499 : i32 to index
      %parallel_loop3A_1501 = arith.index_cast %parallel_loop3A_1493 : i32 to index
      %parallel_loop3A_1502 = tpu.vector_load %arg7[%parallel_loop3A_1500, %parallel_loop3A_1501] {strides = array<i32>} : memref<32x1024xf32, #tpu.memory_space<vmem>>, vector<1x16xf32>,
      %parallel_loop3A_1503 = vector.shape_cast %parallel_loop3A_1502 : vector<1x16xf32> to vector<16xf32>
      %parallel_loop3A_1504 = arith.constant 3.200000e+01 : f32
      %parallel_loop3A_1505 = vector.broadcast %parallel_loop3A_1504 : f32 to vector<16xf32>
      %parallel_loop3A_1506 = arith.mulf %parallel_loop3A_1503, %parallel_loop3A_1505 : vector<16xf32>
      %parallel_loop3A_1507 = arith.addf %parallel_loop3A_1506, %parallel_loop3A_1497 : vector<16xf32>
      %parallel_loop3A_1508 = arith.index_cast %parallel_loop3A_1499 : i32 to index
      %parallel_loop3A_1509 = arith.index_cast %parallel_loop3A_1493 : i32 to index
      %parallel_loop3A_1510 = tpu.vector_load %arg7[%parallel_loop3A_1508, %parallel_loop3A_1509] {strides = array<i32>} : memref<32x1024xf32, #tpu.memory_space<vmem>>, vector<1x16xf32>,
      %parallel_loop3A_1511 = vector.shape_cast %parallel_loop3A_1510 : vector<1x16xf32> to vector<16xf32>
      %parallel_loop3A_1512 = vector.shape_cast %parallel_loop3A_1507 : vector<16xf32> to vector<1x16xf32>
      tpu.vector_store %arg7[%parallel_loop3A_1508, %parallel_loop3A_1509], %parallel_loop3A_1512 {strides = array<i32>} : memref<32x1024xf32, #tpu.memory_space<vmem>>, vector<1x16xf32>,
      %parallel_loop3A_1513 = arith.constant 8 : i32
      %parallel_loop3A_1514 = arith.addi %parallel_loop3A_1513, %parallel_loop3A_1488 : i32
      %parallel_loop3A_1515 = arith.index_cast %parallel_loop3A_1514 : i32 to index
      %parallel_loop3A_1516 = arith.index_cast %parallel_loop3A_1493 : i32 to index
      %parallel_loop3A_1517 = tpu.vector_load %arg7[%parallel_loop3A_1515, %parallel_loop3A_1516] {strides = array<i32>} : memref<32x1024xf32, #tpu.memory_space<vmem>>, vector<1x16xf32>,
      %parallel_loop3A_1518 = vector.shape_cast %parallel_loop3A_1517 : vector<1x16xf32> to vector<16xf32>
      %parallel_loop3A_1519 = arith.constant 3.200000e+01 : f32
      %parallel_loop3A_1520 = vector.broadcast %parallel_loop3A_1519 : f32 to vector<16xf32>
      %parallel_loop3A_1521 = arith.mulf %parallel_loop3A_1518, %parallel_loop3A_1520 : vector<16xf32>
      %parallel_loop3A_1522 = arith.addf %parallel_loop3A_1521, %parallel_loop3A_1497 : vector<16xf32>
      %parallel_loop3A_1523 = arith.index_cast %parallel_loop3A_1514 : i32 to index
      %parallel_loop3A_1524 = arith.index_cast %parallel_loop3A_1493 : i32 to index
      %parallel_loop3A_1525 = tpu.vector_load %arg7[%parallel_loop3A_1523, %parallel_loop3A_1524] {strides = array<i32>} : memref<32x1024xf32, #tpu.memory_space<vmem>>, vector<1x16xf32>,
      %parallel_loop3A_1526 = vector.shape_cast %parallel_loop3A_1525 : vector<1x16xf32> to vector<16xf32>
      %parallel_loop3A_1527 = vector.shape_cast %parallel_loop3A_1522 : vector<16xf32> to vector<1x16xf32>
      tpu.vector_store %arg7[%parallel_loop3A_1523, %parallel_loop3A_1524], %parallel_loop3A_1527 {strides = array<i32>} : memref<32x1024xf32, #tpu.memory_space<vmem>>, vector<1x16xf32>,
      %parallel_loop3A_1528 = arith.constant 16 : i32
      %parallel_loop3A_1529 = arith.addi %parallel_loop3A_1528, %parallel_loop3A_1488 : i32
      %parallel_loop3A_1530 = arith.index_cast %parallel_loop3A_1529 : i32 to index
      %parallel_loop3A_1531 = arith.index_cast %parallel_loop3A_1493 : i32 to index
      %parallel_loop3A_1532 = tpu.vector_load %arg7[%parallel_loop3A_1530, %parallel_loop3A_1531] {strides = array<i32>} : memref<32x1024xf32, #tpu.memory_space<vmem>>, vector<1x16xf32>,
      %parallel_loop3A_1533 = vector.shape_cast %parallel_loop3A_1532 : vector<1x16xf32> to vector<16xf32>
      %parallel_loop3A_1534 = arith.constant 3.200000e+01 : f32
      %parallel_loop3A_1535 = vector.broadcast %parallel_loop3A_1534 : f32 to vector<16xf32>
      %parallel_loop3A_1536 = arith.mulf %parallel_loop3A_1533, %parallel_loop3A_1535 : vector<16xf32>
      %parallel_loop3A_1537 = arith.addf %parallel_loop3A_1536, %parallel_loop3A_1497 : vector<16xf32>
      %parallel_loop3A_1538 = arith.index_cast %parallel_loop3A_1529 : i32 to index
      %parallel_loop3A_1539 = arith.index_cast %parallel_loop3A_1493 : i32 to index
      %parallel_loop3A_1540 = tpu.vector_load %arg7[%parallel_loop3A_1538, %parallel_loop3A_1539] {strides = array<i32>} : memref<32x1024xf32, #tpu.memory_space<vmem>>, vector<1x16xf32>,
      %parallel_loop3A_1541 = vector.shape_cast %parallel_loop3A_1540 : vector<1x16xf32> to vector<16xf32>
      %parallel_loop3A_1542 = vector.shape_cast %parallel_loop3A_1537 : vector<16xf32> to vector<1x16xf32>
      tpu.vector_store %arg7[%parallel_loop3A_1538, %parallel_loop3A_1539], %parallel_loop3A_1542 {strides = array<i32>} : memref<32x1024xf32, #tpu.memory_space<vmem>>, vector<1x16xf32>,
      %parallel_loop3A_1543 = arith.constant 24 : i32
      %parallel_loop3A_1544 = arith.addi %parallel_loop3A_1543, %parallel_loop3A_1488 : i32
      %parallel_loop3A_1545 = arith.index_cast %parallel_loop3A_1544 : i32 to index
      %parallel_loop3A_1546 = arith.index_cast %parallel_loop3A_1493 : i32 to index
      %parallel_loop3A_1547 = tpu.vector_load %arg7[%parallel_loop3A_1545, %parallel_loop3A_1546] {strides = array<i32>} : memref<32x1024xf32, #tpu.memory_space<vmem>>, vector<1x16xf32>,
      %parallel_loop3A_1548 = vector.shape_cast %parallel_loop3A_1547 : vector<1x16xf32> to vector<16xf32>
      %parallel_loop3A_1549 = arith.constant 3.200000e+01 : f32
      %parallel_loop3A_1550 = vector.broadcast %parallel_loop3A_1549 : f32 to vector<16xf32>
      %parallel_loop3A_1551 = arith.mulf %parallel_loop3A_1548, %parallel_loop3A_1550 : vector<16xf32>
      %parallel_loop3A_1552 = arith.addf %parallel_loop3A_1551, %parallel_loop3A_1497 : vector<16xf32>
      %parallel_loop3A_1553 = arith.index_cast %parallel_loop3A_1544 : i32 to index
      %parallel_loop3A_1554 = arith.index_cast %parallel_loop3A_1493 : i32 to index
      %parallel_loop3A_1555 = tpu.vector_load %arg7[%parallel_loop3A_1553, %parallel_loop3A_1554] {strides = array<i32>} : memref<32x1024xf32, #tpu.memory_space<vmem>>, vector<1x16xf32>,
      %parallel_loop3A_1556 = vector.shape_cast %parallel_loop3A_1555 : vector<1x16xf32> to vector<16xf32>
      %parallel_loop3A_1557 = vector.shape_cast %parallel_loop3A_1552 : vector<16xf32> to vector<1x16xf32>
      tpu.vector_store %arg7[%parallel_loop3A_1553, %parallel_loop3A_1554], %parallel_loop3A_1557 {strides = array<i32>} : memref<32x1024xf32, #tpu.memory_space<vmem>>, vector<1x16xf32>,
    } {sc.loop_unroll_factor = 4 : i64, sc.parallel_access}
    %add3A_914 = arith.constant 0 : i32
    %add3A_915 = arith.addi %add3A_914, %mul3A_2 : i32
    %add3A_916 = arith.constant 24 : i32
    %add3A_917 = arith.addi %add3A_915, %add3A_916 : i32
    %dma_start3A_918 = arith.constant 0 : i32
    %dma_start3A_919 = arith.constant 0 : i32
    %dma_start3A_920 = tpu.memref_slice %arg7[%dma_start3A_918, %dma_start3A_919] : memref<32x1024xf32, #tpu.memory_space<vmem>> -> memref<8x1024xf32, #tpu.memory_space<vmem>>
    %dma_start3A_921 = arith.constant 0 : i32
    %dma_start3A_922 = tpu.memref_slice %arg5[%add3A_917, %dma_start3A_921] : memref<8192x1024xf32, #tpu.memory_space<hbm>> -> memref<8x1024xf32, #tpu.memory_space<hbm>>
    %dma_start3A_923 = arith.constant 0 : i32
    %dma_start3A_924 = tpu.memref_slice %arg5[%add3A_917, %dma_start3A_923] : memref<8192x1024xf32, #tpu.memory_space<hbm>> -> memref<8x1024xf32, #tpu.memory_space<hbm>>
    %dma_start3A_925 = arith.constant 0 : i32
    %dma_start3A_926 = arith.constant 0 : i32
    %dma_start3A_927 = tpu.memref_slice %arg7[%dma_start3A_925, %dma_start3A_926] : memref<32x1024xf32, #tpu.memory_space<vmem>> -> memref<8x1024xf32, #tpu.memory_space<vmem>>
    tpu.enqueue_dma source(%dma_start3A_927 : memref<8x1024xf32, #tpu.memory_space<vmem>>) target(%dma_start3A_924 : memref<8x1024xf32, #tpu.memory_space<hbm>>) target_semaphore(%arg20 : memref<!tpu.dma_semaphore, #tpu.memory_space<semaphore_mem>>)
    %add3A_928 = arith.constant 2048 : i32
    %add3A_929 = arith.addi %add3A_928, %mul3A_2 : i32
    %add3A_930 = arith.constant 24 : i32
    %add3A_931 = arith.addi %add3A_929, %add3A_930 : i32
    %dma_start3A_932 = arith.constant 8 : i32
    %dma_start3A_933 = arith.constant 0 : i32
    %dma_start3A_934 = tpu.memref_slice %arg7[%dma_start3A_932, %dma_start3A_933] : memref<32x1024xf32, #tpu.memory_space<vmem>> -> memref<8x1024xf32, #tpu.memory_space<vmem>>
    %dma_start3A_935 = arith.constant 0 : i32
    %dma_start3A_936 = tpu.memref_slice %arg5[%add3A_931, %dma_start3A_935] : memref<8192x1024xf32, #tpu.memory_space<hbm>> -> memref<8x1024xf32, #tpu.memory_space<hbm>>
    %dma_start3A_937 = arith.constant 0 : i32
    %dma_start3A_938 = tpu.memref_slice %arg5[%add3A_931, %dma_start3A_937] : memref<8192x1024xf32, #tpu.memory_space<hbm>> -> memref<8x1024xf32, #tpu.memory_space<hbm>>
    %dma_start3A_939 = arith.constant 8 : i32
    %dma_start3A_940 = arith.constant 0 : i32
    %dma_start3A_941 = tpu.memref_slice %arg7[%dma_start3A_939, %dma_start3A_940] : memref<32x1024xf32, #tpu.memory_space<vmem>> -> memref<8x1024xf32, #tpu.memory_space<vmem>>
    tpu.enqueue_dma source(%dma_start3A_941 : memref<8x1024xf32, #tpu.memory_space<vmem>>) target(%dma_start3A_938 : memref<8x1024xf32, #tpu.memory_space<hbm>>) target_semaphore(%arg20 : memref<!tpu.dma_semaphore, #tpu.memory_space<semaphore_mem>>)
    %add3A_942 = arith.constant 4096 : i32
    %add3A_943 = arith.addi %add3A_942, %mul3A_2 : i32
    %add3A_944 = arith.constant 24 : i32
    %add3A_945 = arith.addi %add3A_943, %add3A_944 : i32
    %dma_start3A_946 = arith.constant 16 : i32
    %dma_start3A_947 = arith.constant 0 : i32
    %dma_start3A_948 = tpu.memref_slice %arg7[%dma_start3A_946, %dma_start3A_947] : memref<32x1024xf32, #tpu.memory_space<vmem>> -> memref<8x1024xf32, #tpu.memory_space<vmem>>
    %dma_start3A_949 = arith.constant 0 : i32
    %dma_start3A_950 = tpu.memref_slice %arg5[%add3A_945, %dma_start3A_949] : memref<8192x1024xf32, #tpu.memory_space<hbm>> -> memref<8x1024xf32, #tpu.memory_space<hbm>>
    %dma_start3A_951 = arith.constant 0 : i32
    %dma_start3A_952 = tpu.memref_slice %arg5[%add3A_945, %dma_start3A_951] : memref<8192x1024xf32, #tpu.memory_space<hbm>> -> memref<8x1024xf32, #tpu.memory_space<hbm>>
    %dma_start3A_953 = arith.constant 16 : i32
    %dma_start3A_954 = arith.constant 0 : i32
    %dma_start3A_955 = tpu.memref_slice %arg7[%dma_start3A_953, %dma_start3A_954] : memref<32x1024xf32, #tpu.memory_space<vmem>> -> memref<8x1024xf32, #tpu.memory_space<vmem>>
    tpu.enqueue_dma source(%dma_start3A_955 : memref<8x1024xf32, #tpu.memory_space<vmem>>) target(%dma_start3A_952 : memref<8x1024xf32, #tpu.memory_space<hbm>>) target_semaphore(%arg20 : memref<!tpu.dma_semaphore, #tpu.memory_space<semaphore_mem>>)
    %add3A_956 = arith.constant 6144 : i32
    %add3A_957 = arith.addi %add3A_956, %mul3A_2 : i32
    %add3A_958 = arith.constant 24 : i32
    %add3A_959 = arith.addi %add3A_957, %add3A_958 : i32
    %dma_start3A_960 = arith.constant 24 : i32
    %dma_start3A_961 = arith.constant 0 : i32
    %dma_start3A_962 = tpu.memref_slice %arg7[%dma_start3A_960, %dma_start3A_961] : memref<32x1024xf32, #tpu.memory_space<vmem>> -> memref<8x1024xf32, #tpu.memory_space<vmem>>
    %dma_start3A_963 = arith.constant 0 : i32
    %dma_start3A_964 = tpu.memref_slice %arg5[%add3A_959, %dma_start3A_963] : memref<8192x1024xf32, #tpu.memory_space<hbm>> -> memref<8x1024xf32, #tpu.memory_space<hbm>>
    %dma_start3A_965 = arith.constant 0 : i32
    %dma_start3A_966 = tpu.memref_slice %arg5[%add3A_959, %dma_start3A_965] : memref<8192x1024xf32, #tpu.memory_space<hbm>> -> memref<8x1024xf32, #tpu.memory_space<hbm>>
    %dma_start3A_967 = arith.constant 24 : i32
    %dma_start3A_968 = arith.constant 0 : i32
    %dma_start3A_969 = tpu.memref_slice %arg7[%dma_start3A_967, %dma_start3A_968] : memref<32x1024xf32, #tpu.memory_space<vmem>> -> memref<8x1024xf32, #tpu.memory_space<vmem>>
    tpu.enqueue_dma source(%dma_start3A_969 : memref<8x1024xf32, #tpu.memory_space<vmem>>) target(%dma_start3A_966 : memref<8x1024xf32, #tpu.memory_space<hbm>>) target_semaphore(%arg20 : memref<!tpu.dma_semaphore, #tpu.memory_space<semaphore_mem>>)
    %dma_wait3A_970 = arith.constant 0 : i32
    %dma_wait3A_971 = arith.constant 0 : i32
    %dma_wait3A_972 = tpu.memref_slice %arg7[%dma_wait3A_970, %dma_wait3A_971] : memref<32x1024xf32, #tpu.memory_space<vmem>> -> memref<8x1024xf32, #tpu.memory_space<vmem>>
    %dma_wait3A_973 = arith.constant 0 : i32
    %dma_wait3A_974 = tpu.memref_slice %arg5[%add3A_917, %dma_wait3A_973] : memref<8192x1024xf32, #tpu.memory_space<hbm>> -> memref<8x1024xf32, #tpu.memory_space<hbm>>
    %dma_wait3A_975 = arith.constant 0 : i32
    %dma_wait3A_976 = tpu.memref_slice %arg5[%add3A_917, %dma_wait3A_975] : memref<8192x1024xf32, #tpu.memory_space<hbm>> -> memref<8x1024xf32, #tpu.memory_space<hbm>>
    %dma_wait3A_977 = arith.constant 0 : i32
    %dma_wait3A_978 = arith.constant 0 : i32
    %dma_wait3A_979 = tpu.memref_slice %arg7[%dma_wait3A_977, %dma_wait3A_978] : memref<32x1024xf32, #tpu.memory_space<vmem>> -> memref<8x1024xf32, #tpu.memory_space<vmem>>
    tpu.wait_dma2 semaphore(%arg20 : memref<!tpu.dma_semaphore, #tpu.memory_space<semaphore_mem>>) src(%dma_wait3A_979 : memref<8x1024xf32, #tpu.memory_space<vmem>>) dst(%dma_wait3A_976 : memref<8x1024xf32, #tpu.memory_space<hbm>>)
    %dma_wait3A_980 = arith.constant 8 : i32
    %dma_wait3A_981 = arith.constant 0 : i32
    %dma_wait3A_982 = tpu.memref_slice %arg7[%dma_wait3A_980, %dma_wait3A_981] : memref<32x1024xf32, #tpu.memory_space<vmem>> -> memref<8x1024xf32, #tpu.memory_space<vmem>>
    %dma_wait3A_983 = arith.constant 0 : i32
    %dma_wait3A_984 = tpu.memref_slice %arg5[%add3A_931, %dma_wait3A_983] : memref<8192x1024xf32, #tpu.memory_space<hbm>> -> memref<8x1024xf32, #tpu.memory_space<hbm>>
    %dma_wait3A_985 = arith.constant 0 : i32
    %dma_wait3A_986 = tpu.memref_slice %arg5[%add3A_931, %dma_wait3A_985] : memref<8192x1024xf32, #tpu.memory_space<hbm>> -> memref<8x1024xf32, #tpu.memory_space<hbm>>
    %dma_wait3A_987 = arith.constant 8 : i32
    %dma_wait3A_988 = arith.constant 0 : i32
    %dma_wait3A_989 = tpu.memref_slice %arg7[%dma_wait3A_987, %dma_wait3A_988] : memref<32x1024xf32, #tpu.memory_space<vmem>> -> memref<8x1024xf32, #tpu.memory_space<vmem>>
    tpu.wait_dma2 semaphore(%arg20 : memref<!tpu.dma_semaphore, #tpu.memory_space<semaphore_mem>>) src(%dma_wait3A_989 : memref<8x1024xf32, #tpu.memory_space<vmem>>) dst(%dma_wait3A_986 : memref<8x1024xf32, #tpu.memory_space<hbm>>)
    %dma_wait3A_990 = arith.constant 16 : i32
    %dma_wait3A_991 = arith.constant 0 : i32
    %dma_wait3A_992 = tpu.memref_slice %arg7[%dma_wait3A_990, %dma_wait3A_991] : memref<32x1024xf32, #tpu.memory_space<vmem>> -> memref<8x1024xf32, #tpu.memory_space<vmem>>
    %dma_wait3A_993 = arith.constant 0 : i32
    %dma_wait3A_994 = tpu.memref_slice %arg5[%add3A_945, %dma_wait3A_993] : memref<8192x1024xf32, #tpu.memory_space<hbm>> -> memref<8x1024xf32, #tpu.memory_space<hbm>>
    %dma_wait3A_995 = arith.constant 0 : i32
    %dma_wait3A_996 = tpu.memref_slice %arg5[%add3A_945, %dma_wait3A_995] : memref<8192x1024xf32, #tpu.memory_space<hbm>> -> memref<8x1024xf32, #tpu.memory_space<hbm>>
    %dma_wait3A_997 = arith.constant 16 : i32
    %dma_wait3A_998 = arith.constant 0 : i32
    %dma_wait3A_999 = tpu.memref_slice %arg7[%dma_wait3A_997, %dma_wait3A_998] : memref<32x1024xf32, #tpu.memory_space<vmem>> -> memref<8x1024xf32, #tpu.memory_space<vmem>>
    tpu.wait_dma2 semaphore(%arg20 : memref<!tpu.dma_semaphore, #tpu.memory_space<semaphore_mem>>) src(%dma_wait3A_999 : memref<8x1024xf32, #tpu.memory_space<vmem>>) dst(%dma_wait3A_996 : memref<8x1024xf32, #tpu.memory_space<hbm>>)
    %dma_wait3A_1000 = arith.constant 24 : i32
    %dma_wait3A_1001 = arith.constant 0 : i32
    %dma_wait3A_1002 = tpu.memref_slice %arg7[%dma_wait3A_1000, %dma_wait3A_1001] : memref<32x1024xf32, #tpu.memory_space<vmem>> -> memref<8x1024xf32, #tpu.memory_space<vmem>>
    %dma_wait3A_1003 = arith.constant 0 : i32
    %dma_wait3A_1004 = tpu.memref_slice %arg5[%add3A_959, %dma_wait3A_1003] : memref<8192x1024xf32, #tpu.memory_space<hbm>> -> memref<8x1024xf32, #tpu.memory_space<hbm>>
    %dma_wait3A_1005 = arith.constant 0 : i32
    %dma_wait3A_1006 = tpu.memref_slice %arg5[%add3A_959, %dma_wait3A_1005] : memref<8192x1024xf32, #tpu.memory_space<hbm>> -> memref<8x1024xf32, #tpu.memory_space<hbm>>
    %dma_wait3A_1007 = arith.constant 24 : i32
    %dma_wait3A_1008 = arith.constant 0 : i32
    %dma_wait3A_1009 = tpu.memref_slice %arg7[%dma_wait3A_1007, %dma_wait3A_1008] : memref<32x1024xf32, #tpu.memory_space<vmem>> -> memref<8x1024xf32, #tpu.memory_space<vmem>>
    tpu.wait_dma2 semaphore(%arg20 : memref<!tpu.dma_semaphore, #tpu.memory_space<semaphore_mem>>) src(%dma_wait3A_1009 : memref<8x1024xf32, #tpu.memory_space<vmem>>) dst(%dma_wait3A_1006 : memref<8x1024xf32, #tpu.memory_space<hbm>>)
    %dma_start3A_1010 = arith.constant 192 : i32
    %dma_start3A_1011 = tpu.memref_slice %arg6[%dma_start3A_1010] : memref<256xi32, #tpu.memory_space<vmem>> -> memref<32xi32, #tpu.memory_space<vmem>>
    %dma_start3A_1012 = arith.constant 0 : i32
    %dma_start3A_1013 = arith.constant 0 : i32
    %dma_start3A_1014 = tpu.memref_slice %arg3[%dma_start3A_1012, %dma_start3A_1013] : memref<50257x1024xf32, #tpu.memory_space<hbm>> -> memref<50257x1024xf32, #tpu.memory_space<hbm>>
    tpu.enqueue_indirect_dma source(%dma_start3A_1014 : memref<50257x1024xf32, #tpu.memory_space<hbm>>) target(%arg7 : memref<32x1024xf32, #tpu.memory_space<vmem>>) offsets(%dma_start3A_1011 : memref<32xi32, #tpu.memory_space<vmem>>) semaphore(%arg14 : memref<!tpu.dma_semaphore, #tpu.memory_space<semaphore_mem>>)
    %add3A_1015 = arith.constant 48 : i32
    %add3A_1016 = arith.addi %mul3A_2, %add3A_1015 : i32
    %dma_start3A_1017 = arith.constant 0 : i32
    %dma_start3A_1018 = tpu.memref_slice %arg4[%add3A_1016, %dma_start3A_1017] : memref<2048x1024xf32, #tpu.memory_space<hbm>> -> memref<8x1024xf32, #tpu.memory_space<hbm>>
    %dma_start3A_1019 = arith.constant 0 : i32
    %dma_start3A_1020 = tpu.memref_slice %arg4[%add3A_1016, %dma_start3A_1019] : memref<2048x1024xf32, #tpu.memory_space<hbm>> -> memref<8x1024xf32, #tpu.memory_space<hbm>>
    tpu.enqueue_dma source(%dma_start3A_1020 : memref<8x1024xf32, #tpu.memory_space<hbm>>) target(%arg10 : memref<8x1024xf32, #tpu.memory_space<vmem>>) target_semaphore(%arg17 : memref<!tpu.dma_semaphore, #tpu.memory_space<semaphore_mem>>)
    %dma_wait3A_1021 = arith.constant 128 : i32
    %dma_wait3A_1022 = tpu.memref_slice %arg6[%dma_wait3A_1021] : memref<256xi32, #tpu.memory_space<vmem>> -> memref<32xi32, #tpu.memory_space<vmem>>
    %dma_wait3A_1023 = arith.constant 0 : i32
    %dma_wait3A_1024 = arith.constant 0 : i32
    %dma_wait3A_1025 = tpu.memref_slice %arg3[%dma_wait3A_1023, %dma_wait3A_1024] : memref<50257x1024xf32, #tpu.memory_space<hbm>> -> memref<50257x1024xf32, #tpu.memory_space<hbm>>
    tpu.wait_indirect_dma semaphore(%arg15 : memref<!tpu.dma_semaphore, #tpu.memory_space<semaphore_mem>>) src(%dma_wait3A_1025 : memref<50257x1024xf32, #tpu.memory_space<hbm>>) dst(%arg8 : memref<32x1024xf32, #tpu.memory_space<vmem>>)
    %dma_wait3A_1026 = arith.constant 0 : i32
    %dma_wait3A_1027 = tpu.memref_slice %arg4[%add3A_778, %dma_wait3A_1026] : memref<2048x1024xf32, #tpu.memory_space<hbm>> -> memref<8x1024xf32, #tpu.memory_space<hbm>>
    %dma_wait3A_1028 = arith.constant 0 : i32
    %dma_wait3A_1029 = tpu.memref_slice %arg4[%add3A_778, %dma_wait3A_1028] : memref<2048x1024xf32, #tpu.memory_space<hbm>> -> memref<8x1024xf32, #tpu.memory_space<hbm>>
    tpu.wait_dma2 semaphore(%arg18 : memref<!tpu.dma_semaphore, #tpu.memory_space<semaphore_mem>>) src(%dma_wait3A_1029 : memref<8x1024xf32, #tpu.memory_space<hbm>>) dst(%arg11 : memref<8x1024xf32, #tpu.memory_space<vmem>>)
    %parallel_loop3A_1030 = arith.constant 0 : i32
    %parallel_loop3A_1031 = arith.constant 512 : i32
    %parallel_loop3A_1032 = arith.constant 1 : i32
    scf.for %parallel_loop3A_1464 = %parallel_loop3A_1030 to %parallel_loop3A_1031 step %parallel_loop3A_1032  : i32 {
      %parallel_loop3A_1465 = arith.constant 64 : i32
      %parallel_loop3A_1466 = arith.divsi %parallel_loop3A_1464, %parallel_loop3A_1465 : i32
      %parallel_loop3A_1467 = arith.constant 0 : i32
      %parallel_loop3A_1468 = arith.cmpi sgt, %parallel_loop3A_1464, %parallel_loop3A_1467 : i32
      %parallel_loop3A_1469 = arith.extui %parallel_loop3A_1468 : i1 to i32
      %parallel_loop3A_1470 = arith.constant 0 : i32
      %parallel_loop3A_1471 = arith.cmpi slt, %parallel_loop3A_1464, %parallel_loop3A_1470 : i32
      %parallel_loop3A_1472 = arith.extui %parallel_loop3A_1471 : i1 to i32
      %parallel_loop3A_1473 = arith.subi %parallel_loop3A_1469, %parallel_loop3A_1472 : i32
      %parallel_loop3A_1474 = arith.constant 0 : i32
      %parallel_loop3A_1475 = arith.cmpi sgt, %parallel_loop3A_1465, %parallel_loop3A_1474 : i32
      %parallel_loop3A_1476 = arith.extui %parallel_loop3A_1475 : i1 to i32
      %parallel_loop3A_1477 = arith.constant 0 : i32
      %parallel_loop3A_1478 = arith.cmpi slt, %parallel_loop3A_1465, %parallel_loop3A_1477 : i32
      %parallel_loop3A_1479 = arith.extui %parallel_loop3A_1478 : i1 to i32
      %parallel_loop3A_1480 = arith.subi %parallel_loop3A_1476, %parallel_loop3A_1479 : i32
      %parallel_loop3A_1481 = arith.cmpi ne, %parallel_loop3A_1473, %parallel_loop3A_1480 : i32
      %parallel_loop3A_1482 = arith.remsi %parallel_loop3A_1464, %parallel_loop3A_1465 : i32
      %parallel_loop3A_1483 = arith.constant 0 : i32
      %parallel_loop3A_1484 = arith.cmpi ne, %parallel_loop3A_1482, %parallel_loop3A_1483 : i32
      %parallel_loop3A_1485 = arith.andi %parallel_loop3A_1481, %parallel_loop3A_1484 : i1
      %parallel_loop3A_1486 = arith.constant 1 : i32
      %parallel_loop3A_1487 = arith.subi %parallel_loop3A_1466, %parallel_loop3A_1486 : i32
      %parallel_loop3A_1488 = arith.select %parallel_loop3A_1485, %parallel_loop3A_1487, %parallel_loop3A_1466 : i32
      %parallel_loop3A_1489 = arith.constant 64 : i32
      %parallel_loop3A_1490 = arith.muli %parallel_loop3A_1488, %parallel_loop3A_1489 : i32
      %parallel_loop3A_1491 = arith.subi %parallel_loop3A_1464, %parallel_loop3A_1490 : i32
      %parallel_loop3A_1492 = arith.constant 16 : i32
      %parallel_loop3A_1493 = arith.muli %parallel_loop3A_1491, %parallel_loop3A_1492 : i32
      %parallel_loop3A_1494 = arith.index_cast %parallel_loop3A_1488 : i32 to index
      %parallel_loop3A_1495 = arith.index_cast %parallel_loop3A_1493 : i32 to index
      %parallel_loop3A_1496 = tpu.vector_load %arg11[%parallel_loop3A_1494, %parallel_loop3A_1495] {strides = array<i32>} : memref<8x1024xf32, #tpu.memory_space<vmem>>, vector<1x16xf32>,
      %parallel_loop3A_1497 = vector.shape_cast %parallel_loop3A_1496 : vector<1x16xf32> to vector<16xf32>
      %parallel_loop3A_1498 = arith.constant 0 : i32
      %parallel_loop3A_1499 = arith.addi %parallel_loop3A_1498, %parallel_loop3A_1488 : i32
      %parallel_loop3A_1500 = arith.index_cast %parallel_loop3A_1499 : i32 to index
      %parallel_loop3A_1501 = arith.index_cast %parallel_loop3A_1493 : i32 to index
      %parallel_loop3A_1502 = tpu.vector_load %arg8[%parallel_loop3A_1500, %parallel_loop3A_1501] {strides = array<i32>} : memref<32x1024xf32, #tpu.memory_space<vmem>>, vector<1x16xf32>,
      %parallel_loop3A_1503 = vector.shape_cast %parallel_loop3A_1502 : vector<1x16xf32> to vector<16xf32>
      %parallel_loop3A_1504 = arith.constant 3.200000e+01 : f32
      %parallel_loop3A_1505 = vector.broadcast %parallel_loop3A_1504 : f32 to vector<16xf32>
      %parallel_loop3A_1506 = arith.mulf %parallel_loop3A_1503, %parallel_loop3A_1505 : vector<16xf32>
      %parallel_loop3A_1507 = arith.addf %parallel_loop3A_1506, %parallel_loop3A_1497 : vector<16xf32>
      %parallel_loop3A_1508 = arith.index_cast %parallel_loop3A_1499 : i32 to index
      %parallel_loop3A_1509 = arith.index_cast %parallel_loop3A_1493 : i32 to index
      %parallel_loop3A_1510 = tpu.vector_load %arg8[%parallel_loop3A_1508, %parallel_loop3A_1509] {strides = array<i32>} : memref<32x1024xf32, #tpu.memory_space<vmem>>, vector<1x16xf32>,
      %parallel_loop3A_1511 = vector.shape_cast %parallel_loop3A_1510 : vector<1x16xf32> to vector<16xf32>
      %parallel_loop3A_1512 = vector.shape_cast %parallel_loop3A_1507 : vector<16xf32> to vector<1x16xf32>
      tpu.vector_store %arg8[%parallel_loop3A_1508, %parallel_loop3A_1509], %parallel_loop3A_1512 {strides = array<i32>} : memref<32x1024xf32, #tpu.memory_space<vmem>>, vector<1x16xf32>,
      %parallel_loop3A_1513 = arith.constant 8 : i32
      %parallel_loop3A_1514 = arith.addi %parallel_loop3A_1513, %parallel_loop3A_1488 : i32
      %parallel_loop3A_1515 = arith.index_cast %parallel_loop3A_1514 : i32 to index
      %parallel_loop3A_1516 = arith.index_cast %parallel_loop3A_1493 : i32 to index
      %parallel_loop3A_1517 = tpu.vector_load %arg8[%parallel_loop3A_1515, %parallel_loop3A_1516] {strides = array<i32>} : memref<32x1024xf32, #tpu.memory_space<vmem>>, vector<1x16xf32>,
      %parallel_loop3A_1518 = vector.shape_cast %parallel_loop3A_1517 : vector<1x16xf32> to vector<16xf32>
      %parallel_loop3A_1519 = arith.constant 3.200000e+01 : f32
      %parallel_loop3A_1520 = vector.broadcast %parallel_loop3A_1519 : f32 to vector<16xf32>
      %parallel_loop3A_1521 = arith.mulf %parallel_loop3A_1518, %parallel_loop3A_1520 : vector<16xf32>
      %parallel_loop3A_1522 = arith.addf %parallel_loop3A_1521, %parallel_loop3A_1497 : vector<16xf32>
      %parallel_loop3A_1523 = arith.index_cast %parallel_loop3A_1514 : i32 to index
      %parallel_loop3A_1524 = arith.index_cast %parallel_loop3A_1493 : i32 to index
      %parallel_loop3A_1525 = tpu.vector_load %arg8[%parallel_loop3A_1523, %parallel_loop3A_1524] {strides = array<i32>} : memref<32x1024xf32, #tpu.memory_space<vmem>>, vector<1x16xf32>,
      %parallel_loop3A_1526 = vector.shape_cast %parallel_loop3A_1525 : vector<1x16xf32> to vector<16xf32>
      %parallel_loop3A_1527 = vector.shape_cast %parallel_loop3A_1522 : vector<16xf32> to vector<1x16xf32>
      tpu.vector_store %arg8[%parallel_loop3A_1523, %parallel_loop3A_1524], %parallel_loop3A_1527 {strides = array<i32>} : memref<32x1024xf32, #tpu.memory_space<vmem>>, vector<1x16xf32>,
      %parallel_loop3A_1528 = arith.constant 16 : i32
      %parallel_loop3A_1529 = arith.addi %parallel_loop3A_1528, %parallel_loop3A_1488 : i32
      %parallel_loop3A_1530 = arith.index_cast %parallel_loop3A_1529 : i32 to index
      %parallel_loop3A_1531 = arith.index_cast %parallel_loop3A_1493 : i32 to index
      %parallel_loop3A_1532 = tpu.vector_load %arg8[%parallel_loop3A_1530, %parallel_loop3A_1531] {strides = array<i32>} : memref<32x1024xf32, #tpu.memory_space<vmem>>, vector<1x16xf32>,
      %parallel_loop3A_1533 = vector.shape_cast %parallel_loop3A_1532 : vector<1x16xf32> to vector<16xf32>
      %parallel_loop3A_1534 = arith.constant 3.200000e+01 : f32
      %parallel_loop3A_1535 = vector.broadcast %parallel_loop3A_1534 : f32 to vector<16xf32>
      %parallel_loop3A_1536 = arith.mulf %parallel_loop3A_1533, %parallel_loop3A_1535 : vector<16xf32>
      %parallel_loop3A_1537 = arith.addf %parallel_loop3A_1536, %parallel_loop3A_1497 : vector<16xf32>
      %parallel_loop3A_1538 = arith.index_cast %parallel_loop3A_1529 : i32 to index
      %parallel_loop3A_1539 = arith.index_cast %parallel_loop3A_1493 : i32 to index
      %parallel_loop3A_1540 = tpu.vector_load %arg8[%parallel_loop3A_1538, %parallel_loop3A_1539] {strides = array<i32>} : memref<32x1024xf32, #tpu.memory_space<vmem>>, vector<1x16xf32>,
      %parallel_loop3A_1541 = vector.shape_cast %parallel_loop3A_1540 : vector<1x16xf32> to vector<16xf32>
      %parallel_loop3A_1542 = vector.shape_cast %parallel_loop3A_1537 : vector<16xf32> to vector<1x16xf32>
      tpu.vector_store %arg8[%parallel_loop3A_1538, %parallel_loop3A_1539], %parallel_loop3A_1542 {strides = array<i32>} : memref<32x1024xf32, #tpu.memory_space<vmem>>, vector<1x16xf32>,
      %parallel_loop3A_1543 = arith.constant 24 : i32
      %parallel_loop3A_1544 = arith.addi %parallel_loop3A_1543, %parallel_loop3A_1488 : i32
      %parallel_loop3A_1545 = arith.index_cast %parallel_loop3A_1544 : i32 to index
      %parallel_loop3A_1546 = arith.index_cast %parallel_loop3A_1493 : i32 to index
      %parallel_loop3A_1547 = tpu.vector_load %arg8[%parallel_loop3A_1545, %parallel_loop3A_1546] {strides = array<i32>} : memref<32x1024xf32, #tpu.memory_space<vmem>>, vector<1x16xf32>,
      %parallel_loop3A_1548 = vector.shape_cast %parallel_loop3A_1547 : vector<1x16xf32> to vector<16xf32>
      %parallel_loop3A_1549 = arith.constant 3.200000e+01 : f32
      %parallel_loop3A_1550 = vector.broadcast %parallel_loop3A_1549 : f32 to vector<16xf32>
      %parallel_loop3A_1551 = arith.mulf %parallel_loop3A_1548, %parallel_loop3A_1550 : vector<16xf32>
      %parallel_loop3A_1552 = arith.addf %parallel_loop3A_1551, %parallel_loop3A_1497 : vector<16xf32>
      %parallel_loop3A_1553 = arith.index_cast %parallel_loop3A_1544 : i32 to index
      %parallel_loop3A_1554 = arith.index_cast %parallel_loop3A_1493 : i32 to index
      %parallel_loop3A_1555 = tpu.vector_load %arg8[%parallel_loop3A_1553, %parallel_loop3A_1554] {strides = array<i32>} : memref<32x1024xf32, #tpu.memory_space<vmem>>, vector<1x16xf32>,
      %parallel_loop3A_1556 = vector.shape_cast %parallel_loop3A_1555 : vector<1x16xf32> to vector<16xf32>
      %parallel_loop3A_1557 = vector.shape_cast %parallel_loop3A_1552 : vector<16xf32> to vector<1x16xf32>
      tpu.vector_store %arg8[%parallel_loop3A_1553, %parallel_loop3A_1554], %parallel_loop3A_1557 {strides = array<i32>} : memref<32x1024xf32, #tpu.memory_space<vmem>>, vector<1x16xf32>,
    } {sc.loop_unroll_factor = 4 : i64, sc.parallel_access}
    %add3A_1033 = arith.constant 0 : i32
    %add3A_1034 = arith.addi %add3A_1033, %mul3A_2 : i32
    %add3A_1035 = arith.constant 32 : i32
    %add3A_1036 = arith.addi %add3A_1034, %add3A_1035 : i32
    %dma_start3A_1037 = arith.constant 0 : i32
    %dma_start3A_1038 = arith.constant 0 : i32
    %dma_start3A_1039 = tpu.memref_slice %arg8[%dma_start3A_1037, %dma_start3A_1038] : memref<32x1024xf32, #tpu.memory_space<vmem>> -> memref<8x1024xf32, #tpu.memory_space<vmem>>
    %dma_start3A_1040 = arith.constant 0 : i32
    %dma_start3A_1041 = tpu.memref_slice %arg5[%add3A_1036, %dma_start3A_1040] : memref<8192x1024xf32, #tpu.memory_space<hbm>> -> memref<8x1024xf32, #tpu.memory_space<hbm>>
    %dma_start3A_1042 = arith.constant 0 : i32
    %dma_start3A_1043 = tpu.memref_slice %arg5[%add3A_1036, %dma_start3A_1042] : memref<8192x1024xf32, #tpu.memory_space<hbm>> -> memref<8x1024xf32, #tpu.memory_space<hbm>>
    %dma_start3A_1044 = arith.constant 0 : i32
    %dma_start3A_1045 = arith.constant 0 : i32
    %dma_start3A_1046 = tpu.memref_slice %arg8[%dma_start3A_1044, %dma_start3A_1045] : memref<32x1024xf32, #tpu.memory_space<vmem>> -> memref<8x1024xf32, #tpu.memory_space<vmem>>
    tpu.enqueue_dma source(%dma_start3A_1046 : memref<8x1024xf32, #tpu.memory_space<vmem>>) target(%dma_start3A_1043 : memref<8x1024xf32, #tpu.memory_space<hbm>>) target_semaphore(%arg21 : memref<!tpu.dma_semaphore, #tpu.memory_space<semaphore_mem>>)
    %add3A_1047 = arith.constant 2048 : i32
    %add3A_1048 = arith.addi %add3A_1047, %mul3A_2 : i32
    %add3A_1049 = arith.constant 32 : i32
    %add3A_1050 = arith.addi %add3A_1048, %add3A_1049 : i32
    %dma_start3A_1051 = arith.constant 8 : i32
    %dma_start3A_1052 = arith.constant 0 : i32
    %dma_start3A_1053 = tpu.memref_slice %arg8[%dma_start3A_1051, %dma_start3A_1052] : memref<32x1024xf32, #tpu.memory_space<vmem>> -> memref<8x1024xf32, #tpu.memory_space<vmem>>
    %dma_start3A_1054 = arith.constant 0 : i32
    %dma_start3A_1055 = tpu.memref_slice %arg5[%add3A_1050, %dma_start3A_1054] : memref<8192x1024xf32, #tpu.memory_space<hbm>> -> memref<8x1024xf32, #tpu.memory_space<hbm>>
    %dma_start3A_1056 = arith.constant 0 : i32
    %dma_start3A_1057 = tpu.memref_slice %arg5[%add3A_1050, %dma_start3A_1056] : memref<8192x1024xf32, #tpu.memory_space<hbm>> -> memref<8x1024xf32, #tpu.memory_space<hbm>>
    %dma_start3A_1058 = arith.constant 8 : i32
    %dma_start3A_1059 = arith.constant 0 : i32
    %dma_start3A_1060 = tpu.memref_slice %arg8[%dma_start3A_1058, %dma_start3A_1059] : memref<32x1024xf32, #tpu.memory_space<vmem>> -> memref<8x1024xf32, #tpu.memory_space<vmem>>
    tpu.enqueue_dma source(%dma_start3A_1060 : memref<8x1024xf32, #tpu.memory_space<vmem>>) target(%dma_start3A_1057 : memref<8x1024xf32, #tpu.memory_space<hbm>>) target_semaphore(%arg21 : memref<!tpu.dma_semaphore, #tpu.memory_space<semaphore_mem>>)
    %add3A_1061 = arith.constant 4096 : i32
    %add3A_1062 = arith.addi %add3A_1061, %mul3A_2 : i32
    %add3A_1063 = arith.constant 32 : i32
    %add3A_1064 = arith.addi %add3A_1062, %add3A_1063 : i32
    %dma_start3A_1065 = arith.constant 16 : i32
    %dma_start3A_1066 = arith.constant 0 : i32
    %dma_start3A_1067 = tpu.memref_slice %arg8[%dma_start3A_1065, %dma_start3A_1066] : memref<32x1024xf32, #tpu.memory_space<vmem>> -> memref<8x1024xf32, #tpu.memory_space<vmem>>
    %dma_start3A_1068 = arith.constant 0 : i32
    %dma_start3A_1069 = tpu.memref_slice %arg5[%add3A_1064, %dma_start3A_1068] : memref<8192x1024xf32, #tpu.memory_space<hbm>> -> memref<8x1024xf32, #tpu.memory_space<hbm>>
    %dma_start3A_1070 = arith.constant 0 : i32
    %dma_start3A_1071 = tpu.memref_slice %arg5[%add3A_1064, %dma_start3A_1070] : memref<8192x1024xf32, #tpu.memory_space<hbm>> -> memref<8x1024xf32, #tpu.memory_space<hbm>>
    %dma_start3A_1072 = arith.constant 16 : i32
    %dma_start3A_1073 = arith.constant 0 : i32
    %dma_start3A_1074 = tpu.memref_slice %arg8[%dma_start3A_1072, %dma_start3A_1073] : memref<32x1024xf32, #tpu.memory_space<vmem>> -> memref<8x1024xf32, #tpu.memory_space<vmem>>
    tpu.enqueue_dma source(%dma_start3A_1074 : memref<8x1024xf32, #tpu.memory_space<vmem>>) target(%dma_start3A_1071 : memref<8x1024xf32, #tpu.memory_space<hbm>>) target_semaphore(%arg21 : memref<!tpu.dma_semaphore, #tpu.memory_space<semaphore_mem>>)
    %add3A_1075 = arith.constant 6144 : i32
    %add3A_1076 = arith.addi %add3A_1075, %mul3A_2 : i32
    %add3A_1077 = arith.constant 32 : i32
    %add3A_1078 = arith.addi %add3A_1076, %add3A_1077 : i32
    %dma_start3A_1079 = arith.constant 24 : i32
    %dma_start3A_1080 = arith.constant 0 : i32
    %dma_start3A_1081 = tpu.memref_slice %arg8[%dma_start3A_1079, %dma_start3A_1080] : memref<32x1024xf32, #tpu.memory_space<vmem>> -> memref<8x1024xf32, #tpu.memory_space<vmem>>
    %dma_start3A_1082 = arith.constant 0 : i32
    %dma_start3A_1083 = tpu.memref_slice %arg5[%add3A_1078, %dma_start3A_1082] : memref<8192x1024xf32, #tpu.memory_space<hbm>> -> memref<8x1024xf32, #tpu.memory_space<hbm>>
    %dma_start3A_1084 = arith.constant 0 : i32
    %dma_start3A_1085 = tpu.memref_slice %arg5[%add3A_1078, %dma_start3A_1084] : memref<8192x1024xf32, #tpu.memory_space<hbm>> -> memref<8x1024xf32, #tpu.memory_space<hbm>>
    %dma_start3A_1086 = arith.constant 24 : i32
    %dma_start3A_1087 = arith.constant 0 : i32
    %dma_start3A_1088 = tpu.memref_slice %arg8[%dma_start3A_1086, %dma_start3A_1087] : memref<32x1024xf32, #tpu.memory_space<vmem>> -> memref<8x1024xf32, #tpu.memory_space<vmem>>
    tpu.enqueue_dma source(%dma_start3A_1088 : memref<8x1024xf32, #tpu.memory_space<vmem>>) target(%dma_start3A_1085 : memref<8x1024xf32, #tpu.memory_space<hbm>>) target_semaphore(%arg21 : memref<!tpu.dma_semaphore, #tpu.memory_space<semaphore_mem>>)
    %dma_wait3A_1089 = arith.constant 0 : i32
    %dma_wait3A_1090 = arith.constant 0 : i32
    %dma_wait3A_1091 = tpu.memref_slice %arg8[%dma_wait3A_1089, %dma_wait3A_1090] : memref<32x1024xf32, #tpu.memory_space<vmem>> -> memref<8x1024xf32, #tpu.memory_space<vmem>>
    %dma_wait3A_1092 = arith.constant 0 : i32
    %dma_wait3A_1093 = tpu.memref_slice %arg5[%add3A_1036, %dma_wait3A_1092] : memref<8192x1024xf32, #tpu.memory_space<hbm>> -> memref<8x1024xf32, #tpu.memory_space<hbm>>
    %dma_wait3A_1094 = arith.constant 0 : i32
    %dma_wait3A_1095 = tpu.memref_slice %arg5[%add3A_1036, %dma_wait3A_1094] : memref<8192x1024xf32, #tpu.memory_space<hbm>> -> memref<8x1024xf32, #tpu.memory_space<hbm>>
    %dma_wait3A_1096 = arith.constant 0 : i32
    %dma_wait3A_1097 = arith.constant 0 : i32
    %dma_wait3A_1098 = tpu.memref_slice %arg8[%dma_wait3A_1096, %dma_wait3A_1097] : memref<32x1024xf32, #tpu.memory_space<vmem>> -> memref<8x1024xf32, #tpu.memory_space<vmem>>
    tpu.wait_dma2 semaphore(%arg21 : memref<!tpu.dma_semaphore, #tpu.memory_space<semaphore_mem>>) src(%dma_wait3A_1098 : memref<8x1024xf32, #tpu.memory_space<vmem>>) dst(%dma_wait3A_1095 : memref<8x1024xf32, #tpu.memory_space<hbm>>)
    %dma_wait3A_1099 = arith.constant 8 : i32
    %dma_wait3A_1100 = arith.constant 0 : i32
    %dma_wait3A_1101 = tpu.memref_slice %arg8[%dma_wait3A_1099, %dma_wait3A_1100] : memref<32x1024xf32, #tpu.memory_space<vmem>> -> memref<8x1024xf32, #tpu.memory_space<vmem>>
    %dma_wait3A_1102 = arith.constant 0 : i32
    %dma_wait3A_1103 = tpu.memref_slice %arg5[%add3A_1050, %dma_wait3A_1102] : memref<8192x1024xf32, #tpu.memory_space<hbm>> -> memref<8x1024xf32, #tpu.memory_space<hbm>>
    %dma_wait3A_1104 = arith.constant 0 : i32
    %dma_wait3A_1105 = tpu.memref_slice %arg5[%add3A_1050, %dma_wait3A_1104] : memref<8192x1024xf32, #tpu.memory_space<hbm>> -> memref<8x1024xf32, #tpu.memory_space<hbm>>
    %dma_wait3A_1106 = arith.constant 8 : i32
    %dma_wait3A_1107 = arith.constant 0 : i32
    %dma_wait3A_1108 = tpu.memref_slice %arg8[%dma_wait3A_1106, %dma_wait3A_1107] : memref<32x1024xf32, #tpu.memory_space<vmem>> -> memref<8x1024xf32, #tpu.memory_space<vmem>>
    tpu.wait_dma2 semaphore(%arg21 : memref<!tpu.dma_semaphore, #tpu.memory_space<semaphore_mem>>) src(%dma_wait3A_1108 : memref<8x1024xf32, #tpu.memory_space<vmem>>) dst(%dma_wait3A_1105 : memref<8x1024xf32, #tpu.memory_space<hbm>>)
    %dma_wait3A_1109 = arith.constant 16 : i32
    %dma_wait3A_1110 = arith.constant 0 : i32
    %dma_wait3A_1111 = tpu.memref_slice %arg8[%dma_wait3A_1109, %dma_wait3A_1110] : memref<32x1024xf32, #tpu.memory_space<vmem>> -> memref<8x1024xf32, #tpu.memory_space<vmem>>
    %dma_wait3A_1112 = arith.constant 0 : i32
    %dma_wait3A_1113 = tpu.memref_slice %arg5[%add3A_1064, %dma_wait3A_1112] : memref<8192x1024xf32, #tpu.memory_space<hbm>> -> memref<8x1024xf32, #tpu.memory_space<hbm>>
    %dma_wait3A_1114 = arith.constant 0 : i32
    %dma_wait3A_1115 = tpu.memref_slice %arg5[%add3A_1064, %dma_wait3A_1114] : memref<8192x1024xf32, #tpu.memory_space<hbm>> -> memref<8x1024xf32, #tpu.memory_space<hbm>>
    %dma_wait3A_1116 = arith.constant 16 : i32
    %dma_wait3A_1117 = arith.constant 0 : i32
    %dma_wait3A_1118 = tpu.memref_slice %arg8[%dma_wait3A_1116, %dma_wait3A_1117] : memref<32x1024xf32, #tpu.memory_space<vmem>> -> memref<8x1024xf32, #tpu.memory_space<vmem>>
    tpu.wait_dma2 semaphore(%arg21 : memref<!tpu.dma_semaphore, #tpu.memory_space<semaphore_mem>>) src(%dma_wait3A_1118 : memref<8x1024xf32, #tpu.memory_space<vmem>>) dst(%dma_wait3A_1115 : memref<8x1024xf32, #tpu.memory_space<hbm>>)
    %dma_wait3A_1119 = arith.constant 24 : i32
    %dma_wait3A_1120 = arith.constant 0 : i32
    %dma_wait3A_1121 = tpu.memref_slice %arg8[%dma_wait3A_1119, %dma_wait3A_1120] : memref<32x1024xf32, #tpu.memory_space<vmem>> -> memref<8x1024xf32, #tpu.memory_space<vmem>>
    %dma_wait3A_1122 = arith.constant 0 : i32
    %dma_wait3A_1123 = tpu.memref_slice %arg5[%add3A_1078, %dma_wait3A_1122] : memref<8192x1024xf32, #tpu.memory_space<hbm>> -> memref<8x1024xf32, #tpu.memory_space<hbm>>
    %dma_wait3A_1124 = arith.constant 0 : i32
    %dma_wait3A_1125 = tpu.memref_slice %arg5[%add3A_1078, %dma_wait3A_1124] : memref<8192x1024xf32, #tpu.memory_space<hbm>> -> memref<8x1024xf32, #tpu.memory_space<hbm>>
    %dma_wait3A_1126 = arith.constant 24 : i32
    %dma_wait3A_1127 = arith.constant 0 : i32
    %dma_wait3A_1128 = tpu.memref_slice %arg8[%dma_wait3A_1126, %dma_wait3A_1127] : memref<32x1024xf32, #tpu.memory_space<vmem>> -> memref<8x1024xf32, #tpu.memory_space<vmem>>
    tpu.wait_dma2 semaphore(%arg21 : memref<!tpu.dma_semaphore, #tpu.memory_space<semaphore_mem>>) src(%dma_wait3A_1128 : memref<8x1024xf32, #tpu.memory_space<vmem>>) dst(%dma_wait3A_1125 : memref<8x1024xf32, #tpu.memory_space<hbm>>)
    %dma_start3A_1129 = arith.constant 224 : i32
    %dma_start3A_1130 = tpu.memref_slice %arg6[%dma_start3A_1129] : memref<256xi32, #tpu.memory_space<vmem>> -> memref<32xi32, #tpu.memory_space<vmem>>
    %dma_start3A_1131 = arith.constant 0 : i32
    %dma_start3A_1132 = arith.constant 0 : i32
    %dma_start3A_1133 = tpu.memref_slice %arg3[%dma_start3A_1131, %dma_start3A_1132] : memref<50257x1024xf32, #tpu.memory_space<hbm>> -> memref<50257x1024xf32, #tpu.memory_space<hbm>>
    tpu.enqueue_indirect_dma source(%dma_start3A_1133 : memref<50257x1024xf32, #tpu.memory_space<hbm>>) target(%arg8 : memref<32x1024xf32, #tpu.memory_space<vmem>>) offsets(%dma_start3A_1130 : memref<32xi32, #tpu.memory_space<vmem>>) semaphore(%arg15 : memref<!tpu.dma_semaphore, #tpu.memory_space<semaphore_mem>>)
    %add3A_1134 = arith.constant 56 : i32
    %add3A_1135 = arith.addi %mul3A_2, %add3A_1134 : i32
    %dma_start3A_1136 = arith.constant 0 : i32
    %dma_start3A_1137 = tpu.memref_slice %arg4[%add3A_1135, %dma_start3A_1136] : memref<2048x1024xf32, #tpu.memory_space<hbm>> -> memref<8x1024xf32, #tpu.memory_space<hbm>>
    %dma_start3A_1138 = arith.constant 0 : i32
    %dma_start3A_1139 = tpu.memref_slice %arg4[%add3A_1135, %dma_start3A_1138] : memref<2048x1024xf32, #tpu.memory_space<hbm>> -> memref<8x1024xf32, #tpu.memory_space<hbm>>
    tpu.enqueue_dma source(%dma_start3A_1139 : memref<8x1024xf32, #tpu.memory_space<hbm>>) target(%arg11 : memref<8x1024xf32, #tpu.memory_space<vmem>>) target_semaphore(%arg18 : memref<!tpu.dma_semaphore, #tpu.memory_space<semaphore_mem>>)
    %dma_wait3A_1140 = arith.constant 160 : i32
    %dma_wait3A_1141 = tpu.memref_slice %arg6[%dma_wait3A_1140] : memref<256xi32, #tpu.memory_space<vmem>> -> memref<32xi32, #tpu.memory_space<vmem>>
    %dma_wait3A_1142 = arith.constant 0 : i32
    %dma_wait3A_1143 = arith.constant 0 : i32
    %dma_wait3A_1144 = tpu.memref_slice %arg3[%dma_wait3A_1142, %dma_wait3A_1143] : memref<50257x1024xf32, #tpu.memory_space<hbm>> -> memref<50257x1024xf32, #tpu.memory_space<hbm>>
    tpu.wait_indirect_dma semaphore(%arg16 : memref<!tpu.dma_semaphore, #tpu.memory_space<semaphore_mem>>) src(%dma_wait3A_1144 : memref<50257x1024xf32, #tpu.memory_space<hbm>>) dst(%arg9 : memref<32x1024xf32, #tpu.memory_space<vmem>>)
    %dma_wait3A_1145 = arith.constant 0 : i32
    %dma_wait3A_1146 = tpu.memref_slice %arg4[%add3A_897, %dma_wait3A_1145] : memref<2048x1024xf32, #tpu.memory_space<hbm>> -> memref<8x1024xf32, #tpu.memory_space<hbm>>
    %dma_wait3A_1147 = arith.constant 0 : i32
    %dma_wait3A_1148 = tpu.memref_slice %arg4[%add3A_897, %dma_wait3A_1147] : memref<2048x1024xf32, #tpu.memory_space<hbm>> -> memref<8x1024xf32, #tpu.memory_space<hbm>>
    tpu.wait_dma2 semaphore(%arg19 : memref<!tpu.dma_semaphore, #tpu.memory_space<semaphore_mem>>) src(%dma_wait3A_1148 : memref<8x1024xf32, #tpu.memory_space<hbm>>) dst(%arg12 : memref<8x1024xf32, #tpu.memory_space<vmem>>)
    %parallel_loop3A_1149 = arith.constant 0 : i32
    %parallel_loop3A_1150 = arith.constant 512 : i32
    %parallel_loop3A_1151 = arith.constant 1 : i32
    scf.for %parallel_loop3A_1464 = %parallel_loop3A_1149 to %parallel_loop3A_1150 step %parallel_loop3A_1151  : i32 {
      %parallel_loop3A_1465 = arith.constant 64 : i32
      %parallel_loop3A_1466 = arith.divsi %parallel_loop3A_1464, %parallel_loop3A_1465 : i32
      %parallel_loop3A_1467 = arith.constant 0 : i32
      %parallel_loop3A_1468 = arith.cmpi sgt, %parallel_loop3A_1464, %parallel_loop3A_1467 : i32
      %parallel_loop3A_1469 = arith.extui %parallel_loop3A_1468 : i1 to i32
      %parallel_loop3A_1470 = arith.constant 0 : i32
      %parallel_loop3A_1471 = arith.cmpi slt, %parallel_loop3A_1464, %parallel_loop3A_1470 : i32
      %parallel_loop3A_1472 = arith.extui %parallel_loop3A_1471 : i1 to i32
      %parallel_loop3A_1473 = arith.subi %parallel_loop3A_1469, %parallel_loop3A_1472 : i32
      %parallel_loop3A_1474 = arith.constant 0 : i32
      %parallel_loop3A_1475 = arith.cmpi sgt, %parallel_loop3A_1465, %parallel_loop3A_1474 : i32
      %parallel_loop3A_1476 = arith.extui %parallel_loop3A_1475 : i1 to i32
      %parallel_loop3A_1477 = arith.constant 0 : i32
      %parallel_loop3A_1478 = arith.cmpi slt, %parallel_loop3A_1465, %parallel_loop3A_1477 : i32
      %parallel_loop3A_1479 = arith.extui %parallel_loop3A_1478 : i1 to i32
      %parallel_loop3A_1480 = arith.subi %parallel_loop3A_1476, %parallel_loop3A_1479 : i32
      %parallel_loop3A_1481 = arith.cmpi ne, %parallel_loop3A_1473, %parallel_loop3A_1480 : i32
      %parallel_loop3A_1482 = arith.remsi %parallel_loop3A_1464, %parallel_loop3A_1465 : i32
      %parallel_loop3A_1483 = arith.constant 0 : i32
      %parallel_loop3A_1484 = arith.cmpi ne, %parallel_loop3A_1482, %parallel_loop3A_1483 : i32
      %parallel_loop3A_1485 = arith.andi %parallel_loop3A_1481, %parallel_loop3A_1484 : i1
      %parallel_loop3A_1486 = arith.constant 1 : i32
      %parallel_loop3A_1487 = arith.subi %parallel_loop3A_1466, %parallel_loop3A_1486 : i32
      %parallel_loop3A_1488 = arith.select %parallel_loop3A_1485, %parallel_loop3A_1487, %parallel_loop3A_1466 : i32
      %parallel_loop3A_1489 = arith.constant 64 : i32
      %parallel_loop3A_1490 = arith.muli %parallel_loop3A_1488, %parallel_loop3A_1489 : i32
      %parallel_loop3A_1491 = arith.subi %parallel_loop3A_1464, %parallel_loop3A_1490 : i32
      %parallel_loop3A_1492 = arith.constant 16 : i32
      %parallel_loop3A_1493 = arith.muli %parallel_loop3A_1491, %parallel_loop3A_1492 : i32
      %parallel_loop3A_1494 = arith.index_cast %parallel_loop3A_1488 : i32 to index
      %parallel_loop3A_1495 = arith.index_cast %parallel_loop3A_1493 : i32 to index
      %parallel_loop3A_1496 = tpu.vector_load %arg12[%parallel_loop3A_1494, %parallel_loop3A_1495] {strides = array<i32>} : memref<8x1024xf32, #tpu.memory_space<vmem>>, vector<1x16xf32>,
      %parallel_loop3A_1497 = vector.shape_cast %parallel_loop3A_1496 : vector<1x16xf32> to vector<16xf32>
      %parallel_loop3A_1498 = arith.constant 0 : i32
      %parallel_loop3A_1499 = arith.addi %parallel_loop3A_1498, %parallel_loop3A_1488 : i32
      %parallel_loop3A_1500 = arith.index_cast %parallel_loop3A_1499 : i32 to index
      %parallel_loop3A_1501 = arith.index_cast %parallel_loop3A_1493 : i32 to index
      %parallel_loop3A_1502 = tpu.vector_load %arg9[%parallel_loop3A_1500, %parallel_loop3A_1501] {strides = array<i32>} : memref<32x1024xf32, #tpu.memory_space<vmem>>, vector<1x16xf32>,
      %parallel_loop3A_1503 = vector.shape_cast %parallel_loop3A_1502 : vector<1x16xf32> to vector<16xf32>
      %parallel_loop3A_1504 = arith.constant 3.200000e+01 : f32
      %parallel_loop3A_1505 = vector.broadcast %parallel_loop3A_1504 : f32 to vector<16xf32>
      %parallel_loop3A_1506 = arith.mulf %parallel_loop3A_1503, %parallel_loop3A_1505 : vector<16xf32>
      %parallel_loop3A_1507 = arith.addf %parallel_loop3A_1506, %parallel_loop3A_1497 : vector<16xf32>
      %parallel_loop3A_1508 = arith.index_cast %parallel_loop3A_1499 : i32 to index
      %parallel_loop3A_1509 = arith.index_cast %parallel_loop3A_1493 : i32 to index
      %parallel_loop3A_1510 = tpu.vector_load %arg9[%parallel_loop3A_1508, %parallel_loop3A_1509] {strides = array<i32>} : memref<32x1024xf32, #tpu.memory_space<vmem>>, vector<1x16xf32>,
      %parallel_loop3A_1511 = vector.shape_cast %parallel_loop3A_1510 : vector<1x16xf32> to vector<16xf32>
      %parallel_loop3A_1512 = vector.shape_cast %parallel_loop3A_1507 : vector<16xf32> to vector<1x16xf32>
      tpu.vector_store %arg9[%parallel_loop3A_1508, %parallel_loop3A_1509], %parallel_loop3A_1512 {strides = array<i32>} : memref<32x1024xf32, #tpu.memory_space<vmem>>, vector<1x16xf32>,
      %parallel_loop3A_1513 = arith.constant 8 : i32
      %parallel_loop3A_1514 = arith.addi %parallel_loop3A_1513, %parallel_loop3A_1488 : i32
      %parallel_loop3A_1515 = arith.index_cast %parallel_loop3A_1514 : i32 to index
      %parallel_loop3A_1516 = arith.index_cast %parallel_loop3A_1493 : i32 to index
      %parallel_loop3A_1517 = tpu.vector_load %arg9[%parallel_loop3A_1515, %parallel_loop3A_1516] {strides = array<i32>} : memref<32x1024xf32, #tpu.memory_space<vmem>>, vector<1x16xf32>,
      %parallel_loop3A_1518 = vector.shape_cast %parallel_loop3A_1517 : vector<1x16xf32> to vector<16xf32>
      %parallel_loop3A_1519 = arith.constant 3.200000e+01 : f32
      %parallel_loop3A_1520 = vector.broadcast %parallel_loop3A_1519 : f32 to vector<16xf32>
      %parallel_loop3A_1521 = arith.mulf %parallel_loop3A_1518, %parallel_loop3A_1520 : vector<16xf32>
      %parallel_loop3A_1522 = arith.addf %parallel_loop3A_1521, %parallel_loop3A_1497 : vector<16xf32>
      %parallel_loop3A_1523 = arith.index_cast %parallel_loop3A_1514 : i32 to index
      %parallel_loop3A_1524 = arith.index_cast %parallel_loop3A_1493 : i32 to index
      %parallel_loop3A_1525 = tpu.vector_load %arg9[%parallel_loop3A_1523, %parallel_loop3A_1524] {strides = array<i32>} : memref<32x1024xf32, #tpu.memory_space<vmem>>, vector<1x16xf32>,
      %parallel_loop3A_1526 = vector.shape_cast %parallel_loop3A_1525 : vector<1x16xf32> to vector<16xf32>
      %parallel_loop3A_1527 = vector.shape_cast %parallel_loop3A_1522 : vector<16xf32> to vector<1x16xf32>
      tpu.vector_store %arg9[%parallel_loop3A_1523, %parallel_loop3A_1524], %parallel_loop3A_1527 {strides = array<i32>} : memref<32x1024xf32, #tpu.memory_space<vmem>>, vector<1x16xf32>,
      %parallel_loop3A_1528 = arith.constant 16 : i32
      %parallel_loop3A_1529 = arith.addi %parallel_loop3A_1528, %parallel_loop3A_1488 : i32
      %parallel_loop3A_1530 = arith.index_cast %parallel_loop3A_1529 : i32 to index
      %parallel_loop3A_1531 = arith.index_cast %parallel_loop3A_1493 : i32 to index
      %parallel_loop3A_1532 = tpu.vector_load %arg9[%parallel_loop3A_1530, %parallel_loop3A_1531] {strides = array<i32>} : memref<32x1024xf32, #tpu.memory_space<vmem>>, vector<1x16xf32>,
      %parallel_loop3A_1533 = vector.shape_cast %parallel_loop3A_1532 : vector<1x16xf32> to vector<16xf32>
      %parallel_loop3A_1534 = arith.constant 3.200000e+01 : f32
      %parallel_loop3A_1535 = vector.broadcast %parallel_loop3A_1534 : f32 to vector<16xf32>
      %parallel_loop3A_1536 = arith.mulf %parallel_loop3A_1533, %parallel_loop3A_1535 : vector<16xf32>
      %parallel_loop3A_1537 = arith.addf %parallel_loop3A_1536, %parallel_loop3A_1497 : vector<16xf32>
      %parallel_loop3A_1538 = arith.index_cast %parallel_loop3A_1529 : i32 to index
      %parallel_loop3A_1539 = arith.index_cast %parallel_loop3A_1493 : i32 to index
      %parallel_loop3A_1540 = tpu.vector_load %arg9[%parallel_loop3A_1538, %parallel_loop3A_1539] {strides = array<i32>} : memref<32x1024xf32, #tpu.memory_space<vmem>>, vector<1x16xf32>,
      %parallel_loop3A_1541 = vector.shape_cast %parallel_loop3A_1540 : vector<1x16xf32> to vector<16xf32>
      %parallel_loop3A_1542 = vector.shape_cast %parallel_loop3A_1537 : vector<16xf32> to vector<1x16xf32>
      tpu.vector_store %arg9[%parallel_loop3A_1538, %parallel_loop3A_1539], %parallel_loop3A_1542 {strides = array<i32>} : memref<32x1024xf32, #tpu.memory_space<vmem>>, vector<1x16xf32>,
      %parallel_loop3A_1543 = arith.constant 24 : i32
      %parallel_loop3A_1544 = arith.addi %parallel_loop3A_1543, %parallel_loop3A_1488 : i32
      %parallel_loop3A_1545 = arith.index_cast %parallel_loop3A_1544 : i32 to index
      %parallel_loop3A_1546 = arith.index_cast %parallel_loop3A_1493 : i32 to index
      %parallel_loop3A_1547 = tpu.vector_load %arg9[%parallel_loop3A_1545, %parallel_loop3A_1546] {strides = array<i32>} : memref<32x1024xf32, #tpu.memory_space<vmem>>, vector<1x16xf32>,
      %parallel_loop3A_1548 = vector.shape_cast %parallel_loop3A_1547 : vector<1x16xf32> to vector<16xf32>
      %parallel_loop3A_1549 = arith.constant 3.200000e+01 : f32
      %parallel_loop3A_1550 = vector.broadcast %parallel_loop3A_1549 : f32 to vector<16xf32>
      %parallel_loop3A_1551 = arith.mulf %parallel_loop3A_1548, %parallel_loop3A_1550 : vector<16xf32>
      %parallel_loop3A_1552 = arith.addf %parallel_loop3A_1551, %parallel_loop3A_1497 : vector<16xf32>
      %parallel_loop3A_1553 = arith.index_cast %parallel_loop3A_1544 : i32 to index
      %parallel_loop3A_1554 = arith.index_cast %parallel_loop3A_1493 : i32 to index
      %parallel_loop3A_1555 = tpu.vector_load %arg9[%parallel_loop3A_1553, %parallel_loop3A_1554] {strides = array<i32>} : memref<32x1024xf32, #tpu.memory_space<vmem>>, vector<1x16xf32>,
      %parallel_loop3A_1556 = vector.shape_cast %parallel_loop3A_1555 : vector<1x16xf32> to vector<16xf32>
      %parallel_loop3A_1557 = vector.shape_cast %parallel_loop3A_1552 : vector<16xf32> to vector<1x16xf32>
      tpu.vector_store %arg9[%parallel_loop3A_1553, %parallel_loop3A_1554], %parallel_loop3A_1557 {strides = array<i32>} : memref<32x1024xf32, #tpu.memory_space<vmem>>, vector<1x16xf32>,
    } {sc.loop_unroll_factor = 4 : i64, sc.parallel_access}
    %add3A_1152 = arith.constant 0 : i32
    %add3A_1153 = arith.addi %add3A_1152, %mul3A_2 : i32
    %add3A_1154 = arith.constant 40 : i32
    %add3A_1155 = arith.addi %add3A_1153, %add3A_1154 : i32
    %dma_start3A_1156 = arith.constant 0 : i32
    %dma_start3A_1157 = arith.constant 0 : i32
    %dma_start3A_1158 = tpu.memref_slice %arg9[%dma_start3A_1156, %dma_start3A_1157] : memref<32x1024xf32, #tpu.memory_space<vmem>> -> memref<8x1024xf32, #tpu.memory_space<vmem>>
    %dma_start3A_1159 = arith.constant 0 : i32
    %dma_start3A_1160 = tpu.memref_slice %arg5[%add3A_1155, %dma_start3A_1159] : memref<8192x1024xf32, #tpu.memory_space<hbm>> -> memref<8x1024xf32, #tpu.memory_space<hbm>>
    %dma_start3A_1161 = arith.constant 0 : i32
    %dma_start3A_1162 = tpu.memref_slice %arg5[%add3A_1155, %dma_start3A_1161] : memref<8192x1024xf32, #tpu.memory_space<hbm>> -> memref<8x1024xf32, #tpu.memory_space<hbm>>
    %dma_start3A_1163 = arith.constant 0 : i32
    %dma_start3A_1164 = arith.constant 0 : i32
    %dma_start3A_1165 = tpu.memref_slice %arg9[%dma_start3A_1163, %dma_start3A_1164] : memref<32x1024xf32, #tpu.memory_space<vmem>> -> memref<8x1024xf32, #tpu.memory_space<vmem>>
    tpu.enqueue_dma source(%dma_start3A_1165 : memref<8x1024xf32, #tpu.memory_space<vmem>>) target(%dma_start3A_1162 : memref<8x1024xf32, #tpu.memory_space<hbm>>) target_semaphore(%arg22 : memref<!tpu.dma_semaphore, #tpu.memory_space<semaphore_mem>>)
    %add3A_1166 = arith.constant 2048 : i32
    %add3A_1167 = arith.addi %add3A_1166, %mul3A_2 : i32
    %add3A_1168 = arith.constant 40 : i32
    %add3A_1169 = arith.addi %add3A_1167, %add3A_1168 : i32
    %dma_start3A_1170 = arith.constant 8 : i32
    %dma_start3A_1171 = arith.constant 0 : i32
    %dma_start3A_1172 = tpu.memref_slice %arg9[%dma_start3A_1170, %dma_start3A_1171] : memref<32x1024xf32, #tpu.memory_space<vmem>> -> memref<8x1024xf32, #tpu.memory_space<vmem>>
    %dma_start3A_1173 = arith.constant 0 : i32
    %dma_start3A_1174 = tpu.memref_slice %arg5[%add3A_1169, %dma_start3A_1173] : memref<8192x1024xf32, #tpu.memory_space<hbm>> -> memref<8x1024xf32, #tpu.memory_space<hbm>>
    %dma_start3A_1175 = arith.constant 0 : i32
    %dma_start3A_1176 = tpu.memref_slice %arg5[%add3A_1169, %dma_start3A_1175] : memref<8192x1024xf32, #tpu.memory_space<hbm>> -> memref<8x1024xf32, #tpu.memory_space<hbm>>
    %dma_start3A_1177 = arith.constant 8 : i32
    %dma_start3A_1178 = arith.constant 0 : i32
    %dma_start3A_1179 = tpu.memref_slice %arg9[%dma_start3A_1177, %dma_start3A_1178] : memref<32x1024xf32, #tpu.memory_space<vmem>> -> memref<8x1024xf32, #tpu.memory_space<vmem>>
    tpu.enqueue_dma source(%dma_start3A_1179 : memref<8x1024xf32, #tpu.memory_space<vmem>>) target(%dma_start3A_1176 : memref<8x1024xf32, #tpu.memory_space<hbm>>) target_semaphore(%arg22 : memref<!tpu.dma_semaphore, #tpu.memory_space<semaphore_mem>>)
    %add3A_1180 = arith.constant 4096 : i32
    %add3A_1181 = arith.addi %add3A_1180, %mul3A_2 : i32
    %add3A_1182 = arith.constant 40 : i32
    %add3A_1183 = arith.addi %add3A_1181, %add3A_1182 : i32
    %dma_start3A_1184 = arith.constant 16 : i32
    %dma_start3A_1185 = arith.constant 0 : i32
    %dma_start3A_1186 = tpu.memref_slice %arg9[%dma_start3A_1184, %dma_start3A_1185] : memref<32x1024xf32, #tpu.memory_space<vmem>> -> memref<8x1024xf32, #tpu.memory_space<vmem>>
    %dma_start3A_1187 = arith.constant 0 : i32
    %dma_start3A_1188 = tpu.memref_slice %arg5[%add3A_1183, %dma_start3A_1187] : memref<8192x1024xf32, #tpu.memory_space<hbm>> -> memref<8x1024xf32, #tpu.memory_space<hbm>>
    %dma_start3A_1189 = arith.constant 0 : i32
    %dma_start3A_1190 = tpu.memref_slice %arg5[%add3A_1183, %dma_start3A_1189] : memref<8192x1024xf32, #tpu.memory_space<hbm>> -> memref<8x1024xf32, #tpu.memory_space<hbm>>
    %dma_start3A_1191 = arith.constant 16 : i32
    %dma_start3A_1192 = arith.constant 0 : i32
    %dma_start3A_1193 = tpu.memref_slice %arg9[%dma_start3A_1191, %dma_start3A_1192] : memref<32x1024xf32, #tpu.memory_space<vmem>> -> memref<8x1024xf32, #tpu.memory_space<vmem>>
    tpu.enqueue_dma source(%dma_start3A_1193 : memref<8x1024xf32, #tpu.memory_space<vmem>>) target(%dma_start3A_1190 : memref<8x1024xf32, #tpu.memory_space<hbm>>) target_semaphore(%arg22 : memref<!tpu.dma_semaphore, #tpu.memory_space<semaphore_mem>>)
    %add3A_1194 = arith.constant 6144 : i32
    %add3A_1195 = arith.addi %add3A_1194, %mul3A_2 : i32
    %add3A_1196 = arith.constant 40 : i32
    %add3A_1197 = arith.addi %add3A_1195, %add3A_1196 : i32
    %dma_start3A_1198 = arith.constant 24 : i32
    %dma_start3A_1199 = arith.constant 0 : i32
    %dma_start3A_1200 = tpu.memref_slice %arg9[%dma_start3A_1198, %dma_start3A_1199] : memref<32x1024xf32, #tpu.memory_space<vmem>> -> memref<8x1024xf32, #tpu.memory_space<vmem>>
    %dma_start3A_1201 = arith.constant 0 : i32
    %dma_start3A_1202 = tpu.memref_slice %arg5[%add3A_1197, %dma_start3A_1201] : memref<8192x1024xf32, #tpu.memory_space<hbm>> -> memref<8x1024xf32, #tpu.memory_space<hbm>>
    %dma_start3A_1203 = arith.constant 0 : i32
    %dma_start3A_1204 = tpu.memref_slice %arg5[%add3A_1197, %dma_start3A_1203] : memref<8192x1024xf32, #tpu.memory_space<hbm>> -> memref<8x1024xf32, #tpu.memory_space<hbm>>
    %dma_start3A_1205 = arith.constant 24 : i32
    %dma_start3A_1206 = arith.constant 0 : i32
    %dma_start3A_1207 = tpu.memref_slice %arg9[%dma_start3A_1205, %dma_start3A_1206] : memref<32x1024xf32, #tpu.memory_space<vmem>> -> memref<8x1024xf32, #tpu.memory_space<vmem>>
    tpu.enqueue_dma source(%dma_start3A_1207 : memref<8x1024xf32, #tpu.memory_space<vmem>>) target(%dma_start3A_1204 : memref<8x1024xf32, #tpu.memory_space<hbm>>) target_semaphore(%arg22 : memref<!tpu.dma_semaphore, #tpu.memory_space<semaphore_mem>>)
    %dma_wait3A_1208 = arith.constant 192 : i32
    %dma_wait3A_1209 = tpu.memref_slice %arg6[%dma_wait3A_1208] : memref<256xi32, #tpu.memory_space<vmem>> -> memref<32xi32, #tpu.memory_space<vmem>>
    %dma_wait3A_1210 = arith.constant 0 : i32
    %dma_wait3A_1211 = arith.constant 0 : i32
    %dma_wait3A_1212 = tpu.memref_slice %arg3[%dma_wait3A_1210, %dma_wait3A_1211] : memref<50257x1024xf32, #tpu.memory_space<hbm>> -> memref<50257x1024xf32, #tpu.memory_space<hbm>>
    tpu.wait_indirect_dma semaphore(%arg14 : memref<!tpu.dma_semaphore, #tpu.memory_space<semaphore_mem>>) src(%dma_wait3A_1212 : memref<50257x1024xf32, #tpu.memory_space<hbm>>) dst(%arg7 : memref<32x1024xf32, #tpu.memory_space<vmem>>)
    %dma_wait3A_1213 = arith.constant 0 : i32
    %dma_wait3A_1214 = tpu.memref_slice %arg4[%add3A_1016, %dma_wait3A_1213] : memref<2048x1024xf32, #tpu.memory_space<hbm>> -> memref<8x1024xf32, #tpu.memory_space<hbm>>
    %dma_wait3A_1215 = arith.constant 0 : i32
    %dma_wait3A_1216 = tpu.memref_slice %arg4[%add3A_1016, %dma_wait3A_1215] : memref<2048x1024xf32, #tpu.memory_space<hbm>> -> memref<8x1024xf32, #tpu.memory_space<hbm>>
    tpu.wait_dma2 semaphore(%arg17 : memref<!tpu.dma_semaphore, #tpu.memory_space<semaphore_mem>>) src(%dma_wait3A_1216 : memref<8x1024xf32, #tpu.memory_space<hbm>>) dst(%arg10 : memref<8x1024xf32, #tpu.memory_space<vmem>>)
    %parallel_loop3A_1217 = arith.constant 0 : i32
    %parallel_loop3A_1218 = arith.constant 512 : i32
    %parallel_loop3A_1219 = arith.constant 1 : i32
    scf.for %parallel_loop3A_1464 = %parallel_loop3A_1217 to %parallel_loop3A_1218 step %parallel_loop3A_1219  : i32 {
      %parallel_loop3A_1465 = arith.constant 64 : i32
      %parallel_loop3A_1466 = arith.divsi %parallel_loop3A_1464, %parallel_loop3A_1465 : i32
      %parallel_loop3A_1467 = arith.constant 0 : i32
      %parallel_loop3A_1468 = arith.cmpi sgt, %parallel_loop3A_1464, %parallel_loop3A_1467 : i32
      %parallel_loop3A_1469 = arith.extui %parallel_loop3A_1468 : i1 to i32
      %parallel_loop3A_1470 = arith.constant 0 : i32
      %parallel_loop3A_1471 = arith.cmpi slt, %parallel_loop3A_1464, %parallel_loop3A_1470 : i32
      %parallel_loop3A_1472 = arith.extui %parallel_loop3A_1471 : i1 to i32
      %parallel_loop3A_1473 = arith.subi %parallel_loop3A_1469, %parallel_loop3A_1472 : i32
      %parallel_loop3A_1474 = arith.constant 0 : i32
      %parallel_loop3A_1475 = arith.cmpi sgt, %parallel_loop3A_1465, %parallel_loop3A_1474 : i32
      %parallel_loop3A_1476 = arith.extui %parallel_loop3A_1475 : i1 to i32
      %parallel_loop3A_1477 = arith.constant 0 : i32
      %parallel_loop3A_1478 = arith.cmpi slt, %parallel_loop3A_1465, %parallel_loop3A_1477 : i32
      %parallel_loop3A_1479 = arith.extui %parallel_loop3A_1478 : i1 to i32
      %parallel_loop3A_1480 = arith.subi %parallel_loop3A_1476, %parallel_loop3A_1479 : i32
      %parallel_loop3A_1481 = arith.cmpi ne, %parallel_loop3A_1473, %parallel_loop3A_1480 : i32
      %parallel_loop3A_1482 = arith.remsi %parallel_loop3A_1464, %parallel_loop3A_1465 : i32
      %parallel_loop3A_1483 = arith.constant 0 : i32
      %parallel_loop3A_1484 = arith.cmpi ne, %parallel_loop3A_1482, %parallel_loop3A_1483 : i32
      %parallel_loop3A_1485 = arith.andi %parallel_loop3A_1481, %parallel_loop3A_1484 : i1
      %parallel_loop3A_1486 = arith.constant 1 : i32
      %parallel_loop3A_1487 = arith.subi %parallel_loop3A_1466, %parallel_loop3A_1486 : i32
      %parallel_loop3A_1488 = arith.select %parallel_loop3A_1485, %parallel_loop3A_1487, %parallel_loop3A_1466 : i32
      %parallel_loop3A_1489 = arith.constant 64 : i32
      %parallel_loop3A_1490 = arith.muli %parallel_loop3A_1488, %parallel_loop3A_1489 : i32
      %parallel_loop3A_1491 = arith.subi %parallel_loop3A_1464, %parallel_loop3A_1490 : i32
      %parallel_loop3A_1492 = arith.constant 16 : i32
      %parallel_loop3A_1493 = arith.muli %parallel_loop3A_1491, %parallel_loop3A_1492 : i32
      %parallel_loop3A_1494 = arith.index_cast %parallel_loop3A_1488 : i32 to index
      %parallel_loop3A_1495 = arith.index_cast %parallel_loop3A_1493 : i32 to index
      %parallel_loop3A_1496 = tpu.vector_load %arg10[%parallel_loop3A_1494, %parallel_loop3A_1495] {strides = array<i32>} : memref<8x1024xf32, #tpu.memory_space<vmem>>, vector<1x16xf32>,
      %parallel_loop3A_1497 = vector.shape_cast %parallel_loop3A_1496 : vector<1x16xf32> to vector<16xf32>
      %parallel_loop3A_1498 = arith.constant 0 : i32
      %parallel_loop3A_1499 = arith.addi %parallel_loop3A_1498, %parallel_loop3A_1488 : i32
      %parallel_loop3A_1500 = arith.index_cast %parallel_loop3A_1499 : i32 to index
      %parallel_loop3A_1501 = arith.index_cast %parallel_loop3A_1493 : i32 to index
      %parallel_loop3A_1502 = tpu.vector_load %arg7[%parallel_loop3A_1500, %parallel_loop3A_1501] {strides = array<i32>} : memref<32x1024xf32, #tpu.memory_space<vmem>>, vector<1x16xf32>,
      %parallel_loop3A_1503 = vector.shape_cast %parallel_loop3A_1502 : vector<1x16xf32> to vector<16xf32>
      %parallel_loop3A_1504 = arith.constant 3.200000e+01 : f32
      %parallel_loop3A_1505 = vector.broadcast %parallel_loop3A_1504 : f32 to vector<16xf32>
      %parallel_loop3A_1506 = arith.mulf %parallel_loop3A_1503, %parallel_loop3A_1505 : vector<16xf32>
      %parallel_loop3A_1507 = arith.addf %parallel_loop3A_1506, %parallel_loop3A_1497 : vector<16xf32>
      %parallel_loop3A_1508 = arith.index_cast %parallel_loop3A_1499 : i32 to index
      %parallel_loop3A_1509 = arith.index_cast %parallel_loop3A_1493 : i32 to index
      %parallel_loop3A_1510 = tpu.vector_load %arg7[%parallel_loop3A_1508, %parallel_loop3A_1509] {strides = array<i32>} : memref<32x1024xf32, #tpu.memory_space<vmem>>, vector<1x16xf32>,
      %parallel_loop3A_1511 = vector.shape_cast %parallel_loop3A_1510 : vector<1x16xf32> to vector<16xf32>
      %parallel_loop3A_1512 = vector.shape_cast %parallel_loop3A_1507 : vector<16xf32> to vector<1x16xf32>
      tpu.vector_store %arg7[%parallel_loop3A_1508, %parallel_loop3A_1509], %parallel_loop3A_1512 {strides = array<i32>} : memref<32x1024xf32, #tpu.memory_space<vmem>>, vector<1x16xf32>,
      %parallel_loop3A_1513 = arith.constant 8 : i32
      %parallel_loop3A_1514 = arith.addi %parallel_loop3A_1513, %parallel_loop3A_1488 : i32
      %parallel_loop3A_1515 = arith.index_cast %parallel_loop3A_1514 : i32 to index
      %parallel_loop3A_1516 = arith.index_cast %parallel_loop3A_1493 : i32 to index
      %parallel_loop3A_1517 = tpu.vector_load %arg7[%parallel_loop3A_1515, %parallel_loop3A_1516] {strides = array<i32>} : memref<32x1024xf32, #tpu.memory_space<vmem>>, vector<1x16xf32>,
      %parallel_loop3A_1518 = vector.shape_cast %parallel_loop3A_1517 : vector<1x16xf32> to vector<16xf32>
      %parallel_loop3A_1519 = arith.constant 3.200000e+01 : f32
      %parallel_loop3A_1520 = vector.broadcast %parallel_loop3A_1519 : f32 to vector<16xf32>
      %parallel_loop3A_1521 = arith.mulf %parallel_loop3A_1518, %parallel_loop3A_1520 : vector<16xf32>
      %parallel_loop3A_1522 = arith.addf %parallel_loop3A_1521, %parallel_loop3A_1497 : vector<16xf32>
      %parallel_loop3A_1523 = arith.index_cast %parallel_loop3A_1514 : i32 to index
      %parallel_loop3A_1524 = arith.index_cast %parallel_loop3A_1493 : i32 to index
      %parallel_loop3A_1525 = tpu.vector_load %arg7[%parallel_loop3A_1523, %parallel_loop3A_1524] {strides = array<i32>} : memref<32x1024xf32, #tpu.memory_space<vmem>>, vector<1x16xf32>,
      %parallel_loop3A_1526 = vector.shape_cast %parallel_loop3A_1525 : vector<1x16xf32> to vector<16xf32>
      %parallel_loop3A_1527 = vector.shape_cast %parallel_loop3A_1522 : vector<16xf32> to vector<1x16xf32>
      tpu.vector_store %arg7[%parallel_loop3A_1523, %parallel_loop3A_1524], %parallel_loop3A_1527 {strides = array<i32>} : memref<32x1024xf32, #tpu.memory_space<vmem>>, vector<1x16xf32>,
      %parallel_loop3A_1528 = arith.constant 16 : i32
      %parallel_loop3A_1529 = arith.addi %parallel_loop3A_1528, %parallel_loop3A_1488 : i32
      %parallel_loop3A_1530 = arith.index_cast %parallel_loop3A_1529 : i32 to index
      %parallel_loop3A_1531 = arith.index_cast %parallel_loop3A_1493 : i32 to index
      %parallel_loop3A_1532 = tpu.vector_load %arg7[%parallel_loop3A_1530, %parallel_loop3A_1531] {strides = array<i32>} : memref<32x1024xf32, #tpu.memory_space<vmem>>, vector<1x16xf32>,
      %parallel_loop3A_1533 = vector.shape_cast %parallel_loop3A_1532 : vector<1x16xf32> to vector<16xf32>
      %parallel_loop3A_1534 = arith.constant 3.200000e+01 : f32
      %parallel_loop3A_1535 = vector.broadcast %parallel_loop3A_1534 : f32 to vector<16xf32>
      %parallel_loop3A_1536 = arith.mulf %parallel_loop3A_1533, %parallel_loop3A_1535 : vector<16xf32>
      %parallel_loop3A_1537 = arith.addf %parallel_loop3A_1536, %parallel_loop3A_1497 : vector<16xf32>
      %parallel_loop3A_1538 = arith.index_cast %parallel_loop3A_1529 : i32 to index
      %parallel_loop3A_1539 = arith.index_cast %parallel_loop3A_1493 : i32 to index
      %parallel_loop3A_1540 = tpu.vector_load %arg7[%parallel_loop3A_1538, %parallel_loop3A_1539] {strides = array<i32>} : memref<32x1024xf32, #tpu.memory_space<vmem>>, vector<1x16xf32>,
      %parallel_loop3A_1541 = vector.shape_cast %parallel_loop3A_1540 : vector<1x16xf32> to vector<16xf32>
      %parallel_loop3A_1542 = vector.shape_cast %parallel_loop3A_1537 : vector<16xf32> to vector<1x16xf32>
      tpu.vector_store %arg7[%parallel_loop3A_1538, %parallel_loop3A_1539], %parallel_loop3A_1542 {strides = array<i32>} : memref<32x1024xf32, #tpu.memory_space<vmem>>, vector<1x16xf32>,
      %parallel_loop3A_1543 = arith.constant 24 : i32
      %parallel_loop3A_1544 = arith.addi %parallel_loop3A_1543, %parallel_loop3A_1488 : i32
      %parallel_loop3A_1545 = arith.index_cast %parallel_loop3A_1544 : i32 to index
      %parallel_loop3A_1546 = arith.index_cast %parallel_loop3A_1493 : i32 to index
      %parallel_loop3A_1547 = tpu.vector_load %arg7[%parallel_loop3A_1545, %parallel_loop3A_1546] {strides = array<i32>} : memref<32x1024xf32, #tpu.memory_space<vmem>>, vector<1x16xf32>,
      %parallel_loop3A_1548 = vector.shape_cast %parallel_loop3A_1547 : vector<1x16xf32> to vector<16xf32>
      %parallel_loop3A_1549 = arith.constant 3.200000e+01 : f32
      %parallel_loop3A_1550 = vector.broadcast %parallel_loop3A_1549 : f32 to vector<16xf32>
      %parallel_loop3A_1551 = arith.mulf %parallel_loop3A_1548, %parallel_loop3A_1550 : vector<16xf32>
      %parallel_loop3A_1552 = arith.addf %parallel_loop3A_1551, %parallel_loop3A_1497 : vector<16xf32>
      %parallel_loop3A_1553 = arith.index_cast %parallel_loop3A_1544 : i32 to index
      %parallel_loop3A_1554 = arith.index_cast %parallel_loop3A_1493 : i32 to index
      %parallel_loop3A_1555 = tpu.vector_load %arg7[%parallel_loop3A_1553, %parallel_loop3A_1554] {strides = array<i32>} : memref<32x1024xf32, #tpu.memory_space<vmem>>, vector<1x16xf32>,
      %parallel_loop3A_1556 = vector.shape_cast %parallel_loop3A_1555 : vector<1x16xf32> to vector<16xf32>
      %parallel_loop3A_1557 = vector.shape_cast %parallel_loop3A_1552 : vector<16xf32> to vector<1x16xf32>
      tpu.vector_store %arg7[%parallel_loop3A_1553, %parallel_loop3A_1554], %parallel_loop3A_1557 {strides = array<i32>} : memref<32x1024xf32, #tpu.memory_space<vmem>>, vector<1x16xf32>,
    } {sc.loop_unroll_factor = 4 : i64, sc.parallel_access}
    %add3A_1220 = arith.constant 0 : i32
    %add3A_1221 = arith.addi %add3A_1220, %mul3A_2 : i32
    %add3A_1222 = arith.constant 48 : i32
    %add3A_1223 = arith.addi %add3A_1221, %add3A_1222 : i32
    %dma_start3A_1224 = arith.constant 0 : i32
    %dma_start3A_1225 = arith.constant 0 : i32
    %dma_start3A_1226 = tpu.memref_slice %arg7[%dma_start3A_1224, %dma_start3A_1225] : memref<32x1024xf32, #tpu.memory_space<vmem>> -> memref<8x1024xf32, #tpu.memory_space<vmem>>
    %dma_start3A_1227 = arith.constant 0 : i32
    %dma_start3A_1228 = tpu.memref_slice %arg5[%add3A_1223, %dma_start3A_1227] : memref<8192x1024xf32, #tpu.memory_space<hbm>> -> memref<8x1024xf32, #tpu.memory_space<hbm>>
    %dma_start3A_1229 = arith.constant 0 : i32
    %dma_start3A_1230 = tpu.memref_slice %arg5[%add3A_1223, %dma_start3A_1229] : memref<8192x1024xf32, #tpu.memory_space<hbm>> -> memref<8x1024xf32, #tpu.memory_space<hbm>>
    %dma_start3A_1231 = arith.constant 0 : i32
    %dma_start3A_1232 = arith.constant 0 : i32
    %dma_start3A_1233 = tpu.memref_slice %arg7[%dma_start3A_1231, %dma_start3A_1232] : memref<32x1024xf32, #tpu.memory_space<vmem>> -> memref<8x1024xf32, #tpu.memory_space<vmem>>
    tpu.enqueue_dma source(%dma_start3A_1233 : memref<8x1024xf32, #tpu.memory_space<vmem>>) target(%dma_start3A_1230 : memref<8x1024xf32, #tpu.memory_space<hbm>>) target_semaphore(%arg20 : memref<!tpu.dma_semaphore, #tpu.memory_space<semaphore_mem>>)
    %add3A_1234 = arith.constant 2048 : i32
    %add3A_1235 = arith.addi %add3A_1234, %mul3A_2 : i32
    %add3A_1236 = arith.constant 48 : i32
    %add3A_1237 = arith.addi %add3A_1235, %add3A_1236 : i32
    %dma_start3A_1238 = arith.constant 8 : i32
    %dma_start3A_1239 = arith.constant 0 : i32
    %dma_start3A_1240 = tpu.memref_slice %arg7[%dma_start3A_1238, %dma_start3A_1239] : memref<32x1024xf32, #tpu.memory_space<vmem>> -> memref<8x1024xf32, #tpu.memory_space<vmem>>
    %dma_start3A_1241 = arith.constant 0 : i32
    %dma_start3A_1242 = tpu.memref_slice %arg5[%add3A_1237, %dma_start3A_1241] : memref<8192x1024xf32, #tpu.memory_space<hbm>> -> memref<8x1024xf32, #tpu.memory_space<hbm>>
    %dma_start3A_1243 = arith.constant 0 : i32
    %dma_start3A_1244 = tpu.memref_slice %arg5[%add3A_1237, %dma_start3A_1243] : memref<8192x1024xf32, #tpu.memory_space<hbm>> -> memref<8x1024xf32, #tpu.memory_space<hbm>>
    %dma_start3A_1245 = arith.constant 8 : i32
    %dma_start3A_1246 = arith.constant 0 : i32
    %dma_start3A_1247 = tpu.memref_slice %arg7[%dma_start3A_1245, %dma_start3A_1246] : memref<32x1024xf32, #tpu.memory_space<vmem>> -> memref<8x1024xf32, #tpu.memory_space<vmem>>
    tpu.enqueue_dma source(%dma_start3A_1247 : memref<8x1024xf32, #tpu.memory_space<vmem>>) target(%dma_start3A_1244 : memref<8x1024xf32, #tpu.memory_space<hbm>>) target_semaphore(%arg20 : memref<!tpu.dma_semaphore, #tpu.memory_space<semaphore_mem>>)
    %add3A_1248 = arith.constant 4096 : i32
    %add3A_1249 = arith.addi %add3A_1248, %mul3A_2 : i32
    %add3A_1250 = arith.constant 48 : i32
    %add3A_1251 = arith.addi %add3A_1249, %add3A_1250 : i32
    %dma_start3A_1252 = arith.constant 16 : i32
    %dma_start3A_1253 = arith.constant 0 : i32
    %dma_start3A_1254 = tpu.memref_slice %arg7[%dma_start3A_1252, %dma_start3A_1253] : memref<32x1024xf32, #tpu.memory_space<vmem>> -> memref<8x1024xf32, #tpu.memory_space<vmem>>
    %dma_start3A_1255 = arith.constant 0 : i32
    %dma_start3A_1256 = tpu.memref_slice %arg5[%add3A_1251, %dma_start3A_1255] : memref<8192x1024xf32, #tpu.memory_space<hbm>> -> memref<8x1024xf32, #tpu.memory_space<hbm>>
    %dma_start3A_1257 = arith.constant 0 : i32
    %dma_start3A_1258 = tpu.memref_slice %arg5[%add3A_1251, %dma_start3A_1257] : memref<8192x1024xf32, #tpu.memory_space<hbm>> -> memref<8x1024xf32, #tpu.memory_space<hbm>>
    %dma_start3A_1259 = arith.constant 16 : i32
    %dma_start3A_1260 = arith.constant 0 : i32
    %dma_start3A_1261 = tpu.memref_slice %arg7[%dma_start3A_1259, %dma_start3A_1260] : memref<32x1024xf32, #tpu.memory_space<vmem>> -> memref<8x1024xf32, #tpu.memory_space<vmem>>
    tpu.enqueue_dma source(%dma_start3A_1261 : memref<8x1024xf32, #tpu.memory_space<vmem>>) target(%dma_start3A_1258 : memref<8x1024xf32, #tpu.memory_space<hbm>>) target_semaphore(%arg20 : memref<!tpu.dma_semaphore, #tpu.memory_space<semaphore_mem>>)
    %add3A_1262 = arith.constant 6144 : i32
    %add3A_1263 = arith.addi %add3A_1262, %mul3A_2 : i32
    %add3A_1264 = arith.constant 48 : i32
    %add3A_1265 = arith.addi %add3A_1263, %add3A_1264 : i32
    %dma_start3A_1266 = arith.constant 24 : i32
    %dma_start3A_1267 = arith.constant 0 : i32
    %dma_start3A_1268 = tpu.memref_slice %arg7[%dma_start3A_1266, %dma_start3A_1267] : memref<32x1024xf32, #tpu.memory_space<vmem>> -> memref<8x1024xf32, #tpu.memory_space<vmem>>
    %dma_start3A_1269 = arith.constant 0 : i32
    %dma_start3A_1270 = tpu.memref_slice %arg5[%add3A_1265, %dma_start3A_1269] : memref<8192x1024xf32, #tpu.memory_space<hbm>> -> memref<8x1024xf32, #tpu.memory_space<hbm>>
    %dma_start3A_1271 = arith.constant 0 : i32
    %dma_start3A_1272 = tpu.memref_slice %arg5[%add3A_1265, %dma_start3A_1271] : memref<8192x1024xf32, #tpu.memory_space<hbm>> -> memref<8x1024xf32, #tpu.memory_space<hbm>>
    %dma_start3A_1273 = arith.constant 24 : i32
    %dma_start3A_1274 = arith.constant 0 : i32
    %dma_start3A_1275 = tpu.memref_slice %arg7[%dma_start3A_1273, %dma_start3A_1274] : memref<32x1024xf32, #tpu.memory_space<vmem>> -> memref<8x1024xf32, #tpu.memory_space<vmem>>
    tpu.enqueue_dma source(%dma_start3A_1275 : memref<8x1024xf32, #tpu.memory_space<vmem>>) target(%dma_start3A_1272 : memref<8x1024xf32, #tpu.memory_space<hbm>>) target_semaphore(%arg20 : memref<!tpu.dma_semaphore, #tpu.memory_space<semaphore_mem>>)
    %dma_wait3A_1276 = arith.constant 224 : i32
    %dma_wait3A_1277 = tpu.memref_slice %arg6[%dma_wait3A_1276] : memref<256xi32, #tpu.memory_space<vmem>> -> memref<32xi32, #tpu.memory_space<vmem>>
    %dma_wait3A_1278 = arith.constant 0 : i32
    %dma_wait3A_1279 = arith.constant 0 : i32
    %dma_wait3A_1280 = tpu.memref_slice %arg3[%dma_wait3A_1278, %dma_wait3A_1279] : memref<50257x1024xf32, #tpu.memory_space<hbm>> -> memref<50257x1024xf32, #tpu.memory_space<hbm>>
    tpu.wait_indirect_dma semaphore(%arg15 : memref<!tpu.dma_semaphore, #tpu.memory_space<semaphore_mem>>) src(%dma_wait3A_1280 : memref<50257x1024xf32, #tpu.memory_space<hbm>>) dst(%arg8 : memref<32x1024xf32, #tpu.memory_space<vmem>>)
    %dma_wait3A_1281 = arith.constant 0 : i32
    %dma_wait3A_1282 = tpu.memref_slice %arg4[%add3A_1135, %dma_wait3A_1281] : memref<2048x1024xf32, #tpu.memory_space<hbm>> -> memref<8x1024xf32, #tpu.memory_space<hbm>>
    %dma_wait3A_1283 = arith.constant 0 : i32
    %dma_wait3A_1284 = tpu.memref_slice %arg4[%add3A_1135, %dma_wait3A_1283] : memref<2048x1024xf32, #tpu.memory_space<hbm>> -> memref<8x1024xf32, #tpu.memory_space<hbm>>
    tpu.wait_dma2 semaphore(%arg18 : memref<!tpu.dma_semaphore, #tpu.memory_space<semaphore_mem>>) src(%dma_wait3A_1284 : memref<8x1024xf32, #tpu.memory_space<hbm>>) dst(%arg11 : memref<8x1024xf32, #tpu.memory_space<vmem>>)
    %parallel_loop3A_1285 = arith.constant 0 : i32
    %parallel_loop3A_1286 = arith.constant 512 : i32
    %parallel_loop3A_1287 = arith.constant 1 : i32
    scf.for %parallel_loop3A_1464 = %parallel_loop3A_1285 to %parallel_loop3A_1286 step %parallel_loop3A_1287  : i32 {
      %parallel_loop3A_1465 = arith.constant 64 : i32
      %parallel_loop3A_1466 = arith.divsi %parallel_loop3A_1464, %parallel_loop3A_1465 : i32
      %parallel_loop3A_1467 = arith.constant 0 : i32
      %parallel_loop3A_1468 = arith.cmpi sgt, %parallel_loop3A_1464, %parallel_loop3A_1467 : i32
      %parallel_loop3A_1469 = arith.extui %parallel_loop3A_1468 : i1 to i32
      %parallel_loop3A_1470 = arith.constant 0 : i32
      %parallel_loop3A_1471 = arith.cmpi slt, %parallel_loop3A_1464, %parallel_loop3A_1470 : i32
      %parallel_loop3A_1472 = arith.extui %parallel_loop3A_1471 : i1 to i32
      %parallel_loop3A_1473 = arith.subi %parallel_loop3A_1469, %parallel_loop3A_1472 : i32
      %parallel_loop3A_1474 = arith.constant 0 : i32
      %parallel_loop3A_1475 = arith.cmpi sgt, %parallel_loop3A_1465, %parallel_loop3A_1474 : i32
      %parallel_loop3A_1476 = arith.extui %parallel_loop3A_1475 : i1 to i32
      %parallel_loop3A_1477 = arith.constant 0 : i32
      %parallel_loop3A_1478 = arith.cmpi slt, %parallel_loop3A_1465, %parallel_loop3A_1477 : i32
      %parallel_loop3A_1479 = arith.extui %parallel_loop3A_1478 : i1 to i32
      %parallel_loop3A_1480 = arith.subi %parallel_loop3A_1476, %parallel_loop3A_1479 : i32
      %parallel_loop3A_1481 = arith.cmpi ne, %parallel_loop3A_1473, %parallel_loop3A_1480 : i32
      %parallel_loop3A_1482 = arith.remsi %parallel_loop3A_1464, %parallel_loop3A_1465 : i32
      %parallel_loop3A_1483 = arith.constant 0 : i32
      %parallel_loop3A_1484 = arith.cmpi ne, %parallel_loop3A_1482, %parallel_loop3A_1483 : i32
      %parallel_loop3A_1485 = arith.andi %parallel_loop3A_1481, %parallel_loop3A_1484 : i1
      %parallel_loop3A_1486 = arith.constant 1 : i32
      %parallel_loop3A_1487 = arith.subi %parallel_loop3A_1466, %parallel_loop3A_1486 : i32
      %parallel_loop3A_1488 = arith.select %parallel_loop3A_1485, %parallel_loop3A_1487, %parallel_loop3A_1466 : i32
      %parallel_loop3A_1489 = arith.constant 64 : i32
      %parallel_loop3A_1490 = arith.muli %parallel_loop3A_1488, %parallel_loop3A_1489 : i32
      %parallel_loop3A_1491 = arith.subi %parallel_loop3A_1464, %parallel_loop3A_1490 : i32
      %parallel_loop3A_1492 = arith.constant 16 : i32
      %parallel_loop3A_1493 = arith.muli %parallel_loop3A_1491, %parallel_loop3A_1492 : i32
      %parallel_loop3A_1494 = arith.index_cast %parallel_loop3A_1488 : i32 to index
      %parallel_loop3A_1495 = arith.index_cast %parallel_loop3A_1493 : i32 to index
      %parallel_loop3A_1496 = tpu.vector_load %arg11[%parallel_loop3A_1494, %parallel_loop3A_1495] {strides = array<i32>} : memref<8x1024xf32, #tpu.memory_space<vmem>>, vector<1x16xf32>,
      %parallel_loop3A_1497 = vector.shape_cast %parallel_loop3A_1496 : vector<1x16xf32> to vector<16xf32>
      %parallel_loop3A_1498 = arith.constant 0 : i32
      %parallel_loop3A_1499 = arith.addi %parallel_loop3A_1498, %parallel_loop3A_1488 : i32
      %parallel_loop3A_1500 = arith.index_cast %parallel_loop3A_1499 : i32 to index
      %parallel_loop3A_1501 = arith.index_cast %parallel_loop3A_1493 : i32 to index
      %parallel_loop3A_1502 = tpu.vector_load %arg8[%parallel_loop3A_1500, %parallel_loop3A_1501] {strides = array<i32>} : memref<32x1024xf32, #tpu.memory_space<vmem>>, vector<1x16xf32>,
      %parallel_loop3A_1503 = vector.shape_cast %parallel_loop3A_1502 : vector<1x16xf32> to vector<16xf32>
      %parallel_loop3A_1504 = arith.constant 3.200000e+01 : f32
      %parallel_loop3A_1505 = vector.broadcast %parallel_loop3A_1504 : f32 to vector<16xf32>
      %parallel_loop3A_1506 = arith.mulf %parallel_loop3A_1503, %parallel_loop3A_1505 : vector<16xf32>
      %parallel_loop3A_1507 = arith.addf %parallel_loop3A_1506, %parallel_loop3A_1497 : vector<16xf32>
      %parallel_loop3A_1508 = arith.index_cast %parallel_loop3A_1499 : i32 to index
      %parallel_loop3A_1509 = arith.index_cast %parallel_loop3A_1493 : i32 to index
      %parallel_loop3A_1510 = tpu.vector_load %arg8[%parallel_loop3A_1508, %parallel_loop3A_1509] {strides = array<i32>} : memref<32x1024xf32, #tpu.memory_space<vmem>>, vector<1x16xf32>,
      %parallel_loop3A_1511 = vector.shape_cast %parallel_loop3A_1510 : vector<1x16xf32> to vector<16xf32>
      %parallel_loop3A_1512 = vector.shape_cast %parallel_loop3A_1507 : vector<16xf32> to vector<1x16xf32>
      tpu.vector_store %arg8[%parallel_loop3A_1508, %parallel_loop3A_1509], %parallel_loop3A_1512 {strides = array<i32>} : memref<32x1024xf32, #tpu.memory_space<vmem>>, vector<1x16xf32>,
      %parallel_loop3A_1513 = arith.constant 8 : i32
      %parallel_loop3A_1514 = arith.addi %parallel_loop3A_1513, %parallel_loop3A_1488 : i32
      %parallel_loop3A_1515 = arith.index_cast %parallel_loop3A_1514 : i32 to index
      %parallel_loop3A_1516 = arith.index_cast %parallel_loop3A_1493 : i32 to index
      %parallel_loop3A_1517 = tpu.vector_load %arg8[%parallel_loop3A_1515, %parallel_loop3A_1516] {strides = array<i32>} : memref<32x1024xf32, #tpu.memory_space<vmem>>, vector<1x16xf32>,
      %parallel_loop3A_1518 = vector.shape_cast %parallel_loop3A_1517 : vector<1x16xf32> to vector<16xf32>
      %parallel_loop3A_1519 = arith.constant 3.200000e+01 : f32
      %parallel_loop3A_1520 = vector.broadcast %parallel_loop3A_1519 : f32 to vector<16xf32>
      %parallel_loop3A_1521 = arith.mulf %parallel_loop3A_1518, %parallel_loop3A_1520 : vector<16xf32>
      %parallel_loop3A_1522 = arith.addf %parallel_loop3A_1521, %parallel_loop3A_1497 : vector<16xf32>
      %parallel_loop3A_1523 = arith.index_cast %parallel_loop3A_1514 : i32 to index
      %parallel_loop3A_1524 = arith.index_cast %parallel_loop3A_1493 : i32 to index
      %parallel_loop3A_1525 = tpu.vector_load %arg8[%parallel_loop3A_1523, %parallel_loop3A_1524] {strides = array<i32>} : memref<32x1024xf32, #tpu.memory_space<vmem>>, vector<1x16xf32>,
      %parallel_loop3A_1526 = vector.shape_cast %parallel_loop3A_1525 : vector<1x16xf32> to vector<16xf32>
      %parallel_loop3A_1527 = vector.shape_cast %parallel_loop3A_1522 : vector<16xf32> to vector<1x16xf32>
      tpu.vector_store %arg8[%parallel_loop3A_1523, %parallel_loop3A_1524], %parallel_loop3A_1527 {strides = array<i32>} : memref<32x1024xf32, #tpu.memory_space<vmem>>, vector<1x16xf32>,
      %parallel_loop3A_1528 = arith.constant 16 : i32
      %parallel_loop3A_1529 = arith.addi %parallel_loop3A_1528, %parallel_loop3A_1488 : i32
      %parallel_loop3A_1530 = arith.index_cast %parallel_loop3A_1529 : i32 to index
      %parallel_loop3A_1531 = arith.index_cast %parallel_loop3A_1493 : i32 to index
      %parallel_loop3A_1532 = tpu.vector_load %arg8[%parallel_loop3A_1530, %parallel_loop3A_1531] {strides = array<i32>} : memref<32x1024xf32, #tpu.memory_space<vmem>>, vector<1x16xf32>,
      %parallel_loop3A_1533 = vector.shape_cast %parallel_loop3A_1532 : vector<1x16xf32> to vector<16xf32>
      %parallel_loop3A_1534 = arith.constant 3.200000e+01 : f32
      %parallel_loop3A_1535 = vector.broadcast %parallel_loop3A_1534 : f32 to vector<16xf32>
      %parallel_loop3A_1536 = arith.mulf %parallel_loop3A_1533, %parallel_loop3A_1535 : vector<16xf32>
      %parallel_loop3A_1537 = arith.addf %parallel_loop3A_1536, %parallel_loop3A_1497 : vector<16xf32>
      %parallel_loop3A_1538 = arith.index_cast %parallel_loop3A_1529 : i32 to index
      %parallel_loop3A_1539 = arith.index_cast %parallel_loop3A_1493 : i32 to index
      %parallel_loop3A_1540 = tpu.vector_load %arg8[%parallel_loop3A_1538, %parallel_loop3A_1539] {strides = array<i32>} : memref<32x1024xf32, #tpu.memory_space<vmem>>, vector<1x16xf32>,
      %parallel_loop3A_1541 = vector.shape_cast %parallel_loop3A_1540 : vector<1x16xf32> to vector<16xf32>
      %parallel_loop3A_1542 = vector.shape_cast %parallel_loop3A_1537 : vector<16xf32> to vector<1x16xf32>
      tpu.vector_store %arg8[%parallel_loop3A_1538, %parallel_loop3A_1539], %parallel_loop3A_1542 {strides = array<i32>} : memref<32x1024xf32, #tpu.memory_space<vmem>>, vector<1x16xf32>,
      %parallel_loop3A_1543 = arith.constant 24 : i32
      %parallel_loop3A_1544 = arith.addi %parallel_loop3A_1543, %parallel_loop3A_1488 : i32
      %parallel_loop3A_1545 = arith.index_cast %parallel_loop3A_1544 : i32 to index
      %parallel_loop3A_1546 = arith.index_cast %parallel_loop3A_1493 : i32 to index
      %parallel_loop3A_1547 = tpu.vector_load %arg8[%parallel_loop3A_1545, %parallel_loop3A_1546] {strides = array<i32>} : memref<32x1024xf32, #tpu.memory_space<vmem>>, vector<1x16xf32>,
      %parallel_loop3A_1548 = vector.shape_cast %parallel_loop3A_1547 : vector<1x16xf32> to vector<16xf32>
      %parallel_loop3A_1549 = arith.constant 3.200000e+01 : f32
      %parallel_loop3A_1550 = vector.broadcast %parallel_loop3A_1549 : f32 to vector<16xf32>
      %parallel_loop3A_1551 = arith.mulf %parallel_loop3A_1548, %parallel_loop3A_1550 : vector<16xf32>
      %parallel_loop3A_1552 = arith.addf %parallel_loop3A_1551, %parallel_loop3A_1497 : vector<16xf32>
      %parallel_loop3A_1553 = arith.index_cast %parallel_loop3A_1544 : i32 to index
      %parallel_loop3A_1554 = arith.index_cast %parallel_loop3A_1493 : i32 to index
      %parallel_loop3A_1555 = tpu.vector_load %arg8[%parallel_loop3A_1553, %parallel_loop3A_1554] {strides = array<i32>} : memref<32x1024xf32, #tpu.memory_space<vmem>>, vector<1x16xf32>,
      %parallel_loop3A_1556 = vector.shape_cast %parallel_loop3A_1555 : vector<1x16xf32> to vector<16xf32>
      %parallel_loop3A_1557 = vector.shape_cast %parallel_loop3A_1552 : vector<16xf32> to vector<1x16xf32>
      tpu.vector_store %arg8[%parallel_loop3A_1553, %parallel_loop3A_1554], %parallel_loop3A_1557 {strides = array<i32>} : memref<32x1024xf32, #tpu.memory_space<vmem>>, vector<1x16xf32>,
    } {sc.loop_unroll_factor = 4 : i64, sc.parallel_access}
    %add3A_1288 = arith.constant 0 : i32
    %add3A_1289 = arith.addi %add3A_1288, %mul3A_2 : i32
    %add3A_1290 = arith.constant 56 : i32
    %add3A_1291 = arith.addi %add3A_1289, %add3A_1290 : i32
    %dma_start3A_1292 = arith.constant 0 : i32
    %dma_start3A_1293 = arith.constant 0 : i32
    %dma_start3A_1294 = tpu.memref_slice %arg8[%dma_start3A_1292, %dma_start3A_1293] : memref<32x1024xf32, #tpu.memory_space<vmem>> -> memref<8x1024xf32, #tpu.memory_space<vmem>>
    %dma_start3A_1295 = arith.constant 0 : i32
    %dma_start3A_1296 = tpu.memref_slice %arg5[%add3A_1291, %dma_start3A_1295] : memref<8192x1024xf32, #tpu.memory_space<hbm>> -> memref<8x1024xf32, #tpu.memory_space<hbm>>
    %dma_start3A_1297 = arith.constant 0 : i32
    %dma_start3A_1298 = tpu.memref_slice %arg5[%add3A_1291, %dma_start3A_1297] : memref<8192x1024xf32, #tpu.memory_space<hbm>> -> memref<8x1024xf32, #tpu.memory_space<hbm>>
    %dma_start3A_1299 = arith.constant 0 : i32
    %dma_start3A_1300 = arith.constant 0 : i32
    %dma_start3A_1301 = tpu.memref_slice %arg8[%dma_start3A_1299, %dma_start3A_1300] : memref<32x1024xf32, #tpu.memory_space<vmem>> -> memref<8x1024xf32, #tpu.memory_space<vmem>>
    tpu.enqueue_dma source(%dma_start3A_1301 : memref<8x1024xf32, #tpu.memory_space<vmem>>) target(%dma_start3A_1298 : memref<8x1024xf32, #tpu.memory_space<hbm>>) target_semaphore(%arg21 : memref<!tpu.dma_semaphore, #tpu.memory_space<semaphore_mem>>)
    %add3A_1302 = arith.constant 2048 : i32
    %add3A_1303 = arith.addi %add3A_1302, %mul3A_2 : i32
    %add3A_1304 = arith.constant 56 : i32
    %add3A_1305 = arith.addi %add3A_1303, %add3A_1304 : i32
    %dma_start3A_1306 = arith.constant 8 : i32
    %dma_start3A_1307 = arith.constant 0 : i32
    %dma_start3A_1308 = tpu.memref_slice %arg8[%dma_start3A_1306, %dma_start3A_1307] : memref<32x1024xf32, #tpu.memory_space<vmem>> -> memref<8x1024xf32, #tpu.memory_space<vmem>>
    %dma_start3A_1309 = arith.constant 0 : i32
    %dma_start3A_1310 = tpu.memref_slice %arg5[%add3A_1305, %dma_start3A_1309] : memref<8192x1024xf32, #tpu.memory_space<hbm>> -> memref<8x1024xf32, #tpu.memory_space<hbm>>
    %dma_start3A_1311 = arith.constant 0 : i32
    %dma_start3A_1312 = tpu.memref_slice %arg5[%add3A_1305, %dma_start3A_1311] : memref<8192x1024xf32, #tpu.memory_space<hbm>> -> memref<8x1024xf32, #tpu.memory_space<hbm>>
    %dma_start3A_1313 = arith.constant 8 : i32
    %dma_start3A_1314 = arith.constant 0 : i32
    %dma_start3A_1315 = tpu.memref_slice %arg8[%dma_start3A_1313, %dma_start3A_1314] : memref<32x1024xf32, #tpu.memory_space<vmem>> -> memref<8x1024xf32, #tpu.memory_space<vmem>>
    tpu.enqueue_dma source(%dma_start3A_1315 : memref<8x1024xf32, #tpu.memory_space<vmem>>) target(%dma_start3A_1312 : memref<8x1024xf32, #tpu.memory_space<hbm>>) target_semaphore(%arg21 : memref<!tpu.dma_semaphore, #tpu.memory_space<semaphore_mem>>)
    %add3A_1316 = arith.constant 4096 : i32
    %add3A_1317 = arith.addi %add3A_1316, %mul3A_2 : i32
    %add3A_1318 = arith.constant 56 : i32
    %add3A_1319 = arith.addi %add3A_1317, %add3A_1318 : i32
    %dma_start3A_1320 = arith.constant 16 : i32
    %dma_start3A_1321 = arith.constant 0 : i32
    %dma_start3A_1322 = tpu.memref_slice %arg8[%dma_start3A_1320, %dma_start3A_1321] : memref<32x1024xf32, #tpu.memory_space<vmem>> -> memref<8x1024xf32, #tpu.memory_space<vmem>>
    %dma_start3A_1323 = arith.constant 0 : i32
    %dma_start3A_1324 = tpu.memref_slice %arg5[%add3A_1319, %dma_start3A_1323] : memref<8192x1024xf32, #tpu.memory_space<hbm>> -> memref<8x1024xf32, #tpu.memory_space<hbm>>
    %dma_start3A_1325 = arith.constant 0 : i32
    %dma_start3A_1326 = tpu.memref_slice %arg5[%add3A_1319, %dma_start3A_1325] : memref<8192x1024xf32, #tpu.memory_space<hbm>> -> memref<8x1024xf32, #tpu.memory_space<hbm>>
    %dma_start3A_1327 = arith.constant 16 : i32
    %dma_start3A_1328 = arith.constant 0 : i32
    %dma_start3A_1329 = tpu.memref_slice %arg8[%dma_start3A_1327, %dma_start3A_1328] : memref<32x1024xf32, #tpu.memory_space<vmem>> -> memref<8x1024xf32, #tpu.memory_space<vmem>>
    tpu.enqueue_dma source(%dma_start3A_1329 : memref<8x1024xf32, #tpu.memory_space<vmem>>) target(%dma_start3A_1326 : memref<8x1024xf32, #tpu.memory_space<hbm>>) target_semaphore(%arg21 : memref<!tpu.dma_semaphore, #tpu.memory_space<semaphore_mem>>)
    %add3A_1330 = arith.constant 6144 : i32
    %add3A_1331 = arith.addi %add3A_1330, %mul3A_2 : i32
    %add3A_1332 = arith.constant 56 : i32
    %add3A_1333 = arith.addi %add3A_1331, %add3A_1332 : i32
    %dma_start3A_1334 = arith.constant 24 : i32
    %dma_start3A_1335 = arith.constant 0 : i32
    %dma_start3A_1336 = tpu.memref_slice %arg8[%dma_start3A_1334, %dma_start3A_1335] : memref<32x1024xf32, #tpu.memory_space<vmem>> -> memref<8x1024xf32, #tpu.memory_space<vmem>>
    %dma_start3A_1337 = arith.constant 0 : i32
    %dma_start3A_1338 = tpu.memref_slice %arg5[%add3A_1333, %dma_start3A_1337] : memref<8192x1024xf32, #tpu.memory_space<hbm>> -> memref<8x1024xf32, #tpu.memory_space<hbm>>
    %dma_start3A_1339 = arith.constant 0 : i32
    %dma_start3A_1340 = tpu.memref_slice %arg5[%add3A_1333, %dma_start3A_1339] : memref<8192x1024xf32, #tpu.memory_space<hbm>> -> memref<8x1024xf32, #tpu.memory_space<hbm>>
    %dma_start3A_1341 = arith.constant 24 : i32
    %dma_start3A_1342 = arith.constant 0 : i32
    %dma_start3A_1343 = tpu.memref_slice %arg8[%dma_start3A_1341, %dma_start3A_1342] : memref<32x1024xf32, #tpu.memory_space<vmem>> -> memref<8x1024xf32, #tpu.memory_space<vmem>>
    tpu.enqueue_dma source(%dma_start3A_1343 : memref<8x1024xf32, #tpu.memory_space<vmem>>) target(%dma_start3A_1340 : memref<8x1024xf32, #tpu.memory_space<hbm>>) target_semaphore(%arg21 : memref<!tpu.dma_semaphore, #tpu.memory_space<semaphore_mem>>)
    %dma_wait3A_1344 = arith.constant 0 : i32
    %dma_wait3A_1345 = arith.constant 0 : i32
    %dma_wait3A_1346 = tpu.memref_slice %arg9[%dma_wait3A_1344, %dma_wait3A_1345] : memref<32x1024xf32, #tpu.memory_space<vmem>> -> memref<8x1024xf32, #tpu.memory_space<vmem>>
    %dma_wait3A_1347 = arith.constant 0 : i32
    %dma_wait3A_1348 = tpu.memref_slice %arg5[%add3A_1155, %dma_wait3A_1347] : memref<8192x1024xf32, #tpu.memory_space<hbm>> -> memref<8x1024xf32, #tpu.memory_space<hbm>>
    %dma_wait3A_1349 = arith.constant 0 : i32
    %dma_wait3A_1350 = tpu.memref_slice %arg5[%add3A_1155, %dma_wait3A_1349] : memref<8192x1024xf32, #tpu.memory_space<hbm>> -> memref<8x1024xf32, #tpu.memory_space<hbm>>
    %dma_wait3A_1351 = arith.constant 0 : i32
    %dma_wait3A_1352 = arith.constant 0 : i32
    %dma_wait3A_1353 = tpu.memref_slice %arg9[%dma_wait3A_1351, %dma_wait3A_1352] : memref<32x1024xf32, #tpu.memory_space<vmem>> -> memref<8x1024xf32, #tpu.memory_space<vmem>>
    tpu.wait_dma2 semaphore(%arg22 : memref<!tpu.dma_semaphore, #tpu.memory_space<semaphore_mem>>) src(%dma_wait3A_1353 : memref<8x1024xf32, #tpu.memory_space<vmem>>) dst(%dma_wait3A_1350 : memref<8x1024xf32, #tpu.memory_space<hbm>>)
    %dma_wait3A_1354 = arith.constant 8 : i32
    %dma_wait3A_1355 = arith.constant 0 : i32
    %dma_wait3A_1356 = tpu.memref_slice %arg9[%dma_wait3A_1354, %dma_wait3A_1355] : memref<32x1024xf32, #tpu.memory_space<vmem>> -> memref<8x1024xf32, #tpu.memory_space<vmem>>
    %dma_wait3A_1357 = arith.constant 0 : i32
    %dma_wait3A_1358 = tpu.memref_slice %arg5[%add3A_1169, %dma_wait3A_1357] : memref<8192x1024xf32, #tpu.memory_space<hbm>> -> memref<8x1024xf32, #tpu.memory_space<hbm>>
    %dma_wait3A_1359 = arith.constant 0 : i32
    %dma_wait3A_1360 = tpu.memref_slice %arg5[%add3A_1169, %dma_wait3A_1359] : memref<8192x1024xf32, #tpu.memory_space<hbm>> -> memref<8x1024xf32, #tpu.memory_space<hbm>>
    %dma_wait3A_1361 = arith.constant 8 : i32
    %dma_wait3A_1362 = arith.constant 0 : i32
    %dma_wait3A_1363 = tpu.memref_slice %arg9[%dma_wait3A_1361, %dma_wait3A_1362] : memref<32x1024xf32, #tpu.memory_space<vmem>> -> memref<8x1024xf32, #tpu.memory_space<vmem>>
    tpu.wait_dma2 semaphore(%arg22 : memref<!tpu.dma_semaphore, #tpu.memory_space<semaphore_mem>>) src(%dma_wait3A_1363 : memref<8x1024xf32, #tpu.memory_space<vmem>>) dst(%dma_wait3A_1360 : memref<8x1024xf32, #tpu.memory_space<hbm>>)
    %dma_wait3A_1364 = arith.constant 16 : i32
    %dma_wait3A_1365 = arith.constant 0 : i32
    %dma_wait3A_1366 = tpu.memref_slice %arg9[%dma_wait3A_1364, %dma_wait3A_1365] : memref<32x1024xf32, #tpu.memory_space<vmem>> -> memref<8x1024xf32, #tpu.memory_space<vmem>>
    %dma_wait3A_1367 = arith.constant 0 : i32
    %dma_wait3A_1368 = tpu.memref_slice %arg5[%add3A_1183, %dma_wait3A_1367] : memref<8192x1024xf32, #tpu.memory_space<hbm>> -> memref<8x1024xf32, #tpu.memory_space<hbm>>
    %dma_wait3A_1369 = arith.constant 0 : i32
    %dma_wait3A_1370 = tpu.memref_slice %arg5[%add3A_1183, %dma_wait3A_1369] : memref<8192x1024xf32, #tpu.memory_space<hbm>> -> memref<8x1024xf32, #tpu.memory_space<hbm>>
    %dma_wait3A_1371 = arith.constant 16 : i32
    %dma_wait3A_1372 = arith.constant 0 : i32
    %dma_wait3A_1373 = tpu.memref_slice %arg9[%dma_wait3A_1371, %dma_wait3A_1372] : memref<32x1024xf32, #tpu.memory_space<vmem>> -> memref<8x1024xf32, #tpu.memory_space<vmem>>
    tpu.wait_dma2 semaphore(%arg22 : memref<!tpu.dma_semaphore, #tpu.memory_space<semaphore_mem>>) src(%dma_wait3A_1373 : memref<8x1024xf32, #tpu.memory_space<vmem>>) dst(%dma_wait3A_1370 : memref<8x1024xf32, #tpu.memory_space<hbm>>)
    %dma_wait3A_1374 = arith.constant 24 : i32
    %dma_wait3A_1375 = arith.constant 0 : i32
    %dma_wait3A_1376 = tpu.memref_slice %arg9[%dma_wait3A_1374, %dma_wait3A_1375] : memref<32x1024xf32, #tpu.memory_space<vmem>> -> memref<8x1024xf32, #tpu.memory_space<vmem>>
    %dma_wait3A_1377 = arith.constant 0 : i32
    %dma_wait3A_1378 = tpu.memref_slice %arg5[%add3A_1197, %dma_wait3A_1377] : memref<8192x1024xf32, #tpu.memory_space<hbm>> -> memref<8x1024xf32, #tpu.memory_space<hbm>>
    %dma_wait3A_1379 = arith.constant 0 : i32
    %dma_wait3A_1380 = tpu.memref_slice %arg5[%add3A_1197, %dma_wait3A_1379] : memref<8192x1024xf32, #tpu.memory_space<hbm>> -> memref<8x1024xf32, #tpu.memory_space<hbm>>
    %dma_wait3A_1381 = arith.constant 24 : i32
    %dma_wait3A_1382 = arith.constant 0 : i32
    %dma_wait3A_1383 = tpu.memref_slice %arg9[%dma_wait3A_1381, %dma_wait3A_1382] : memref<32x1024xf32, #tpu.memory_space<vmem>> -> memref<8x1024xf32, #tpu.memory_space<vmem>>
    tpu.wait_dma2 semaphore(%arg22 : memref<!tpu.dma_semaphore, #tpu.memory_space<semaphore_mem>>) src(%dma_wait3A_1383 : memref<8x1024xf32, #tpu.memory_space<vmem>>) dst(%dma_wait3A_1380 : memref<8x1024xf32, #tpu.memory_space<hbm>>)
    %dma_wait3A_1384 = arith.constant 0 : i32
    %dma_wait3A_1385 = arith.constant 0 : i32
    %dma_wait3A_1386 = tpu.memref_slice %arg7[%dma_wait3A_1384, %dma_wait3A_1385] : memref<32x1024xf32, #tpu.memory_space<vmem>> -> memref<8x1024xf32, #tpu.memory_space<vmem>>
    %dma_wait3A_1387 = arith.constant 0 : i32
    %dma_wait3A_1388 = tpu.memref_slice %arg5[%add3A_1223, %dma_wait3A_1387] : memref<8192x1024xf32, #tpu.memory_space<hbm>> -> memref<8x1024xf32, #tpu.memory_space<hbm>>
    %dma_wait3A_1389 = arith.constant 0 : i32
    %dma_wait3A_1390 = tpu.memref_slice %arg5[%add3A_1223, %dma_wait3A_1389] : memref<8192x1024xf32, #tpu.memory_space<hbm>> -> memref<8x1024xf32, #tpu.memory_space<hbm>>
    %dma_wait3A_1391 = arith.constant 0 : i32
    %dma_wait3A_1392 = arith.constant 0 : i32
    %dma_wait3A_1393 = tpu.memref_slice %arg7[%dma_wait3A_1391, %dma_wait3A_1392] : memref<32x1024xf32, #tpu.memory_space<vmem>> -> memref<8x1024xf32, #tpu.memory_space<vmem>>
    tpu.wait_dma2 semaphore(%arg20 : memref<!tpu.dma_semaphore, #tpu.memory_space<semaphore_mem>>) src(%dma_wait3A_1393 : memref<8x1024xf32, #tpu.memory_space<vmem>>) dst(%dma_wait3A_1390 : memref<8x1024xf32, #tpu.memory_space<hbm>>)
    %dma_wait3A_1394 = arith.constant 8 : i32
    %dma_wait3A_1395 = arith.constant 0 : i32
    %dma_wait3A_1396 = tpu.memref_slice %arg7[%dma_wait3A_1394, %dma_wait3A_1395] : memref<32x1024xf32, #tpu.memory_space<vmem>> -> memref<8x1024xf32, #tpu.memory_space<vmem>>
    %dma_wait3A_1397 = arith.constant 0 : i32
    %dma_wait3A_1398 = tpu.memref_slice %arg5[%add3A_1237, %dma_wait3A_1397] : memref<8192x1024xf32, #tpu.memory_space<hbm>> -> memref<8x1024xf32, #tpu.memory_space<hbm>>
    %dma_wait3A_1399 = arith.constant 0 : i32
    %dma_wait3A_1400 = tpu.memref_slice %arg5[%add3A_1237, %dma_wait3A_1399] : memref<8192x1024xf32, #tpu.memory_space<hbm>> -> memref<8x1024xf32, #tpu.memory_space<hbm>>
    %dma_wait3A_1401 = arith.constant 8 : i32
    %dma_wait3A_1402 = arith.constant 0 : i32
    %dma_wait3A_1403 = tpu.memref_slice %arg7[%dma_wait3A_1401, %dma_wait3A_1402] : memref<32x1024xf32, #tpu.memory_space<vmem>> -> memref<8x1024xf32, #tpu.memory_space<vmem>>
    tpu.wait_dma2 semaphore(%arg20 : memref<!tpu.dma_semaphore, #tpu.memory_space<semaphore_mem>>) src(%dma_wait3A_1403 : memref<8x1024xf32, #tpu.memory_space<vmem>>) dst(%dma_wait3A_1400 : memref<8x1024xf32, #tpu.memory_space<hbm>>)
    %dma_wait3A_1404 = arith.constant 16 : i32
    %dma_wait3A_1405 = arith.constant 0 : i32
    %dma_wait3A_1406 = tpu.memref_slice %arg7[%dma_wait3A_1404, %dma_wait3A_1405] : memref<32x1024xf32, #tpu.memory_space<vmem>> -> memref<8x1024xf32, #tpu.memory_space<vmem>>
    %dma_wait3A_1407 = arith.constant 0 : i32
    %dma_wait3A_1408 = tpu.memref_slice %arg5[%add3A_1251, %dma_wait3A_1407] : memref<8192x1024xf32, #tpu.memory_space<hbm>> -> memref<8x1024xf32, #tpu.memory_space<hbm>>
    %dma_wait3A_1409 = arith.constant 0 : i32
    %dma_wait3A_1410 = tpu.memref_slice %arg5[%add3A_1251, %dma_wait3A_1409] : memref<8192x1024xf32, #tpu.memory_space<hbm>> -> memref<8x1024xf32, #tpu.memory_space<hbm>>
    %dma_wait3A_1411 = arith.constant 16 : i32
    %dma_wait3A_1412 = arith.constant 0 : i32
    %dma_wait3A_1413 = tpu.memref_slice %arg7[%dma_wait3A_1411, %dma_wait3A_1412] : memref<32x1024xf32, #tpu.memory_space<vmem>> -> memref<8x1024xf32, #tpu.memory_space<vmem>>
    tpu.wait_dma2 semaphore(%arg20 : memref<!tpu.dma_semaphore, #tpu.memory_space<semaphore_mem>>) src(%dma_wait3A_1413 : memref<8x1024xf32, #tpu.memory_space<vmem>>) dst(%dma_wait3A_1410 : memref<8x1024xf32, #tpu.memory_space<hbm>>)
    %dma_wait3A_1414 = arith.constant 24 : i32
    %dma_wait3A_1415 = arith.constant 0 : i32
    %dma_wait3A_1416 = tpu.memref_slice %arg7[%dma_wait3A_1414, %dma_wait3A_1415] : memref<32x1024xf32, #tpu.memory_space<vmem>> -> memref<8x1024xf32, #tpu.memory_space<vmem>>
    %dma_wait3A_1417 = arith.constant 0 : i32
    %dma_wait3A_1418 = tpu.memref_slice %arg5[%add3A_1265, %dma_wait3A_1417] : memref<8192x1024xf32, #tpu.memory_space<hbm>> -> memref<8x1024xf32, #tpu.memory_space<hbm>>
    %dma_wait3A_1419 = arith.constant 0 : i32
    %dma_wait3A_1420 = tpu.memref_slice %arg5[%add3A_1265, %dma_wait3A_1419] : memref<8192x1024xf32, #tpu.memory_space<hbm>> -> memref<8x1024xf32, #tpu.memory_space<hbm>>
    %dma_wait3A_1421 = arith.constant 24 : i32
    %dma_wait3A_1422 = arith.constant 0 : i32
    %dma_wait3A_1423 = tpu.memref_slice %arg7[%dma_wait3A_1421, %dma_wait3A_1422] : memref<32x1024xf32, #tpu.memory_space<vmem>> -> memref<8x1024xf32, #tpu.memory_space<vmem>>
    tpu.wait_dma2 semaphore(%arg20 : memref<!tpu.dma_semaphore, #tpu.memory_space<semaphore_mem>>) src(%dma_wait3A_1423 : memref<8x1024xf32, #tpu.memory_space<vmem>>) dst(%dma_wait3A_1420 : memref<8x1024xf32, #tpu.memory_space<hbm>>)
    %dma_wait3A_1424 = arith.constant 0 : i32
    %dma_wait3A_1425 = arith.constant 0 : i32
    %dma_wait3A_1426 = tpu.memref_slice %arg8[%dma_wait3A_1424, %dma_wait3A_1425] : memref<32x1024xf32, #tpu.memory_space<vmem>> -> memref<8x1024xf32, #tpu.memory_space<vmem>>
    %dma_wait3A_1427 = arith.constant 0 : i32
    %dma_wait3A_1428 = tpu.memref_slice %arg5[%add3A_1291, %dma_wait3A_1427] : memref<8192x1024xf32, #tpu.memory_space<hbm>> -> memref<8x1024xf32, #tpu.memory_space<hbm>>
    %dma_wait3A_1429 = arith.constant 0 : i32
    %dma_wait3A_1430 = tpu.memref_slice %arg5[%add3A_1291, %dma_wait3A_1429] : memref<8192x1024xf32, #tpu.memory_space<hbm>> -> memref<8x1024xf32, #tpu.memory_space<hbm>>
    %dma_wait3A_1431 = arith.constant 0 : i32
    %dma_wait3A_1432 = arith.constant 0 : i32
    %dma_wait3A_1433 = tpu.memref_slice %arg8[%dma_wait3A_1431, %dma_wait3A_1432] : memref<32x1024xf32, #tpu.memory_space<vmem>> -> memref<8x1024xf32, #tpu.memory_space<vmem>>
    tpu.wait_dma2 semaphore(%arg21 : memref<!tpu.dma_semaphore, #tpu.memory_space<semaphore_mem>>) src(%dma_wait3A_1433 : memref<8x1024xf32, #tpu.memory_space<vmem>>) dst(%dma_wait3A_1430 : memref<8x1024xf32, #tpu.memory_space<hbm>>)
    %dma_wait3A_1434 = arith.constant 8 : i32
    %dma_wait3A_1435 = arith.constant 0 : i32
    %dma_wait3A_1436 = tpu.memref_slice %arg8[%dma_wait3A_1434, %dma_wait3A_1435] : memref<32x1024xf32, #tpu.memory_space<vmem>> -> memref<8x1024xf32, #tpu.memory_space<vmem>>
    %dma_wait3A_1437 = arith.constant 0 : i32
    %dma_wait3A_1438 = tpu.memref_slice %arg5[%add3A_1305, %dma_wait3A_1437] : memref<8192x1024xf32, #tpu.memory_space<hbm>> -> memref<8x1024xf32, #tpu.memory_space<hbm>>
    %dma_wait3A_1439 = arith.constant 0 : i32
    %dma_wait3A_1440 = tpu.memref_slice %arg5[%add3A_1305, %dma_wait3A_1439] : memref<8192x1024xf32, #tpu.memory_space<hbm>> -> memref<8x1024xf32, #tpu.memory_space<hbm>>
    %dma_wait3A_1441 = arith.constant 8 : i32
    %dma_wait3A_1442 = arith.constant 0 : i32
    %dma_wait3A_1443 = tpu.memref_slice %arg8[%dma_wait3A_1441, %dma_wait3A_1442] : memref<32x1024xf32, #tpu.memory_space<vmem>> -> memref<8x1024xf32, #tpu.memory_space<vmem>>
    tpu.wait_dma2 semaphore(%arg21 : memref<!tpu.dma_semaphore, #tpu.memory_space<semaphore_mem>>) src(%dma_wait3A_1443 : memref<8x1024xf32, #tpu.memory_space<vmem>>) dst(%dma_wait3A_1440 : memref<8x1024xf32, #tpu.memory_space<hbm>>)
    %dma_wait3A_1444 = arith.constant 16 : i32
    %dma_wait3A_1445 = arith.constant 0 : i32
    %dma_wait3A_1446 = tpu.memref_slice %arg8[%dma_wait3A_1444, %dma_wait3A_1445] : memref<32x1024xf32, #tpu.memory_space<vmem>> -> memref<8x1024xf32, #tpu.memory_space<vmem>>
    %dma_wait3A_1447 = arith.constant 0 : i32
    %dma_wait3A_1448 = tpu.memref_slice %arg5[%add3A_1319, %dma_wait3A_1447] : memref<8192x1024xf32, #tpu.memory_space<hbm>> -> memref<8x1024xf32, #tpu.memory_space<hbm>>
    %dma_wait3A_1449 = arith.constant 0 : i32
    %dma_wait3A_1450 = tpu.memref_slice %arg5[%add3A_1319, %dma_wait3A_1449] : memref<8192x1024xf32, #tpu.memory_space<hbm>> -> memref<8x1024xf32, #tpu.memory_space<hbm>>
    %dma_wait3A_1451 = arith.constant 16 : i32
    %dma_wait3A_1452 = arith.constant 0 : i32
    %dma_wait3A_1453 = tpu.memref_slice %arg8[%dma_wait3A_1451, %dma_wait3A_1452] : memref<32x1024xf32, #tpu.memory_space<vmem>> -> memref<8x1024xf32, #tpu.memory_space<vmem>>
    tpu.wait_dma2 semaphore(%arg21 : memref<!tpu.dma_semaphore, #tpu.memory_space<semaphore_mem>>) src(%dma_wait3A_1453 : memref<8x1024xf32, #tpu.memory_space<vmem>>) dst(%dma_wait3A_1450 : memref<8x1024xf32, #tpu.memory_space<hbm>>)
    %dma_wait3A_1454 = arith.constant 24 : i32
    %dma_wait3A_1455 = arith.constant 0 : i32
    %dma_wait3A_1456 = tpu.memref_slice %arg8[%dma_wait3A_1454, %dma_wait3A_1455] : memref<32x1024xf32, #tpu.memory_space<vmem>> -> memref<8x1024xf32, #tpu.memory_space<vmem>>
    %dma_wait3A_1457 = arith.constant 0 : i32
    %dma_wait3A_1458 = tpu.memref_slice %arg5[%add3A_1333, %dma_wait3A_1457] : memref<8192x1024xf32, #tpu.memory_space<hbm>> -> memref<8x1024xf32, #tpu.memory_space<hbm>>
    %dma_wait3A_1459 = arith.constant 0 : i32
    %dma_wait3A_1460 = tpu.memref_slice %arg5[%add3A_1333, %dma_wait3A_1459] : memref<8192x1024xf32, #tpu.memory_space<hbm>> -> memref<8x1024xf32, #tpu.memory_space<hbm>>
    %dma_wait3A_1461 = arith.constant 24 : i32
    %dma_wait3A_1462 = arith.constant 0 : i32
    %dma_wait3A_1463 = tpu.memref_slice %arg8[%dma_wait3A_1461, %dma_wait3A_1462] : memref<32x1024xf32, #tpu.memory_space<vmem>> -> memref<8x1024xf32, #tpu.memory_space<vmem>>
    tpu.wait_dma2 semaphore(%arg21 : memref<!tpu.dma_semaphore, #tpu.memory_space<semaphore_mem>>) src(%dma_wait3A_1463 : memref<8x1024xf32, #tpu.memory_space<vmem>>) dst(%dma_wait3A_1460 : memref<8x1024xf32, #tpu.memory_space<hbm>>)
    return
  }
}

</mosaic_0001>

<sc_bundles>
// kernel: kernel.3.cloned.1.call-start
scs
__scs_entry_jumppad:
0x0: {  	(pc) =	sbr.rel $0x88, $3  }
0x1: {  	(tag) =	ssettag $0x0;
	lr =	simm.s32 $0x1  }
0x2: {  	[smem:$0x3F9E] =	sst lr;
	_ =	strace $0xD0000000  }
0x3: {  	_ = 	snop  }
0x4: {  	_ = 	snop  }
0x5: {  	_ = 	snop  }
0x6: {  	_ = 	snop  }
0x7: {  	_ = 	snop  }
__scs_overlays_trampoline_lowered:
0x8: {  	[smem:$0x3FAD] =	sst s0  }
0x9: {  	[smem:$0x3FAE] =	sst s1  }
0xa: {  	[smem:$0x3FAF] =	sst s2  }
0xb: {  	[smem:$0x3FB0] =	sst s3  }
0xc: {  	[smem:$0x3FB1] =	sst s4  }
0xd: {  	[smem:$0x3FB2] =	sst s5  }
0xe: {  	[smem:$0x3FB3] =	sst s6  }
0xf: {  	[smem:$0x3FB4] =	sst s7  }
0x10: {  	[smem:$0x3FB5] =	sst s8  }
0x11: {  	[smem:$0x3FB6] =	sst s9;
	s0 =	simm.s32 @!p0 $0x0  }
0x12: {  	s1 =	sld [smem:$0x3F9C];
	s0 =	simm.s32 @p0 $0x1  }
0x13: {  	[smem:$0x3FB7] =	sst s0;
	s0 =	simm.s32 @!p1 $0x0  }
0x14: {  	s2 =	sld [smem:$0x3F9B];
	s0 =	simm.s32 @p1 $0x1  }
0x15: {  	[smem:$0x3FB8] =	sst s0;
	s0 =	simm.s32 @!p2 $0x0  }
0x16: {  	s3 =	sld [smem:$0x3FDB];
	s0 =	simm.s32 @p2 $0x1  }
0x17: {  	s4 =	simm.s32 $0x1BF5;
	[smem:$0x3FBA] =	sst s0  }
0x18: {  	s0 =	sld [smem:$0x3F9D];
	_ =	swait.ge [sflag:s4], $0x0  }
0x19: {  	s7 =	sld [smem:$0x3F9E]  }
0x1a: {  	s8 =	sadd.s32 $0xFFFFE003, lr  }
0x1b: {  	s9 =	sadd.s32 $0xFFFFFEF7, lr;
	s5 =	simm.s32 $0xFFFFFFFF;
	p2 =	slt.u32 s8, $0xFFFFF086  }
0x1c: {  	p1 =	slt.u32 s9, $0xF7A;
	s5 =	simm.s32 @!p2 $0x0  }
0x1d: {  	s5 =	simm.s32 @p1 $0x1;
	p0 =	seq.s32 s7, s2  }
0x1e: {  	s7 =	smul.u32 @!p0 $0xF7A, s2;
	p2 =	seq.s32 @!p0 s5, $0x0  }
0x1f: {  	s9 =	smul.u32 $0xF7A, s1;
	s8 =	simm.s32 @!p0 $0x1BF5;
	p2 =	por !p2, p0  }
0x20: {  	[sflag:s8] =	ssyncset.s32 @!p0 $0xFFFFF086;
	s6 =	sadd.s32 @!p0 s3, s7;
	s7 =	simm.s32 @!p0 $0x108  }
0x21: {  	s3 =	sadd.s32 s3, s9;
	s6 =	sadd.s32 @!p0 $0x88, s6;
	s7 =	simm.s32 @p2 $0x1082  }
0x22: {  	[simem:s7], [sflag:s8] =	dma.local @!p0 [hbm:s6], $0xF7A  }
0x23: {  	s9 =	sor.u32 $0xD0000000, s2;
	s6 =	simm.s32 $0x108;
	_ =	swait.ge @!p0 [sflag:s8], $0x0  }
0x24: {  	s3 =	sadd.s32 $0x88, s3;
	s6 =	simm.s32 @!p1 $0x1082;
	[sflag:s4] =	ssyncset.s32 $0xFFFFF086  }
0x25: {  	[simem:s6], [sflag:s4] =	dma.local [hbm:s3], $0xF7A  }
0x26: {  	[smem:$0x3F9E] =	sst s1;
	(tag) =	ssettag s2;
	_ =	strace s9  }
0x27: {  	s1 =	sld [smem:$0x3FAE]  }
0x28: {  	s2 =	sld [smem:$0x3FAF]  }
0x29: {  	s4 =	sld [smem:$0x3FB1]  }
0x2a: {  	p0 =	seq.s32 s5, $0x0;
	s5 =	sld [smem:$0x3FB2]  }
0x2b: {  	s6 =	sld [smem:$0x3FB3]  }
0x2c: {  	s7 =	sld [smem:$0x3FB4]  }
0x2d: {  	s3 =	simm.s32 $0x108;
	s8 =	sld [smem:$0x3FB5]  }
0x2e: {  	s3 =	simm.s32 @!p0 $0x1082;
	s9 =	sld [smem:$0x3FB6]  }
0x2f: {  	lr =	sadd.s32 s0, s3;
	s0 =	sld [smem:$0x3FAD]  }
0x30: {  	s3 =	sld [smem:$0x3FB0]  }
0x31: {  	[smem:$0x3FB9] =	sst s10  }
0x32: {  	s10 =	sld [smem:$0x3FB7];
	_ =	sdelay $0x3  }
0x33: {  	p0 =	seq.s32 s10, $0x1;
	s10 =	sld [smem:$0x3FB9];
	_ =	sdelay $0x3  }
0x34: {  	[smem:$0x3FB9] =	sst s10  }
0x35: {  	s10 =	sld [smem:$0x3FB8];
	_ =	sdelay $0x3  }
0x36: {  	p1 =	seq.s32 s10, $0x1;
	s10 =	sld [smem:$0x3FB9];
	_ =	sdelay $0x3  }
0x37: {  	[smem:$0x3FB9] =	sst s10  }
0x38: {  	s10 =	sld [smem:$0x3FBA]  }
0x39: {  	_ = 	snop;
	(pc) =	sbr.ind lr, $3  }
0x3a: {  	_ = 	snop  }
0x3b: {  	_ = 	snop  }
0x3c: {  	p2 =	seq.s32 s10, $0x1;
	s10 =	sld [smem:$0x3FB9]  }
0x3d: {  	_ =	shalt  }
0x3e: {  	_ =	shalt  }
0x3f: {  	_ =	shalt  }
0x40: {  	_ =	shalt  }
0x41: {  	_ =	shalt  }
0x42: {  	_ =	shalt  }
0x43: {  	_ =	shalt  }
0x44: {  	_ =	shalt  }
0x45: {  	_ =	shalt  }
0x46: {  	_ =	shalt  }
0x47: {  	_ =	shalt  }
0x48: {  	_ =	shalt  }
0x49: {  	_ =	shalt  }
0x4a: {  	_ =	shalt  }
0x4b: {  	_ =	shalt  }
0x4c: {  	_ =	shalt  }
0x4d: {  	_ =	shalt  }
0x4e: {  	_ =	shalt  }
0x4f: {  	_ =	shalt  }
0x50: {  	_ =	shalt  }
0x51: {  	_ =	shalt  }
0x52: {  	_ =	shalt  }
0x53: {  	_ =	shalt  }
0x54: {  	_ =	shalt  }
0x55: {  	_ =	shalt  }
0x56: {  	_ =	shalt  }
0x57: {  	_ =	shalt  }
0x58: {  	_ =	shalt  }
0x59: {  	_ =	shalt  }
0x5a: {  	_ =	shalt  }
0x5b: {  	_ =	shalt  }
0x5c: {  	_ =	shalt  }
0x5d: {  	_ =	shalt  }
0x5e: {  	_ =	shalt  }
0x5f: {  	_ =	shalt  }
0x60: {  	_ =	shalt  }
0x61: {  	_ =	shalt  }
0x62: {  	_ =	shalt  }
0x63: {  	_ =	shalt  }
0x64: {  	_ =	shalt  }
0x65: {  	_ =	shalt  }
0x66: {  	_ =	shalt  }
0x67: {  	_ =	shalt  }
0x68: {  	_ =	shalt  }
0x69: {  	_ =	shalt  }
0x6a: {  	_ =	shalt  }
0x6b: {  	_ =	shalt  }
0x6c: {  	_ =	shalt  }
0x6d: {  	_ =	shalt  }
0x6e: {  	_ =	shalt  }
0x6f: {  	_ =	shalt  }
0x70: {  	_ =	shalt  }
0x71: {  	_ =	shalt  }
0x72: {  	_ =	shalt  }
0x73: {  	_ =	shalt  }
0x74: {  	_ =	shalt  }
0x75: {  	_ =	shalt  }
0x76: {  	_ =	shalt  }
0x77: {  	_ =	shalt  }
0x78: {  	_ =	shalt  }
0x79: {  	_ =	shalt  }
0x7a: {  	_ =	shalt  }
0x7b: {  	_ =	shalt  }
0x7c: {  	_ =	shalt  }
0x7d: {  	_ =	shalt  }
0x7e: {  	_ =	shalt  }
0x7f: {  	_ =	shalt  }
0x80: {  	_ =	shalt  }
0x81: {  	_ =	shalt  }
0x82: {  	_ =	shalt  }
0x83: {  	_ =	shalt  }
0x84: {  	_ =	shalt  }
0x85: {  	_ =	shalt  }
0x86: {  	_ =	shalt  }
0x87: {  	_ =	shalt  }
.Lfunc_end0:
.L_simem_size_0:
called_computation_lowered:
.L_overlay_start_0:
0x88: {  	s2 =	sld [smem:$0x3FD9]  }
0x89: {  	s3 =	sld [smem:$0x3FFE];
	_ =	sdelay $0x1  }
0x8a: {  	s1 =	srdreg.scid  }
0x8b: {  	s0 =	sand.u32 $0x1, s1  }
0x8c: {  	s17 =	sshll.u32 s0, $0xA;
	s2 =	sadd.s32 s3, s2  }
0x8d: {  	s2 =	sadd.s32 s2, s17  }
0x8e: {  	[smem:$0x3FC5] =	sst s2  }
0x8f: {  	_ = 	snop  }
0x90: {  	s2 =	sld [smem:$0x3FC8]  }
0x91: {  	s18 =	sld [smem:$0x3FC7]  }
0x92: {  	s4 =	sld [smem:$0x3FD0];
	(tm) =	ssettm $0x1  }
0x93: {  	s5 =	sld [smem:$0x3FFB];
	_ =	sdelay $0x3  }
0x94: {  	_ =	strace s5  }
0x95: {  	s5 =	sld [smem:$0x3FFC];
	_ =	sdelay $0x3  }
0x96: {  	_ =	strace s5  }
0x97: {  	s5 =	sld [smem:$0x3FFD];
	_ =	sdelay $0x3  }
0x98: {  	_ =	strace s5  }
0x99: {  	_ =	strace $0x8FFFFFFF  }
0x9a: {  	s19 =	sld [smem:$0x3FDB];
	_ =	sdelay $0x1  }
0x9b: {  	s6 =	simm.s32 $_scs_section_size  }
0x9c: {  	s7 =	simm.s32 $_size__tile_overlayer_lowered;
	s8 =	simm.s32 $_tile_overlayer_lowered  }
0x9d: {  	s22 =	simm.s32 $0x1BFF;
	s21 =	sshll.u32 s8, $0x1;
	s5 =	sadd.s32 s6, s19  }
0x9e: {  	s9 =	simm.s32 $0x0;
	s20 =	sshll.u32 s7, $0x1;
	s7 =	sadd.s32 s21, s5  }
0x9f: {  	[timem:s9], [sflag:s22] =	dma.local [hbm:s7], s20  }
0xa0: {  	_ =	swait.ge [sflag:s22], s20  }
0xa1: {  	s6 =	ssub.s32 $0x0, s20;
	[sflag:s22] =	ssyncset.done $0x0  }
0xa2: {  	[sflag:s22] =	ssyncadd.s32 s6;
	_ =	sdelay $0x1  }
0xa3: {  	s23 =	simm.s32 $0x1B8B  }
0xa4: {  	_ =	swait.ge [sflag:s23], $0x1  }
0xa5: {  	[sflag:s23] =	ssyncset.done $0x0  }
0xa6: {  	s25 =	simm.s32 $0x1B8E;
	s24 =	sld [smem:$0x3FFE];
	[sflag:s23] =	ssyncadd.s32 $0xFFFFFFFF  }
0xa7: {  	s26 =	simm.s32 $execute0_lowered;
	[smem:$0x3FD2] =	sst s25  }
0xa8: {  	s7 =	sshll.u32 s26, $0x1;
	_ =	strace $0x80000046;
	[dreg:$0x1] =	wrdreg $0xFFFFFFFF  }
0xa9: {  	s28 =	simm.s32 $_size_execute0_lowered;
	s5 =	sadd.s32 s5, s7;
	[dreg:$0x0] =	wrdreg $0x0  }
0xaa: {  	s7 =	sshll.u32 s28, $0x1;
	[dreg:$0x2] =	wrdreg s5  }
0xab: {  	[dreg:$0x3] =	wrdreg s7  }
0xac: {  	[dreg:$0x4] =	wrdreg $0xC0  }
0xad: {  	_ =	task [dreg:s9], $0x5FFFF  }
0xae: {  	[dreg:$0x1] =	wrdreg $0xFFFFFFFF  }
0xaf: {  	[dreg:$0x0] =	wrdreg $0x60  }
0xb0: {  	[dreg:$0x2] =	wrdreg s24  }
0xb1: {  	[dreg:$0x3] =	wrdreg s2  }
0xb2: {  	[dreg:$0x4] =	wrdreg s18  }
0xb3: {  	[dreg:$0x5] =	wrdreg s4  }
0xb4: {  	[dreg:$0x6] =	wrdreg $0x9  }
0xb5: {  	_ =	task.clear_ibuf [dreg:s9], $0x7FFFF;
	_ =	strace $0x90000046  }
0xb6: {  	s29 =	simm.s32 $0x9;
	_ =	strace $0x80000048  }
0xb7: {  	_ =	swait.ge [sflag:s29], $0x1  }
0xb8: {  	[sflag:s29] =	ssyncadd.s32 $0xFFFFFFFF  }
0xb9: {  	_ =	strace $0x90000048  }
0xba: {  	_ =	sfence  }
0xbb: {  	s30 =	sld [smem:$0x0];
	_ =	sdelay $0x2  }
0xbc: {  	s31 =	sshll.u32 s1, $0xD;
	s1 =	sshrl.u32 s1, $0x2  }
0xbd: {  	s3 =	sand.u32 $0x4000, s31;
	s1 =	sadd.s32 s1, s30  }
0xbe: {  	s0 =	sor.u32 s3, s0;
	s1 =	sshll.u32 s1, $0x11  }
0xbf: {  	s0 =	sor.u32 s1, s0  }
0xc0: {  	s0 =	sadd.s32 $0x8F2B, s0  }
0xc1: {  	[sflag:s0] =	ssyncadd.remote.s32 $0x1  }
0xc2: {  	_ =	sfence.sel $0xFFFF  }
0xc3: {  	[dreg:$0x0] =	wrdreg $0xFFFFFFFF;
	(pc) =	sbr.abs _section_cstart, $3  }
0xc4: {  	[dreg:$0x1] =	wrdreg $0xFFFFFFFF  }
0xc5: {  	_ =	task.clear_ibuf [dreg:s9], $0x2FFFF;
	_ =	strace $0x9FFFFFFF  }
0xc6: {  	(tm) =	ssettm $0x7FFFFFFF  }
0xc7: {  	_ =	shalt  }
tec
execute0_lowered:
.L_overlay_start_1:
0x0: {  	(tag) =	ssettag $0x1  }
0x1: {  	s0 =	rddreg [dreg:$0x0];
	s1 =	srdreg.scid;
	s3 =	simm.s32 $0x0  }
0x2: {  	s2 =	stileid.u32;
	s1 =	sand.u32 $0x1, s1;
	[smem:$0x7FF] =	sst s3  }
0x3: {  	s2 =	sshll.u32 s2, $0x7;
	s4 =	sshll.u32 s1, $0x6;
	s7 =	ssub.s32 $0x2, s1  }
0x4: {  	s3 =	sadd.s32 $0x400, s0;
	s6 =	sor.u32 s4, s2;
	s1 =	sshrl.u32 s7, $0x1  }
0x5: {  	s2 =	sshrl.u32 s6, $0x3;
	s4 =	sor.u32 $0x800, s6;
	s0 =	ssub.s32 s7, s1  }
0x6: {  	s10 =	sor.u32 $0x1000, s6;
	s11 =	sor.u32 $0x1800, s6;
	s18 =	sor.u32 $0x8, s6  }
0x7: {  	s14 =	sor.u32 $0x1008, s6;
	s30 =	sor.u32 $0x10, s6;
	[smem:$0x7CF] =	sst s4  }
0x8: {  	s31 =	sor.u32 $0x18, s6;
	s7 =	sor.u32 $0x20, s6;
	[smem:$0x7F9] =	sst s0  }
0x9: {  	s8 =	sadd.s32 s3, s2;
	s9 =	sshrl.u32 s4, $0x3;
	[smem:$0x7D1] =	sst s10  }
0xa: {  	[smem:$0x7D2] =	sst s11;
	s1 =	sshrl.u32 s11, $0x3;
	s13 =	sshrl.u32 s18, $0x3  }
0xb: {  	[smem:$0x7D8] =	sst s14;
	s19 =	sshrl.u32 s30, $0x3;
	s11 =	sor.u32 $0x1010, s6  }
0xc: {  	s24 =	sshrl.u32 s31, $0x3;
	s2 =	sshrl.u32 s7, $0x3;
	[dreg:$0x17] =	wrdreg s8  }
0xd: {  	s0 =	sadd.s32 s3, s9;
	s12 =	sadd.s32 s3, s1;
	s8 =	sor.u32 $0x808, s6  }
0xe: {  	s1 =	sshrl.u32 s14, $0x3;
	s9 =	sor.u32 $0x1808, s6;
	s22 =	sshrl.u32 s11, $0x3  }
0xf: {  	s25 =	sadd.s32 s3, s24;
	s14 =	sor.u32 $0x1018, s6;
	[dreg:$0x18] =	wrdreg s0  }
0x10: {  	s0 =	sshrl.u32 s10, $0x3;
	[dreg:$0x1a] =	wrdreg s12;
	s15 =	sshrl.u32 s8, $0x3  }
0x11: {  	s16 =	sadd.s32 s3, s1;
	s17 =	sshrl.u32 s9, $0x3;
	s10 =	sor.u32 $0x810, s6  }
0x12: {  	s12 =	sor.u32 $0x818, s6;
	[smem:$0x7B9] =	sst s25;
	s28 =	sshrl.u32 s14, $0x3  }
0x13: {  	s0 =	sadd.s32 s3, s0;
	[dreg:$0x1d] =	wrdreg s16;
	s20 =	sshrl.u32 s10, $0x3  }
0x14: {  	s26 =	sshrl.u32 s12, $0x3;
	s16 =	sor.u32 $0x1020, s6;
	[dreg:$0x19] =	wrdreg s0  }
0x15: {  	s0 =	sadd.s32 s3, s13;
	s21 =	sadd.s32 s3, s20;
	s13 =	sor.u32 $0x1810, s6  }
0x16: {  	s5 =	sshrl.u32 s16, $0x3;
	s20 =	sor.u32 $0x1820, s6;
	[dreg:$0x1b] =	wrdreg s0  }
0x17: {  	s0 =	sadd.s32 s3, s15;
	[smem:$0x7B6] =	sst s21;
	s23 =	sshrl.u32 s13, $0x3  }
0x18: {  	s15 =	sor.u32 $0x1818, s6;
	[dreg:$0x1c] =	wrdreg s0;
	s0 =	sadd.s32 s3, s17  }
0x19: {  	s21 =	sshrl.u32 s20, $0x3;
	s17 =	sadd.s32 s3, s5;
	[dreg:$0x1e] =	wrdreg s0  }
0x1a: {  	s29 =	sshrl.u32 s15, $0x3;
	s0 =	sadd.s32 s3, s19;
	[smem:$0x7BF] =	sst s17  }
0x1b: {  	s5 =	sor.u32 $0x28, s6;
	s1 =	sadd.s32 s3, s29;
	[dreg:$0x1f] =	wrdreg s0  }
0x1c: {  	s19 =	sor.u32 $0x820, s6;
	s0 =	sadd.s32 s3, s22;
	[smem:$0x7BC] =	sst s1  }
0x1d: {  	s17 =	sor.u32 $0x828, s6;
	[smem:$0x7B7] =	sst s0;
	s0 =	sadd.s32 s3, s23  }
0x1e: {  	s23 =	sshrl.u32 s17, $0x3;
	[smem:$0x7B8] =	sst s0;
	s0 =	sadd.s32 s3, s26  }
0x1f: {  	s4 =	sshrl.u32 s19, $0x3;
	s24 =	sadd.s32 s3, s23;
	[smem:$0x7BA] =	sst s0  }
0x20: {  	s22 =	sshrl.u32 s5, $0x3;
	s0 =	sadd.s32 s3, s28;
	[smem:$0x7C2] =	sst s24  }
0x21: {  	s23 =	sor.u32 $0x830, s6;
	[smem:$0x7BB] =	sst s0;
	s0 =	sadd.s32 s3, s2  }
0x22: {  	s29 =	sshrl.u32 s23, $0x3;
	[smem:$0x7BD] =	sst s0;
	s0 =	sadd.s32 s3, s4  }
0x23: {  	s2 =	sor.u32 $0x38, s6;
	s4 =	sor.u32 $0x30, s6;
	[smem:$0x7BE] =	sst s0  }
0x24: {  	s0 =	sadd.s32 s3, s21;
	s21 =	sor.u32 $0x1028, s6;
	s24 =	sshrl.u32 s4, $0x3  }
0x25: {  	[smem:$0x7C0] =	sst s0;
	s0 =	sadd.s32 s3, s22;
	s25 =	sshrl.u32 s21, $0x3  }
0x26: {  	s22 =	sor.u32 $0x1828, s6;
	s28 =	sadd.s32 s3, s24;
	[smem:$0x7C1] =	sst s0  }
0x27: {  	s24 =	sor.u32 $0x1030, s6;
	s0 =	sadd.s32 s3, s25;
	[smem:$0x7C5] =	sst s28  }
0x28: {  	s26 =	sshrl.u32 s22, $0x3;
	s25 =	sor.u32 $0x1830, s6;
	[smem:$0x7C3] =	sst s0  }
0x29: {  	s0 =	sadd.s32 s3, s26;
	s26 =	sshrl.u32 s24, $0x3;
	s28 =	sshrl.u32 s25, $0x3  }
0x2a: {  	[smem:$0x7C4] =	sst s0;
	s0 =	sadd.s32 s3, s29;
	s1 =	sadd.s32 s3, s26  }
0x2b: {  	s26 =	sadd.s32 s3, s28;
	s28 =	sshrl.u32 s2, $0x3;
	[smem:$0x7C7] =	sst s1  }
0x2c: {  	[smem:$0x7C8] =	sst s26;
	s29 =	sadd.s32 s3, s28;
	s26 =	sor.u32 $0x1038, s6  }
0x2d: {  	[smem:$0x7C9] =	sst s29;
	s29 =	sor.u32 $0x838, s6;
	s1 =	sshrl.u32 s26, $0x3  }
0x2e: {  	[smem:$0x7C6] =	sst s0;
	s0 =	sshrl.u32 s29, $0x3;
	s1 =	sadd.s32 s3, s1  }
0x2f: {  	s28 =	sor.u32 $0x1838, s6;
	s0 =	sadd.s32 s3, s0;
	[smem:$0x7CB] =	sst s1  }
0x30: {  	s1 =	sshrl.u32 s28, $0x3;
	[smem:$0x7CA] =	sst s0  }
0x31: {  	s0 =	sadd.s32 s3, s1;
	s1 =	rddreg [dreg:$0x2]  }
0x32: {  	s3 =	rddreg [dreg:$0x3]  }
0x33: {  	[smem:$0x7CC] =	sst s0;
	s0 =	sshll.u32 s6, $0x7  }
0x34: {  	s6 =	sshll.u32 s18, $0x7;
	s18 =	sshll.u32 s30, $0x7;
	s30 =	sadd.s32 s1, s0  }
0x35: {  	[smem:$0x7CD] =	sst s30  }
0x36: {  	s30 =	sld [smem:$0x7CF]  }
0x37: {  	s0 =	sadd.s32 s3, s0  }
0x38: {  	[smem:$0x7CE] =	sst s0  }
0x39: {  	s0 =	sshll.u32 s30, $0x7;
	s30 =	sld [smem:$0x7D1];
	_ =	sdelay $0x1  }
0x3a: {  	s0 =	sadd.s32 s3, s0  }
0x3b: {  	[smem:$0x7D0] =	sst s0;
	s0 =	sshll.u32 s30, $0x7  }
0x3c: {  	s30 =	sld [smem:$0x7D2];
	s0 =	sadd.s32 s3, s0  }
0x3d: {  	[smem:$0x7D3] =	sst s0;
	s0 =	sshll.u32 s31, $0x7;
	s31 =	sadd.s32 s1, s6  }
0x3e: {  	s8 =	sshll.u32 s8, $0x7;
	s6 =	sadd.s32 s3, s6;
	[smem:$0x7D5] =	sst s31  }
0x3f: {  	s30 =	sshll.u32 s30, $0x7;
	[smem:$0x7D6] =	sst s6;
	s6 =	sadd.s32 s3, s8  }
0x40: {  	s31 =	sshll.u32 s9, $0x7;
	s9 =	sadd.s32 s1, s18;
	[smem:$0x7D7] =	sst s6  }
0x41: {  	s30 =	sadd.s32 s3, s30;
	[smem:$0x7DB] =	sst s9  }
0x42: {  	s8 =	sadd.s32 s3, s31;
	[smem:$0x7D4] =	sst s30  }
0x43: {  	s31 =	sshll.u32 s10, $0x7;
	s9 =	sshll.u32 s13, $0x7;
	s30 =	sld [smem:$0x7D8]  }
0x44: {  	s13 =	sshll.u32 s14, $0x7;
	[smem:$0x7DA] =	sst s8;
	s10 =	sadd.s32 s3, s9  }
0x45: {  	s8 =	sshll.u32 s11, $0x7;
	s11 =	sadd.s32 s1, s0;
	[smem:$0x7DF] =	sst s10  }
0x46: {  	s14 =	sshll.u32 s15, $0x7;
	s0 =	sadd.s32 s3, s0;
	[smem:$0x7E0] =	sst s11  }
0x47: {  	s12 =	sshll.u32 s12, $0x7;
	s15 =	sadd.s32 s3, s14;
	[smem:$0x7E1] =	sst s0  }
0x48: {  	s5 =	sshll.u32 s5, $0x7;
	s0 =	sadd.s32 s3, s12;
	[smem:$0x7E4] =	sst s15  }
0x49: {  	s10 =	sadd.s32 s1, s5;
	[smem:$0x7E2] =	sst s0  }
0x4a: {  	s14 =	sshll.u32 s21, $0x7;
	s12 =	sadd.s32 s3, s5;
	[smem:$0x7EA] =	sst s10  }
0x4b: {  	s15 =	sadd.s32 s3, s14;
	[smem:$0x7ED] =	sst s12  }
0x4c: {  	s0 =	sadd.s32 s3, s13;
	[smem:$0x7EF] =	sst s15  }
0x4d: {  	s6 =	sshll.u32 s30, $0x7;
	s30 =	sadd.s32 s3, s18;
	[smem:$0x7E3] =	sst s0  }
0x4e: {  	s18 =	sshll.u32 s4, $0x7;
	s6 =	sadd.s32 s3, s6;
	[smem:$0x7DC] =	sst s30  }
0x4f: {  	s13 =	sshll.u32 s17, $0x7;
	s11 =	sadd.s32 s1, s18;
	[smem:$0x7D9] =	sst s6  }
0x50: {  	s17 =	sshll.u32 s23, $0x7;
	s0 =	sadd.s32 s3, s18;
	[smem:$0x7EB] =	sst s11  }
0x51: {  	s6 =	sshll.u32 s7, $0x7;
	s7 =	sadd.s32 s3, s31;
	[smem:$0x7F1] =	sst s0  }
0x52: {  	s0 =	sadd.s32 s3, s17;
	[smem:$0x7DD] =	sst s7  }
0x53: {  	s7 =	sadd.s32 s3, s8;
	[smem:$0x7F2] =	sst s0  }
0x54: {  	s30 =	sadd.s32 s1, s6;
	[smem:$0x7DE] =	sst s7  }
0x55: {  	s2 =	sshll.u32 s2, $0x7;
	s31 =	sadd.s32 s3, s6;
	[smem:$0x7E5] =	sst s30  }
0x56: {  	s18 =	sshll.u32 s24, $0x7;
	s1 =	sadd.s32 s1, s2;
	[smem:$0x7E6] =	sst s31  }
0x57: {  	s6 =	sshll.u32 s19, $0x7;
	s0 =	sadd.s32 s3, s18;
	[smem:$0x7EC] =	sst s1  }
0x58: {  	s8 =	sshll.u32 s20, $0x7;
	s4 =	sadd.s32 s3, s6;
	[smem:$0x7F3] =	sst s0  }
0x59: {  	s21 =	sshll.u32 s29, $0x7;
	s9 =	sadd.s32 s3, s8;
	[smem:$0x7E7] =	sst s4  }
0x5a: {  	s19 =	sshll.u32 s25, $0x7;
	s1 =	sadd.s32 s3, s13;
	[smem:$0x7E9] =	sst s9  }
0x5b: {  	s7 =	sshll.u32 s16, $0x7;
	s20 =	sadd.s32 s3, s19;
	[smem:$0x7EE] =	sst s1  }
0x5c: {  	s16 =	sshll.u32 s22, $0x7;
	s22 =	sadd.s32 s3, s2;
	[smem:$0x7F4] =	sst s20  }
0x5d: {  	s25 =	sshll.u32 s28, $0x7;
	s0 =	sadd.s32 s3, s21;
	[smem:$0x7F5] =	sst s22  }
0x5e: {  	s24 =	sshll.u32 s26, $0x7;
	s26 =	sadd.s32 s3, s25;
	[smem:$0x7F6] =	sst s0  }
0x5f: {  	s4 =	sadd.s32 s3, s7;
	[smem:$0x7F8] =	sst s26  }
0x60: {  	s1 =	sadd.s32 s3, s16;
	[smem:$0x7E8] =	sst s4  }
0x61: {  	s0 =	sadd.s32 s3, s24;
	[smem:$0x7F0] =	sst s1  }
0x62: {  	[smem:$0x7F7] =	sst s0  }
0x63: {  	s23 =	rddreg [dreg:$0x1];
	s10 =	simm.s32 $0xC100;
	_ =	strace $0x80000047  }
0x64: {  	s29 =	sadd.s32 $0x100, s23;
	s11 =	simm.s32 $0xE100;
	s28 =	sld [smem:$0x7F9]  }
0x65: {  	s2 =	simm.s32 $0x0;
	s30 =	sadd.s32 $0x200, s23;
	[smem:$0x7FB] =	sst s29  }
0x66: {  	v2 =	vlaneseq.u32;
	s31 =	sadd.s32 $0x300, s23;
	s8 =	simm.s32 $0x8100;
	[smem:$0x7FC] =	sst s30  }
0x67: {  	vm0 =	vmmov $0xffff;
	v1 =	vshrl.u32 v2, $0x3;
	s9 =	simm.s32 $0xA100;
	[smem:$0x7FD] =	sst s31;
	s0 =	smax.u32 s28, $0x1  }
0x68: {  	v0 =	vand.u32 $0x7, v2;
	v2 =	vor.u32 $0x8, v2;
	v1 =	vmul.u32 $0x8, v1;
	s1 =	simm.s32 $0x8;
	s4 =	simm.s32 $0x0;
	[smem:$0x7FA] =	sst s0  }
.LBB2_1:
0x69: {  	[smem:$0x7B4] =	sst s4  }
0x6a: {  	s0 =	rddreg [dreg:$0x17]  }
0x6b: {  	s20 =	rddreg [dreg:$0x18]  }
0x6c: {  	[tilespmem:s2], [sflag:$0x1] =	stream.linear.gather [hbm4b:s0+s2], $0x8, $0x38;
	[tilespmem:$0x1E100] =	vst v63  }
0x6d: {  	s21 =	rddreg [dreg:$0x19]  }
0x6e: {  	[tilespmem:s1], [sflag:$0x1] =	stream.linear.gather [hbm4b:s20+s2], $0x8, $0x38;
	[tilespmem:$0x1E100] =	vst v63  }
0x6f: {  	s22 =	simm.s32 $0x10;
	s23 =	rddreg [dreg:$0x1a]  }
0x70: {  	[tilespmem:s22], [sflag:$0x1] =	stream.linear.gather [hbm4b:s21+s2], $0x8, $0x38;
	[tilespmem:$0x1E100] =	vst v63  }
0x71: {  	s24 =	simm.s32 $0x18;
	s25 =	rddreg [dreg:$0x1b]  }
0x72: {  	[tilespmem:s24], [sflag:$0x1] =	stream.linear.gather [hbm4b:s23+s2], $0x8, $0x38;
	[tilespmem:$0x1E100] =	vst v63  }
0x73: {  	s26 =	simm.s32 $0x20;
	s3 =	rddreg [dreg:$0x1c]  }
0x74: {  	[tilespmem:s26], [sflag:$0x1] =	stream.linear.gather [hbm4b:s25+s2], $0x8, $0x38;
	[tilespmem:$0x1E100] =	vst v63  }
0x75: {  	s4 =	simm.s32 $0x28;
	s5 =	rddreg [dreg:$0x1d]  }
0x76: {  	[tilespmem:s4], [sflag:$0x1] =	stream.linear.gather [hbm4b:s3+s2], $0x8, $0x38;
	[tilespmem:$0x1E100] =	vst v63  }
0x77: {  	s6 =	simm.s32 $0x30;
	s7 =	rddreg [dreg:$0x1e]  }
0x78: {  	[tilespmem:s6], [sflag:$0x1] =	stream.linear.gather [hbm4b:s5+s2], $0x8, $0x38;
	[tilespmem:$0x1E100] =	vst v63  }
0x79: {  	s12 =	simm.s32 $0x38;
	s13 =	rddreg [dreg:$0x1f]  }
0x7a: {  	[tilespmem:s12], [sflag:$0x1] =	stream.linear.gather [hbm4b:s7+s2], $0x8, $0x38;
	[tilespmem:$0x1E100] =	vst v63  }
0x7b: {  	s14 =	simm.s32 $0x40;
	s15 =	sld [smem:$0x7B6]  }
0x7c: {  	[tilespmem:s14], [sflag:$0x1] =	stream.linear.gather [hbm4b:s13+s2], $0x8, $0x38;
	[tilespmem:$0x1E100] =	vst v63  }
0x7d: {  	s16 =	simm.s32 $0x48;
	s17 =	sld [smem:$0x7B7]  }
0x7e: {  	[tilespmem:s16], [sflag:$0x1] =	stream.linear.gather [hbm4b:s15+s2], $0x8, $0x38;
	[tilespmem:$0x1E100] =	vst v63  }
0x7f: {  	s18 =	simm.s32 $0x50;
	s19 =	sld [smem:$0x7B8]  }
0x80: {  	[tilespmem:s18], [sflag:$0x1] =	stream.linear.gather [hbm4b:s17+s2], $0x8, $0x38;
	[tilespmem:$0x1E100] =	vst v63  }
0x81: {  	s20 =	simm.s32 $0x58;
	s21 =	sld [smem:$0x7B9]  }
0x82: {  	[tilespmem:s20], [sflag:$0x1] =	stream.linear.gather [hbm4b:s19+s2], $0x8, $0x38;
	[tilespmem:$0x1E100] =	vst v63  }
0x83: {  	s22 =	simm.s32 $0x60;
	s23 =	sld [smem:$0x7BA]  }
0x84: {  	[tilespmem:s22], [sflag:$0x1] =	stream.linear.gather [hbm4b:s21+s2], $0x8, $0x38;
	[tilespmem:$0x1E100] =	vst v63  }
0x85: {  	s24 =	simm.s32 $0x68;
	s25 =	sld [smem:$0x7BB]  }
0x86: {  	[tilespmem:s24], [sflag:$0x1] =	stream.linear.gather [hbm4b:s23+s2], $0x8, $0x38;
	[tilespmem:$0x1E100] =	vst v63  }
0x87: {  	s26 =	simm.s32 $0x70;
	s3 =	sld [smem:$0x7BC]  }
0x88: {  	[tilespmem:s26], [sflag:$0x1] =	stream.linear.gather [hbm4b:s25+s2], $0x8, $0x38;
	[tilespmem:$0x1E100] =	vst v63  }
0x89: {  	s4 =	simm.s32 $0x78;
	s5 =	sld [smem:$0x7BD]  }
0x8a: {  	[tilespmem:s4], [sflag:$0x1] =	stream.linear.gather [hbm4b:s3+s2], $0x8, $0x38;
	[tilespmem:$0x1E100] =	vst v63  }
0x8b: {  	s6 =	simm.s32 $0x80;
	s7 =	sld [smem:$0x7BE]  }
0x8c: {  	[tilespmem:s6], [sflag:$0x1] =	stream.linear.gather [hbm4b:s5+s2], $0x8, $0x38;
	[tilespmem:$0x1E100] =	vst v63  }
0x8d: {  	s12 =	simm.s32 $0x88;
	s13 =	sld [smem:$0x7BF]  }
0x8e: {  	[tilespmem:s12], [sflag:$0x1] =	stream.linear.gather [hbm4b:s7+s2], $0x8, $0x38;
	[tilespmem:$0x1E100] =	vst v63  }
0x8f: {  	s14 =	simm.s32 $0x90;
	s15 =	sld [smem:$0x7C0]  }
0x90: {  	[tilespmem:s14], [sflag:$0x1] =	stream.linear.gather [hbm4b:s13+s2], $0x8, $0x38;
	[tilespmem:$0x1E100] =	vst v63  }
0x91: {  	s16 =	simm.s32 $0x98;
	s17 =	sld [smem:$0x7C1]  }
0x92: {  	[tilespmem:s16], [sflag:$0x1] =	stream.linear.gather [hbm4b:s15+s2], $0x8, $0x38;
	[tilespmem:$0x1E100] =	vst v63  }
0x93: {  	s18 =	simm.s32 $0xA0;
	s19 =	sld [smem:$0x7C2]  }
0x94: {  	[tilespmem:s18], [sflag:$0x1] =	stream.linear.gather [hbm4b:s17+s2], $0x8, $0x38;
	[tilespmem:$0x1E100] =	vst v63  }
0x95: {  	s20 =	simm.s32 $0xA8;
	s21 =	sld [smem:$0x7C3]  }
0x96: {  	[tilespmem:s20], [sflag:$0x1] =	stream.linear.gather [hbm4b:s19+s2], $0x8, $0x38;
	[tilespmem:$0x1E100] =	vst v63  }
0x97: {  	s22 =	simm.s32 $0xB0;
	s23 =	sld [smem:$0x7C4]  }
0x98: {  	[tilespmem:s22], [sflag:$0x1] =	stream.linear.gather [hbm4b:s21+s2], $0x8, $0x38;
	[tilespmem:$0x1E100] =	vst v63  }
0x99: {  	s24 =	simm.s32 $0xB8;
	s25 =	sld [smem:$0x7C5]  }
0x9a: {  	[tilespmem:s24], [sflag:$0x1] =	stream.linear.gather [hbm4b:s23+s2], $0x8, $0x38;
	[tilespmem:$0x1E100] =	vst v63  }
0x9b: {  	s1 =	sld [smem:$0x7C6];
	s26 =	simm.s32 $0xC0  }
0x9c: {  	[tilespmem:s26], [sflag:$0x1] =	stream.linear.gather [hbm4b:s25+s2], $0x8, $0x38;
	[tilespmem:$0x1E100] =	vst v63  }
0x9d: {  	s3 =	simm.s32 $0xC8;
	s4 =	sld [smem:$0x7C7]  }
0x9e: {  	[tilespmem:s3], [sflag:$0x1] =	stream.linear.gather [hbm4b:s1+s2], $0x8, $0x38;
	[tilespmem:$0x1E100] =	vst v63  }
0x9f: {  	s5 =	simm.s32 $0xD0;
	s6 =	sld [smem:$0x7C8]  }
0xa0: {  	[tilespmem:s5], [sflag:$0x1] =	stream.linear.gather [hbm4b:s4+s2], $0x8, $0x38;
	[tilespmem:$0x1E100] =	vst v63  }
0xa1: {  	s7 =	simm.s32 $0xD8;
	s12 =	sld [smem:$0x7C9]  }
0xa2: {  	[tilespmem:s7], [sflag:$0x1] =	stream.linear.gather [hbm4b:s6+s2], $0x8, $0x38;
	[tilespmem:$0x1E100] =	vst v63  }
0xa3: {  	s13 =	simm.s32 $0xE0;
	s14 =	sld [smem:$0x7CA]  }
0xa4: {  	[tilespmem:s13], [sflag:$0x1] =	stream.linear.gather [hbm4b:s12+s2], $0x8, $0x38;
	[tilespmem:$0x1E100] =	vst v63  }
0xa5: {  	s15 =	simm.s32 $0xE8;
	s16 =	sld [smem:$0x7CB]  }
0xa6: {  	[tilespmem:s15], [sflag:$0x1] =	stream.linear.gather [hbm4b:s14+s2], $0x8, $0x38;
	[tilespmem:$0x1E100] =	vst v63  }
0xa7: {  	s17 =	simm.s32 $0xF0;
	s18 =	sld [smem:$0x7CC]  }
0xa8: {  	[tilespmem:s17], [sflag:$0x1] =	stream.linear.gather [hbm4b:s16+s2], $0x8, $0x38;
	[tilespmem:$0x1E100] =	vst v63  }
0xa9: {  	s19 =	simm.s32 $0xF8;
	s6 =	simm.s32 $0x1  }
0xaa: {  	[tilespmem:s19], [sflag:$0x1] =	stream.linear.gather [hbm4b:s18+s2], $0x8, $0x38;
	[tilespmem:$0x1E100] =	vst v63  }
0xab: {  	_ =	swait.ge [sflag:s6], $0x8  }
0xac: {  	[sflag:s6] =	ssyncset.done $0x0  }
0xad: {  	[sflag:s6] =	ssyncadd.s32 $0xFFFFFFF8  }
0xae: {  	_ =	swait.ge [sflag:s6], $0x8  }
0xaf: {  	[sflag:s6] =	ssyncset.done $0x0  }
0xb0: {  	[sflag:s6] =	ssyncadd.s32 $0xFFFFFFF8  }
0xb1: {  	_ =	swait.ge [sflag:s6], $0x8  }
0xb2: {  	[sflag:s6] =	ssyncset.done $0x0  }
0xb3: {  	[sflag:s6] =	ssyncadd.s32 $0xFFFFFFF8  }
0xb4: {  	_ =	swait.ge [sflag:s6], $0x8  }
0xb5: {  	[sflag:s6] =	ssyncset.done $0x0  }
0xb6: {  	[sflag:s6] =	ssyncadd.s32 $0xFFFFFFF8  }
0xb7: {  	v3 =	vld [tilespmem:$0x0];
	_ =	sdelay $0x4  }
0xb8: {  	v4 =	vshll.u32 v3, $0x3  }
0xb9: {  	v3 =	vand.u32 $0x7, v3;
	v4 =	vand.u32 $0xFFFFFFC0, v4  }
0xba: {  	v3 =	vor.u32 v3, v4  }
0xbb: {  	v4 =	vperm.xlane v3, v0;
	_ =	sdelay $0x1  }
0xbc: {  	v4 =	vadd.s32 v1, v4;
	_ =	sdelay $0x2  }
0xbd: {  	s3 =	sld [smem:$0x7FB]  }
0xbe: {  	s20 =	simm.s32 $0x100;
	s1 =	rddreg [dreg:$0x1]  }
0xbf: {  	[tilespmem:s20], [sflag:$0x2] =	stream.indirect_vreg.gather [hbm4b:s1+s2], $0x80, v4, vm0, $0xb8;
	[tilespmem:$0x1E100] =	vst v63  }
0xc0: {  	s21 =	simm.s32 $0x900;
	s4 =	sld [smem:$0x7FC];
	v3 =	vperm.xlane v3, v2  }
0xc1: {  	[tilespmem:s21], [sflag:$0x2] =	stream.indirect_vreg.gather [hbm4b:s3+s2], $0x80, v4, vm0, $0xb8;
	[tilespmem:$0x1E100] =	vst v63  }
0xc2: {  	s22 =	simm.s32 $0x1100;
	s5 =	sld [smem:$0x7FD];
	v3 =	vadd.s32 v1, v3  }
0xc3: {  	[tilespmem:s22], [sflag:$0x2] =	stream.indirect_vreg.gather [hbm4b:s4+s2], $0x80, v4, vm0, $0xb8;
	[tilespmem:$0x1E100] =	vst v63  }
0xc4: {  	s23 =	simm.s32 $0x1900  }
0xc5: {  	[tilespmem:s23], [sflag:$0x2] =	stream.indirect_vreg.gather [hbm4b:s5+s2], $0x80, v4, vm0, $0xb8;
	[tilespmem:$0x1E100] =	vst v63  }
0xc6: {  	s24 =	simm.s32 $0x2100  }
0xc7: {  	[tilespmem:s24], [sflag:$0x2] =	stream.indirect_vreg.gather [hbm4b:s1+s2], $0x80, v3, vm0, $0xb8;
	[tilespmem:$0x1E100] =	vst v63  }
0xc8: {  	s25 =	simm.s32 $0x2900  }
0xc9: {  	[tilespmem:s25], [sflag:$0x2] =	stream.indirect_vreg.gather [hbm4b:s3+s2], $0x80, v3, vm0, $0xb8;
	[tilespmem:$0x1E100] =	vst v63  }
0xca: {  	s26 =	simm.s32 $0x3100  }
0xcb: {  	[tilespmem:s26], [sflag:$0x2] =	stream.indirect_vreg.gather [hbm4b:s4+s2], $0x80, v3, vm0, $0xb8;
	[tilespmem:$0x1E100] =	vst v63  }
0xcc: {  	s7 =	simm.s32 $0x3900  }
0xcd: {  	[tilespmem:s7], [sflag:$0x2] =	stream.indirect_vreg.gather [hbm4b:s5+s2], $0x80, v3, vm0, $0xb8;
	[tilespmem:$0x1E100] =	vst v63  }
0xce: {  	v3 =	vld [tilespmem:$0x10];
	_ =	sdelay $0x4  }
0xcf: {  	v4 =	vshll.u32 v3, $0x3  }
0xd0: {  	v3 =	vand.u32 $0x7, v3;
	v4 =	vand.u32 $0xFFFFFFC0, v4  }
0xd1: {  	v3 =	vor.u32 v3, v4  }
0xd2: {  	v4 =	vperm.xlane v3, v0;
	_ =	sdelay $0x1  }
0xd3: {  	v4 =	vadd.s32 v1, v4;
	_ =	sdelay $0x3  }
0xd4: {  	s12 =	simm.s32 $0x4100  }
0xd5: {  	[tilespmem:s12], [sflag:$0x2] =	stream.indirect_vreg.gather [hbm4b:s1+s2], $0x80, v4, vm0, $0xb8;
	[tilespmem:$0x1E100] =	vst v63  }
0xd6: {  	s13 =	simm.s32 $0x4900;
	v3 =	vperm.xlane v3, v2  }
0xd7: {  	[tilespmem:s13], [sflag:$0x2] =	stream.indirect_vreg.gather [hbm4b:s3+s2], $0x80, v4, vm0, $0xb8;
	[tilespmem:$0x1E100] =	vst v63  }
0xd8: {  	s14 =	simm.s32 $0x5100;
	v3 =	vadd.s32 v1, v3  }
0xd9: {  	[tilespmem:s14], [sflag:$0x2] =	stream.indirect_vreg.gather [hbm4b:s4+s2], $0x80, v4, vm0, $0xb8;
	[tilespmem:$0x1E100] =	vst v63  }
0xda: {  	s15 =	simm.s32 $0x5900  }
0xdb: {  	[tilespmem:s15], [sflag:$0x2] =	stream.indirect_vreg.gather [hbm4b:s5+s2], $0x80, v4, vm0, $0xb8;
	[tilespmem:$0x1E100] =	vst v63  }
0xdc: {  	s16 =	simm.s32 $0x6100  }
0xdd: {  	[tilespmem:s16], [sflag:$0x2] =	stream.indirect_vreg.gather [hbm4b:s1+s2], $0x80, v3, vm0, $0xb8;
	[tilespmem:$0x1E100] =	vst v63  }
0xde: {  	s17 =	simm.s32 $0x6900  }
0xdf: {  	[tilespmem:s17], [sflag:$0x2] =	stream.indirect_vreg.gather [hbm4b:s3+s2], $0x80, v3, vm0, $0xb8;
	[tilespmem:$0x1E100] =	vst v63  }
0xe0: {  	s18 =	simm.s32 $0x7100  }
0xe1: {  	[tilespmem:s18], [sflag:$0x2] =	stream.indirect_vreg.gather [hbm4b:s4+s2], $0x80, v3, vm0, $0xb8;
	[tilespmem:$0x1E100] =	vst v63  }
0xe2: {  	s19 =	simm.s32 $0x7900;
	s20 =	sld [smem:$0x7CD]  }
0xe3: {  	[tilespmem:s19], [sflag:$0x2] =	stream.indirect_vreg.gather [hbm4b:s5+s2], $0x80, v3, vm0, $0xb8;
	[tilespmem:$0x1E100] =	vst v63  }
0xe4: {  	s7 =	simm.s32 $0x18100  }
0xe5: {  	[tilespmem:s7], [sflag:$0x5] =	stream.linear.gather [hbm4b:s20+s2], $0x2000, $0x38;
	[tilespmem:$0x1E100] =	vst v63  }
0xe6: {  	_ =	swait.ge [sflag:s6], $0x8  }
0xe7: {  	[sflag:s6] =	ssyncset.done $0x0  }
0xe8: {  	[sflag:s6] =	ssyncadd.s32 $0xFFFFFFF8  }
0xe9: {  	_ =	swait.ge [sflag:s6], $0x8  }
0xea: {  	[sflag:s6] =	ssyncset.done $0x0  }
0xeb: {  	[sflag:s6] =	ssyncadd.s32 $0xFFFFFFF8  }
0xec: {  	_ =	swait.ge [sflag:s6], $0x8  }
0xed: {  	[sflag:s6] =	ssyncset.done $0x0  }
0xee: {  	[sflag:s6] =	ssyncadd.s32 $0xFFFFFFF8  }
0xef: {  	_ =	swait.ge [sflag:s6], $0x8  }
0xf0: {  	[sflag:s6] =	ssyncset.done $0x0  }
0xf1: {  	[sflag:s6] =	ssyncadd.s32 $0xFFFFFFF8  }
0xf2: {  	_ =	swait.ge [sflag:s6], $0x8  }
0xf3: {  	[sflag:s6] =	ssyncset.done $0x0  }
0xf4: {  	[sflag:s6] =	ssyncadd.s32 $0xFFFFFFF8  }
0xf5: {  	_ =	swait.ge [sflag:s6], $0x8  }
0xf6: {  	[sflag:s6] =	ssyncset.done $0x0  }
0xf7: {  	[sflag:s6] =	ssyncadd.s32 $0xFFFFFFF8  }
0xf8: {  	_ =	swait.ge [sflag:s6], $0x8  }
0xf9: {  	[sflag:s6] =	ssyncset.done $0x0  }
0xfa: {  	[sflag:s6] =	ssyncadd.s32 $0xFFFFFFF8  }
0xfb: {  	_ =	swait.ge [sflag:s6], $0x8  }
0xfc: {  	[sflag:s6] =	ssyncset.done $0x0  }
0xfd: {  	[sflag:s6] =	ssyncadd.s32 $0xFFFFFFF8  }
0xfe: {  	_ =	swait.ge [sflag:s6], $0x8  }
0xff: {  	[sflag:s6] =	ssyncset.done $0x0  }
0x100: {  	[sflag:s6] =	ssyncadd.s32 $0xFFFFFFF8  }
0x101: {  	_ =	swait.ge [sflag:s6], $0x8  }
0x102: {  	[sflag:s6] =	ssyncset.done $0x0  }
0x103: {  	[sflag:s6] =	ssyncadd.s32 $0xFFFFFFF8  }
0x104: {  	_ =	swait.ge [sflag:s6], $0x8  }
0x105: {  	[sflag:s6] =	ssyncset.done $0x0  }
0x106: {  	[sflag:s6] =	ssyncadd.s32 $0xFFFFFFF8  }
0x107: {  	_ =	swait.ge [sflag:s6], $0x8  }
0x108: {  	[sflag:s6] =	ssyncset.done $0x0  }
0x109: {  	[sflag:s6] =	ssyncadd.s32 $0xFFFFFFF8  }
0x10a: {  	_ =	swait.ge [sflag:s6], $0x8  }
0x10b: {  	[sflag:s6] =	ssyncset.done $0x0  }
0x10c: {  	[sflag:s6] =	ssyncadd.s32 $0xFFFFFFF8  }
0x10d: {  	_ =	swait.ge [sflag:s6], $0x8  }
0x10e: {  	[sflag:s6] =	ssyncset.done $0x0  }
0x10f: {  	[sflag:s6] =	ssyncadd.s32 $0xFFFFFFF8  }
0x110: {  	_ =	swait.ge [sflag:s6], $0x8  }
0x111: {  	[sflag:s6] =	ssyncset.done $0x0  }
0x112: {  	[sflag:s6] =	ssyncadd.s32 $0xFFFFFFF8  }
0x113: {  	_ =	swait.ge [sflag:s6], $0x8  }
0x114: {  	[sflag:s6] =	ssyncset.done $0x0  }
0x115: {  	[sflag:s6] =	ssyncadd.s32 $0xFFFFFFF8  }
0x116: {  	_ =	swait.ge [sflag:s6], $0x8  }
0x117: {  	[sflag:s6] =	ssyncset.done $0x0  }
0x118: {  	[sflag:s6] =	ssyncadd.s32 $0xFFFFFFF8  }
0x119: {  	_ =	swait.ge [sflag:s6], $0x8  }
0x11a: {  	[sflag:s6] =	ssyncset.done $0x0  }
0x11b: {  	[sflag:s6] =	ssyncadd.s32 $0xFFFFFFF8  }
0x11c: {  	_ =	swait.ge [sflag:s6], $0x8  }
0x11d: {  	[sflag:s6] =	ssyncset.done $0x0  }
0x11e: {  	[sflag:s6] =	ssyncadd.s32 $0xFFFFFFF8  }
0x11f: {  	_ =	swait.ge [sflag:s6], $0x8  }
0x120: {  	[sflag:s6] =	ssyncset.done $0x0  }
0x121: {  	[sflag:s6] =	ssyncadd.s32 $0xFFFFFFF8  }
0x122: {  	_ =	swait.ge [sflag:s6], $0x8  }
0x123: {  	[sflag:s6] =	ssyncset.done $0x0  }
0x124: {  	[sflag:s6] =	ssyncadd.s32 $0xFFFFFFF8  }
0x125: {  	_ =	swait.ge [sflag:s6], $0x8  }
0x126: {  	[sflag:s6] =	ssyncset.done $0x0  }
0x127: {  	[sflag:s6] =	ssyncadd.s32 $0xFFFFFFF8  }
0x128: {  	_ =	swait.ge [sflag:s6], $0x8  }
0x129: {  	[sflag:s6] =	ssyncset.done $0x0  }
0x12a: {  	[sflag:s6] =	ssyncadd.s32 $0xFFFFFFF8  }
0x12b: {  	_ =	swait.ge [sflag:s6], $0x8  }
0x12c: {  	[sflag:s6] =	ssyncset.done $0x0  }
0x12d: {  	[sflag:s6] =	ssyncadd.s32 $0xFFFFFFF8  }
0x12e: {  	_ =	swait.ge [sflag:s6], $0x8  }
0x12f: {  	[sflag:s6] =	ssyncset.done $0x0  }
0x130: {  	[sflag:s6] =	ssyncadd.s32 $0xFFFFFFF8  }
0x131: {  	_ =	swait.ge [sflag:s6], $0x8  }
0x132: {  	[sflag:s6] =	ssyncset.done $0x0  }
0x133: {  	[sflag:s6] =	ssyncadd.s32 $0xFFFFFFF8  }
0x134: {  	_ =	swait.ge [sflag:s6], $0x8  }
0x135: {  	[sflag:s6] =	ssyncset.done $0x0  }
0x136: {  	[sflag:s6] =	ssyncadd.s32 $0xFFFFFFF8  }
0x137: {  	_ =	swait.ge [sflag:s6], $0x8  }
0x138: {  	[sflag:s6] =	ssyncset.done $0x0  }
0x139: {  	[sflag:s6] =	ssyncadd.s32 $0xFFFFFFF8  }
0x13a: {  	v3 =	vld [tilespmem:$0x20];
	_ =	sdelay $0x4  }
0x13b: {  	v4 =	vshll.u32 v3, $0x3  }
0x13c: {  	v3 =	vand.u32 $0x7, v3;
	v4 =	vand.u32 $0xFFFFFFC0, v4  }
0x13d: {  	v3 =	vor.u32 v3, v4  }
0x13e: {  	v4 =	vperm.xlane v3, v0;
	_ =	sdelay $0x1  }
0x13f: {  	v4 =	vadd.s32 v1, v4;
	_ =	sdelay $0x4  }
0x140: {  	[tilespmem:s8], [sflag:$0x3] =	stream.indirect_vreg.gather [hbm4b:s1+s2], $0x80, v4, vm0, $0xb8;
	[tilespmem:$0x1E100] =	vst v63  }
0x141: {  	s21 =	simm.s32 $0x8900;
	v3 =	vperm.xlane v3, v2  }
0x142: {  	[tilespmem:s21], [sflag:$0x3] =	stream.indirect_vreg.gather [hbm4b:s3+s2], $0x80, v4, vm0, $0xb8;
	[tilespmem:$0x1E100] =	vst v63  }
0x143: {  	s22 =	simm.s32 $0x9100;
	v3 =	vadd.s32 v1, v3  }
0x144: {  	[tilespmem:s22], [sflag:$0x3] =	stream.indirect_vreg.gather [hbm4b:s4+s2], $0x80, v4, vm0, $0xb8;
	[tilespmem:$0x1E100] =	vst v63  }
0x145: {  	s23 =	simm.s32 $0x9900  }
0x146: {  	[tilespmem:s23], [sflag:$0x3] =	stream.indirect_vreg.gather [hbm4b:s5+s2], $0x80, v4, vm0, $0xb8;
	[tilespmem:$0x1E100] =	vst v63  }
0x147: {  	_ = 	snop  }
0x148: {  	[tilespmem:s9], [sflag:$0x3] =	stream.indirect_vreg.gather [hbm4b:s1+s2], $0x80, v3, vm0, $0xb8;
	[tilespmem:$0x1E100] =	vst v63  }
0x149: {  	s24 =	simm.s32 $0xA900  }
0x14a: {  	[tilespmem:s24], [sflag:$0x3] =	stream.indirect_vreg.gather [hbm4b:s3+s2], $0x80, v3, vm0, $0xb8;
	[tilespmem:$0x1E100] =	vst v63  }
0x14b: {  	s25 =	simm.s32 $0xB100  }
0x14c: {  	[tilespmem:s25], [sflag:$0x3] =	stream.indirect_vreg.gather [hbm4b:s4+s2], $0x80, v3, vm0, $0xb8;
	[tilespmem:$0x1E100] =	vst v63  }
0x14d: {  	s26 =	simm.s32 $0xB900  }
0x14e: {  	[tilespmem:s26], [sflag:$0x3] =	stream.indirect_vreg.gather [hbm4b:s5+s2], $0x80, v3, vm0, $0xb8;
	[tilespmem:$0x1E100] =	vst v63  }
0x14f: {  	v3 =	vld [tilespmem:$0x30];
	_ =	sdelay $0x4  }
0x150: {  	v4 =	vshll.u32 v3, $0x3  }
0x151: {  	v3 =	vand.u32 $0x7, v3;
	v4 =	vand.u32 $0xFFFFFFC0, v4  }
0x152: {  	v3 =	vor.u32 v3, v4  }
0x153: {  	v4 =	vperm.xlane v3, v0;
	_ =	sdelay $0x1  }
0x154: {  	v4 =	vadd.s32 v1, v4;
	_ =	sdelay $0x4  }
0x155: {  	[tilespmem:s10], [sflag:$0x3] =	stream.indirect_vreg.gather [hbm4b:s1+s2], $0x80, v4, vm0, $0xb8;
	[tilespmem:$0x1E100] =	vst v63  }
0x156: {  	s6 =	simm.s32 $0xC900;
	v3 =	vperm.xlane v3, v2  }
0x157: {  	[tilespmem:s6], [sflag:$0x3] =	stream.indirect_vreg.gather [hbm4b:s3+s2], $0x80, v4, vm0, $0xb8;
	[tilespmem:$0x1E100] =	vst v63  }
0x158: {  	s7 =	simm.s32 $0xD100;
	v3 =	vadd.s32 v1, v3  }
0x159: {  	[tilespmem:s7], [sflag:$0x3] =	stream.indirect_vreg.gather [hbm4b:s4+s2], $0x80, v4, vm0, $0xb8;
	[tilespmem:$0x1E100] =	vst v63  }
0x15a: {  	s8 =	simm.s32 $0xD900  }
0x15b: {  	[tilespmem:s8], [sflag:$0x3] =	stream.indirect_vreg.gather [hbm4b:s5+s2], $0x80, v4, vm0, $0xb8;
	[tilespmem:$0x1E100] =	vst v63  }
0x15c: {  	_ = 	snop  }
0x15d: {  	[tilespmem:s11], [sflag:$0x3] =	stream.indirect_vreg.gather [hbm4b:s1+s2], $0x80, v3, vm0, $0xb8;
	[tilespmem:$0x1E100] =	vst v63  }
0x15e: {  	s9 =	simm.s32 $0xE900  }
0x15f: {  	[tilespmem:s9], [sflag:$0x3] =	stream.indirect_vreg.gather [hbm4b:s3+s2], $0x80, v3, vm0, $0xb8;
	[tilespmem:$0x1E100] =	vst v63  }
0x160: {  	s10 =	simm.s32 $0xF100  }
0x161: {  	[tilespmem:s10], [sflag:$0x3] =	stream.indirect_vreg.gather [hbm4b:s4+s2], $0x80, v3, vm0, $0xb8;
	[tilespmem:$0x1E100] =	vst v63  }
0x162: {  	s12 =	sld [smem:$0x7D5];
	s11 =	simm.s32 $0xF900  }
0x163: {  	[tilespmem:s11], [sflag:$0x3] =	stream.indirect_vreg.gather [hbm4b:s5+s2], $0x80, v3, vm0, $0xb8;
	[tilespmem:$0x1E100] =	vst v63  }
0x164: {  	s13 =	simm.s32 $0x1A100  }
0x165: {  	[tilespmem:s13], [sflag:$0x6] =	stream.linear.gather [hbm4b:s12+s2], $0x2000, $0x38;
	[tilespmem:$0x1E100] =	vst v63  }
0x166: {  	v3 =	vld [tilespmem:$0x40];
	_ =	sdelay $0x4  }
0x167: {  	v4 =	vshll.u32 v3, $0x3  }
0x168: {  	v3 =	vand.u32 $0x7, v3;
	v4 =	vand.u32 $0xFFFFFFC0, v4  }
0x169: {  	v3 =	vor.u32 v3, v4  }
0x16a: {  	v4 =	vperm.xlane v3, v0;
	_ =	sdelay $0x1  }
0x16b: {  	v4 =	vadd.s32 v1, v4;
	_ =	sdelay $0x3  }
0x16c: {  	s14 =	simm.s32 $0x10100  }
0x16d: {  	[tilespmem:s14], [sflag:$0x4] =	stream.indirect_vreg.gather [hbm4b:s1+s2], $0x80, v4, vm0, $0xb8;
	[tilespmem:$0x1E100] =	vst v63  }
0x16e: {  	s15 =	simm.s32 $0x10900;
	v3 =	vperm.xlane v3, v2  }
0x16f: {  	[tilespmem:s15], [sflag:$0x4] =	stream.indirect_vreg.gather [hbm4b:s3+s2], $0x80, v4, vm0, $0xb8;
	[tilespmem:$0x1E100] =	vst v63  }
0x170: {  	s16 =	simm.s32 $0x11100;
	v3 =	vadd.s32 v1, v3  }
0x171: {  	[tilespmem:s16], [sflag:$0x4] =	stream.indirect_vreg.gather [hbm4b:s4+s2], $0x80, v4, vm0, $0xb8;
	[tilespmem:$0x1E100] =	vst v63  }
0x172: {  	s17 =	simm.s32 $0x11900  }
0x173: {  	[tilespmem:s17], [sflag:$0x4] =	stream.indirect_vreg.gather [hbm4b:s5+s2], $0x80, v4, vm0, $0xb8;
	[tilespmem:$0x1E100] =	vst v63  }
0x174: {  	s18 =	simm.s32 $0x12100  }
0x175: {  	[tilespmem:s18], [sflag:$0x4] =	stream.indirect_vreg.gather [hbm4b:s1+s2], $0x80, v3, vm0, $0xb8;
	[tilespmem:$0x1E100] =	vst v63  }
0x176: {  	s19 =	simm.s32 $0x12900  }
0x177: {  	[tilespmem:s19], [sflag:$0x4] =	stream.indirect_vreg.gather [hbm4b:s3+s2], $0x80, v3, vm0, $0xb8;
	[tilespmem:$0x1E100] =	vst v63  }
0x178: {  	s20 =	simm.s32 $0x13100  }
0x179: {  	[tilespmem:s20], [sflag:$0x4] =	stream.indirect_vreg.gather [hbm4b:s4+s2], $0x80, v3, vm0, $0xb8;
	[tilespmem:$0x1E100] =	vst v63  }
0x17a: {  	s21 =	simm.s32 $0x13900  }
0x17b: {  	[tilespmem:s21], [sflag:$0x4] =	stream.indirect_vreg.gather [hbm4b:s5+s2], $0x80, v3, vm0, $0xb8;
	[tilespmem:$0x1E100] =	vst v63  }
0x17c: {  	v3 =	vld [tilespmem:$0x50];
	_ =	sdelay $0x4  }
0x17d: {  	v4 =	vshll.u32 v3, $0x3  }
0x17e: {  	v3 =	vand.u32 $0x7, v3;
	v4 =	vand.u32 $0xFFFFFFC0, v4  }
0x17f: {  	v3 =	vor.u32 v3, v4  }
0x180: {  	v4 =	vperm.xlane v3, v0;
	_ =	sdelay $0x1  }
0x181: {  	v4 =	vadd.s32 v1, v4;
	_ =	sdelay $0x3  }
0x182: {  	s22 =	simm.s32 $0x14100  }
0x183: {  	[tilespmem:s22], [sflag:$0x4] =	stream.indirect_vreg.gather [hbm4b:s1+s2], $0x80, v4, vm0, $0xb8;
	[tilespmem:$0x1E100] =	vst v63  }
0x184: {  	s23 =	simm.s32 $0x14900;
	v3 =	vperm.xlane v3, v2  }
0x185: {  	[tilespmem:s23], [sflag:$0x4] =	stream.indirect_vreg.gather [hbm4b:s3+s2], $0x80, v4, vm0, $0xb8;
	[tilespmem:$0x1E100] =	vst v63  }
0x186: {  	s24 =	simm.s32 $0x15100;
	v3 =	vadd.s32 v1, v3  }
0x187: {  	[tilespmem:s24], [sflag:$0x4] =	stream.indirect_vreg.gather [hbm4b:s4+s2], $0x80, v4, vm0, $0xb8;
	[tilespmem:$0x1E100] =	vst v63  }
0x188: {  	s25 =	simm.s32 $0x15900  }
0x189: {  	[tilespmem:s25], [sflag:$0x4] =	stream.indirect_vreg.gather [hbm4b:s5+s2], $0x80, v4, vm0, $0xb8;
	[tilespmem:$0x1E100] =	vst v63  }
0x18a: {  	s26 =	simm.s32 $0x16100  }
0x18b: {  	[tilespmem:s26], [sflag:$0x4] =	stream.indirect_vreg.gather [hbm4b:s1+s2], $0x80, v3, vm0, $0xb8;
	[tilespmem:$0x1E100] =	vst v63  }
0x18c: {  	s1 =	simm.s32 $0x16900  }
0x18d: {  	[tilespmem:s1], [sflag:$0x4] =	stream.indirect_vreg.gather [hbm4b:s3+s2], $0x80, v3, vm0, $0xb8;
	[tilespmem:$0x1E100] =	vst v63  }
0x18e: {  	s6 =	simm.s32 $0x17100  }
0x18f: {  	[tilespmem:s6], [sflag:$0x4] =	stream.indirect_vreg.gather [hbm4b:s4+s2], $0x80, v3, vm0, $0xb8;
	[tilespmem:$0x1E100] =	vst v63  }
0x190: {  	s7 =	simm.s32 $0x17900;
	s8 =	sld [smem:$0x7DB]  }
0x191: {  	[tilespmem:s7], [sflag:$0x4] =	stream.indirect_vreg.gather [hbm4b:s5+s2], $0x80, v3, vm0, $0xb8;
	[tilespmem:$0x1E100] =	vst v63  }
0x192: {  	s9 =	simm.s32 $0x1C100;
	s10 =	simm.s32 $0x2;
	s11 =	simm.s32 $0x0  }
0x193: {  	[tilespmem:s9], [sflag:$0x7] =	stream.linear.gather [hbm4b:s8+s2], $0x2000, $0x38;
	[tilespmem:$0x1E100] =	vst v63  }
0x194: {  	s0 =	sand.u32 $0xFFFFE000, s11;
	s12 =	simm.s32 $0x5;
	_ =	swait.ge [sflag:s10], $0x8000  }
0x195: {  	s0 =	ssub.s32 $0x0, s0;
	s13 =	simm.s32 $0x0;
	[sflag:s10] =	ssyncset.done $0x0  }
0x196: {  	s14 =	simm.s32 $0x0;
	s15 =	sand.u32 $0xFFFFFC00, s0;
	[sflag:s10] =	ssyncadd.s32 $0xFFFF8000  }
0x197: {  	s16 =	sand.u32 $0xFFFFFF80, s13;
	s2 =	sand.u32 $0x40, s14;
	_ =	swait.ge [sflag:s12], $0x2000  }
0x198: {  	s17 =	sadd.s32 s16, s15;
	s0 =	sor.u32 $0x30, s2;
	[sflag:s12] =	ssyncset.done $0x0  }
0x199: {  	s18 =	sor.u32 s0, s17;
	[sflag:s12] =	ssyncadd.s32 $0xFFFFE000  }
0x19a: {  	v3 =	vld [tilespmem:s18+$0x100];
	_ =	sdelay $0x1  }
0x19b: {  	v9 =	vld [tilespmem:s18+$0x18100]  }
0x19c: {  	s23 =	sor.u32 $0x10, s2;
	s19 =	sor.u32 s2, s17  }
0x19d: {  	s29 =	sor.u32 $0x20, s2;
	s20 =	sor.u32 s23, s17;
	v5 =	vld [tilespmem:s19+$0x100]  }
0x19e: {  	s5 =	sor.u32 s29, s17;
	v6 =	vld [tilespmem:s20+$0x100];
	v3 =	vmul.f32 $3.200000000e+01, v3  }
0x19f: {  	s1 =	sand.u32 $0x3FFFFF80, s13;
	v7 =	vld [tilespmem:s5+$0x100]  }
0x1a0: {  	s1 =	sadd.s32 s1, s15;
	v13 =	vld [tilespmem:s19+$0x18100];
	v8 =	vadd.f32 v3, v9  }
0x1a1: {  	s21 =	sadd.s32 $0x2100, s1;
	v4 =	vld [tilespmem:s20+$0x18100]  }
0x1a2: {  	s22 =	sor.u32 s0, s21;
	v3 =	vld [tilespmem:s5+$0x18100];
	[tilespmem:s18+$0x100] =	vst v8  }
0x1a3: {  	v5 =	vmul.f32 $3.200000000e+01, v5;
	v8 =	vld [tilespmem:s22+$0x0]  }
0x1a4: {  	v6 =	vmul.f32 $3.200000000e+01, v6  }
0x1a5: {  	s25 =	simm.s32 $0x200;
	v5 =	vadd.f32 v5, v13  }
0x1a6: {  	s11 =	sand.u32 $0xFFFFE000, s25;
	s13 =	simm.s32 $0x40;
	v7 =	vmul.f32 $3.200000000e+01, v7;
	v6 =	vadd.f32 v6, v4  }
0x1a7: {  	s26 =	ssub.s32 $0x200, s11;
	s3 =	sand.u32 $0x40, s13;
	s6 =	simm.s32 $0x8;
	[tilespmem:s19+$0x100] =	vst v5  }
0x1a8: {  	s13 =	sand.u32 $0xFFFFFC00, s26;
	s12 =	sor.u32 s2, s21;
	[tilespmem:s20+$0x100] =	vst v6;
	s20 =	sand.u32 $0xFFFFFF80, s6;
	v5 =	vadd.f32 v7, v3;
	v7 =	vmul.f32 $3.200000000e+01, v8  }
0x1a9: {  	s8 =	sor.u32 $0x30, s3;
	s4 =	sor.u32 s23, s21;
	v10 =	vld [tilespmem:s12+$0x0];
	s24 =	sadd.s32 s20, s13  }
0x1aa: {  	v11 =	vld [tilespmem:s4+$0x0];
	s15 =	sor.u32 s8, s24;
	[tilespmem:s5+$0x100] =	vst v5;
	v5 =	vadd.f32 v7, v9  }
0x1ab: {  	v8 =	vld [tilespmem:s15+$0x18100]  }
0x1ac: {  	s16 =	sadd.s32 $0x4100, s1;
	s21 =	sor.u32 s29, s21;
	[tilespmem:s22+$0x0] =	vst v5;
	v5 =	vld [tilespmem:s15+$0x100]  }
0x1ad: {  	s14 =	sor.u32 $0x10, s3;
	s17 =	sor.u32 s0, s16;
	v7 =	vld [tilespmem:s21+$0x0]  }
0x1ae: {  	s18 =	sor.u32 s3, s24;
	v12 =	vld [tilespmem:s17+$0x0];
	[smem:$0x7B5] =	sst s14  }
0x1af: {  	s31 =	sor.u32 $0x20, s3;
	s19 =	sor.u32 s14, s24;
	v6 =	vmul.f32 $3.200000000e+01, v10;
	v10 =	vld [tilespmem:s18+$0x100]  }
0x1b0: {  	s5 =	sor.u32 s31, s24;
	v14 =	vld [tilespmem:s19+$0x100]  }
0x1b1: {  	v15 =	vadd.f32 v6, v13;
	v16 =	vld [tilespmem:s5+$0x100];
	v17 =	vmul.f32 $3.200000000e+01, v5  }
0x1b2: {  	s25 =	sand.u32 $0x3FFFFF80, s6;
	v6 =	vld [tilespmem:s18+$0x18100]  }
0x1b3: {  	s10 =	sadd.s32 s25, s13;
	v11 =	vmul.f32 $3.200000000e+01, v11;
	[tilespmem:s12+$0x0] =	vst v15;
	v18 =	vmul.f32 $3.200000000e+01, v7;
	v7 =	vld [tilespmem:s5+$0x18100];
	v15 =	vadd.f32 v17, v8  }
0x1b4: {  	s26 =	sor.u32 s2, s16;
	s9 =	sadd.s32 $0x2100, s10;
	v5 =	vld [tilespmem:s19+$0x18100]  }
0x1b5: {  	s20 =	sor.u32 s8, s9;
	v11 =	vadd.f32 v11, v4;
	v12 =	vmul.f32 $3.200000000e+01, v12;
	v17 =	vld [tilespmem:s26+$0x0];
	[tilespmem:s15+$0x100] =	vst v15  }
0x1b6: {  	v18 =	vadd.f32 v18, v3;
	v10 =	vmul.f32 $3.200000000e+01, v10;
	v15 =	vld [tilespmem:s20+$0x0]  }
0x1b7: {  	s13 =	simm.s32 $0x400;
	[tilespmem:s4+$0x0] =	vst v11;
	v14 =	vmul.f32 $3.200000000e+01, v14;
	v12 =	vadd.f32 v12, v9  }
0x1b8: {  	s6 =	sadd.s32 $0x6100, s1;
	s1 =	sand.u32 $0xFFFFE000, s13;
	[tilespmem:s21+$0x0] =	vst v18;
	v10 =	vadd.f32 v10, v6  }
0x1b9: {  	s1 =	ssub.s32 $0x400, s1;
	s22 =	sor.u32 s23, s16;
	v11 =	vmul.f32 $3.200000000e+01, v16;
	[tilespmem:s17+$0x0] =	vst v12;
	s17 =	sor.u32 s0, s6;
	v14 =	vadd.f32 v14, v5  }
0x1ba: {  	s16 =	sor.u32 s29, s16;
	s12 =	sor.u32 s3, s9;
	s15 =	sor.u32 s31, s9;
	v12 =	vld [tilespmem:s17+$0x0];
	[tilespmem:s18+$0x100] =	vst v10;
	v17 =	vmul.f32 $3.200000000e+01, v17  }
0x1bb: {  	v16 =	vld [tilespmem:s22+$0x0];
	s0 =	sor.u32 s14, s9;
	s9 =	simm.s32 $0x80;
	v10 =	vadd.f32 v11, v7;
	s18 =	simm.s32 $0x10;
	[tilespmem:s19+$0x100] =	vst v14;
	v14 =	vmul.f32 $3.200000000e+01, v15  }
0x1bc: {  	s7 =	sand.u32 $0xFFFFFC00, s1;
	v11 =	vld [tilespmem:s16+$0x0];
	s30 =	sand.u32 $0x40, s9;
	s19 =	sand.u32 $0xFFFFFF80, s18;
	v15 =	vadd.f32 v17, v13  }
0x1bd: {  	v18 =	vld [tilespmem:s12+$0x0];
	s25 =	sor.u32 $0x30, s30;
	[tilespmem:s5+$0x100] =	vst v10;
	s21 =	sadd.s32 s19, s7;
	v10 =	vadd.f32 v14, v8  }
0x1be: {  	s28 =	sadd.s32 $0x4100, s10;
	s24 =	sor.u32 s25, s21;
	v17 =	vld [tilespmem:s0+$0x0];
	[tilespmem:s26+$0x0] =	vst v15  }
0x1bf: {  	s1 =	sor.u32 s2, s6;
	s2 =	sor.u32 s8, s28;
	v12 =	vmul.f32 $3.200000000e+01, v12;
	v15 =	vld [tilespmem:s24+$0x100];
	[tilespmem:s20+$0x0] =	vst v10  }
0x1c0: {  	v16 =	vmul.f32 $3.200000000e+01, v16;
	v20 =	vld [tilespmem:s2+$0x0]  }
0x1c1: {  	v11 =	vmul.f32 $3.200000000e+01, v11;
	v9 =	vadd.f32 v12, v9;
	v10 =	vld [tilespmem:s24+$0x18100]  }
0x1c2: {  	v16 =	vadd.f32 v16, v4;
	v12 =	vmul.f32 $3.200000000e+01, v18  }
0x1c3: {  	v19 =	vld [tilespmem:s15+$0x0];
	v11 =	vadd.f32 v11, v3;
	[tilespmem:s17+$0x0] =	vst v9;
	v9 =	vmul.f32 $3.200000000e+01, v17  }
0x1c4: {  	s5 =	sor.u32 $0x20, s30;
	[tilespmem:s22+$0x0] =	vst v16;
	v14 =	vld [tilespmem:s1+$0x0];
	v12 =	vadd.f32 v12, v6;
	v15 =	vmul.f32 $3.200000000e+01, v15  }
0x1c5: {  	s11 =	sor.u32 s5, s21;
	[tilespmem:s16+$0x0] =	vst v11;
	v17 =	vadd.f32 v9, v5;
	v20 =	vmul.f32 $3.200000000e+01, v20  }
0x1c6: {  	s4 =	sor.u32 $0x10, s30;
	s14 =	sor.u32 s30, s21;
	v16 =	vld [tilespmem:s11+$0x100];
	[tilespmem:s12+$0x0] =	vst v12;
	v15 =	vadd.f32 v15, v10  }
0x1c7: {  	s26 =	sor.u32 s4, s21;
	v18 =	vld [tilespmem:s14+$0x100];
	[tilespmem:s0+$0x0] =	vst v17;
	v20 =	vadd.f32 v20, v8  }
0x1c8: {  	s13 =	sand.u32 $0x3FFFFF80, s18;
	v21 =	vld [tilespmem:s26+$0x100];
	v19 =	vmul.f32 $3.200000000e+01, v19;
	[tilespmem:s24+$0x100] =	vst v15  }
0x1c9: {  	s13 =	sadd.s32 s13, s7;
	s7 =	sor.u32 s23, s6;
	v9 =	vld [tilespmem:s14+$0x18100];
	v17 =	vmul.f32 $3.200000000e+01, v14;
	[tilespmem:s2+$0x0] =	vst v20  }
0x1ca: {  	s23 =	sor.u32 s3, s28;
	s19 =	sadd.s32 $0x6100, s10;
	v11 =	vld [tilespmem:s26+$0x18100];
	v19 =	vadd.f32 v19, v7;
	s17 =	sld [smem:$0x7B5]  }
0x1cb: {  	s18 =	sadd.s32 $0x2100, s13;
	s10 =	sor.u32 s8, s19;
	s21 =	sor.u32 s29, s6;
	v12 =	vld [tilespmem:s11+$0x18100];
	v15 =	vadd.f32 v17, v13  }
0x1cc: {  	s29 =	simm.s32 $0x8;
	s6 =	sor.u32 s3, s19;
	s12 =	sor.u32 s25, s18;
	v18 =	vmul.f32 $3.200000000e+01, v18;
	v14 =	vld [tilespmem:s23+$0x0];
	[tilespmem:s15+$0x0] =	vst v19  }
0x1cd: {  	s20 =	sor.u32 s31, s19;
	s16 =	smov.u32 s5;
	v17 =	vld [tilespmem:s12+$0x0];
	v19 =	vmul.f32 $3.200000000e+01, v21;
	[tilespmem:s1+$0x0] =	vst v15;
	s22 =	sor.u32 s17, s19  }
0x1ce: {  	v16 =	vmul.f32 $3.200000000e+01, v16;
	s24 =	simm.s32 $0x400;
	v20 =	vadd.f32 v18, v9;
	v13 =	vld [tilespmem:s10+$0x0];
	s8 =	sor.u32 s17, s28;
	[dreg:$0xb] =	wrdreg s22  }
0x1cf: {  	s2 =	smov.u32 s30;
	s30 =	sor.u32 s31, s28;
	s31 =	sor.u32 s5, s18;
	v18 =	vadd.f32 v19, v11;
	v15 =	vld [tilespmem:s8+$0x0]  }
0x1d0: {  	s15 =	sor.u32 s2, s18;
	v19 =	vadd.f32 v16, v12;
	s28 =	sor.u32 s4, s18;
	[tilespmem:s14+$0x100] =	vst v20;
	s14 =	simm.s32 $0xC;
	v16 =	vld [tilespmem:s30+$0x0]  }
.LBB2_2:
0x1d1: {  	[dreg:$0x14] =	wrdreg s20;
	s0 =	sshll.u32 s14, $0x7;
	v20 =	vld [tilespmem:s15+$0x0];
	[tilespmem:s26+$0x100] =	vst v18;
	v14 =	vmul.f32 $3.200000000e+01, v14  }
0x1d2: {  	s29 =	sadd.s32 $0x4, s29;
	s24 =	sadd.s32 $0x200, s24;
	s0 =	sand.u32 $0xFFFFE000, s0;
	[tilespmem:s11+$0x100] =	vst v19;
	v18 =	vld [tilespmem:s28+$0x0];
	v17 =	vmul.f32 $3.200000000e+01, v17  }
0x1d3: {  	s9 =	sadd.s32 $0x40, s9;
	s20 =	sshll.u32 s29, $0x1;
	s0 =	ssub.s32 s24, s0;
	v19 =	vld [tilespmem:s31+$0x0];
	v13 =	vmul.f32 $3.200000000e+01, v13;
	v14 =	vadd.f32 v14, v6  }
0x1d4: {  	s22 =	sand.u32 $0x40, s9;
	s19 =	sand.u32 $0xFFFFFF80, s20;
	v21 =	vld [tilespmem:s7+$0x0];
	s1 =	sand.u32 $0xFFFFFC00, s0;
	v17 =	vadd.f32 v17, v10;
	v15 =	vmul.f32 $3.200000000e+01, v15  }
0x1d5: {  	s5 =	smov.u32 s16;
	s16 =	sor.u32 $0x30, s22;
	s11 =	sadd.s32 s19, s1;
	v13 =	vadd.f32 v13, v8;
	[tilespmem:s23+$0x0] =	vst v14;
	v14 =	vmul.f32 $3.200000000e+01, v16;
	v16 =	vld [tilespmem:s21+$0x0]  }
0x1d6: {  	s3 =	sadd.s32 $0x4100, s13;
	s0 =	sor.u32 s16, s11;
	v8 =	vmov v10;
	v10 =	vmul.f32 $3.200000000e+01, v20;
	[tilespmem:s12+$0x0] =	vst v17;
	v15 =	vadd.f32 v15, v5;
	v17 =	vld [tilespmem:s6+$0x0]  }
0x1d7: {  	s12 =	smov.u32 s6;
	v20 =	vld [tilespmem:s0+$0x100];
	v18 =	vmul.f32 $3.200000000e+01, v18;
	[tilespmem:s10+$0x0] =	vst v13;
	s6 =	smov.u32 s25;
	s25 =	sor.u32 s25, s3;
	v14 =	vadd.f32 v14, v7  }
0x1d8: {  	v19 =	vmul.f32 $3.200000000e+01, v19;
	v13 =	vadd.f32 v10, v9;
	[tilespmem:s8+$0x0] =	vst v15;
	v22 =	vld [tilespmem:s25+$0x0]  }
0x1d9: {  	s19 =	sor.u32 $0x10, s22;
	s18 =	sor.u32 s22, s11;
	v10 =	vld [tilespmem:s0+$0x18100];
	v15 =	vadd.f32 v18, v11;
	[tilespmem:s30+$0x0] =	vst v14;
	v14 =	vmul.f32 $3.200000000e+01, v21  }
0x1da: {  	s17 =	sor.u32 $0x20, s22;
	s26 =	sor.u32 s19, s11;
	v18 =	vld [tilespmem:s18+$0x100];
	[tilespmem:s15+$0x0] =	vst v13;
	v13 =	vadd.f32 v19, v12;
	v16 =	vmul.f32 $3.200000000e+01, v16  }
0x1db: {  	s20 =	sand.u32 $0x3FFFFF80, s20;
	s11 =	sor.u32 s17, s11;
	v19 =	vld [tilespmem:s26+$0x100];
	[tilespmem:s28+$0x0] =	vst v15;
	v15 =	vmul.f32 $3.200000000e+01, v17;
	v14 =	vadd.f32 v14, v4  }
0x1dc: {  	s14 =	sadd.s32 $0x4, s14;
	p0 =	slt.u32 s29, $0x1FC;
	s1 =	sadd.s32 s20, s1;
	v20 =	vmul.f32 $3.200000000e+01, v20;
	v17 =	vld [tilespmem:s11+$0x100];
	[tilespmem:s31+$0x0] =	vst v13;
	v13 =	vadd.f32 v16, v3  }
0x1dd: {  	s20 =	rddreg [dreg:$0x14];
	s23 =	sor.u32 s2, s3;
	s10 =	sadd.s32 $0x2100, s1;
	v16 =	vmul.f32 $3.200000000e+01, v22;
	v15 =	vadd.f32 v15, v6;
	[tilespmem:s7+$0x0] =	vst v14;
	v6 =	vmov v9;
	v9 =	vld [tilespmem:s18+$0x18100]  }
0x1de: {  	s8 =	sor.u32 s4, s3;
	s15 =	rddreg [dreg:$0xb];
	s28 =	sor.u32 s19, s10;
	v4 =	vmov v5;
	v5 =	vmov v11;
	v14 =	vadd.f32 v20, v10;
	v11 =	vld [tilespmem:s26+$0x18100];
	[tilespmem:s21+$0x0] =	vst v13  }
0x1df: {  	s30 =	sor.u32 s5, s3;
	s31 =	sor.u32 s17, s10;
	v3 =	vmov v7;
	v7 =	vmov v12;
	s21 =	smov.u32 s20;
	v16 =	vadd.f32 v16, v8;
	v12 =	vld [tilespmem:s11+$0x18100];
	[tilespmem:s12+$0x0] =	vst v15  }
.Ltmp0:
0x1e0: {  	v13 =	vmul.f32 $3.200000000e+01, v18;
	s20 =	sadd.s32 $0x6100, s13;
	[tilespmem:s0+$0x100] =	vst v14;
	s12 =	sor.u32 s16, s10;
	v14 =	vld [tilespmem:s23+$0x0];
	(pc) =	sbr.rel @p0 .LBB2_2-.Ltmp0, $4  }
0x1e1: {  	s7 =	smov.u32 s15;
	s15 =	sor.u32 s22, s10;
	v15 =	vmul.f32 $3.200000000e+01, v19;
	s10 =	sor.u32 s6, s20;
	v19 =	vmul.f32 $3.200000000e+01, v17;
	v17 =	vld [tilespmem:s12+$0x0];
	[tilespmem:s25+$0x0] =	vst v16  }
0x1e2: {  	s13 =	smov.u32 s1;
	s6 =	sor.u32 s2, s20;
	s2 =	smov.u32 s22;
	v16 =	vadd.f32 v13, v9;
	v13 =	vld [tilespmem:s10+$0x0]  }
0x1e3: {  	s25 =	sor.u32 s4, s20;
	s20 =	sor.u32 s5, s20;
	s4 =	smov.u32 s19;
	v18 =	vadd.f32 v15, v11;
	v15 =	vld [tilespmem:s8+$0x0]  }
0x1e4: {  	[dreg:$0xb] =	wrdreg s25;
	s25 =	smov.u32 s16;
	s16 =	smov.u32 s17;
	[tilespmem:s18+$0x100] =	vst v16;
	v19 =	vadd.f32 v19, v12;
	v16 =	vld [tilespmem:s30+$0x0]  }
0x1e5: {  	v20 =	vld [tilespmem:s15+$0x0];
	[tilespmem:s26+$0x100] =	vst v18  }
0x1e6: {  	v18 =	vld [tilespmem:s28+$0x0];
	[tilespmem:s11+$0x100] =	vst v19  }
0x1e7: {  	v17 =	vmul.f32 $3.200000000e+01, v17;
	v19 =	vld [tilespmem:s31+$0x0];
	_ =	sdelay $0x1  }
0x1e8: {  	v17 =	vadd.f32 v17, v10  }
0x1e9: {  	s0 =	sadd.s32 $0x4100, s13;
	v20 =	vmul.f32 $3.200000000e+01, v20  }
0x1ea: {  	s1 =	sor.u32 s25, s0;
	[tilespmem:s12+$0x0] =	vst v17;
	v17 =	vmul.f32 $3.200000000e+01, v18  }
0x1eb: {  	v18 =	vadd.f32 v20, v9;
	v19 =	vmul.f32 $3.200000000e+01, v19;
	v20 =	vld [tilespmem:s1+$0x0]  }
0x1ec: {  	v17 =	vadd.f32 v17, v11  }
0x1ed: {  	v14 =	vmul.f32 $3.200000000e+01, v14;
	s3 =	sor.u32 s2, s0;
	[tilespmem:s15+$0x0] =	vst v18;
	v18 =	vadd.f32 v19, v12  }
0x1ee: {  	s9 =	sor.u32 s4, s0;
	v15 =	vmul.f32 $3.200000000e+01, v15;
	[tilespmem:s28+$0x0] =	vst v17;
	v17 =	vld [tilespmem:s3+$0x0]  }
0x1ef: {  	s0 =	sor.u32 s16, s0;
	v14 =	vadd.f32 v14, v6;
	v16 =	vmul.f32 $3.200000000e+01, v16;
	[tilespmem:s31+$0x0] =	vst v18;
	v18 =	vld [tilespmem:s9+$0x0]  }
0x1f0: {  	v15 =	vadd.f32 v15, v5;
	v19 =	vmul.f32 $3.200000000e+01, v20;
	v20 =	vld [tilespmem:s0+$0x0]  }
0x1f1: {  	[tilespmem:s23+$0x0] =	vst v14;
	v16 =	vadd.f32 v16, v7  }
0x1f2: {  	v21 =	vld [tilespmem:s7+$0x0];
	[tilespmem:s8+$0x0] =	vst v15;
	v19 =	vadd.f32 v19, v10  }
0x1f3: {  	s24 =	sadd.s32 $0x6100, s13;
	v14 =	vld [tilespmem:s21+$0x0];
	[tilespmem:s30+$0x0] =	vst v16;
	v17 =	vmul.f32 $3.200000000e+01, v17  }
0x1f4: {  	s26 =	sor.u32 s25, s24;
	[tilespmem:s1+$0x0] =	vst v19;
	v19 =	vld [tilespmem:s6+$0x0];
	v18 =	vmul.f32 $3.200000000e+01, v18  }
0x1f5: {  	v15 =	vld [tilespmem:s26+$0x0];
	v17 =	vadd.f32 v17, v9;
	v20 =	vmul.f32 $3.200000000e+01, v20;
	s8 =	rddreg [dreg:$0xb]  }
0x1f6: {  	v13 =	vmul.f32 $3.200000000e+01, v13;
	v16 =	vld [tilespmem:s8+$0x0];
	v18 =	vadd.f32 v18, v11  }
0x1f7: {  	s5 =	sor.u32 s2, s24;
	v21 =	vmul.f32 $3.200000000e+01, v21;
	[tilespmem:s3+$0x0] =	vst v17;
	v17 =	vld [tilespmem:s20+$0x0];
	v20 =	vadd.f32 v20, v12  }
0x1f8: {  	v8 =	vadd.f32 v13, v8;
	v13 =	vmul.f32 $3.200000000e+01, v14;
	s3 =	sor.u32 s4, s24;
	v14 =	vld [tilespmem:s5+$0x0];
	[tilespmem:s9+$0x0] =	vst v18  }
0x1f9: {  	v4 =	vadd.f32 v21, v4;
	s4 =	sor.u32 s16, s24;
	v18 =	vmul.f32 $3.200000000e+01, v19;
	[tilespmem:s0+$0x0] =	vst v20;
	v19 =	vld [tilespmem:s3+$0x0]  }
0x1fa: {  	v3 =	vadd.f32 v13, v3;
	[tilespmem:s10+$0x0] =	vst v8;
	v8 =	vmul.f32 $3.200000000e+01, v15;
	v13 =	vld [tilespmem:s4+$0x0]  }
0x1fb: {  	[tilespmem:s7+$0x0] =	vst v4;
	v6 =	vadd.f32 v18, v6;
	v4 =	vmul.f32 $3.200000000e+01, v16  }
0x1fc: {  	[tilespmem:s21+$0x0] =	vst v3;
	v3 =	vadd.f32 v8, v10;
	v8 =	vmul.f32 $3.200000000e+01, v17  }
0x1fd: {  	[tilespmem:s6+$0x0] =	vst v6;
	v6 =	vmul.f32 $3.200000000e+01, v14;
	v4 =	vadd.f32 v4, v5  }
0x1fe: {  	[tilespmem:s26+$0x0] =	vst v3;
	v3 =	vadd.f32 v8, v7;
	v5 =	vmul.f32 $3.200000000e+01, v19  }
0x1ff: {  	v6 =	vadd.f32 v6, v9;
	[tilespmem:s8+$0x0] =	vst v4;
	v4 =	vmul.f32 $3.200000000e+01, v13  }
0x200: {  	[tilespmem:s20+$0x0] =	vst v3;
	v3 =	vadd.f32 v5, v11  }
0x201: {  	[tilespmem:s5+$0x0] =	vst v6;
	v4 =	vadd.f32 v4, v12  }
0x202: {  	[tilespmem:s3+$0x0] =	vst v3  }
0x203: {  	[tilespmem:s4+$0x0] =	vst v4  }
0x204: {  	s1 =	sld [smem:$0x7CE];
	_ =	sdelay $0x1  }
0x205: {  	s0 =	simm.s32 $0x0;
	s8 =	simm.s32 $0x100;
	s9 =	sld [smem:$0x7D0]  }
0x206: {  	[hbm4b:s1+s0] =	stream.linear.scatter [tilespmem:s8], [sflag:$0x8], $0x2000, $0x38;
	[tilespmem:$0x1E100] =	vst v63  }
0x207: {  	s10 =	simm.s32 $0x2100;
	s11 =	sld [smem:$0x7D3]  }
0x208: {  	[hbm4b:s9+s0] =	stream.linear.scatter [tilespmem:s10], [sflag:$0x8], $0x2000, $0x38;
	[tilespmem:$0x1E100] =	vst v63  }
0x209: {  	s12 =	simm.s32 $0x4100;
	s13 =	sld [smem:$0x7D4]  }
0x20a: {  	[hbm4b:s11+s0] =	stream.linear.scatter [tilespmem:s12], [sflag:$0x8], $0x2000, $0x38;
	[tilespmem:$0x1E100] =	vst v63  }
0x20b: {  	s14 =	simm.s32 $0x6100;
	s15 =	simm.s32 $0x8  }
0x20c: {  	[hbm4b:s13+s0] =	stream.linear.scatter [tilespmem:s14], [sflag:$0x8], $0x2000, $0x38;
	[tilespmem:$0x1E100] =	vst v63  }
0x20d: {  	_ =	swait.ge [sflag:s15], $0x2000  }
0x20e: {  	[sflag:s15] =	ssyncset.done $0x0  }
0x20f: {  	[sflag:s15] =	ssyncadd.s32 $0xFFFFE000  }
0x210: {  	_ =	swait.ge [sflag:s15], $0x2000  }
0x211: {  	[sflag:s15] =	ssyncset.done $0x0  }
0x212: {  	[sflag:s15] =	ssyncadd.s32 $0xFFFFE000  }
0x213: {  	_ =	swait.ge [sflag:s15], $0x2000  }
0x214: {  	[sflag:s15] =	ssyncset.done $0x0  }
0x215: {  	[sflag:s15] =	ssyncadd.s32 $0xFFFFE000  }
0x216: {  	_ =	swait.ge [sflag:s15], $0x2000  }
0x217: {  	[sflag:s15] =	ssyncset.done $0x0  }
0x218: {  	[sflag:s15] =	ssyncadd.s32 $0xFFFFE000  }
0x219: {  	v3 =	vld [tilespmem:$0x60];
	_ =	sdelay $0x4  }
0x21a: {  	v4 =	vshll.u32 v3, $0x3  }
0x21b: {  	v3 =	vand.u32 $0x7, v3;
	v4 =	vand.u32 $0xFFFFFFC0, v4  }
0x21c: {  	v3 =	vor.u32 v3, v4  }
0x21d: {  	v4 =	vperm.xlane v3, v0;
	_ =	sdelay $0x1  }
0x21e: {  	v4 =	vadd.s32 v1, v4;
	_ =	sdelay $0x2  }
0x21f: {  	s16 =	sld [smem:$0x7FB]  }
0x220: {  	s1 =	rddreg [dreg:$0x1]  }
0x221: {  	[tilespmem:s8], [sflag:$0x2] =	stream.indirect_vreg.gather [hbm4b:s1+s0], $0x80, v4, vm0, $0xb8;
	[tilespmem:$0x1E100] =	vst v63  }
0x222: {  	s17 =	simm.s32 $0x900;
	s18 =	sld [smem:$0x7FC];
	v3 =	vperm.xlane v3, v2  }
0x223: {  	[tilespmem:s17], [sflag:$0x2] =	stream.indirect_vreg.gather [hbm4b:s16+s0], $0x80, v4, vm0, $0xb8;
	[tilespmem:$0x1E100] =	vst v63  }
0x224: {  	s19 =	simm.s32 $0x1100;
	s20 =	sld [smem:$0x7FD];
	v3 =	vadd.s32 v1, v3  }
0x225: {  	[tilespmem:s19], [sflag:$0x2] =	stream.indirect_vreg.gather [hbm4b:s18+s0], $0x80, v4, vm0, $0xb8;
	[tilespmem:$0x1E100] =	vst v63  }
0x226: {  	s21 =	simm.s32 $0x1900  }
0x227: {  	[tilespmem:s21], [sflag:$0x2] =	stream.indirect_vreg.gather [hbm4b:s20+s0], $0x80, v4, vm0, $0xb8;
	[tilespmem:$0x1E100] =	vst v63  }
0x228: {  	_ = 	snop  }
0x229: {  	[tilespmem:s10], [sflag:$0x2] =	stream.indirect_vreg.gather [hbm4b:s1+s0], $0x80, v3, vm0, $0xb8;
	[tilespmem:$0x1E100] =	vst v63  }
0x22a: {  	s22 =	simm.s32 $0x2900  }
0x22b: {  	[tilespmem:s22], [sflag:$0x2] =	stream.indirect_vreg.gather [hbm4b:s16+s0], $0x80, v3, vm0, $0xb8;
	[tilespmem:$0x1E100] =	vst v63  }
0x22c: {  	s23 =	simm.s32 $0x3100  }
0x22d: {  	[tilespmem:s23], [sflag:$0x2] =	stream.indirect_vreg.gather [hbm4b:s18+s0], $0x80, v3, vm0, $0xb8;
	[tilespmem:$0x1E100] =	vst v63  }
0x22e: {  	s24 =	simm.s32 $0x3900  }
0x22f: {  	[tilespmem:s24], [sflag:$0x2] =	stream.indirect_vreg.gather [hbm4b:s20+s0], $0x80, v3, vm0, $0xb8;
	[tilespmem:$0x1E100] =	vst v63  }
0x230: {  	v3 =	vld [tilespmem:$0x70];
	_ =	sdelay $0x4  }
0x231: {  	v4 =	vshll.u32 v3, $0x3  }
0x232: {  	v3 =	vand.u32 $0x7, v3;
	v4 =	vand.u32 $0xFFFFFFC0, v4  }
0x233: {  	v3 =	vor.u32 v3, v4  }
0x234: {  	v4 =	vperm.xlane v3, v0;
	_ =	sdelay $0x1  }
0x235: {  	v4 =	vadd.s32 v1, v4;
	_ =	sdelay $0x4  }
0x236: {  	[tilespmem:s12], [sflag:$0x2] =	stream.indirect_vreg.gather [hbm4b:s1+s0], $0x80, v4, vm0, $0xb8;
	[tilespmem:$0x1E100] =	vst v63  }
0x237: {  	s25 =	simm.s32 $0x4900;
	v3 =	vperm.xlane v3, v2  }
0x238: {  	[tilespmem:s25], [sflag:$0x2] =	stream.indirect_vreg.gather [hbm4b:s16+s0], $0x80, v4, vm0, $0xb8;
	[tilespmem:$0x1E100] =	vst v63  }
0x239: {  	s26 =	simm.s32 $0x5100;
	v3 =	vadd.s32 v1, v3  }
0x23a: {  	[tilespmem:s26], [sflag:$0x2] =	stream.indirect_vreg.gather [hbm4b:s18+s0], $0x80, v4, vm0, $0xb8;
	[tilespmem:$0x1E100] =	vst v63  }
0x23b: {  	s6 =	simm.s32 $0x5900  }
0x23c: {  	[tilespmem:s6], [sflag:$0x2] =	stream.indirect_vreg.gather [hbm4b:s20+s0], $0x80, v4, vm0, $0xb8;
	[tilespmem:$0x1E100] =	vst v63  }
0x23d: {  	_ = 	snop  }
0x23e: {  	[tilespmem:s14], [sflag:$0x2] =	stream.indirect_vreg.gather [hbm4b:s1+s0], $0x80, v3, vm0, $0xb8;
	[tilespmem:$0x1E100] =	vst v63  }
0x23f: {  	s7 =	simm.s32 $0x6900  }
0x240: {  	[tilespmem:s7], [sflag:$0x2] =	stream.indirect_vreg.gather [hbm4b:s16+s0], $0x80, v3, vm0, $0xb8;
	[tilespmem:$0x1E100] =	vst v63  }
0x241: {  	s8 =	simm.s32 $0x7100  }
0x242: {  	[tilespmem:s8], [sflag:$0x2] =	stream.indirect_vreg.gather [hbm4b:s18+s0], $0x80, v3, vm0, $0xb8;
	[tilespmem:$0x1E100] =	vst v63  }
0x243: {  	s9 =	simm.s32 $0x7900;
	s10 =	sld [smem:$0x7E0]  }
0x244: {  	[tilespmem:s9], [sflag:$0x2] =	stream.indirect_vreg.gather [hbm4b:s20+s0], $0x80, v3, vm0, $0xb8;
	[tilespmem:$0x1E100] =	vst v63  }
0x245: {  	s11 =	simm.s32 $0x18100;
	s12 =	simm.s32 $0x3  }
0x246: {  	[tilespmem:s11], [sflag:$0x5] =	stream.linear.gather [hbm4b:s10+s0], $0x2000, $0x38;
	[tilespmem:$0x1E100] =	vst v63  }
0x247: {  	s2 =	sand.u32 $0x40, s0;
	s13 =	simm.s32 $0x0;
	_ =	swait.ge [sflag:s12], $0x8000  }
0x248: {  	s15 =	simm.s32 $0x0;
	s1 =	sand.u32 $0xFFFFE000, s13;
	[sflag:s12] =	ssyncset.done $0x0  }
0x249: {  	s14 =	simm.s32 $0x6;
	s1 =	ssub.s32 $0x0, s1;
	[sflag:s12] =	ssyncadd.s32 $0xFFFF8000  }
0x24a: {  	s1 =	sand.u32 $0xFFFFFC00, s1;
	s16 =	sand.u32 $0xFFFFFF80, s15;
	_ =	swait.ge [sflag:s14], $0x2000  }
0x24b: {  	s17 =	sadd.s32 s16, s1;
	s0 =	sor.u32 $0x30, s2;
	[sflag:s14] =	ssyncset.done $0x0  }
0x24c: {  	s18 =	sor.u32 s0, s17;
	[sflag:s14] =	ssyncadd.s32 $0xFFFFE000  }
0x24d: {  	v3 =	vld [tilespmem:s18+$0x8100];
	_ =	sdelay $0x1  }
0x24e: {  	s19 =	sor.u32 s2, s17;
	v9 =	vld [tilespmem:s18+$0x1A100]  }
0x24f: {  	v5 =	vld [tilespmem:s19+$0x8100]  }
0x250: {  	s6 =	sor.u32 $0x10, s2  }
0x251: {  	s21 =	sor.u32 $0x20, s2;
	s20 =	sor.u32 s6, s17;
	v13 =	vld [tilespmem:s19+$0x1A100];
	v3 =	vmul.f32 $3.200000000e+01, v3  }
0x252: {  	s4 =	sand.u32 $0x3FFFFF80, s15;
	s5 =	sor.u32 s21, s17;
	v6 =	vld [tilespmem:s20+$0x8100]  }
0x253: {  	s1 =	sadd.s32 s4, s1;
	v7 =	vld [tilespmem:s5+$0x8100];
	v8 =	vadd.f32 v3, v9  }
0x254: {  	s22 =	sadd.s32 $0xA100, s1;
	v4 =	vld [tilespmem:s20+$0x1A100];
	v5 =	vmul.f32 $3.200000000e+01, v5  }
0x255: {  	s23 =	sor.u32 s0, s22;
	v3 =	vld [tilespmem:s5+$0x1A100];
	[tilespmem:s18+$0x8100] =	vst v8  }
0x256: {  	v5 =	vadd.f32 v5, v13;
	v8 =	vld [tilespmem:s23+$0x0]  }
0x257: {  	s24 =	simm.s32 $0x200;
	v6 =	vmul.f32 $3.200000000e+01, v6  }
0x258: {  	s11 =	sand.u32 $0xFFFFE000, s24;
	s12 =	sor.u32 s2, s22;
	[tilespmem:s19+$0x8100] =	vst v5  }
0x259: {  	s3 =	simm.s32 $0x40;
	s26 =	simm.s32 $0x8;
	s25 =	ssub.s32 $0x200, s11;
	v7 =	vmul.f32 $3.200000000e+01, v7;
	v6 =	vadd.f32 v6, v4;
	v10 =	vld [tilespmem:s12+$0x0]  }
0x25a: {  	s3 =	sand.u32 $0x40, s3;
	s15 =	sand.u32 $0xFFFFFF80, s26;
	s13 =	sand.u32 $0xFFFFFC00, s25  }
0x25b: {  	s8 =	sor.u32 $0x30, s3;
	s4 =	sor.u32 s6, s22;
	s16 =	sadd.s32 s15, s13;
	[tilespmem:s20+$0x8100] =	vst v6;
	v5 =	vadd.f32 v7, v3;
	v7 =	vmul.f32 $3.200000000e+01, v8  }
0x25c: {  	s20 =	sor.u32 s8, s16;
	v11 =	vld [tilespmem:s4+$0x0]  }
0x25d: {  	s18 =	sor.u32 s3, s16;
	[tilespmem:s5+$0x8100] =	vst v5;
	v8 =	vld [tilespmem:s20+$0x1A100];
	v5 =	vadd.f32 v7, v9  }
0x25e: {  	v6 =	vmul.f32 $3.200000000e+01, v10;
	v10 =	vld [tilespmem:s18+$0x8100]  }
0x25f: {  	s10 =	sor.u32 s21, s22;
	[tilespmem:s23+$0x0] =	vst v5;
	v5 =	vld [tilespmem:s20+$0x8100]  }
0x260: {  	s22 =	sadd.s32 $0xC100, s1;
	v7 =	vld [tilespmem:s10+$0x0]  }
0x261: {  	s17 =	sor.u32 s0, s22;
	s14 =	sor.u32 $0x10, s3;
	v15 =	vadd.f32 v6, v13;
	v6 =	vld [tilespmem:s18+$0x1A100]  }
0x262: {  	s25 =	sor.u32 $0x20, s3;
	s19 =	sor.u32 s14, s16;
	v12 =	vld [tilespmem:s17+$0x0]  }
0x263: {  	v14 =	vld [tilespmem:s19+$0x8100];
	s5 =	sor.u32 s25, s16;
	v11 =	vmul.f32 $3.200000000e+01, v11  }
0x264: {  	v16 =	vld [tilespmem:s5+$0x8100];
	v17 =	vmul.f32 $3.200000000e+01, v5  }
0x265: {  	v11 =	vadd.f32 v11, v4;
	s23 =	sand.u32 $0x3FFFFF80, s26;
	v10 =	vmul.f32 $3.200000000e+01, v10;
	v18 =	vmul.f32 $3.200000000e+01, v7;
	v7 =	vld [tilespmem:s5+$0x1A100]  }
0x266: {  	s24 =	sor.u32 s2, s22;
	[tilespmem:s12+$0x0] =	vst v15;
	s15 =	sadd.s32 s23, s13;
	v5 =	vld [tilespmem:s19+$0x1A100];
	v15 =	vadd.f32 v17, v8  }
0x267: {  	[tilespmem:s4+$0x0] =	vst v11;
	s9 =	sadd.s32 $0xA100, s15;
	v10 =	vadd.f32 v10, v6;
	v12 =	vmul.f32 $3.200000000e+01, v12;
	v17 =	vld [tilespmem:s24+$0x0]  }
0x268: {  	s26 =	sor.u32 s8, s9;
	v18 =	vadd.f32 v18, v3;
	[tilespmem:s20+$0x8100] =	vst v15  }
0x269: {  	v11 =	vmul.f32 $3.200000000e+01, v16;
	[tilespmem:s18+$0x8100] =	vst v10;
	v12 =	vadd.f32 v12, v9;
	v15 =	vld [tilespmem:s26+$0x0]  }
0x26a: {  	s31 =	sadd.s32 $0xE100, s1;
	v14 =	vmul.f32 $3.200000000e+01, v14;
	s12 =	sor.u32 s3, s9;
	[tilespmem:s10+$0x0] =	vst v18  }
0x26b: {  	s4 =	simm.s32 $0x400;
	s23 =	sor.u32 s0, s31;
	v18 =	vld [tilespmem:s12+$0x0];
	v10 =	vadd.f32 v11, v7;
	[tilespmem:s17+$0x0] =	vst v12  }
0x26c: {  	s1 =	sand.u32 $0xFFFFE000, s4;
	s20 =	sor.u32 s6, s22;
	v14 =	vadd.f32 v14, v5;
	v12 =	vld [tilespmem:s23+$0x0];
	v17 =	vmul.f32 $3.200000000e+01, v17  }
0x26d: {  	s29 =	simm.s32 $0x10;
	s1 =	ssub.s32 $0x400, s1;
	s22 =	sor.u32 s21, s22;
	v16 =	vld [tilespmem:s20+$0x0];
	[tilespmem:s5+$0x8100] =	vst v10  }
0x26e: {  	s0 =	sor.u32 s14, s9;
	s16 =	sor.u32 s25, s9;
	s9 =	simm.s32 $0x80;
	v11 =	vld [tilespmem:s22+$0x0];
	[tilespmem:s19+$0x8100] =	vst v14;
	v14 =	vmul.f32 $3.200000000e+01, v15;
	v15 =	vadd.f32 v17, v13  }
0x26f: {  	s30 =	sand.u32 $0x40, s9;
	s5 =	sand.u32 $0xFFFFFF80, s29;
	v19 =	vld [tilespmem:s16+$0x0];
	s19 =	sand.u32 $0xFFFFFC00, s1  }
0x270: {  	s1 =	sor.u32 s2, s31;
	s7 =	sadd.s32 s5, s19;
	s5 =	sor.u32 $0x30, s30;
	v17 =	vld [tilespmem:s0+$0x0];
	v10 =	vadd.f32 v14, v8;
	[tilespmem:s24+$0x0] =	vst v15  }
0x271: {  	s28 =	sadd.s32 $0xC100, s15;
	v12 =	vmul.f32 $3.200000000e+01, v12;
	s24 =	sor.u32 s5, s7;
	v14 =	vld [tilespmem:s1+$0x0]  }
0x272: {  	v16 =	vmul.f32 $3.200000000e+01, v16;
	v15 =	vld [tilespmem:s24+$0x8100];
	[tilespmem:s26+$0x0] =	vst v10;
	s26 =	sor.u32 s8, s28  }
0x273: {  	v11 =	vmul.f32 $3.200000000e+01, v11;
	v9 =	vadd.f32 v12, v9;
	v20 =	vld [tilespmem:s26+$0x0]  }
0x274: {  	s2 =	sor.u32 $0x10, s30;
	v19 =	vmul.f32 $3.200000000e+01, v19;
	v16 =	vadd.f32 v16, v4;
	v10 =	vld [tilespmem:s24+$0x1A100]  }
0x275: {  	s10 =	sor.u32 s2, s7;
	v11 =	vadd.f32 v11, v3;
	[tilespmem:s23+$0x0] =	vst v9;
	v9 =	vmul.f32 $3.200000000e+01, v17  }
0x276: {  	s4 =	sor.u32 $0x20, s30;
	s18 =	sor.u32 s30, s7;
	v63 =	vld [tilespmem:s10+$0x8100];
	v12 =	vmul.f32 $3.200000000e+01, v18;
	v19 =	vadd.f32 v19, v7;
	[tilespmem:s20+$0x0] =	vst v16  }
0x277: {  	s11 =	sor.u32 s4, s7;
	v18 =	vld [tilespmem:s18+$0x8100];
	[tilespmem:s22+$0x0] =	vst v11;
	v17 =	vadd.f32 v9, v5;
	v15 =	vmul.f32 $3.200000000e+01, v15  }
0x278: {  	v16 =	vld [tilespmem:s11+$0x8100];
	v12 =	vadd.f32 v12, v6;
	[tilespmem:s16+$0x0] =	vst v19;
	v20 =	vmul.f32 $3.200000000e+01, v20  }
0x279: {  	s17 =	sand.u32 $0x3FFFFF80, s29;
	v11 =	vld [tilespmem:s10+$0x1A100];
	[tilespmem:s0+$0x0] =	vst v17;
	v17 =	vmul.f32 $3.200000000e+01, v14;
	v15 =	vadd.f32 v15, v10  }
0x27a: {  	s21 =	sor.u32 s21, s31;
	s13 =	sadd.s32 s17, s19;
	v9 =	vld [tilespmem:s18+$0x1A100];
	[tilespmem:s12+$0x0] =	vst v12;
	v20 =	vadd.f32 v20, v8  }
0x27b: {  	s29 =	simm.s32 $0x8;
	s23 =	sor.u32 s3, s28;
	v12 =	vld [tilespmem:s11+$0x1A100];
	s0 =	sadd.s32 $0xA100, s13;
	[tilespmem:s24+$0x8100] =	vst v15;
	v15 =	vadd.f32 v17, v13  }
0x27c: {  	s19 =	sadd.s32 $0xE100, s15;
	s7 =	sor.u32 s6, s31;
	v14 =	vld [tilespmem:s23+$0x0];
	s12 =	sor.u32 s5, s0;
	[tilespmem:s26+$0x0] =	vst v20  }
0x27d: {  	s20 =	smov.u32 s30;
	s22 =	sor.u32 s14, s19;
	v18 =	vmul.f32 $3.200000000e+01, v18;
	v17 =	vld [tilespmem:s12+$0x0];
	s26 =	sor.u32 s8, s19;
	[tilespmem:s1+$0x0] =	vst v15  }
0x27e: {  	s30 =	sor.u32 s25, s28;
	s25 =	sor.u32 s25, s19;
	v13 =	vld [tilespmem:s26+$0x0];
	[dreg:$0xc] =	wrdreg s22  }
0x27f: {  	s6 =	sor.u32 s3, s19;
	v19 =	vmul.f32 $3.200000000e+01, v63;
	v16 =	vmul.f32 $3.200000000e+01, v16;
	s8 =	sor.u32 s14, s28;
	v20 =	vadd.f32 v18, v9;
	[dreg:$0x5] =	wrdreg s25  }
0x280: {  	s15 =	sor.u32 s20, s0;
	s31 =	sor.u32 s4, s0;
	s24 =	simm.s32 $0x400;
	v15 =	vld [tilespmem:s8+$0x0]  }
0x281: {  	s28 =	sor.u32 s2, s0;
	v18 =	vadd.f32 v19, v11;
	v19 =	vadd.f32 v16, v12;
	s14 =	simm.s32 $0xC;
	s25 =	smov.u32 s5;
	[tilespmem:s18+$0x8100] =	vst v20;
	v16 =	vld [tilespmem:s30+$0x0]  }
.LBB2_4:
0x282: {  	s0 =	sshll.u32 s14, $0x7  }
0x283: {  	v20 =	vld [tilespmem:s15+$0x0];
	s29 =	sadd.s32 $0x4, s29;
	s24 =	sadd.s32 $0x200, s24;
	s5 =	smov.u32 s4;
	[tilespmem:s10+$0x8100] =	vst v18;
	v14 =	vmul.f32 $3.200000000e+01, v14  }
0x284: {  	s4 =	smov.u32 s2;
	s2 =	smov.u32 s20;
	s0 =	sand.u32 $0xFFFFE000, s0;
	[tilespmem:s11+$0x8100] =	vst v19;
	v18 =	vld [tilespmem:s28+$0x0];
	v17 =	vmul.f32 $3.200000000e+01, v17  }
0x285: {  	s9 =	sadd.s32 $0x40, s9;
	s20 =	sshll.u32 s29, $0x1;
	s0 =	ssub.s32 s24, s0;
	v19 =	vld [tilespmem:s31+$0x0];
	v13 =	vmul.f32 $3.200000000e+01, v13;
	v14 =	vadd.f32 v14, v6  }
0x286: {  	s22 =	sand.u32 $0x40, s9;
	s19 =	sand.u32 $0xFFFFFF80, s20;
	v21 =	vld [tilespmem:s7+$0x0];
	s1 =	sand.u32 $0xFFFFFC00, s0;
	v17 =	vadd.f32 v17, v10;
	v15 =	vmul.f32 $3.200000000e+01, v15  }
0x287: {  	s11 =	sadd.s32 s19, s1;
	s19 =	sor.u32 $0x30, s22;
	v13 =	vadd.f32 v13, v8;
	[tilespmem:s23+$0x0] =	vst v14;
	v14 =	vmul.f32 $3.200000000e+01, v16;
	v16 =	vld [tilespmem:s21+$0x0]  }
0x288: {  	s3 =	sadd.s32 $0xC100, s13;
	s0 =	sor.u32 s19, s11;
	v8 =	vmov v10;
	v10 =	vmul.f32 $3.200000000e+01, v20;
	[tilespmem:s12+$0x0] =	vst v17;
	v15 =	vadd.f32 v15, v5;
	v17 =	vld [tilespmem:s6+$0x0]  }
0x289: {  	s12 =	smov.u32 s6;
	v20 =	vld [tilespmem:s0+$0x8100];
	v18 =	vmul.f32 $3.200000000e+01, v18;
	[tilespmem:s26+$0x0] =	vst v13;
	s6 =	smov.u32 s25;
	s25 =	sor.u32 s25, s3;
	v14 =	vadd.f32 v14, v7  }
0x28a: {  	v19 =	vmul.f32 $3.200000000e+01, v19;
	v13 =	vadd.f32 v10, v9;
	[tilespmem:s8+$0x0] =	vst v15;
	v22 =	vld [tilespmem:s25+$0x0]  }
0x28b: {  	s16 =	sor.u32 $0x10, s22;
	s18 =	sor.u32 s22, s11;
	v10 =	vld [tilespmem:s0+$0x1A100];
	v15 =	vadd.f32 v18, v11;
	[tilespmem:s30+$0x0] =	vst v14;
	v14 =	vmul.f32 $3.200000000e+01, v21  }
0x28c: {  	s17 =	sor.u32 $0x20, s22;
	s10 =	sor.u32 s16, s11;
	v18 =	vld [tilespmem:s18+$0x8100];
	[tilespmem:s15+$0x0] =	vst v13;
	v13 =	vadd.f32 v19, v12;
	v16 =	vmul.f32 $3.200000000e+01, v16  }
0x28d: {  	s14 =	sadd.s32 $0x4, s14;
	s20 =	sand.u32 $0x3FFFFF80, s20;
	s11 =	sor.u32 s17, s11;
	v19 =	vld [tilespmem:s10+$0x8100];
	[tilespmem:s28+$0x0] =	vst v15;
	v15 =	vmul.f32 $3.200000000e+01, v17;
	v14 =	vadd.f32 v14, v4  }
0x28e: {  	p0 =	slt.u32 s29, $0x1FC;
	s1 =	sadd.s32 s20, s1;
	s20 =	rddreg [dreg:$0x5];
	v20 =	vmul.f32 $3.200000000e+01, v20;
	v17 =	vld [tilespmem:s11+$0x8100];
	[tilespmem:s31+$0x0] =	vst v13;
	v13 =	vadd.f32 v16, v3  }
0x28f: {  	s23 =	sor.u32 s2, s3;
	s8 =	sor.u32 s4, s3;
	s26 =	rddreg [dreg:$0xc];
	v16 =	vmul.f32 $3.200000000e+01, v22;
	v15 =	vadd.f32 v15, v6;
	[tilespmem:s7+$0x0] =	vst v14;
	v6 =	vmov v9;
	v9 =	vld [tilespmem:s18+$0x1A100]  }
0x290: {  	s30 =	sor.u32 s5, s3;
	v4 =	vmov v5;
	v5 =	vmov v11;
	s7 =	smov.u32 s26;
	v14 =	vadd.f32 v20, v10;
	s26 =	sadd.s32 $0xA100, s1;
	v11 =	vld [tilespmem:s10+$0x1A100];
	[tilespmem:s21+$0x0] =	vst v13  }
0x291: {  	v3 =	vmov v7;
	v7 =	vmov v12;
	s21 =	smov.u32 s20;
	v16 =	vadd.f32 v16, v8;
	s15 =	sor.u32 s22, s26;
	s20 =	sadd.s32 $0xE100, s13;
	v12 =	vld [tilespmem:s11+$0x1A100];
	[tilespmem:s12+$0x0] =	vst v15  }
.Ltmp1:
0x292: {  	v13 =	vmul.f32 $3.200000000e+01, v18;
	s28 =	sor.u32 s16, s26;
	[tilespmem:s0+$0x8100] =	vst v14;
	s12 =	sor.u32 s19, s26;
	v14 =	vld [tilespmem:s23+$0x0];
	(pc) =	sbr.rel @p0 .LBB2_4-.Ltmp1, $4  }
0x293: {  	s31 =	sor.u32 s17, s26;
	s13 =	smov.u32 s1;
	v15 =	vmul.f32 $3.200000000e+01, v19;
	s26 =	sor.u32 s6, s20;
	v19 =	vmul.f32 $3.200000000e+01, v17;
	v17 =	vld [tilespmem:s12+$0x0];
	[tilespmem:s25+$0x0] =	vst v16  }
0x294: {  	s6 =	sor.u32 s2, s20;
	s0 =	sor.u32 s5, s20;
	s2 =	smov.u32 s16;
	v16 =	vadd.f32 v13, v9;
	v13 =	vld [tilespmem:s26+$0x0]  }
0x295: {  	s25 =	sor.u32 s4, s20;
	[dreg:$0x5] =	wrdreg s0;
	s20 =	smov.u32 s22;
	v18 =	vadd.f32 v15, v11;
	v15 =	vld [tilespmem:s8+$0x0]  }
0x296: {  	s4 =	smov.u32 s17;
	[dreg:$0xc] =	wrdreg s25;
	s25 =	smov.u32 s19;
	[tilespmem:s18+$0x8100] =	vst v16;
	v19 =	vadd.f32 v19, v12;
	v16 =	vld [tilespmem:s30+$0x0]  }
0x297: {  	v20 =	vld [tilespmem:s15+$0x0];
	[tilespmem:s10+$0x8100] =	vst v18  }
0x298: {  	v18 =	vld [tilespmem:s28+$0x0];
	[tilespmem:s11+$0x8100] =	vst v19  }
0x299: {  	v17 =	vmul.f32 $3.200000000e+01, v17;
	v19 =	vld [tilespmem:s31+$0x0];
	_ =	sdelay $0x1  }
0x29a: {  	v17 =	vadd.f32 v17, v10  }
0x29b: {  	s0 =	sadd.s32 $0xC100, s13;
	v20 =	vmul.f32 $3.200000000e+01, v20  }
0x29c: {  	s1 =	sor.u32 s25, s0;
	[tilespmem:s12+$0x0] =	vst v17;
	v17 =	vmul.f32 $3.200000000e+01, v18  }
0x29d: {  	v18 =	vadd.f32 v20, v9;
	v19 =	vmul.f32 $3.200000000e+01, v19;
	v20 =	vld [tilespmem:s1+$0x0]  }
0x29e: {  	v17 =	vadd.f32 v17, v11  }
0x29f: {  	v14 =	vmul.f32 $3.200000000e+01, v14;
	s3 =	sor.u32 s20, s0;
	[tilespmem:s15+$0x0] =	vst v18;
	v18 =	vadd.f32 v19, v12  }
0x2a0: {  	s9 =	sor.u32 s2, s0;
	v15 =	vmul.f32 $3.200000000e+01, v15;
	[tilespmem:s28+$0x0] =	vst v17;
	v17 =	vld [tilespmem:s3+$0x0]  }
0x2a1: {  	s0 =	sor.u32 s4, s0;
	v14 =	vadd.f32 v14, v6;
	v16 =	vmul.f32 $3.200000000e+01, v16;
	[tilespmem:s31+$0x0] =	vst v18;
	v18 =	vld [tilespmem:s9+$0x0]  }
0x2a2: {  	v15 =	vadd.f32 v15, v5;
	v19 =	vmul.f32 $3.200000000e+01, v20;
	v20 =	vld [tilespmem:s0+$0x0]  }
0x2a3: {  	[tilespmem:s23+$0x0] =	vst v14;
	v16 =	vadd.f32 v16, v7  }
0x2a4: {  	v21 =	vld [tilespmem:s7+$0x0];
	[tilespmem:s8+$0x0] =	vst v15;
	v19 =	vadd.f32 v19, v10  }
0x2a5: {  	v14 =	vld [tilespmem:s21+$0x0];
	[tilespmem:s30+$0x0] =	vst v16;
	v17 =	vmul.f32 $3.200000000e+01, v17  }
0x2a6: {  	[tilespmem:s1+$0x0] =	vst v19;
	v19 =	vld [tilespmem:s6+$0x0];
	v18 =	vmul.f32 $3.200000000e+01, v18  }
0x2a7: {  	s24 =	sadd.s32 $0xE100, s13;
	v17 =	vadd.f32 v17, v9;
	v20 =	vmul.f32 $3.200000000e+01, v20;
	s11 =	rddreg [dreg:$0xc]  }
0x2a8: {  	s25 =	sor.u32 s25, s24;
	v13 =	vmul.f32 $3.200000000e+01, v13;
	v16 =	vld [tilespmem:s11+$0x0];
	v18 =	vadd.f32 v18, v11  }
0x2a9: {  	s5 =	sor.u32 s20, s24;
	v21 =	vmul.f32 $3.200000000e+01, v21;
	v15 =	vld [tilespmem:s25+$0x0];
	[tilespmem:s3+$0x0] =	vst v17;
	v20 =	vadd.f32 v20, v12  }
0x2aa: {  	v8 =	vadd.f32 v13, v8;
	v13 =	vmul.f32 $3.200000000e+01, v14;
	s8 =	rddreg [dreg:$0x5];
	v14 =	vld [tilespmem:s5+$0x0];
	[tilespmem:s9+$0x0] =	vst v18  }
0x2ab: {  	s4 =	sor.u32 s4, s24;
	v4 =	vadd.f32 v21, v4;
	v17 =	vld [tilespmem:s8+$0x0];
	v18 =	vmul.f32 $3.200000000e+01, v19;
	[tilespmem:s0+$0x0] =	vst v20  }
0x2ac: {  	v3 =	vadd.f32 v13, v3;
	s3 =	sor.u32 s2, s24;
	v13 =	vld [tilespmem:s4+$0x0]  }
0x2ad: {  	[tilespmem:s7+$0x0] =	vst v4;
	v19 =	vld [tilespmem:s3+$0x0];
	v6 =	vadd.f32 v18, v6;
	v4 =	vmul.f32 $3.200000000e+01, v16  }
0x2ae: {  	[tilespmem:s26+$0x0] =	vst v8;
	v8 =	vmul.f32 $3.200000000e+01, v15  }
0x2af: {  	[tilespmem:s6+$0x0] =	vst v6;
	v6 =	vmul.f32 $3.200000000e+01, v14;
	v4 =	vadd.f32 v4, v5  }
0x2b0: {  	[tilespmem:s21+$0x0] =	vst v3;
	v3 =	vadd.f32 v8, v10;
	v8 =	vmul.f32 $3.200000000e+01, v17  }
0x2b1: {  	v6 =	vadd.f32 v6, v9;
	[tilespmem:s11+$0x0] =	vst v4;
	v4 =	vmul.f32 $3.200000000e+01, v13  }
0x2b2: {  	[tilespmem:s25+$0x0] =	vst v3;
	v5 =	vmul.f32 $3.200000000e+01, v19;
	v3 =	vadd.f32 v8, v7  }
0x2b3: {  	[tilespmem:s5+$0x0] =	vst v6;
	v4 =	vadd.f32 v4, v12  }
0x2b4: {  	[tilespmem:s8+$0x0] =	vst v3;
	v3 =	vadd.f32 v5, v11  }
0x2b5: {  	[tilespmem:s4+$0x0] =	vst v4  }
0x2b6: {  	[tilespmem:s3+$0x0] =	vst v3  }
0x2b7: {  	s1 =	sld [smem:$0x7D6];
	_ =	sdelay $0x1  }
0x2b8: {  	s0 =	simm.s32 $0x0;
	s8 =	simm.s32 $0x8100;
	s9 =	sld [smem:$0x7D7]  }
0x2b9: {  	[hbm4b:s1+s0] =	stream.linear.scatter [tilespmem:s8], [sflag:$0x9], $0x2000, $0x38;
	[tilespmem:$0x1E100] =	vst v63  }
0x2ba: {  	s10 =	simm.s32 $0xA100;
	s11 =	sld [smem:$0x7D9]  }
0x2bb: {  	[hbm4b:s9+s0] =	stream.linear.scatter [tilespmem:s10], [sflag:$0x9], $0x2000, $0x38;
	[tilespmem:$0x1E100] =	vst v63  }
0x2bc: {  	s12 =	simm.s32 $0xC100;
	s13 =	sld [smem:$0x7DA]  }
0x2bd: {  	[hbm4b:s11+s0] =	stream.linear.scatter [tilespmem:s12], [sflag:$0x9], $0x2000, $0x38;
	[tilespmem:$0x1E100] =	vst v63  }
0x2be: {  	s14 =	simm.s32 $0xE100;
	s15 =	simm.s32 $0x9  }
0x2bf: {  	[hbm4b:s13+s0] =	stream.linear.scatter [tilespmem:s14], [sflag:$0x9], $0x2000, $0x38;
	[tilespmem:$0x1E100] =	vst v63  }
0x2c0: {  	_ =	swait.ge [sflag:s15], $0x2000  }
0x2c1: {  	[sflag:s15] =	ssyncset.done $0x0  }
0x2c2: {  	[sflag:s15] =	ssyncadd.s32 $0xFFFFE000  }
0x2c3: {  	_ =	swait.ge [sflag:s15], $0x2000  }
0x2c4: {  	[sflag:s15] =	ssyncset.done $0x0  }
0x2c5: {  	[sflag:s15] =	ssyncadd.s32 $0xFFFFE000  }
0x2c6: {  	_ =	swait.ge [sflag:s15], $0x2000  }
0x2c7: {  	[sflag:s15] =	ssyncset.done $0x0  }
0x2c8: {  	[sflag:s15] =	ssyncadd.s32 $0xFFFFE000  }
0x2c9: {  	_ =	swait.ge [sflag:s15], $0x2000  }
0x2ca: {  	[sflag:s15] =	ssyncset.done $0x0  }
0x2cb: {  	[sflag:s15] =	ssyncadd.s32 $0xFFFFE000  }
0x2cc: {  	v3 =	vld [tilespmem:$0x80];
	_ =	sdelay $0x4  }
0x2cd: {  	v4 =	vshll.u32 v3, $0x3  }
0x2ce: {  	v3 =	vand.u32 $0x7, v3;
	v4 =	vand.u32 $0xFFFFFFC0, v4  }
0x2cf: {  	v3 =	vor.u32 v3, v4  }
0x2d0: {  	v4 =	vperm.xlane v3, v0;
	_ =	sdelay $0x1  }
0x2d1: {  	v4 =	vadd.s32 v1, v4;
	_ =	sdelay $0x2  }
0x2d2: {  	s16 =	sld [smem:$0x7FB]  }
0x2d3: {  	s1 =	rddreg [dreg:$0x1]  }
0x2d4: {  	[tilespmem:s8], [sflag:$0x3] =	stream.indirect_vreg.gather [hbm4b:s1+s0], $0x80, v4, vm0, $0xb8;
	[tilespmem:$0x1E100] =	vst v63  }
0x2d5: {  	s17 =	simm.s32 $0x8900;
	s18 =	sld [smem:$0x7FC];
	v3 =	vperm.xlane v3, v2  }
0x2d6: {  	[tilespmem:s17], [sflag:$0x3] =	stream.indirect_vreg.gather [hbm4b:s16+s0], $0x80, v4, vm0, $0xb8;
	[tilespmem:$0x1E100] =	vst v63  }
0x2d7: {  	s19 =	simm.s32 $0x9100;
	s20 =	sld [smem:$0x7FD];
	v3 =	vadd.s32 v1, v3  }
0x2d8: {  	[tilespmem:s19], [sflag:$0x3] =	stream.indirect_vreg.gather [hbm4b:s18+s0], $0x80, v4, vm0, $0xb8;
	[tilespmem:$0x1E100] =	vst v63  }
0x2d9: {  	s21 =	simm.s32 $0x9900  }
0x2da: {  	[tilespmem:s21], [sflag:$0x3] =	stream.indirect_vreg.gather [hbm4b:s20+s0], $0x80, v4, vm0, $0xb8;
	[tilespmem:$0x1E100] =	vst v63  }
0x2db: {  	_ = 	snop  }
0x2dc: {  	[tilespmem:s10], [sflag:$0x3] =	stream.indirect_vreg.gather [hbm4b:s1+s0], $0x80, v3, vm0, $0xb8;
	[tilespmem:$0x1E100] =	vst v63  }
0x2dd: {  	s22 =	simm.s32 $0xA900  }
0x2de: {  	[tilespmem:s22], [sflag:$0x3] =	stream.indirect_vreg.gather [hbm4b:s16+s0], $0x80, v3, vm0, $0xb8;
	[tilespmem:$0x1E100] =	vst v63  }
0x2df: {  	s23 =	simm.s32 $0xB100  }
0x2e0: {  	[tilespmem:s23], [sflag:$0x3] =	stream.indirect_vreg.gather [hbm4b:s18+s0], $0x80, v3, vm0, $0xb8;
	[tilespmem:$0x1E100] =	vst v63  }
0x2e1: {  	s24 =	simm.s32 $0xB900  }
0x2e2: {  	[tilespmem:s24], [sflag:$0x3] =	stream.indirect_vreg.gather [hbm4b:s20+s0], $0x80, v3, vm0, $0xb8;
	[tilespmem:$0x1E100] =	vst v63  }
0x2e3: {  	v3 =	vld [tilespmem:$0x90];
	_ =	sdelay $0x4  }
0x2e4: {  	v4 =	vshll.u32 v3, $0x3  }
0x2e5: {  	v3 =	vand.u32 $0x7, v3;
	v4 =	vand.u32 $0xFFFFFFC0, v4  }
0x2e6: {  	v3 =	vor.u32 v3, v4  }
0x2e7: {  	v4 =	vperm.xlane v3, v0;
	_ =	sdelay $0x1  }
0x2e8: {  	v4 =	vadd.s32 v1, v4;
	_ =	sdelay $0x4  }
0x2e9: {  	[tilespmem:s12], [sflag:$0x3] =	stream.indirect_vreg.gather [hbm4b:s1+s0], $0x80, v4, vm0, $0xb8;
	[tilespmem:$0x1E100] =	vst v63  }
0x2ea: {  	s25 =	simm.s32 $0xC900;
	v3 =	vperm.xlane v3, v2  }
0x2eb: {  	[tilespmem:s25], [sflag:$0x3] =	stream.indirect_vreg.gather [hbm4b:s16+s0], $0x80, v4, vm0, $0xb8;
	[tilespmem:$0x1E100] =	vst v63  }
0x2ec: {  	s26 =	simm.s32 $0xD100;
	v3 =	vadd.s32 v1, v3  }
0x2ed: {  	[tilespmem:s26], [sflag:$0x3] =	stream.indirect_vreg.gather [hbm4b:s18+s0], $0x80, v4, vm0, $0xb8;
	[tilespmem:$0x1E100] =	vst v63  }
0x2ee: {  	s6 =	simm.s32 $0xD900  }
0x2ef: {  	[tilespmem:s6], [sflag:$0x3] =	stream.indirect_vreg.gather [hbm4b:s20+s0], $0x80, v4, vm0, $0xb8;
	[tilespmem:$0x1E100] =	vst v63  }
0x2f0: {  	_ = 	snop  }
0x2f1: {  	[tilespmem:s14], [sflag:$0x3] =	stream.indirect_vreg.gather [hbm4b:s1+s0], $0x80, v3, vm0, $0xb8;
	[tilespmem:$0x1E100] =	vst v63  }
0x2f2: {  	s7 =	simm.s32 $0xE900  }
0x2f3: {  	[tilespmem:s7], [sflag:$0x3] =	stream.indirect_vreg.gather [hbm4b:s16+s0], $0x80, v3, vm0, $0xb8;
	[tilespmem:$0x1E100] =	vst v63  }
0x2f4: {  	s8 =	simm.s32 $0xF100  }
0x2f5: {  	[tilespmem:s8], [sflag:$0x3] =	stream.indirect_vreg.gather [hbm4b:s18+s0], $0x80, v3, vm0, $0xb8;
	[tilespmem:$0x1E100] =	vst v63  }
0x2f6: {  	s9 =	simm.s32 $0xF900;
	s10 =	sld [smem:$0x7E5]  }
0x2f7: {  	[tilespmem:s9], [sflag:$0x3] =	stream.indirect_vreg.gather [hbm4b:s20+s0], $0x80, v3, vm0, $0xb8;
	[tilespmem:$0x1E100] =	vst v63  }
0x2f8: {  	s11 =	simm.s32 $0x1A100;
	s12 =	simm.s32 $0x4  }
0x2f9: {  	[tilespmem:s11], [sflag:$0x6] =	stream.linear.gather [hbm4b:s10+s0], $0x2000, $0x38;
	[tilespmem:$0x1E100] =	vst v63  }
0x2fa: {  	s2 =	sand.u32 $0x40, s0;
	s13 =	simm.s32 $0x0;
	_ =	swait.ge [sflag:s12], $0x8000  }
0x2fb: {  	s15 =	simm.s32 $0x0;
	s1 =	sand.u32 $0xFFFFE000, s13;
	[sflag:s12] =	ssyncset.done $0x0  }
0x2fc: {  	s14 =	simm.s32 $0x7;
	s1 =	ssub.s32 $0x0, s1;
	[sflag:s12] =	ssyncadd.s32 $0xFFFF8000  }
0x2fd: {  	s1 =	sand.u32 $0xFFFFFC00, s1;
	s16 =	sand.u32 $0xFFFFFF80, s15;
	_ =	swait.ge [sflag:s14], $0x2000  }
0x2fe: {  	s17 =	sadd.s32 s16, s1;
	s0 =	sor.u32 $0x30, s2;
	[sflag:s14] =	ssyncset.done $0x0  }
0x2ff: {  	s18 =	sor.u32 s0, s17;
	[sflag:s14] =	ssyncadd.s32 $0xFFFFE000  }
0x300: {  	v3 =	vld [tilespmem:s18+$0x10100];
	_ =	sdelay $0x1  }
0x301: {  	v9 =	vld [tilespmem:s18+$0x1C100]  }
0x302: {  	s6 =	sor.u32 $0x10, s2;
	s19 =	sor.u32 s2, s17  }
0x303: {  	s21 =	sor.u32 $0x20, s2;
	s20 =	sor.u32 s6, s17;
	v5 =	vld [tilespmem:s19+$0x10100]  }
0x304: {  	s5 =	sor.u32 s21, s17;
	v6 =	vld [tilespmem:s20+$0x10100];
	v3 =	vmul.f32 $3.200000000e+01, v3  }
0x305: {  	s4 =	sand.u32 $0x3FFFFF80, s15;
	v7 =	vld [tilespmem:s5+$0x10100]  }
0x306: {  	s1 =	sadd.s32 s4, s1;
	v13 =	vld [tilespmem:s19+$0x1C100];
	v8 =	vadd.f32 v3, v9  }
0x307: {  	s22 =	sadd.s32 $0x12100, s1;
	v4 =	vld [tilespmem:s20+$0x1C100]  }
0x308: {  	s23 =	sor.u32 s0, s22;
	v3 =	vld [tilespmem:s5+$0x1C100];
	[tilespmem:s18+$0x10100] =	vst v8  }
0x309: {  	s24 =	simm.s32 $0x200;
	v5 =	vmul.f32 $3.200000000e+01, v5;
	v8 =	vld [tilespmem:s23+$0x0]  }
0x30a: {  	s11 =	sand.u32 $0xFFFFE000, s24;
	v6 =	vmul.f32 $3.200000000e+01, v6  }
0x30b: {  	s25 =	ssub.s32 $0x200, s11;
	v5 =	vadd.f32 v5, v13  }
0x30c: {  	s26 =	simm.s32 $0x8;
	s15 =	sand.u32 $0xFFFFFC00, s25;
	s14 =	simm.s32 $0x40;
	v7 =	vmul.f32 $3.200000000e+01, v7;
	v6 =	vadd.f32 v6, v4  }
0x30d: {  	s12 =	sor.u32 s2, s22;
	s3 =	sand.u32 $0x40, s14;
	[tilespmem:s19+$0x10100] =	vst v5;
	s19 =	sand.u32 $0xFFFFFF80, s26  }
0x30e: {  	s4 =	sor.u32 s6, s22;
	s14 =	sor.u32 $0x10, s3;
	[tilespmem:s20+$0x10100] =	vst v6;
	v10 =	vld [tilespmem:s12+$0x0];
	s20 =	sadd.s32 s19, s15;
	v5 =	vadd.f32 v7, v3;
	v7 =	vmul.f32 $3.200000000e+01, v8  }
0x30f: {  	s8 =	sor.u32 $0x30, s3;
	v11 =	vld [tilespmem:s4+$0x0];
	s19 =	sor.u32 s14, s20  }
0x310: {  	s10 =	sor.u32 s21, s22;
	s22 =	sor.u32 s8, s20;
	v14 =	vld [tilespmem:s19+$0x10100];
	[tilespmem:s5+$0x10100] =	vst v5;
	v5 =	vadd.f32 v7, v9  }
0x311: {  	v8 =	vld [tilespmem:s22+$0x1C100]  }
0x312: {  	[tilespmem:s23+$0x0] =	vst v5;
	v5 =	vld [tilespmem:s22+$0x10100]  }
0x313: {  	s16 =	sadd.s32 $0x14100, s1;
	s18 =	sor.u32 s3, s20;
	v7 =	vld [tilespmem:s10+$0x0]  }
0x314: {  	s17 =	sor.u32 s0, s16;
	v6 =	vmul.f32 $3.200000000e+01, v10;
	v10 =	vld [tilespmem:s18+$0x10100]  }
0x315: {  	s25 =	sor.u32 $0x20, s3;
	v12 =	vld [tilespmem:s17+$0x0]  }
0x316: {  	s5 =	sor.u32 s25, s20;
	v15 =	vadd.f32 v6, v13;
	v6 =	vld [tilespmem:s18+$0x1C100]  }
0x317: {  	v16 =	vld [tilespmem:s5+$0x10100];
	v17 =	vmul.f32 $3.200000000e+01, v5  }
0x318: {  	v11 =	vmul.f32 $3.200000000e+01, v11;
	s23 =	sand.u32 $0x3FFFFF80, s26;
	v18 =	vmul.f32 $3.200000000e+01, v7;
	v7 =	vld [tilespmem:s5+$0x1C100]  }
0x319: {  	s24 =	sor.u32 s2, s16;
	[tilespmem:s12+$0x0] =	vst v15;
	s15 =	sadd.s32 s23, s15;
	v10 =	vmul.f32 $3.200000000e+01, v10;
	v5 =	vld [tilespmem:s19+$0x1C100];
	v15 =	vadd.f32 v17, v8  }
0x31a: {  	v11 =	vadd.f32 v11, v4;
	s9 =	sadd.s32 $0x12100, s15;
	v12 =	vmul.f32 $3.200000000e+01, v12;
	v17 =	vld [tilespmem:s24+$0x0]  }
0x31b: {  	s26 =	sor.u32 s8, s9;
	v10 =	vadd.f32 v10, v6;
	[tilespmem:s22+$0x10100] =	vst v15  }
0x31c: {  	[tilespmem:s4+$0x0] =	vst v11;
	v11 =	vmul.f32 $3.200000000e+01, v16;
	v12 =	vadd.f32 v12, v9;
	v15 =	vld [tilespmem:s26+$0x0]  }
0x31d: {  	s31 =	sadd.s32 $0x16100, s1;
	s20 =	sor.u32 s6, s16;
	v14 =	vmul.f32 $3.200000000e+01, v14;
	v18 =	vadd.f32 v18, v3;
	[tilespmem:s18+$0x10100] =	vst v10  }
0x31e: {  	s4 =	simm.s32 $0x400;
	s23 =	sor.u32 s0, s31;
	v16 =	vld [tilespmem:s20+$0x0];
	v10 =	vadd.f32 v11, v7;
	[tilespmem:s17+$0x0] =	vst v12  }
0x31f: {  	s1 =	sand.u32 $0xFFFFE000, s4;
	s12 =	sor.u32 s3, s9;
	[tilespmem:s10+$0x0] =	vst v18;
	v14 =	vadd.f32 v14, v5;
	v12 =	vld [tilespmem:s23+$0x0];
	v17 =	vmul.f32 $3.200000000e+01, v17  }
0x320: {  	s29 =	simm.s32 $0x10;
	s1 =	ssub.s32 $0x400, s1;
	v18 =	vld [tilespmem:s12+$0x0];
	s22 =	sor.u32 s21, s16;
	[tilespmem:s5+$0x10100] =	vst v10  }
0x321: {  	s0 =	sor.u32 s14, s9;
	s16 =	sor.u32 s25, s9;
	s9 =	simm.s32 $0x80;
	v11 =	vld [tilespmem:s22+$0x0];
	[tilespmem:s19+$0x10100] =	vst v14;
	v14 =	vmul.f32 $3.200000000e+01, v15;
	v15 =	vadd.f32 v17, v13  }
0x322: {  	s30 =	sand.u32 $0x40, s9;
	s5 =	sand.u32 $0xFFFFFF80, s29;
	v19 =	vld [tilespmem:s16+$0x0];
	s19 =	sand.u32 $0xFFFFFC00, s1  }
0x323: {  	s1 =	sor.u32 s2, s31;
	s7 =	sadd.s32 s5, s19;
	s5 =	sor.u32 $0x30, s30;
	v17 =	vld [tilespmem:s0+$0x0];
	v10 =	vadd.f32 v14, v8;
	[tilespmem:s24+$0x0] =	vst v15  }
0x324: {  	s28 =	sadd.s32 $0x14100, s15;
	v12 =	vmul.f32 $3.200000000e+01, v12;
	s24 =	sor.u32 s5, s7;
	v14 =	vld [tilespmem:s1+$0x0]  }
0x325: {  	v16 =	vmul.f32 $3.200000000e+01, v16;
	v15 =	vld [tilespmem:s24+$0x10100];
	[tilespmem:s26+$0x0] =	vst v10;
	s26 =	sor.u32 s8, s28  }
0x326: {  	v11 =	vmul.f32 $3.200000000e+01, v11;
	v9 =	vadd.f32 v12, v9;
	v20 =	vld [tilespmem:s26+$0x0]  }
0x327: {  	v16 =	vadd.f32 v16, v4;
	s2 =	sor.u32 $0x10, s30;
	v19 =	vmul.f32 $3.200000000e+01, v19;
	v10 =	vld [tilespmem:s24+$0x1C100]  }
0x328: {  	s4 =	sor.u32 $0x20, s30;
	s10 =	sor.u32 s2, s7;
	v11 =	vadd.f32 v11, v3;
	[tilespmem:s23+$0x0] =	vst v9;
	v9 =	vmul.f32 $3.200000000e+01, v17  }
0x329: {  	[tilespmem:s20+$0x0] =	vst v16;
	s11 =	sor.u32 s4, s7;
	v63 =	vld [tilespmem:s10+$0x10100];
	v12 =	vmul.f32 $3.200000000e+01, v18;
	v19 =	vadd.f32 v19, v7  }
0x32a: {  	s18 =	sor.u32 s30, s7;
	v16 =	vld [tilespmem:s11+$0x10100];
	[tilespmem:s22+$0x0] =	vst v11;
	v17 =	vadd.f32 v9, v5;
	v15 =	vmul.f32 $3.200000000e+01, v15  }
0x32b: {  	v18 =	vld [tilespmem:s18+$0x10100];
	v12 =	vadd.f32 v12, v6;
	[tilespmem:s16+$0x0] =	vst v19;
	v20 =	vmul.f32 $3.200000000e+01, v20  }
0x32c: {  	s17 =	sand.u32 $0x3FFFFF80, s29;
	v11 =	vld [tilespmem:s10+$0x1C100];
	[tilespmem:s0+$0x0] =	vst v17;
	v17 =	vmul.f32 $3.200000000e+01, v14;
	v15 =	vadd.f32 v15, v10  }
0x32d: {  	s21 =	sor.u32 s21, s31;
	s13 =	sadd.s32 s17, s19;
	v9 =	vld [tilespmem:s18+$0x1C100];
	[tilespmem:s12+$0x0] =	vst v12;
	v20 =	vadd.f32 v20, v8  }
0x32e: {  	s29 =	simm.s32 $0x8;
	s23 =	sor.u32 s3, s28;
	v12 =	vld [tilespmem:s11+$0x1C100];
	s0 =	sadd.s32 $0x12100, s13;
	[tilespmem:s24+$0x10100] =	vst v15;
	v15 =	vadd.f32 v17, v13  }
0x32f: {  	s20 =	smov.u32 s30;
	s19 =	sadd.s32 $0x16100, s15;
	v14 =	vld [tilespmem:s23+$0x0];
	s12 =	sor.u32 s5, s0;
	[tilespmem:s26+$0x0] =	vst v20  }
0x330: {  	s30 =	sor.u32 s25, s28;
	s22 =	sor.u32 s14, s19;
	v18 =	vmul.f32 $3.200000000e+01, v18;
	v17 =	vld [tilespmem:s12+$0x0];
	s26 =	sor.u32 s8, s19;
	[tilespmem:s1+$0x0] =	vst v15  }
0x331: {  	s25 =	sor.u32 s25, s19;
	s7 =	sor.u32 s6, s31;
	v13 =	vld [tilespmem:s26+$0x0];
	[dreg:$0xd] =	wrdreg s22  }
0x332: {  	s6 =	sor.u32 s3, s19;
	v19 =	vmul.f32 $3.200000000e+01, v63;
	v16 =	vmul.f32 $3.200000000e+01, v16;
	s8 =	sor.u32 s14, s28;
	v20 =	vadd.f32 v18, v9;
	[dreg:$0x6] =	wrdreg s25  }
0x333: {  	s15 =	sor.u32 s20, s0;
	s31 =	sor.u32 s4, s0;
	s24 =	simm.s32 $0x400;
	v15 =	vld [tilespmem:s8+$0x0]  }
0x334: {  	s28 =	sor.u32 s2, s0;
	v18 =	vadd.f32 v19, v11;
	v19 =	vadd.f32 v16, v12;
	s14 =	simm.s32 $0xC;
	s25 =	smov.u32 s5;
	[tilespmem:s18+$0x10100] =	vst v20;
	v16 =	vld [tilespmem:s30+$0x0]  }
.LBB2_6:
0x335: {  	s0 =	sshll.u32 s14, $0x7  }
0x336: {  	v20 =	vld [tilespmem:s15+$0x0];
	s29 =	sadd.s32 $0x4, s29;
	s24 =	sadd.s32 $0x200, s24;
	s5 =	smov.u32 s4;
	[tilespmem:s10+$0x10100] =	vst v18;
	v14 =	vmul.f32 $3.200000000e+01, v14  }
0x337: {  	s4 =	smov.u32 s2;
	s2 =	smov.u32 s20;
	s0 =	sand.u32 $0xFFFFE000, s0;
	[tilespmem:s11+$0x10100] =	vst v19;
	v18 =	vld [tilespmem:s28+$0x0];
	v17 =	vmul.f32 $3.200000000e+01, v17  }
0x338: {  	s9 =	sadd.s32 $0x40, s9;
	s20 =	sshll.u32 s29, $0x1;
	s0 =	ssub.s32 s24, s0;
	v19 =	vld [tilespmem:s31+$0x0];
	v13 =	vmul.f32 $3.200000000e+01, v13;
	v14 =	vadd.f32 v14, v6  }
0x339: {  	s22 =	sand.u32 $0x40, s9;
	s19 =	sand.u32 $0xFFFFFF80, s20;
	v21 =	vld [tilespmem:s7+$0x0];
	s1 =	sand.u32 $0xFFFFFC00, s0;
	v17 =	vadd.f32 v17, v10;
	v15 =	vmul.f32 $3.200000000e+01, v15  }
0x33a: {  	s11 =	sadd.s32 s19, s1;
	s19 =	sor.u32 $0x30, s22;
	v13 =	vadd.f32 v13, v8;
	[tilespmem:s23+$0x0] =	vst v14;
	v14 =	vmul.f32 $3.200000000e+01, v16;
	v16 =	vld [tilespmem:s21+$0x0]  }
0x33b: {  	s3 =	sadd.s32 $0x14100, s13;
	s0 =	sor.u32 s19, s11;
	v8 =	vmov v10;
	v10 =	vmul.f32 $3.200000000e+01, v20;
	[tilespmem:s12+$0x0] =	vst v17;
	v15 =	vadd.f32 v15, v5;
	v17 =	vld [tilespmem:s6+$0x0]  }
0x33c: {  	s12 =	smov.u32 s6;
	v20 =	vld [tilespmem:s0+$0x10100];
	v18 =	vmul.f32 $3.200000000e+01, v18;
	[tilespmem:s26+$0x0] =	vst v13;
	s6 =	smov.u32 s25;
	s25 =	sor.u32 s25, s3;
	v14 =	vadd.f32 v14, v7  }
0x33d: {  	v19 =	vmul.f32 $3.200000000e+01, v19;
	v13 =	vadd.f32 v10, v9;
	[tilespmem:s8+$0x0] =	vst v15;
	v22 =	vld [tilespmem:s25+$0x0]  }
0x33e: {  	s16 =	sor.u32 $0x10, s22;
	s18 =	sor.u32 s22, s11;
	v10 =	vld [tilespmem:s0+$0x1C100];
	v15 =	vadd.f32 v18, v11;
	[tilespmem:s30+$0x0] =	vst v14;
	v14 =	vmul.f32 $3.200000000e+01, v21  }
0x33f: {  	s17 =	sor.u32 $0x20, s22;
	s10 =	sor.u32 s16, s11;
	v18 =	vld [tilespmem:s18+$0x10100];
	[tilespmem:s15+$0x0] =	vst v13;
	v13 =	vadd.f32 v19, v12;
	v16 =	vmul.f32 $3.200000000e+01, v16  }
0x340: {  	s14 =	sadd.s32 $0x4, s14;
	s20 =	sand.u32 $0x3FFFFF80, s20;
	s11 =	sor.u32 s17, s11;
	v19 =	vld [tilespmem:s10+$0x10100];
	[tilespmem:s28+$0x0] =	vst v15;
	v15 =	vmul.f32 $3.200000000e+01, v17;
	v14 =	vadd.f32 v14, v4  }
0x341: {  	p0 =	slt.u32 s29, $0x1FC;
	s1 =	sadd.s32 s20, s1;
	s20 =	rddreg [dreg:$0x6];
	v20 =	vmul.f32 $3.200000000e+01, v20;
	v17 =	vld [tilespmem:s11+$0x10100];
	[tilespmem:s31+$0x0] =	vst v13;
	v13 =	vadd.f32 v16, v3  }
0x342: {  	s23 =	sor.u32 s2, s3;
	s8 =	sor.u32 s4, s3;
	s26 =	rddreg [dreg:$0xd];
	v16 =	vmul.f32 $3.200000000e+01, v22;
	v15 =	vadd.f32 v15, v6;
	[tilespmem:s7+$0x0] =	vst v14;
	v6 =	vmov v9;
	v9 =	vld [tilespmem:s18+$0x1C100]  }
0x343: {  	s30 =	sor.u32 s5, s3;
	v4 =	vmov v5;
	v5 =	vmov v11;
	s7 =	smov.u32 s26;
	v14 =	vadd.f32 v20, v10;
	s26 =	sadd.s32 $0x12100, s1;
	v11 =	vld [tilespmem:s10+$0x1C100];
	[tilespmem:s21+$0x0] =	vst v13  }
0x344: {  	v3 =	vmov v7;
	v7 =	vmov v12;
	s21 =	smov.u32 s20;
	v16 =	vadd.f32 v16, v8;
	s15 =	sor.u32 s22, s26;
	s20 =	sadd.s32 $0x16100, s13;
	v12 =	vld [tilespmem:s11+$0x1C100];
	[tilespmem:s12+$0x0] =	vst v15  }
.Ltmp2:
0x345: {  	v13 =	vmul.f32 $3.200000000e+01, v18;
	s28 =	sor.u32 s16, s26;
	[tilespmem:s0+$0x10100] =	vst v14;
	s12 =	sor.u32 s19, s26;
	v14 =	vld [tilespmem:s23+$0x0];
	(pc) =	sbr.rel @p0 .LBB2_6-.Ltmp2, $4  }
0x346: {  	s31 =	sor.u32 s17, s26;
	s13 =	smov.u32 s1;
	v15 =	vmul.f32 $3.200000000e+01, v19;
	s26 =	sor.u32 s6, s20;
	v19 =	vmul.f32 $3.200000000e+01, v17;
	v17 =	vld [tilespmem:s12+$0x0];
	[tilespmem:s25+$0x0] =	vst v16  }
0x347: {  	s6 =	sor.u32 s2, s20;
	s0 =	sor.u32 s5, s20;
	s2 =	smov.u32 s16;
	v16 =	vadd.f32 v13, v9;
	v13 =	vld [tilespmem:s26+$0x0]  }
0x348: {  	s25 =	sor.u32 s4, s20;
	[dreg:$0x6] =	wrdreg s0;
	s20 =	smov.u32 s22;
	v18 =	vadd.f32 v15, v11;
	v15 =	vld [tilespmem:s8+$0x0]  }
0x349: {  	s4 =	smov.u32 s17;
	[dreg:$0xd] =	wrdreg s25;
	s25 =	smov.u32 s19;
	[tilespmem:s18+$0x10100] =	vst v16;
	v19 =	vadd.f32 v19, v12;
	v16 =	vld [tilespmem:s30+$0x0]  }
0x34a: {  	v20 =	vld [tilespmem:s15+$0x0];
	[tilespmem:s10+$0x10100] =	vst v18  }
0x34b: {  	v18 =	vld [tilespmem:s28+$0x0];
	[tilespmem:s11+$0x10100] =	vst v19  }
0x34c: {  	v17 =	vmul.f32 $3.200000000e+01, v17;
	v19 =	vld [tilespmem:s31+$0x0];
	_ =	sdelay $0x1  }
0x34d: {  	v17 =	vadd.f32 v17, v10  }
0x34e: {  	s0 =	sadd.s32 $0x14100, s13;
	v20 =	vmul.f32 $3.200000000e+01, v20  }
0x34f: {  	s1 =	sor.u32 s25, s0;
	[tilespmem:s12+$0x0] =	vst v17;
	v17 =	vmul.f32 $3.200000000e+01, v18  }
0x350: {  	v18 =	vadd.f32 v20, v9;
	v19 =	vmul.f32 $3.200000000e+01, v19;
	v20 =	vld [tilespmem:s1+$0x0]  }
0x351: {  	v17 =	vadd.f32 v17, v11  }
0x352: {  	v14 =	vmul.f32 $3.200000000e+01, v14;
	s3 =	sor.u32 s20, s0;
	[tilespmem:s15+$0x0] =	vst v18;
	v18 =	vadd.f32 v19, v12  }
0x353: {  	s9 =	sor.u32 s2, s0;
	v15 =	vmul.f32 $3.200000000e+01, v15;
	[tilespmem:s28+$0x0] =	vst v17;
	v17 =	vld [tilespmem:s3+$0x0]  }
0x354: {  	s0 =	sor.u32 s4, s0;
	v14 =	vadd.f32 v14, v6;
	v16 =	vmul.f32 $3.200000000e+01, v16;
	[tilespmem:s31+$0x0] =	vst v18;
	v18 =	vld [tilespmem:s9+$0x0]  }
0x355: {  	v15 =	vadd.f32 v15, v5;
	v19 =	vmul.f32 $3.200000000e+01, v20;
	v20 =	vld [tilespmem:s0+$0x0]  }
0x356: {  	[tilespmem:s23+$0x0] =	vst v14;
	v16 =	vadd.f32 v16, v7  }
0x357: {  	v21 =	vld [tilespmem:s7+$0x0];
	[tilespmem:s8+$0x0] =	vst v15;
	v19 =	vadd.f32 v19, v10  }
0x358: {  	v14 =	vld [tilespmem:s21+$0x0];
	[tilespmem:s30+$0x0] =	vst v16;
	v17 =	vmul.f32 $3.200000000e+01, v17  }
0x359: {  	[tilespmem:s1+$0x0] =	vst v19;
	v19 =	vld [tilespmem:s6+$0x0];
	v18 =	vmul.f32 $3.200000000e+01, v18  }
0x35a: {  	s24 =	sadd.s32 $0x16100, s13;
	v17 =	vadd.f32 v17, v9;
	v20 =	vmul.f32 $3.200000000e+01, v20;
	s11 =	rddreg [dreg:$0xd]  }
0x35b: {  	s25 =	sor.u32 s25, s24;
	v13 =	vmul.f32 $3.200000000e+01, v13;
	v16 =	vld [tilespmem:s11+$0x0];
	v18 =	vadd.f32 v18, v11  }
0x35c: {  	s5 =	sor.u32 s20, s24;
	v21 =	vmul.f32 $3.200000000e+01, v21;
	v15 =	vld [tilespmem:s25+$0x0];
	[tilespmem:s3+$0x0] =	vst v17;
	v20 =	vadd.f32 v20, v12  }
0x35d: {  	v8 =	vadd.f32 v13, v8;
	v13 =	vmul.f32 $3.200000000e+01, v14;
	s8 =	rddreg [dreg:$0x6];
	v14 =	vld [tilespmem:s5+$0x0];
	[tilespmem:s9+$0x0] =	vst v18  }
0x35e: {  	s4 =	sor.u32 s4, s24;
	v4 =	vadd.f32 v21, v4;
	v17 =	vld [tilespmem:s8+$0x0];
	v18 =	vmul.f32 $3.200000000e+01, v19;
	[tilespmem:s0+$0x0] =	vst v20  }
0x35f: {  	v3 =	vadd.f32 v13, v3;
	s3 =	sor.u32 s2, s24;
	v13 =	vld [tilespmem:s4+$0x0]  }
0x360: {  	[tilespmem:s7+$0x0] =	vst v4;
	v19 =	vld [tilespmem:s3+$0x0];
	v6 =	vadd.f32 v18, v6;
	v4 =	vmul.f32 $3.200000000e+01, v16  }
0x361: {  	[tilespmem:s26+$0x0] =	vst v8;
	v8 =	vmul.f32 $3.200000000e+01, v15  }
0x362: {  	[tilespmem:s6+$0x0] =	vst v6;
	v6 =	vmul.f32 $3.200000000e+01, v14;
	v4 =	vadd.f32 v4, v5  }
0x363: {  	[tilespmem:s21+$0x0] =	vst v3;
	v3 =	vadd.f32 v8, v10;
	v8 =	vmul.f32 $3.200000000e+01, v17  }
0x364: {  	v6 =	vadd.f32 v6, v9;
	[tilespmem:s11+$0x0] =	vst v4;
	v4 =	vmul.f32 $3.200000000e+01, v13  }
0x365: {  	[tilespmem:s25+$0x0] =	vst v3;
	v5 =	vmul.f32 $3.200000000e+01, v19;
	v3 =	vadd.f32 v8, v7  }
0x366: {  	[tilespmem:s5+$0x0] =	vst v6;
	v4 =	vadd.f32 v4, v12  }
0x367: {  	[tilespmem:s8+$0x0] =	vst v3;
	v3 =	vadd.f32 v5, v11  }
0x368: {  	[tilespmem:s4+$0x0] =	vst v4  }
0x369: {  	[tilespmem:s3+$0x0] =	vst v3  }
0x36a: {  	s1 =	sld [smem:$0x7DC];
	_ =	sdelay $0x1  }
0x36b: {  	s0 =	simm.s32 $0x0;
	s8 =	simm.s32 $0x10100;
	s9 =	sld [smem:$0x7DD]  }
0x36c: {  	[hbm4b:s1+s0] =	stream.linear.scatter [tilespmem:s8], [sflag:$0xA], $0x2000, $0x38;
	[tilespmem:$0x1E100] =	vst v63  }
0x36d: {  	s10 =	simm.s32 $0x12100;
	s11 =	sld [smem:$0x7DE]  }
0x36e: {  	[hbm4b:s9+s0] =	stream.linear.scatter [tilespmem:s10], [sflag:$0xA], $0x2000, $0x38;
	[tilespmem:$0x1E100] =	vst v63  }
0x36f: {  	s12 =	simm.s32 $0x14100;
	s13 =	sld [smem:$0x7DF]  }
0x370: {  	[hbm4b:s11+s0] =	stream.linear.scatter [tilespmem:s12], [sflag:$0xA], $0x2000, $0x38;
	[tilespmem:$0x1E100] =	vst v63  }
0x371: {  	s14 =	simm.s32 $0x16100;
	s15 =	simm.s32 $0xA  }
0x372: {  	[hbm4b:s13+s0] =	stream.linear.scatter [tilespmem:s14], [sflag:$0xA], $0x2000, $0x38;
	[tilespmem:$0x1E100] =	vst v63  }
0x373: {  	_ =	swait.ge [sflag:s15], $0x2000  }
0x374: {  	[sflag:s15] =	ssyncset.done $0x0  }
0x375: {  	[sflag:s15] =	ssyncadd.s32 $0xFFFFE000  }
0x376: {  	_ =	swait.ge [sflag:s15], $0x2000  }
0x377: {  	[sflag:s15] =	ssyncset.done $0x0  }
0x378: {  	[sflag:s15] =	ssyncadd.s32 $0xFFFFE000  }
0x379: {  	_ =	swait.ge [sflag:s15], $0x2000  }
0x37a: {  	[sflag:s15] =	ssyncset.done $0x0  }
0x37b: {  	[sflag:s15] =	ssyncadd.s32 $0xFFFFE000  }
0x37c: {  	_ =	swait.ge [sflag:s15], $0x2000  }
0x37d: {  	[sflag:s15] =	ssyncset.done $0x0  }
0x37e: {  	[sflag:s15] =	ssyncadd.s32 $0xFFFFE000  }
0x37f: {  	v3 =	vld [tilespmem:$0xA0];
	_ =	sdelay $0x4  }
0x380: {  	v4 =	vshll.u32 v3, $0x3  }
0x381: {  	v3 =	vand.u32 $0x7, v3;
	v4 =	vand.u32 $0xFFFFFFC0, v4  }
0x382: {  	v3 =	vor.u32 v3, v4  }
0x383: {  	v4 =	vperm.xlane v3, v0;
	_ =	sdelay $0x1  }
0x384: {  	v4 =	vadd.s32 v1, v4;
	_ =	sdelay $0x2  }
0x385: {  	s16 =	sld [smem:$0x7FB]  }
0x386: {  	s1 =	rddreg [dreg:$0x1]  }
0x387: {  	[tilespmem:s8], [sflag:$0x4] =	stream.indirect_vreg.gather [hbm4b:s1+s0], $0x80, v4, vm0, $0xb8;
	[tilespmem:$0x1E100] =	vst v63  }
0x388: {  	s17 =	simm.s32 $0x10900;
	s18 =	sld [smem:$0x7FC];
	v3 =	vperm.xlane v3, v2  }
0x389: {  	[tilespmem:s17], [sflag:$0x4] =	stream.indirect_vreg.gather [hbm4b:s16+s0], $0x80, v4, vm0, $0xb8;
	[tilespmem:$0x1E100] =	vst v63  }
0x38a: {  	s19 =	simm.s32 $0x11100;
	s20 =	sld [smem:$0x7FD];
	v3 =	vadd.s32 v1, v3  }
0x38b: {  	[tilespmem:s19], [sflag:$0x4] =	stream.indirect_vreg.gather [hbm4b:s18+s0], $0x80, v4, vm0, $0xb8;
	[tilespmem:$0x1E100] =	vst v63  }
0x38c: {  	s21 =	simm.s32 $0x11900  }
0x38d: {  	[tilespmem:s21], [sflag:$0x4] =	stream.indirect_vreg.gather [hbm4b:s20+s0], $0x80, v4, vm0, $0xb8;
	[tilespmem:$0x1E100] =	vst v63  }
0x38e: {  	_ = 	snop  }
0x38f: {  	[tilespmem:s10], [sflag:$0x4] =	stream.indirect_vreg.gather [hbm4b:s1+s0], $0x80, v3, vm0, $0xb8;
	[tilespmem:$0x1E100] =	vst v63  }
0x390: {  	s22 =	simm.s32 $0x12900  }
0x391: {  	[tilespmem:s22], [sflag:$0x4] =	stream.indirect_vreg.gather [hbm4b:s16+s0], $0x80, v3, vm0, $0xb8;
	[tilespmem:$0x1E100] =	vst v63  }
0x392: {  	s23 =	simm.s32 $0x13100  }
0x393: {  	[tilespmem:s23], [sflag:$0x4] =	stream.indirect_vreg.gather [hbm4b:s18+s0], $0x80, v3, vm0, $0xb8;
	[tilespmem:$0x1E100] =	vst v63  }
0x394: {  	s24 =	simm.s32 $0x13900  }
0x395: {  	[tilespmem:s24], [sflag:$0x4] =	stream.indirect_vreg.gather [hbm4b:s20+s0], $0x80, v3, vm0, $0xb8;
	[tilespmem:$0x1E100] =	vst v63  }
0x396: {  	v3 =	vld [tilespmem:$0xB0];
	_ =	sdelay $0x4  }
0x397: {  	v4 =	vshll.u32 v3, $0x3  }
0x398: {  	v3 =	vand.u32 $0x7, v3;
	v4 =	vand.u32 $0xFFFFFFC0, v4  }
0x399: {  	v3 =	vor.u32 v3, v4  }
0x39a: {  	v4 =	vperm.xlane v3, v0;
	_ =	sdelay $0x1  }
0x39b: {  	v4 =	vadd.s32 v1, v4;
	_ =	sdelay $0x4  }
0x39c: {  	[tilespmem:s12], [sflag:$0x4] =	stream.indirect_vreg.gather [hbm4b:s1+s0], $0x80, v4, vm0, $0xb8;
	[tilespmem:$0x1E100] =	vst v63  }
0x39d: {  	s25 =	simm.s32 $0x14900;
	v3 =	vperm.xlane v3, v2  }
0x39e: {  	[tilespmem:s25], [sflag:$0x4] =	stream.indirect_vreg.gather [hbm4b:s16+s0], $0x80, v4, vm0, $0xb8;
	[tilespmem:$0x1E100] =	vst v63  }
0x39f: {  	s26 =	simm.s32 $0x15100;
	v3 =	vadd.s32 v1, v3  }
0x3a0: {  	[tilespmem:s26], [sflag:$0x4] =	stream.indirect_vreg.gather [hbm4b:s18+s0], $0x80, v4, vm0, $0xb8;
	[tilespmem:$0x1E100] =	vst v63  }
0x3a1: {  	s6 =	simm.s32 $0x15900  }
0x3a2: {  	[tilespmem:s6], [sflag:$0x4] =	stream.indirect_vreg.gather [hbm4b:s20+s0], $0x80, v4, vm0, $0xb8;
	[tilespmem:$0x1E100] =	vst v63  }
0x3a3: {  	_ = 	snop  }
0x3a4: {  	[tilespmem:s14], [sflag:$0x4] =	stream.indirect_vreg.gather [hbm4b:s1+s0], $0x80, v3, vm0, $0xb8;
	[tilespmem:$0x1E100] =	vst v63  }
0x3a5: {  	s7 =	simm.s32 $0x16900  }
0x3a6: {  	[tilespmem:s7], [sflag:$0x4] =	stream.indirect_vreg.gather [hbm4b:s16+s0], $0x80, v3, vm0, $0xb8;
	[tilespmem:$0x1E100] =	vst v63  }
0x3a7: {  	s8 =	simm.s32 $0x17100  }
0x3a8: {  	[tilespmem:s8], [sflag:$0x4] =	stream.indirect_vreg.gather [hbm4b:s18+s0], $0x80, v3, vm0, $0xb8;
	[tilespmem:$0x1E100] =	vst v63  }
0x3a9: {  	s9 =	simm.s32 $0x17900;
	s10 =	sld [smem:$0x7EA]  }
0x3aa: {  	[tilespmem:s9], [sflag:$0x4] =	stream.indirect_vreg.gather [hbm4b:s20+s0], $0x80, v3, vm0, $0xb8;
	[tilespmem:$0x1E100] =	vst v63  }
0x3ab: {  	s11 =	simm.s32 $0x1C100;
	s12 =	simm.s32 $0x2  }
0x3ac: {  	[tilespmem:s11], [sflag:$0x7] =	stream.linear.gather [hbm4b:s10+s0], $0x2000, $0x38;
	[tilespmem:$0x1E100] =	vst v63  }
0x3ad: {  	s2 =	sand.u32 $0x40, s0;
	s13 =	simm.s32 $0x0;
	_ =	swait.ge [sflag:s12], $0x8000  }
0x3ae: {  	s15 =	simm.s32 $0x0;
	s1 =	sand.u32 $0xFFFFE000, s13;
	[sflag:s12] =	ssyncset.done $0x0  }
0x3af: {  	s14 =	simm.s32 $0x5;
	s1 =	ssub.s32 $0x0, s1;
	[sflag:s12] =	ssyncadd.s32 $0xFFFF8000  }
0x3b0: {  	s1 =	sand.u32 $0xFFFFFC00, s1;
	s16 =	sand.u32 $0xFFFFFF80, s15;
	_ =	swait.ge [sflag:s14], $0x2000  }
0x3b1: {  	s17 =	sadd.s32 s16, s1;
	s0 =	sor.u32 $0x30, s2;
	[sflag:s14] =	ssyncset.done $0x0  }
0x3b2: {  	s18 =	sor.u32 s0, s17;
	[sflag:s14] =	ssyncadd.s32 $0xFFFFE000  }
0x3b3: {  	v3 =	vld [tilespmem:s18+$0x100];
	_ =	sdelay $0x1  }
0x3b4: {  	v9 =	vld [tilespmem:s18+$0x18100]  }
0x3b5: {  	s6 =	sor.u32 $0x10, s2;
	s19 =	sor.u32 s2, s17  }
0x3b6: {  	s21 =	sor.u32 $0x20, s2;
	s20 =	sor.u32 s6, s17;
	v5 =	vld [tilespmem:s19+$0x100]  }
0x3b7: {  	s5 =	sor.u32 s21, s17;
	v6 =	vld [tilespmem:s20+$0x100];
	v3 =	vmul.f32 $3.200000000e+01, v3  }
0x3b8: {  	s4 =	sand.u32 $0x3FFFFF80, s15;
	v7 =	vld [tilespmem:s5+$0x100]  }
0x3b9: {  	s1 =	sadd.s32 s4, s1;
	v13 =	vld [tilespmem:s19+$0x18100];
	v8 =	vadd.f32 v3, v9  }
0x3ba: {  	s22 =	sadd.s32 $0x2100, s1;
	v4 =	vld [tilespmem:s20+$0x18100]  }
0x3bb: {  	s23 =	sor.u32 s0, s22;
	v3 =	vld [tilespmem:s5+$0x18100];
	[tilespmem:s18+$0x100] =	vst v8  }
0x3bc: {  	s24 =	simm.s32 $0x200;
	v5 =	vmul.f32 $3.200000000e+01, v5;
	v8 =	vld [tilespmem:s23+$0x0]  }
0x3bd: {  	s11 =	sand.u32 $0xFFFFE000, s24;
	v6 =	vmul.f32 $3.200000000e+01, v6  }
0x3be: {  	s25 =	ssub.s32 $0x200, s11;
	v5 =	vadd.f32 v5, v13  }
0x3bf: {  	s26 =	simm.s32 $0x8;
	s15 =	sand.u32 $0xFFFFFC00, s25;
	s14 =	simm.s32 $0x40;
	v7 =	vmul.f32 $3.200000000e+01, v7;
	v6 =	vadd.f32 v6, v4  }
0x3c0: {  	s12 =	sor.u32 s2, s22;
	s3 =	sand.u32 $0x40, s14;
	[tilespmem:s19+$0x100] =	vst v5;
	s19 =	sand.u32 $0xFFFFFF80, s26  }
0x3c1: {  	s4 =	sor.u32 s6, s22;
	s14 =	sor.u32 $0x10, s3;
	[tilespmem:s20+$0x100] =	vst v6;
	v10 =	vld [tilespmem:s12+$0x0];
	s20 =	sadd.s32 s19, s15;
	v5 =	vadd.f32 v7, v3;
	v7 =	vmul.f32 $3.200000000e+01, v8  }
0x3c2: {  	s8 =	sor.u32 $0x30, s3;
	v11 =	vld [tilespmem:s4+$0x0];
	s19 =	sor.u32 s14, s20  }
0x3c3: {  	s10 =	sor.u32 s21, s22;
	s22 =	sor.u32 s8, s20;
	v14 =	vld [tilespmem:s19+$0x100];
	[tilespmem:s5+$0x100] =	vst v5;
	v5 =	vadd.f32 v7, v9  }
0x3c4: {  	v8 =	vld [tilespmem:s22+$0x18100]  }
0x3c5: {  	[tilespmem:s23+$0x0] =	vst v5;
	v5 =	vld [tilespmem:s22+$0x100]  }
0x3c6: {  	s16 =	sadd.s32 $0x4100, s1;
	s18 =	sor.u32 s3, s20;
	v7 =	vld [tilespmem:s10+$0x0]  }
0x3c7: {  	s17 =	sor.u32 s0, s16;
	v6 =	vmul.f32 $3.200000000e+01, v10;
	v10 =	vld [tilespmem:s18+$0x100]  }
0x3c8: {  	s25 =	sor.u32 $0x20, s3;
	v12 =	vld [tilespmem:s17+$0x0]  }
0x3c9: {  	s5 =	sor.u32 s25, s20;
	v15 =	vadd.f32 v6, v13;
	v6 =	vld [tilespmem:s18+$0x18100]  }
0x3ca: {  	v16 =	vld [tilespmem:s5+$0x100];
	v17 =	vmul.f32 $3.200000000e+01, v5  }
0x3cb: {  	v11 =	vmul.f32 $3.200000000e+01, v11;
	s23 =	sand.u32 $0x3FFFFF80, s26;
	v18 =	vmul.f32 $3.200000000e+01, v7;
	v7 =	vld [tilespmem:s5+$0x18100]  }
0x3cc: {  	s24 =	sor.u32 s2, s16;
	[tilespmem:s12+$0x0] =	vst v15;
	s15 =	sadd.s32 s23, s15;
	v10 =	vmul.f32 $3.200000000e+01, v10;
	v5 =	vld [tilespmem:s19+$0x18100];
	v15 =	vadd.f32 v17, v8  }
0x3cd: {  	v11 =	vadd.f32 v11, v4;
	s9 =	sadd.s32 $0x2100, s15;
	v12 =	vmul.f32 $3.200000000e+01, v12;
	v17 =	vld [tilespmem:s24+$0x0]  }
0x3ce: {  	s26 =	sor.u32 s8, s9;
	v10 =	vadd.f32 v10, v6;
	[tilespmem:s22+$0x100] =	vst v15  }
0x3cf: {  	[tilespmem:s4+$0x0] =	vst v11;
	v11 =	vmul.f32 $3.200000000e+01, v16;
	v12 =	vadd.f32 v12, v9;
	v15 =	vld [tilespmem:s26+$0x0]  }
0x3d0: {  	s31 =	sadd.s32 $0x6100, s1;
	s20 =	sor.u32 s6, s16;
	v14 =	vmul.f32 $3.200000000e+01, v14;
	v18 =	vadd.f32 v18, v3;
	[tilespmem:s18+$0x100] =	vst v10  }
0x3d1: {  	s4 =	simm.s32 $0x400;
	s23 =	sor.u32 s0, s31;
	v16 =	vld [tilespmem:s20+$0x0];
	v10 =	vadd.f32 v11, v7;
	[tilespmem:s17+$0x0] =	vst v12  }
0x3d2: {  	s1 =	sand.u32 $0xFFFFE000, s4;
	s12 =	sor.u32 s3, s9;
	[tilespmem:s10+$0x0] =	vst v18;
	v14 =	vadd.f32 v14, v5;
	v12 =	vld [tilespmem:s23+$0x0];
	v17 =	vmul.f32 $3.200000000e+01, v17  }
0x3d3: {  	s29 =	simm.s32 $0x10;
	s1 =	ssub.s32 $0x400, s1;
	v18 =	vld [tilespmem:s12+$0x0];
	s22 =	sor.u32 s21, s16;
	[tilespmem:s5+$0x100] =	vst v10  }
0x3d4: {  	s0 =	sor.u32 s14, s9;
	s16 =	sor.u32 s25, s9;
	s9 =	simm.s32 $0x80;
	v11 =	vld [tilespmem:s22+$0x0];
	[tilespmem:s19+$0x100] =	vst v14;
	v14 =	vmul.f32 $3.200000000e+01, v15;
	v15 =	vadd.f32 v17, v13  }
0x3d5: {  	s30 =	sand.u32 $0x40, s9;
	s5 =	sand.u32 $0xFFFFFF80, s29;
	v19 =	vld [tilespmem:s16+$0x0];
	s19 =	sand.u32 $0xFFFFFC00, s1  }
0x3d6: {  	s1 =	sor.u32 s2, s31;
	s7 =	sadd.s32 s5, s19;
	s5 =	sor.u32 $0x30, s30;
	v17 =	vld [tilespmem:s0+$0x0];
	v10 =	vadd.f32 v14, v8;
	[tilespmem:s24+$0x0] =	vst v15  }
0x3d7: {  	s28 =	sadd.s32 $0x4100, s15;
	v12 =	vmul.f32 $3.200000000e+01, v12;
	s24 =	sor.u32 s5, s7;
	v14 =	vld [tilespmem:s1+$0x0]  }
0x3d8: {  	v16 =	vmul.f32 $3.200000000e+01, v16;
	v15 =	vld [tilespmem:s24+$0x100];
	[tilespmem:s26+$0x0] =	vst v10;
	s26 =	sor.u32 s8, s28  }
0x3d9: {  	v11 =	vmul.f32 $3.200000000e+01, v11;
	v9 =	vadd.f32 v12, v9;
	v20 =	vld [tilespmem:s26+$0x0]  }
0x3da: {  	v16 =	vadd.f32 v16, v4;
	s2 =	sor.u32 $0x10, s30;
	v19 =	vmul.f32 $3.200000000e+01, v19;
	v10 =	vld [tilespmem:s24+$0x18100]  }
0x3db: {  	s4 =	sor.u32 $0x20, s30;
	s10 =	sor.u32 s2, s7;
	v11 =	vadd.f32 v11, v3;
	[tilespmem:s23+$0x0] =	vst v9;
	v9 =	vmul.f32 $3.200000000e+01, v17  }
0x3dc: {  	[tilespmem:s20+$0x0] =	vst v16;
	s11 =	sor.u32 s4, s7;
	v63 =	vld [tilespmem:s10+$0x100];
	v12 =	vmul.f32 $3.200000000e+01, v18;
	v19 =	vadd.f32 v19, v7  }
0x3dd: {  	s18 =	sor.u32 s30, s7;
	v16 =	vld [tilespmem:s11+$0x100];
	[tilespmem:s22+$0x0] =	vst v11;
	v17 =	vadd.f32 v9, v5;
	v15 =	vmul.f32 $3.200000000e+01, v15  }
0x3de: {  	v18 =	vld [tilespmem:s18+$0x100];
	v12 =	vadd.f32 v12, v6;
	[tilespmem:s16+$0x0] =	vst v19;
	v20 =	vmul.f32 $3.200000000e+01, v20  }
0x3df: {  	s17 =	sand.u32 $0x3FFFFF80, s29;
	v11 =	vld [tilespmem:s10+$0x18100];
	[tilespmem:s0+$0x0] =	vst v17;
	v17 =	vmul.f32 $3.200000000e+01, v14;
	v15 =	vadd.f32 v15, v10  }
0x3e0: {  	s21 =	sor.u32 s21, s31;
	s13 =	sadd.s32 s17, s19;
	v9 =	vld [tilespmem:s18+$0x18100];
	[tilespmem:s12+$0x0] =	vst v12;
	v20 =	vadd.f32 v20, v8  }
0x3e1: {  	s29 =	simm.s32 $0x8;
	s23 =	sor.u32 s3, s28;
	v12 =	vld [tilespmem:s11+$0x18100];
	s0 =	sadd.s32 $0x2100, s13;
	[tilespmem:s24+$0x100] =	vst v15;
	v15 =	vadd.f32 v17, v13  }
0x3e2: {  	s20 =	smov.u32 s30;
	s19 =	sadd.s32 $0x6100, s15;
	v14 =	vld [tilespmem:s23+$0x0];
	s12 =	sor.u32 s5, s0;
	[tilespmem:s26+$0x0] =	vst v20  }
0x3e3: {  	s30 =	sor.u32 s25, s28;
	s22 =	sor.u32 s14, s19;
	v18 =	vmul.f32 $3.200000000e+01, v18;
	v17 =	vld [tilespmem:s12+$0x0];
	s26 =	sor.u32 s8, s19;
	[tilespmem:s1+$0x0] =	vst v15  }
0x3e4: {  	s25 =	sor.u32 s25, s19;
	s7 =	sor.u32 s6, s31;
	v13 =	vld [tilespmem:s26+$0x0];
	[dreg:$0xe] =	wrdreg s22  }
0x3e5: {  	s6 =	sor.u32 s3, s19;
	v19 =	vmul.f32 $3.200000000e+01, v63;
	v16 =	vmul.f32 $3.200000000e+01, v16;
	s8 =	sor.u32 s14, s28;
	v20 =	vadd.f32 v18, v9;
	[dreg:$0x7] =	wrdreg s25  }
0x3e6: {  	s15 =	sor.u32 s20, s0;
	s31 =	sor.u32 s4, s0;
	s24 =	simm.s32 $0x400;
	v15 =	vld [tilespmem:s8+$0x0]  }
0x3e7: {  	s28 =	sor.u32 s2, s0;
	v18 =	vadd.f32 v19, v11;
	v19 =	vadd.f32 v16, v12;
	s14 =	simm.s32 $0xC;
	s25 =	smov.u32 s5;
	[tilespmem:s18+$0x100] =	vst v20;
	v16 =	vld [tilespmem:s30+$0x0]  }
.LBB2_8:
0x3e8: {  	s0 =	sshll.u32 s14, $0x7  }
0x3e9: {  	v20 =	vld [tilespmem:s15+$0x0];
	s29 =	sadd.s32 $0x4, s29;
	s24 =	sadd.s32 $0x200, s24;
	s5 =	smov.u32 s4;
	[tilespmem:s10+$0x100] =	vst v18;
	v14 =	vmul.f32 $3.200000000e+01, v14  }
0x3ea: {  	s4 =	smov.u32 s2;
	s2 =	smov.u32 s20;
	s0 =	sand.u32 $0xFFFFE000, s0;
	[tilespmem:s11+$0x100] =	vst v19;
	v18 =	vld [tilespmem:s28+$0x0];
	v17 =	vmul.f32 $3.200000000e+01, v17  }
0x3eb: {  	s9 =	sadd.s32 $0x40, s9;
	s20 =	sshll.u32 s29, $0x1;
	s0 =	ssub.s32 s24, s0;
	v19 =	vld [tilespmem:s31+$0x0];
	v13 =	vmul.f32 $3.200000000e+01, v13;
	v14 =	vadd.f32 v14, v6  }
0x3ec: {  	s22 =	sand.u32 $0x40, s9;
	s19 =	sand.u32 $0xFFFFFF80, s20;
	v21 =	vld [tilespmem:s7+$0x0];
	s1 =	sand.u32 $0xFFFFFC00, s0;
	v17 =	vadd.f32 v17, v10;
	v15 =	vmul.f32 $3.200000000e+01, v15  }
0x3ed: {  	s11 =	sadd.s32 s19, s1;
	s19 =	sor.u32 $0x30, s22;
	v13 =	vadd.f32 v13, v8;
	[tilespmem:s23+$0x0] =	vst v14;
	v14 =	vmul.f32 $3.200000000e+01, v16;
	v16 =	vld [tilespmem:s21+$0x0]  }
0x3ee: {  	s3 =	sadd.s32 $0x4100, s13;
	s0 =	sor.u32 s19, s11;
	v8 =	vmov v10;
	v10 =	vmul.f32 $3.200000000e+01, v20;
	[tilespmem:s12+$0x0] =	vst v17;
	v15 =	vadd.f32 v15, v5;
	v17 =	vld [tilespmem:s6+$0x0]  }
0x3ef: {  	s12 =	smov.u32 s6;
	v20 =	vld [tilespmem:s0+$0x100];
	v18 =	vmul.f32 $3.200000000e+01, v18;
	[tilespmem:s26+$0x0] =	vst v13;
	s6 =	smov.u32 s25;
	s25 =	sor.u32 s25, s3;
	v14 =	vadd.f32 v14, v7  }
0x3f0: {  	v19 =	vmul.f32 $3.200000000e+01, v19;
	v13 =	vadd.f32 v10, v9;
	[tilespmem:s8+$0x0] =	vst v15;
	v22 =	vld [tilespmem:s25+$0x0]  }
0x3f1: {  	s16 =	sor.u32 $0x10, s22;
	s18 =	sor.u32 s22, s11;
	v10 =	vld [tilespmem:s0+$0x18100];
	v15 =	vadd.f32 v18, v11;
	[tilespmem:s30+$0x0] =	vst v14;
	v14 =	vmul.f32 $3.200000000e+01, v21  }
0x3f2: {  	s17 =	sor.u32 $0x20, s22;
	s10 =	sor.u32 s16, s11;
	v18 =	vld [tilespmem:s18+$0x100];
	[tilespmem:s15+$0x0] =	vst v13;
	v13 =	vadd.f32 v19, v12;
	v16 =	vmul.f32 $3.200000000e+01, v16  }
0x3f3: {  	s14 =	sadd.s32 $0x4, s14;
	s20 =	sand.u32 $0x3FFFFF80, s20;
	s11 =	sor.u32 s17, s11;
	v19 =	vld [tilespmem:s10+$0x100];
	[tilespmem:s28+$0x0] =	vst v15;
	v15 =	vmul.f32 $3.200000000e+01, v17;
	v14 =	vadd.f32 v14, v4  }
0x3f4: {  	p0 =	slt.u32 s29, $0x1FC;
	s1 =	sadd.s32 s20, s1;
	s20 =	rddreg [dreg:$0x7];
	v20 =	vmul.f32 $3.200000000e+01, v20;
	v17 =	vld [tilespmem:s11+$0x100];
	[tilespmem:s31+$0x0] =	vst v13;
	v13 =	vadd.f32 v16, v3  }
0x3f5: {  	s23 =	sor.u32 s2, s3;
	s8 =	sor.u32 s4, s3;
	s26 =	rddreg [dreg:$0xe];
	v16 =	vmul.f32 $3.200000000e+01, v22;
	v15 =	vadd.f32 v15, v6;
	[tilespmem:s7+$0x0] =	vst v14;
	v6 =	vmov v9;
	v9 =	vld [tilespmem:s18+$0x18100]  }
0x3f6: {  	s30 =	sor.u32 s5, s3;
	v4 =	vmov v5;
	v5 =	vmov v11;
	s7 =	smov.u32 s26;
	v14 =	vadd.f32 v20, v10;
	s26 =	sadd.s32 $0x2100, s1;
	v11 =	vld [tilespmem:s10+$0x18100];
	[tilespmem:s21+$0x0] =	vst v13  }
0x3f7: {  	v3 =	vmov v7;
	v7 =	vmov v12;
	s21 =	smov.u32 s20;
	v16 =	vadd.f32 v16, v8;
	s15 =	sor.u32 s22, s26;
	s20 =	sadd.s32 $0x6100, s13;
	v12 =	vld [tilespmem:s11+$0x18100];
	[tilespmem:s12+$0x0] =	vst v15  }
.Ltmp3:
0x3f8: {  	v13 =	vmul.f32 $3.200000000e+01, v18;
	s28 =	sor.u32 s16, s26;
	[tilespmem:s0+$0x100] =	vst v14;
	s12 =	sor.u32 s19, s26;
	v14 =	vld [tilespmem:s23+$0x0];
	(pc) =	sbr.rel @p0 .LBB2_8-.Ltmp3, $4  }
0x3f9: {  	s31 =	sor.u32 s17, s26;
	s13 =	smov.u32 s1;
	v15 =	vmul.f32 $3.200000000e+01, v19;
	s26 =	sor.u32 s6, s20;
	v19 =	vmul.f32 $3.200000000e+01, v17;
	v17 =	vld [tilespmem:s12+$0x0];
	[tilespmem:s25+$0x0] =	vst v16  }
0x3fa: {  	s6 =	sor.u32 s2, s20;
	s0 =	sor.u32 s5, s20;
	s2 =	smov.u32 s16;
	v16 =	vadd.f32 v13, v9;
	v13 =	vld [tilespmem:s26+$0x0]  }
0x3fb: {  	s25 =	sor.u32 s4, s20;
	[dreg:$0x7] =	wrdreg s0;
	s20 =	smov.u32 s22;
	v18 =	vadd.f32 v15, v11;
	v15 =	vld [tilespmem:s8+$0x0]  }
0x3fc: {  	s4 =	smov.u32 s17;
	[dreg:$0xe] =	wrdreg s25;
	s25 =	smov.u32 s19;
	[tilespmem:s18+$0x100] =	vst v16;
	v19 =	vadd.f32 v19, v12;
	v16 =	vld [tilespmem:s30+$0x0]  }
0x3fd: {  	v20 =	vld [tilespmem:s15+$0x0];
	[tilespmem:s10+$0x100] =	vst v18  }
0x3fe: {  	v18 =	vld [tilespmem:s28+$0x0];
	[tilespmem:s11+$0x100] =	vst v19  }
0x3ff: {  	v17 =	vmul.f32 $3.200000000e+01, v17;
	v19 =	vld [tilespmem:s31+$0x0];
	_ =	sdelay $0x1  }
0x400: {  	v17 =	vadd.f32 v17, v10  }
0x401: {  	s0 =	sadd.s32 $0x4100, s13;
	v20 =	vmul.f32 $3.200000000e+01, v20  }
0x402: {  	s1 =	sor.u32 s25, s0;
	[tilespmem:s12+$0x0] =	vst v17;
	v17 =	vmul.f32 $3.200000000e+01, v18  }
0x403: {  	v18 =	vadd.f32 v20, v9;
	v19 =	vmul.f32 $3.200000000e+01, v19;
	v20 =	vld [tilespmem:s1+$0x0]  }
0x404: {  	v17 =	vadd.f32 v17, v11  }
0x405: {  	v14 =	vmul.f32 $3.200000000e+01, v14;
	s3 =	sor.u32 s20, s0;
	[tilespmem:s15+$0x0] =	vst v18;
	v18 =	vadd.f32 v19, v12  }
0x406: {  	s9 =	sor.u32 s2, s0;
	v15 =	vmul.f32 $3.200000000e+01, v15;
	[tilespmem:s28+$0x0] =	vst v17;
	v17 =	vld [tilespmem:s3+$0x0]  }
0x407: {  	s0 =	sor.u32 s4, s0;
	v14 =	vadd.f32 v14, v6;
	v16 =	vmul.f32 $3.200000000e+01, v16;
	[tilespmem:s31+$0x0] =	vst v18;
	v18 =	vld [tilespmem:s9+$0x0]  }
0x408: {  	v15 =	vadd.f32 v15, v5;
	v19 =	vmul.f32 $3.200000000e+01, v20;
	v20 =	vld [tilespmem:s0+$0x0]  }
0x409: {  	[tilespmem:s23+$0x0] =	vst v14;
	v16 =	vadd.f32 v16, v7  }
0x40a: {  	v21 =	vld [tilespmem:s7+$0x0];
	[tilespmem:s8+$0x0] =	vst v15;
	v19 =	vadd.f32 v19, v10  }
0x40b: {  	v14 =	vld [tilespmem:s21+$0x0];
	[tilespmem:s30+$0x0] =	vst v16;
	v17 =	vmul.f32 $3.200000000e+01, v17  }
0x40c: {  	[tilespmem:s1+$0x0] =	vst v19;
	v19 =	vld [tilespmem:s6+$0x0];
	v18 =	vmul.f32 $3.200000000e+01, v18  }
0x40d: {  	s24 =	sadd.s32 $0x6100, s13;
	v17 =	vadd.f32 v17, v9;
	v20 =	vmul.f32 $3.200000000e+01, v20;
	s11 =	rddreg [dreg:$0xe]  }
0x40e: {  	s25 =	sor.u32 s25, s24;
	v13 =	vmul.f32 $3.200000000e+01, v13;
	v16 =	vld [tilespmem:s11+$0x0];
	v18 =	vadd.f32 v18, v11  }
0x40f: {  	s5 =	sor.u32 s20, s24;
	v21 =	vmul.f32 $3.200000000e+01, v21;
	v15 =	vld [tilespmem:s25+$0x0];
	[tilespmem:s3+$0x0] =	vst v17;
	v20 =	vadd.f32 v20, v12  }
0x410: {  	v8 =	vadd.f32 v13, v8;
	v13 =	vmul.f32 $3.200000000e+01, v14;
	s8 =	rddreg [dreg:$0x7];
	v14 =	vld [tilespmem:s5+$0x0];
	[tilespmem:s9+$0x0] =	vst v18  }
0x411: {  	s4 =	sor.u32 s4, s24;
	v4 =	vadd.f32 v21, v4;
	v17 =	vld [tilespmem:s8+$0x0];
	v18 =	vmul.f32 $3.200000000e+01, v19;
	[tilespmem:s0+$0x0] =	vst v20  }
0x412: {  	v3 =	vadd.f32 v13, v3;
	s3 =	sor.u32 s2, s24;
	v13 =	vld [tilespmem:s4+$0x0]  }
0x413: {  	[tilespmem:s7+$0x0] =	vst v4;
	v19 =	vld [tilespmem:s3+$0x0];
	v6 =	vadd.f32 v18, v6;
	v4 =	vmul.f32 $3.200000000e+01, v16  }
0x414: {  	[tilespmem:s26+$0x0] =	vst v8;
	v8 =	vmul.f32 $3.200000000e+01, v15  }
0x415: {  	[tilespmem:s6+$0x0] =	vst v6;
	v6 =	vmul.f32 $3.200000000e+01, v14;
	v4 =	vadd.f32 v4, v5  }
0x416: {  	[tilespmem:s21+$0x0] =	vst v3;
	v3 =	vadd.f32 v8, v10;
	v8 =	vmul.f32 $3.200000000e+01, v17  }
0x417: {  	v6 =	vadd.f32 v6, v9;
	[tilespmem:s11+$0x0] =	vst v4;
	v4 =	vmul.f32 $3.200000000e+01, v13  }
0x418: {  	[tilespmem:s25+$0x0] =	vst v3;
	v5 =	vmul.f32 $3.200000000e+01, v19;
	v3 =	vadd.f32 v8, v7  }
0x419: {  	[tilespmem:s5+$0x0] =	vst v6;
	v4 =	vadd.f32 v4, v12  }
0x41a: {  	[tilespmem:s8+$0x0] =	vst v3;
	v3 =	vadd.f32 v5, v11  }
0x41b: {  	[tilespmem:s4+$0x0] =	vst v4  }
0x41c: {  	[tilespmem:s3+$0x0] =	vst v3  }
0x41d: {  	s1 =	sld [smem:$0x7E1];
	_ =	sdelay $0x1  }
0x41e: {  	s0 =	simm.s32 $0x0;
	s8 =	simm.s32 $0x100;
	s9 =	sld [smem:$0x7E2]  }
0x41f: {  	[hbm4b:s1+s0] =	stream.linear.scatter [tilespmem:s8], [sflag:$0x8], $0x2000, $0x38;
	[tilespmem:$0x1E100] =	vst v63  }
0x420: {  	s10 =	simm.s32 $0x2100;
	s11 =	sld [smem:$0x7E3]  }
0x421: {  	[hbm4b:s9+s0] =	stream.linear.scatter [tilespmem:s10], [sflag:$0x8], $0x2000, $0x38;
	[tilespmem:$0x1E100] =	vst v63  }
0x422: {  	s12 =	simm.s32 $0x4100;
	s13 =	sld [smem:$0x7E4]  }
0x423: {  	[hbm4b:s11+s0] =	stream.linear.scatter [tilespmem:s12], [sflag:$0x8], $0x2000, $0x38;
	[tilespmem:$0x1E100] =	vst v63  }
0x424: {  	s14 =	simm.s32 $0x6100;
	s15 =	simm.s32 $0x8  }
0x425: {  	[hbm4b:s13+s0] =	stream.linear.scatter [tilespmem:s14], [sflag:$0x8], $0x2000, $0x38;
	[tilespmem:$0x1E100] =	vst v63  }
0x426: {  	_ =	swait.ge [sflag:s15], $0x2000  }
0x427: {  	[sflag:s15] =	ssyncset.done $0x0  }
0x428: {  	[sflag:s15] =	ssyncadd.s32 $0xFFFFE000  }
0x429: {  	_ =	swait.ge [sflag:s15], $0x2000  }
0x42a: {  	[sflag:s15] =	ssyncset.done $0x0  }
0x42b: {  	[sflag:s15] =	ssyncadd.s32 $0xFFFFE000  }
0x42c: {  	_ =	swait.ge [sflag:s15], $0x2000  }
0x42d: {  	[sflag:s15] =	ssyncset.done $0x0  }
0x42e: {  	[sflag:s15] =	ssyncadd.s32 $0xFFFFE000  }
0x42f: {  	_ =	swait.ge [sflag:s15], $0x2000  }
0x430: {  	[sflag:s15] =	ssyncset.done $0x0  }
0x431: {  	[sflag:s15] =	ssyncadd.s32 $0xFFFFE000  }
0x432: {  	v3 =	vld [tilespmem:$0xC0];
	_ =	sdelay $0x4  }
0x433: {  	v4 =	vshll.u32 v3, $0x3  }
0x434: {  	v3 =	vand.u32 $0x7, v3;
	v4 =	vand.u32 $0xFFFFFFC0, v4  }
0x435: {  	v3 =	vor.u32 v3, v4  }
0x436: {  	v4 =	vperm.xlane v3, v0;
	_ =	sdelay $0x1  }
0x437: {  	v4 =	vadd.s32 v1, v4;
	_ =	sdelay $0x2  }
0x438: {  	s16 =	sld [smem:$0x7FB]  }
0x439: {  	s1 =	rddreg [dreg:$0x1]  }
0x43a: {  	[tilespmem:s8], [sflag:$0x2] =	stream.indirect_vreg.gather [hbm4b:s1+s0], $0x80, v4, vm0, $0xb8;
	[tilespmem:$0x1E100] =	vst v63  }
0x43b: {  	s17 =	simm.s32 $0x900;
	s18 =	sld [smem:$0x7FC];
	v3 =	vperm.xlane v3, v2  }
0x43c: {  	[tilespmem:s17], [sflag:$0x2] =	stream.indirect_vreg.gather [hbm4b:s16+s0], $0x80, v4, vm0, $0xb8;
	[tilespmem:$0x1E100] =	vst v63  }
0x43d: {  	s19 =	simm.s32 $0x1100;
	s20 =	sld [smem:$0x7FD];
	v3 =	vadd.s32 v1, v3  }
0x43e: {  	[tilespmem:s19], [sflag:$0x2] =	stream.indirect_vreg.gather [hbm4b:s18+s0], $0x80, v4, vm0, $0xb8;
	[tilespmem:$0x1E100] =	vst v63  }
0x43f: {  	s21 =	simm.s32 $0x1900  }
0x440: {  	[tilespmem:s21], [sflag:$0x2] =	stream.indirect_vreg.gather [hbm4b:s20+s0], $0x80, v4, vm0, $0xb8;
	[tilespmem:$0x1E100] =	vst v63  }
0x441: {  	_ = 	snop  }
0x442: {  	[tilespmem:s10], [sflag:$0x2] =	stream.indirect_vreg.gather [hbm4b:s1+s0], $0x80, v3, vm0, $0xb8;
	[tilespmem:$0x1E100] =	vst v63  }
0x443: {  	s22 =	simm.s32 $0x2900  }
0x444: {  	[tilespmem:s22], [sflag:$0x2] =	stream.indirect_vreg.gather [hbm4b:s16+s0], $0x80, v3, vm0, $0xb8;
	[tilespmem:$0x1E100] =	vst v63  }
0x445: {  	s23 =	simm.s32 $0x3100  }
0x446: {  	[tilespmem:s23], [sflag:$0x2] =	stream.indirect_vreg.gather [hbm4b:s18+s0], $0x80, v3, vm0, $0xb8;
	[tilespmem:$0x1E100] =	vst v63  }
0x447: {  	s24 =	simm.s32 $0x3900  }
0x448: {  	[tilespmem:s24], [sflag:$0x2] =	stream.indirect_vreg.gather [hbm4b:s20+s0], $0x80, v3, vm0, $0xb8;
	[tilespmem:$0x1E100] =	vst v63  }
0x449: {  	v3 =	vld [tilespmem:$0xD0];
	_ =	sdelay $0x4  }
0x44a: {  	v4 =	vshll.u32 v3, $0x3  }
0x44b: {  	v3 =	vand.u32 $0x7, v3;
	v4 =	vand.u32 $0xFFFFFFC0, v4  }
0x44c: {  	v3 =	vor.u32 v3, v4  }
0x44d: {  	v4 =	vperm.xlane v3, v0;
	_ =	sdelay $0x1  }
0x44e: {  	v4 =	vadd.s32 v1, v4;
	_ =	sdelay $0x4  }
0x44f: {  	[tilespmem:s12], [sflag:$0x2] =	stream.indirect_vreg.gather [hbm4b:s1+s0], $0x80, v4, vm0, $0xb8;
	[tilespmem:$0x1E100] =	vst v63  }
0x450: {  	s25 =	simm.s32 $0x4900;
	v3 =	vperm.xlane v3, v2  }
0x451: {  	[tilespmem:s25], [sflag:$0x2] =	stream.indirect_vreg.gather [hbm4b:s16+s0], $0x80, v4, vm0, $0xb8;
	[tilespmem:$0x1E100] =	vst v63  }
0x452: {  	s26 =	simm.s32 $0x5100;
	v3 =	vadd.s32 v1, v3  }
0x453: {  	[tilespmem:s26], [sflag:$0x2] =	stream.indirect_vreg.gather [hbm4b:s18+s0], $0x80, v4, vm0, $0xb8;
	[tilespmem:$0x1E100] =	vst v63  }
0x454: {  	s6 =	simm.s32 $0x5900  }
0x455: {  	[tilespmem:s6], [sflag:$0x2] =	stream.indirect_vreg.gather [hbm4b:s20+s0], $0x80, v4, vm0, $0xb8;
	[tilespmem:$0x1E100] =	vst v63  }
0x456: {  	_ = 	snop  }
0x457: {  	[tilespmem:s14], [sflag:$0x2] =	stream.indirect_vreg.gather [hbm4b:s1+s0], $0x80, v3, vm0, $0xb8;
	[tilespmem:$0x1E100] =	vst v63  }
0x458: {  	s7 =	simm.s32 $0x6900  }
0x459: {  	[tilespmem:s7], [sflag:$0x2] =	stream.indirect_vreg.gather [hbm4b:s16+s0], $0x80, v3, vm0, $0xb8;
	[tilespmem:$0x1E100] =	vst v63  }
0x45a: {  	s8 =	simm.s32 $0x7100  }
0x45b: {  	[tilespmem:s8], [sflag:$0x2] =	stream.indirect_vreg.gather [hbm4b:s18+s0], $0x80, v3, vm0, $0xb8;
	[tilespmem:$0x1E100] =	vst v63  }
0x45c: {  	s9 =	simm.s32 $0x7900;
	s10 =	sld [smem:$0x7EB]  }
0x45d: {  	[tilespmem:s9], [sflag:$0x2] =	stream.indirect_vreg.gather [hbm4b:s20+s0], $0x80, v3, vm0, $0xb8;
	[tilespmem:$0x1E100] =	vst v63  }
0x45e: {  	s11 =	simm.s32 $0x18100;
	s12 =	simm.s32 $0x3  }
0x45f: {  	[tilespmem:s11], [sflag:$0x5] =	stream.linear.gather [hbm4b:s10+s0], $0x2000, $0x38;
	[tilespmem:$0x1E100] =	vst v63  }
0x460: {  	s2 =	sand.u32 $0x40, s0;
	s13 =	simm.s32 $0x0;
	_ =	swait.ge [sflag:s12], $0x8000  }
0x461: {  	s15 =	simm.s32 $0x0;
	s1 =	sand.u32 $0xFFFFE000, s13;
	[sflag:s12] =	ssyncset.done $0x0  }
0x462: {  	s14 =	simm.s32 $0x6;
	s1 =	ssub.s32 $0x0, s1;
	[sflag:s12] =	ssyncadd.s32 $0xFFFF8000  }
0x463: {  	s1 =	sand.u32 $0xFFFFFC00, s1;
	s16 =	sand.u32 $0xFFFFFF80, s15;
	_ =	swait.ge [sflag:s14], $0x2000  }
0x464: {  	s17 =	sadd.s32 s16, s1;
	s0 =	sor.u32 $0x30, s2;
	[sflag:s14] =	ssyncset.done $0x0  }
0x465: {  	s18 =	sor.u32 s0, s17;
	[sflag:s14] =	ssyncadd.s32 $0xFFFFE000  }
0x466: {  	v3 =	vld [tilespmem:s18+$0x8100];
	_ =	sdelay $0x1  }
0x467: {  	v9 =	vld [tilespmem:s18+$0x1A100]  }
0x468: {  	s6 =	sor.u32 $0x10, s2;
	s19 =	sor.u32 s2, s17  }
0x469: {  	s21 =	sor.u32 $0x20, s2;
	s20 =	sor.u32 s6, s17;
	v5 =	vld [tilespmem:s19+$0x8100]  }
0x46a: {  	s5 =	sor.u32 s21, s17;
	v6 =	vld [tilespmem:s20+$0x8100];
	v3 =	vmul.f32 $3.200000000e+01, v3  }
0x46b: {  	s4 =	sand.u32 $0x3FFFFF80, s15;
	v7 =	vld [tilespmem:s5+$0x8100]  }
0x46c: {  	s1 =	sadd.s32 s4, s1;
	v13 =	vld [tilespmem:s19+$0x1A100];
	v8 =	vadd.f32 v3, v9  }
0x46d: {  	s22 =	sadd.s32 $0xA100, s1;
	v4 =	vld [tilespmem:s20+$0x1A100]  }
0x46e: {  	s23 =	sor.u32 s0, s22;
	v3 =	vld [tilespmem:s5+$0x1A100];
	[tilespmem:s18+$0x8100] =	vst v8  }
0x46f: {  	s24 =	simm.s32 $0x200;
	v5 =	vmul.f32 $3.200000000e+01, v5;
	v8 =	vld [tilespmem:s23+$0x0]  }
0x470: {  	s11 =	sand.u32 $0xFFFFE000, s24;
	v6 =	vmul.f32 $3.200000000e+01, v6  }
0x471: {  	s25 =	ssub.s32 $0x200, s11;
	v5 =	vadd.f32 v5, v13  }
0x472: {  	s26 =	simm.s32 $0x8;
	s15 =	sand.u32 $0xFFFFFC00, s25;
	s14 =	simm.s32 $0x40;
	v7 =	vmul.f32 $3.200000000e+01, v7;
	v6 =	vadd.f32 v6, v4  }
0x473: {  	s12 =	sor.u32 s2, s22;
	s3 =	sand.u32 $0x40, s14;
	[tilespmem:s19+$0x8100] =	vst v5;
	s19 =	sand.u32 $0xFFFFFF80, s26  }
0x474: {  	s4 =	sor.u32 s6, s22;
	s14 =	sor.u32 $0x10, s3;
	[tilespmem:s20+$0x8100] =	vst v6;
	v10 =	vld [tilespmem:s12+$0x0];
	s20 =	sadd.s32 s19, s15;
	v5 =	vadd.f32 v7, v3;
	v7 =	vmul.f32 $3.200000000e+01, v8  }
0x475: {  	s8 =	sor.u32 $0x30, s3;
	v11 =	vld [tilespmem:s4+$0x0];
	s19 =	sor.u32 s14, s20  }
0x476: {  	s10 =	sor.u32 s21, s22;
	s22 =	sor.u32 s8, s20;
	v14 =	vld [tilespmem:s19+$0x8100];
	[tilespmem:s5+$0x8100] =	vst v5;
	v5 =	vadd.f32 v7, v9  }
0x477: {  	v8 =	vld [tilespmem:s22+$0x1A100]  }
0x478: {  	[tilespmem:s23+$0x0] =	vst v5;
	v5 =	vld [tilespmem:s22+$0x8100]  }
0x479: {  	s16 =	sadd.s32 $0xC100, s1;
	s18 =	sor.u32 s3, s20;
	v7 =	vld [tilespmem:s10+$0x0]  }
0x47a: {  	s17 =	sor.u32 s0, s16;
	v6 =	vmul.f32 $3.200000000e+01, v10;
	v10 =	vld [tilespmem:s18+$0x8100]  }
0x47b: {  	s25 =	sor.u32 $0x20, s3;
	v12 =	vld [tilespmem:s17+$0x0]  }
0x47c: {  	s5 =	sor.u32 s25, s20;
	v15 =	vadd.f32 v6, v13;
	v6 =	vld [tilespmem:s18+$0x1A100]  }
0x47d: {  	v16 =	vld [tilespmem:s5+$0x8100];
	v17 =	vmul.f32 $3.200000000e+01, v5  }
0x47e: {  	v11 =	vmul.f32 $3.200000000e+01, v11;
	s23 =	sand.u32 $0x3FFFFF80, s26;
	v18 =	vmul.f32 $3.200000000e+01, v7;
	v7 =	vld [tilespmem:s5+$0x1A100]  }
0x47f: {  	s24 =	sor.u32 s2, s16;
	[tilespmem:s12+$0x0] =	vst v15;
	s15 =	sadd.s32 s23, s15;
	v10 =	vmul.f32 $3.200000000e+01, v10;
	v5 =	vld [tilespmem:s19+$0x1A100];
	v15 =	vadd.f32 v17, v8  }
0x480: {  	v11 =	vadd.f32 v11, v4;
	s9 =	sadd.s32 $0xA100, s15;
	v12 =	vmul.f32 $3.200000000e+01, v12;
	v17 =	vld [tilespmem:s24+$0x0]  }
0x481: {  	s26 =	sor.u32 s8, s9;
	v10 =	vadd.f32 v10, v6;
	[tilespmem:s22+$0x8100] =	vst v15  }
0x482: {  	[tilespmem:s4+$0x0] =	vst v11;
	v11 =	vmul.f32 $3.200000000e+01, v16;
	v12 =	vadd.f32 v12, v9;
	v15 =	vld [tilespmem:s26+$0x0]  }
0x483: {  	s31 =	sadd.s32 $0xE100, s1;
	s20 =	sor.u32 s6, s16;
	v14 =	vmul.f32 $3.200000000e+01, v14;
	v18 =	vadd.f32 v18, v3;
	[tilespmem:s18+$0x8100] =	vst v10  }
0x484: {  	s4 =	simm.s32 $0x400;
	s23 =	sor.u32 s0, s31;
	v16 =	vld [tilespmem:s20+$0x0];
	v10 =	vadd.f32 v11, v7;
	[tilespmem:s17+$0x0] =	vst v12  }
0x485: {  	s1 =	sand.u32 $0xFFFFE000, s4;
	s12 =	sor.u32 s3, s9;
	[tilespmem:s10+$0x0] =	vst v18;
	v14 =	vadd.f32 v14, v5;
	v12 =	vld [tilespmem:s23+$0x0];
	v17 =	vmul.f32 $3.200000000e+01, v17  }
0x486: {  	s29 =	simm.s32 $0x10;
	s1 =	ssub.s32 $0x400, s1;
	v18 =	vld [tilespmem:s12+$0x0];
	s22 =	sor.u32 s21, s16;
	[tilespmem:s5+$0x8100] =	vst v10  }
0x487: {  	s0 =	sor.u32 s14, s9;
	s16 =	sor.u32 s25, s9;
	s9 =	simm.s32 $0x80;
	v11 =	vld [tilespmem:s22+$0x0];
	[tilespmem:s19+$0x8100] =	vst v14;
	v14 =	vmul.f32 $3.200000000e+01, v15;
	v15 =	vadd.f32 v17, v13  }
0x488: {  	s30 =	sand.u32 $0x40, s9;
	s5 =	sand.u32 $0xFFFFFF80, s29;
	v19 =	vld [tilespmem:s16+$0x0];
	s19 =	sand.u32 $0xFFFFFC00, s1  }
0x489: {  	s1 =	sor.u32 s2, s31;
	s7 =	sadd.s32 s5, s19;
	s5 =	sor.u32 $0x30, s30;
	v17 =	vld [tilespmem:s0+$0x0];
	v10 =	vadd.f32 v14, v8;
	[tilespmem:s24+$0x0] =	vst v15  }
0x48a: {  	s28 =	sadd.s32 $0xC100, s15;
	v12 =	vmul.f32 $3.200000000e+01, v12;
	s24 =	sor.u32 s5, s7;
	v14 =	vld [tilespmem:s1+$0x0]  }
0x48b: {  	v16 =	vmul.f32 $3.200000000e+01, v16;
	v15 =	vld [tilespmem:s24+$0x8100];
	[tilespmem:s26+$0x0] =	vst v10;
	s26 =	sor.u32 s8, s28  }
0x48c: {  	v11 =	vmul.f32 $3.200000000e+01, v11;
	v9 =	vadd.f32 v12, v9;
	v20 =	vld [tilespmem:s26+$0x0]  }
0x48d: {  	v16 =	vadd.f32 v16, v4;
	s2 =	sor.u32 $0x10, s30;
	v19 =	vmul.f32 $3.200000000e+01, v19;
	v10 =	vld [tilespmem:s24+$0x1A100]  }
0x48e: {  	s4 =	sor.u32 $0x20, s30;
	s10 =	sor.u32 s2, s7;
	v11 =	vadd.f32 v11, v3;
	[tilespmem:s23+$0x0] =	vst v9;
	v9 =	vmul.f32 $3.200000000e+01, v17  }
0x48f: {  	[tilespmem:s20+$0x0] =	vst v16;
	s11 =	sor.u32 s4, s7;
	v63 =	vld [tilespmem:s10+$0x8100];
	v12 =	vmul.f32 $3.200000000e+01, v18;
	v19 =	vadd.f32 v19, v7  }
0x490: {  	s18 =	sor.u32 s30, s7;
	v16 =	vld [tilespmem:s11+$0x8100];
	[tilespmem:s22+$0x0] =	vst v11;
	v17 =	vadd.f32 v9, v5;
	v15 =	vmul.f32 $3.200000000e+01, v15  }
0x491: {  	v18 =	vld [tilespmem:s18+$0x8100];
	v12 =	vadd.f32 v12, v6;
	[tilespmem:s16+$0x0] =	vst v19;
	v20 =	vmul.f32 $3.200000000e+01, v20  }
0x492: {  	s17 =	sand.u32 $0x3FFFFF80, s29;
	v11 =	vld [tilespmem:s10+$0x1A100];
	[tilespmem:s0+$0x0] =	vst v17;
	v17 =	vmul.f32 $3.200000000e+01, v14;
	v15 =	vadd.f32 v15, v10  }
0x493: {  	s21 =	sor.u32 s21, s31;
	s13 =	sadd.s32 s17, s19;
	v9 =	vld [tilespmem:s18+$0x1A100];
	[tilespmem:s12+$0x0] =	vst v12;
	v20 =	vadd.f32 v20, v8  }
0x494: {  	s29 =	simm.s32 $0x8;
	s23 =	sor.u32 s3, s28;
	v12 =	vld [tilespmem:s11+$0x1A100];
	s0 =	sadd.s32 $0xA100, s13;
	[tilespmem:s24+$0x8100] =	vst v15;
	v15 =	vadd.f32 v17, v13  }
0x495: {  	s20 =	smov.u32 s30;
	s19 =	sadd.s32 $0xE100, s15;
	v14 =	vld [tilespmem:s23+$0x0];
	s12 =	sor.u32 s5, s0;
	[tilespmem:s26+$0x0] =	vst v20  }
0x496: {  	s30 =	sor.u32 s25, s28;
	s22 =	sor.u32 s14, s19;
	v18 =	vmul.f32 $3.200000000e+01, v18;
	v17 =	vld [tilespmem:s12+$0x0];
	s26 =	sor.u32 s8, s19;
	[tilespmem:s1+$0x0] =	vst v15  }
0x497: {  	s25 =	sor.u32 s25, s19;
	s7 =	sor.u32 s6, s31;
	v13 =	vld [tilespmem:s26+$0x0];
	[dreg:$0xf] =	wrdreg s22  }
0x498: {  	s6 =	sor.u32 s3, s19;
	v19 =	vmul.f32 $3.200000000e+01, v63;
	v16 =	vmul.f32 $3.200000000e+01, v16;
	s8 =	sor.u32 s14, s28;
	v20 =	vadd.f32 v18, v9;
	[dreg:$0x8] =	wrdreg s25  }
0x499: {  	s15 =	sor.u32 s20, s0;
	s31 =	sor.u32 s4, s0;
	s24 =	simm.s32 $0x400;
	v15 =	vld [tilespmem:s8+$0x0]  }
0x49a: {  	s28 =	sor.u32 s2, s0;
	v18 =	vadd.f32 v19, v11;
	v19 =	vadd.f32 v16, v12;
	s14 =	simm.s32 $0xC;
	s25 =	smov.u32 s5;
	[tilespmem:s18+$0x8100] =	vst v20;
	v16 =	vld [tilespmem:s30+$0x0]  }
.LBB2_10:
0x49b: {  	s0 =	sshll.u32 s14, $0x7  }
0x49c: {  	v20 =	vld [tilespmem:s15+$0x0];
	s29 =	sadd.s32 $0x4, s29;
	s24 =	sadd.s32 $0x200, s24;
	s5 =	smov.u32 s4;
	[tilespmem:s10+$0x8100] =	vst v18;
	v14 =	vmul.f32 $3.200000000e+01, v14  }
0x49d: {  	s4 =	smov.u32 s2;
	s2 =	smov.u32 s20;
	s0 =	sand.u32 $0xFFFFE000, s0;
	[tilespmem:s11+$0x8100] =	vst v19;
	v18 =	vld [tilespmem:s28+$0x0];
	v17 =	vmul.f32 $3.200000000e+01, v17  }
0x49e: {  	s9 =	sadd.s32 $0x40, s9;
	s20 =	sshll.u32 s29, $0x1;
	s0 =	ssub.s32 s24, s0;
	v19 =	vld [tilespmem:s31+$0x0];
	v13 =	vmul.f32 $3.200000000e+01, v13;
	v14 =	vadd.f32 v14, v6  }
0x49f: {  	s22 =	sand.u32 $0x40, s9;
	s19 =	sand.u32 $0xFFFFFF80, s20;
	v21 =	vld [tilespmem:s7+$0x0];
	s1 =	sand.u32 $0xFFFFFC00, s0;
	v17 =	vadd.f32 v17, v10;
	v15 =	vmul.f32 $3.200000000e+01, v15  }
0x4a0: {  	s11 =	sadd.s32 s19, s1;
	s19 =	sor.u32 $0x30, s22;
	v13 =	vadd.f32 v13, v8;
	[tilespmem:s23+$0x0] =	vst v14;
	v14 =	vmul.f32 $3.200000000e+01, v16;
	v16 =	vld [tilespmem:s21+$0x0]  }
0x4a1: {  	s3 =	sadd.s32 $0xC100, s13;
	s0 =	sor.u32 s19, s11;
	v8 =	vmov v10;
	v10 =	vmul.f32 $3.200000000e+01, v20;
	[tilespmem:s12+$0x0] =	vst v17;
	v15 =	vadd.f32 v15, v5;
	v17 =	vld [tilespmem:s6+$0x0]  }
0x4a2: {  	s12 =	smov.u32 s6;
	v20 =	vld [tilespmem:s0+$0x8100];
	v18 =	vmul.f32 $3.200000000e+01, v18;
	[tilespmem:s26+$0x0] =	vst v13;
	s6 =	smov.u32 s25;
	s25 =	sor.u32 s25, s3;
	v14 =	vadd.f32 v14, v7  }
0x4a3: {  	v19 =	vmul.f32 $3.200000000e+01, v19;
	v13 =	vadd.f32 v10, v9;
	[tilespmem:s8+$0x0] =	vst v15;
	v22 =	vld [tilespmem:s25+$0x0]  }
0x4a4: {  	s16 =	sor.u32 $0x10, s22;
	s18 =	sor.u32 s22, s11;
	v10 =	vld [tilespmem:s0+$0x1A100];
	v15 =	vadd.f32 v18, v11;
	[tilespmem:s30+$0x0] =	vst v14;
	v14 =	vmul.f32 $3.200000000e+01, v21  }
0x4a5: {  	s17 =	sor.u32 $0x20, s22;
	s10 =	sor.u32 s16, s11;
	v18 =	vld [tilespmem:s18+$0x8100];
	[tilespmem:s15+$0x0] =	vst v13;
	v13 =	vadd.f32 v19, v12;
	v16 =	vmul.f32 $3.200000000e+01, v16  }
0x4a6: {  	s14 =	sadd.s32 $0x4, s14;
	s20 =	sand.u32 $0x3FFFFF80, s20;
	s11 =	sor.u32 s17, s11;
	v19 =	vld [tilespmem:s10+$0x8100];
	[tilespmem:s28+$0x0] =	vst v15;
	v15 =	vmul.f32 $3.200000000e+01, v17;
	v14 =	vadd.f32 v14, v4  }
0x4a7: {  	p0 =	slt.u32 s29, $0x1FC;
	s1 =	sadd.s32 s20, s1;
	s20 =	rddreg [dreg:$0x8];
	v20 =	vmul.f32 $3.200000000e+01, v20;
	v17 =	vld [tilespmem:s11+$0x8100];
	[tilespmem:s31+$0x0] =	vst v13;
	v13 =	vadd.f32 v16, v3  }
0x4a8: {  	s23 =	sor.u32 s2, s3;
	s8 =	sor.u32 s4, s3;
	s26 =	rddreg [dreg:$0xf];
	v16 =	vmul.f32 $3.200000000e+01, v22;
	v15 =	vadd.f32 v15, v6;
	[tilespmem:s7+$0x0] =	vst v14;
	v6 =	vmov v9;
	v9 =	vld [tilespmem:s18+$0x1A100]  }
0x4a9: {  	s30 =	sor.u32 s5, s3;
	v4 =	vmov v5;
	v5 =	vmov v11;
	s7 =	smov.u32 s26;
	v14 =	vadd.f32 v20, v10;
	s26 =	sadd.s32 $0xA100, s1;
	v11 =	vld [tilespmem:s10+$0x1A100];
	[tilespmem:s21+$0x0] =	vst v13  }
0x4aa: {  	v3 =	vmov v7;
	v7 =	vmov v12;
	s21 =	smov.u32 s20;
	v16 =	vadd.f32 v16, v8;
	s15 =	sor.u32 s22, s26;
	s20 =	sadd.s32 $0xE100, s13;
	v12 =	vld [tilespmem:s11+$0x1A100];
	[tilespmem:s12+$0x0] =	vst v15  }
.Ltmp4:
0x4ab: {  	v13 =	vmul.f32 $3.200000000e+01, v18;
	s28 =	sor.u32 s16, s26;
	[tilespmem:s0+$0x8100] =	vst v14;
	s12 =	sor.u32 s19, s26;
	v14 =	vld [tilespmem:s23+$0x0];
	(pc) =	sbr.rel @p0 .LBB2_10-.Ltmp4, $4  }
0x4ac: {  	s31 =	sor.u32 s17, s26;
	s13 =	smov.u32 s1;
	v15 =	vmul.f32 $3.200000000e+01, v19;
	s26 =	sor.u32 s6, s20;
	v19 =	vmul.f32 $3.200000000e+01, v17;
	v17 =	vld [tilespmem:s12+$0x0];
	[tilespmem:s25+$0x0] =	vst v16  }
0x4ad: {  	s6 =	sor.u32 s2, s20;
	s0 =	sor.u32 s5, s20;
	s2 =	smov.u32 s16;
	v16 =	vadd.f32 v13, v9;
	v13 =	vld [tilespmem:s26+$0x0]  }
0x4ae: {  	s25 =	sor.u32 s4, s20;
	[dreg:$0x8] =	wrdreg s0;
	s20 =	smov.u32 s22;
	v18 =	vadd.f32 v15, v11;
	v15 =	vld [tilespmem:s8+$0x0]  }
0x4af: {  	s4 =	smov.u32 s17;
	[dreg:$0xf] =	wrdreg s25;
	s25 =	smov.u32 s19;
	[tilespmem:s18+$0x8100] =	vst v16;
	v19 =	vadd.f32 v19, v12;
	v16 =	vld [tilespmem:s30+$0x0]  }
0x4b0: {  	v20 =	vld [tilespmem:s15+$0x0];
	[tilespmem:s10+$0x8100] =	vst v18  }
0x4b1: {  	v18 =	vld [tilespmem:s28+$0x0];
	[tilespmem:s11+$0x8100] =	vst v19  }
0x4b2: {  	v17 =	vmul.f32 $3.200000000e+01, v17;
	v19 =	vld [tilespmem:s31+$0x0];
	_ =	sdelay $0x1  }
0x4b3: {  	v17 =	vadd.f32 v17, v10  }
0x4b4: {  	s0 =	sadd.s32 $0xC100, s13;
	v20 =	vmul.f32 $3.200000000e+01, v20  }
0x4b5: {  	s1 =	sor.u32 s25, s0;
	[tilespmem:s12+$0x0] =	vst v17;
	v17 =	vmul.f32 $3.200000000e+01, v18  }
0x4b6: {  	v18 =	vadd.f32 v20, v9;
	v19 =	vmul.f32 $3.200000000e+01, v19;
	v20 =	vld [tilespmem:s1+$0x0]  }
0x4b7: {  	v17 =	vadd.f32 v17, v11  }
0x4b8: {  	v14 =	vmul.f32 $3.200000000e+01, v14;
	s3 =	sor.u32 s20, s0;
	[tilespmem:s15+$0x0] =	vst v18;
	v18 =	vadd.f32 v19, v12  }
0x4b9: {  	s9 =	sor.u32 s2, s0;
	v15 =	vmul.f32 $3.200000000e+01, v15;
	[tilespmem:s28+$0x0] =	vst v17;
	v17 =	vld [tilespmem:s3+$0x0]  }
0x4ba: {  	s0 =	sor.u32 s4, s0;
	v14 =	vadd.f32 v14, v6;
	v16 =	vmul.f32 $3.200000000e+01, v16;
	[tilespmem:s31+$0x0] =	vst v18;
	v18 =	vld [tilespmem:s9+$0x0]  }
0x4bb: {  	v15 =	vadd.f32 v15, v5;
	v19 =	vmul.f32 $3.200000000e+01, v20;
	v20 =	vld [tilespmem:s0+$0x0]  }
0x4bc: {  	[tilespmem:s23+$0x0] =	vst v14;
	v16 =	vadd.f32 v16, v7  }
0x4bd: {  	v21 =	vld [tilespmem:s7+$0x0];
	[tilespmem:s8+$0x0] =	vst v15;
	v19 =	vadd.f32 v19, v10  }
0x4be: {  	v14 =	vld [tilespmem:s21+$0x0];
	[tilespmem:s30+$0x0] =	vst v16;
	v17 =	vmul.f32 $3.200000000e+01, v17  }
0x4bf: {  	[tilespmem:s1+$0x0] =	vst v19;
	v19 =	vld [tilespmem:s6+$0x0];
	v18 =	vmul.f32 $3.200000000e+01, v18  }
0x4c0: {  	s24 =	sadd.s32 $0xE100, s13;
	v17 =	vadd.f32 v17, v9;
	v20 =	vmul.f32 $3.200000000e+01, v20;
	s11 =	rddreg [dreg:$0xf]  }
0x4c1: {  	s25 =	sor.u32 s25, s24;
	v13 =	vmul.f32 $3.200000000e+01, v13;
	v16 =	vld [tilespmem:s11+$0x0];
	v18 =	vadd.f32 v18, v11  }
0x4c2: {  	s5 =	sor.u32 s20, s24;
	v21 =	vmul.f32 $3.200000000e+01, v21;
	v15 =	vld [tilespmem:s25+$0x0];
	[tilespmem:s3+$0x0] =	vst v17;
	v20 =	vadd.f32 v20, v12  }
0x4c3: {  	v8 =	vadd.f32 v13, v8;
	v13 =	vmul.f32 $3.200000000e+01, v14;
	s8 =	rddreg [dreg:$0x8];
	v14 =	vld [tilespmem:s5+$0x0];
	[tilespmem:s9+$0x0] =	vst v18  }
0x4c4: {  	s4 =	sor.u32 s4, s24;
	v4 =	vadd.f32 v21, v4;
	v17 =	vld [tilespmem:s8+$0x0];
	v18 =	vmul.f32 $3.200000000e+01, v19;
	[tilespmem:s0+$0x0] =	vst v20  }
0x4c5: {  	v3 =	vadd.f32 v13, v3;
	s3 =	sor.u32 s2, s24;
	v13 =	vld [tilespmem:s4+$0x0]  }
0x4c6: {  	[tilespmem:s7+$0x0] =	vst v4;
	v19 =	vld [tilespmem:s3+$0x0];
	v6 =	vadd.f32 v18, v6;
	v4 =	vmul.f32 $3.200000000e+01, v16  }
0x4c7: {  	[tilespmem:s26+$0x0] =	vst v8;
	v8 =	vmul.f32 $3.200000000e+01, v15  }
0x4c8: {  	[tilespmem:s6+$0x0] =	vst v6;
	v6 =	vmul.f32 $3.200000000e+01, v14;
	v4 =	vadd.f32 v4, v5  }
0x4c9: {  	[tilespmem:s21+$0x0] =	vst v3;
	v3 =	vadd.f32 v8, v10;
	v8 =	vmul.f32 $3.200000000e+01, v17  }
0x4ca: {  	v6 =	vadd.f32 v6, v9;
	[tilespmem:s11+$0x0] =	vst v4;
	v4 =	vmul.f32 $3.200000000e+01, v13  }
0x4cb: {  	[tilespmem:s25+$0x0] =	vst v3;
	v5 =	vmul.f32 $3.200000000e+01, v19;
	v3 =	vadd.f32 v8, v7  }
0x4cc: {  	[tilespmem:s5+$0x0] =	vst v6;
	v4 =	vadd.f32 v4, v12  }
0x4cd: {  	[tilespmem:s8+$0x0] =	vst v3;
	v3 =	vadd.f32 v5, v11  }
0x4ce: {  	[tilespmem:s4+$0x0] =	vst v4  }
0x4cf: {  	[tilespmem:s3+$0x0] =	vst v3  }
0x4d0: {  	s1 =	sld [smem:$0x7E6];
	_ =	sdelay $0x1  }
0x4d1: {  	s0 =	simm.s32 $0x0;
	s8 =	simm.s32 $0x8100;
	s9 =	sld [smem:$0x7E7]  }
0x4d2: {  	[hbm4b:s1+s0] =	stream.linear.scatter [tilespmem:s8], [sflag:$0x9], $0x2000, $0x38;
	[tilespmem:$0x1E100] =	vst v63  }
0x4d3: {  	s10 =	simm.s32 $0xA100;
	s11 =	sld [smem:$0x7E8]  }
0x4d4: {  	[hbm4b:s9+s0] =	stream.linear.scatter [tilespmem:s10], [sflag:$0x9], $0x2000, $0x38;
	[tilespmem:$0x1E100] =	vst v63  }
0x4d5: {  	s12 =	simm.s32 $0xC100;
	s13 =	sld [smem:$0x7E9]  }
0x4d6: {  	[hbm4b:s11+s0] =	stream.linear.scatter [tilespmem:s12], [sflag:$0x9], $0x2000, $0x38;
	[tilespmem:$0x1E100] =	vst v63  }
0x4d7: {  	s14 =	simm.s32 $0xE100;
	s15 =	simm.s32 $0x9  }
0x4d8: {  	[hbm4b:s13+s0] =	stream.linear.scatter [tilespmem:s14], [sflag:$0x9], $0x2000, $0x38;
	[tilespmem:$0x1E100] =	vst v63  }
0x4d9: {  	_ =	swait.ge [sflag:s15], $0x2000  }
0x4da: {  	[sflag:s15] =	ssyncset.done $0x0  }
0x4db: {  	[sflag:s15] =	ssyncadd.s32 $0xFFFFE000  }
0x4dc: {  	_ =	swait.ge [sflag:s15], $0x2000  }
0x4dd: {  	[sflag:s15] =	ssyncset.done $0x0  }
0x4de: {  	[sflag:s15] =	ssyncadd.s32 $0xFFFFE000  }
0x4df: {  	_ =	swait.ge [sflag:s15], $0x2000  }
0x4e0: {  	[sflag:s15] =	ssyncset.done $0x0  }
0x4e1: {  	[sflag:s15] =	ssyncadd.s32 $0xFFFFE000  }
0x4e2: {  	_ =	swait.ge [sflag:s15], $0x2000  }
0x4e3: {  	[sflag:s15] =	ssyncset.done $0x0  }
0x4e4: {  	[sflag:s15] =	ssyncadd.s32 $0xFFFFE000  }
0x4e5: {  	v3 =	vld [tilespmem:$0xE0];
	_ =	sdelay $0x4  }
0x4e6: {  	v4 =	vshll.u32 v3, $0x3  }
0x4e7: {  	v3 =	vand.u32 $0x7, v3;
	v4 =	vand.u32 $0xFFFFFFC0, v4  }
0x4e8: {  	v3 =	vor.u32 v3, v4  }
0x4e9: {  	v4 =	vperm.xlane v3, v0;
	_ =	sdelay $0x1  }
0x4ea: {  	v4 =	vadd.s32 v1, v4;
	_ =	sdelay $0x2  }
0x4eb: {  	s16 =	sld [smem:$0x7FB]  }
0x4ec: {  	s1 =	rddreg [dreg:$0x1]  }
0x4ed: {  	[tilespmem:s8], [sflag:$0x3] =	stream.indirect_vreg.gather [hbm4b:s1+s0], $0x80, v4, vm0, $0xb8;
	[tilespmem:$0x1E100] =	vst v63  }
0x4ee: {  	s17 =	simm.s32 $0x8900;
	s18 =	sld [smem:$0x7FC];
	v3 =	vperm.xlane v3, v2  }
0x4ef: {  	[tilespmem:s17], [sflag:$0x3] =	stream.indirect_vreg.gather [hbm4b:s16+s0], $0x80, v4, vm0, $0xb8;
	[tilespmem:$0x1E100] =	vst v63  }
0x4f0: {  	s19 =	simm.s32 $0x9100;
	s20 =	sld [smem:$0x7FD];
	v3 =	vadd.s32 v1, v3  }
0x4f1: {  	[tilespmem:s19], [sflag:$0x3] =	stream.indirect_vreg.gather [hbm4b:s18+s0], $0x80, v4, vm0, $0xb8;
	[tilespmem:$0x1E100] =	vst v63  }
0x4f2: {  	s21 =	simm.s32 $0x9900  }
0x4f3: {  	[tilespmem:s21], [sflag:$0x3] =	stream.indirect_vreg.gather [hbm4b:s20+s0], $0x80, v4, vm0, $0xb8;
	[tilespmem:$0x1E100] =	vst v63  }
0x4f4: {  	_ = 	snop  }
0x4f5: {  	[tilespmem:s10], [sflag:$0x3] =	stream.indirect_vreg.gather [hbm4b:s1+s0], $0x80, v3, vm0, $0xb8;
	[tilespmem:$0x1E100] =	vst v63  }
0x4f6: {  	s22 =	simm.s32 $0xA900  }
0x4f7: {  	[tilespmem:s22], [sflag:$0x3] =	stream.indirect_vreg.gather [hbm4b:s16+s0], $0x80, v3, vm0, $0xb8;
	[tilespmem:$0x1E100] =	vst v63  }
0x4f8: {  	s23 =	simm.s32 $0xB100  }
0x4f9: {  	[tilespmem:s23], [sflag:$0x3] =	stream.indirect_vreg.gather [hbm4b:s18+s0], $0x80, v3, vm0, $0xb8;
	[tilespmem:$0x1E100] =	vst v63  }
0x4fa: {  	s24 =	simm.s32 $0xB900  }
0x4fb: {  	[tilespmem:s24], [sflag:$0x3] =	stream.indirect_vreg.gather [hbm4b:s20+s0], $0x80, v3, vm0, $0xb8;
	[tilespmem:$0x1E100] =	vst v63  }
0x4fc: {  	v3 =	vld [tilespmem:$0xF0];
	_ =	sdelay $0x4  }
0x4fd: {  	v4 =	vshll.u32 v3, $0x3  }
0x4fe: {  	v3 =	vand.u32 $0x7, v3;
	v4 =	vand.u32 $0xFFFFFFC0, v4  }
0x4ff: {  	v3 =	vor.u32 v3, v4  }
0x500: {  	v4 =	vperm.xlane v3, v0;
	_ =	sdelay $0x1  }
0x501: {  	v4 =	vadd.s32 v1, v4;
	_ =	sdelay $0x4  }
0x502: {  	[tilespmem:s12], [sflag:$0x3] =	stream.indirect_vreg.gather [hbm4b:s1+s0], $0x80, v4, vm0, $0xb8;
	[tilespmem:$0x1E100] =	vst v63  }
0x503: {  	s25 =	simm.s32 $0xC900;
	v3 =	vperm.xlane v3, v2  }
0x504: {  	[tilespmem:s25], [sflag:$0x3] =	stream.indirect_vreg.gather [hbm4b:s16+s0], $0x80, v4, vm0, $0xb8;
	[tilespmem:$0x1E100] =	vst v63  }
0x505: {  	s26 =	simm.s32 $0xD100;
	v3 =	vadd.s32 v1, v3  }
0x506: {  	[tilespmem:s26], [sflag:$0x3] =	stream.indirect_vreg.gather [hbm4b:s18+s0], $0x80, v4, vm0, $0xb8;
	[tilespmem:$0x1E100] =	vst v63  }
0x507: {  	s6 =	simm.s32 $0xD900  }
0x508: {  	[tilespmem:s6], [sflag:$0x3] =	stream.indirect_vreg.gather [hbm4b:s20+s0], $0x80, v4, vm0, $0xb8;
	[tilespmem:$0x1E100] =	vst v63  }
0x509: {  	_ = 	snop  }
0x50a: {  	[tilespmem:s14], [sflag:$0x3] =	stream.indirect_vreg.gather [hbm4b:s1+s0], $0x80, v3, vm0, $0xb8;
	[tilespmem:$0x1E100] =	vst v63  }
0x50b: {  	s7 =	simm.s32 $0xE900  }
0x50c: {  	[tilespmem:s7], [sflag:$0x3] =	stream.indirect_vreg.gather [hbm4b:s16+s0], $0x80, v3, vm0, $0xb8;
	[tilespmem:$0x1E100] =	vst v63  }
0x50d: {  	s8 =	simm.s32 $0xF100  }
0x50e: {  	[tilespmem:s8], [sflag:$0x3] =	stream.indirect_vreg.gather [hbm4b:s18+s0], $0x80, v3, vm0, $0xb8;
	[tilespmem:$0x1E100] =	vst v63  }
0x50f: {  	s9 =	simm.s32 $0xF900;
	s10 =	sld [smem:$0x7EC]  }
0x510: {  	[tilespmem:s9], [sflag:$0x3] =	stream.indirect_vreg.gather [hbm4b:s20+s0], $0x80, v3, vm0, $0xb8;
	[tilespmem:$0x1E100] =	vst v63  }
0x511: {  	s11 =	simm.s32 $0x1A100;
	s12 =	simm.s32 $0x4  }
0x512: {  	[tilespmem:s11], [sflag:$0x6] =	stream.linear.gather [hbm4b:s10+s0], $0x2000, $0x38;
	[tilespmem:$0x1E100] =	vst v63  }
0x513: {  	s2 =	sand.u32 $0x40, s0;
	s13 =	simm.s32 $0x0;
	_ =	swait.ge [sflag:s12], $0x8000  }
0x514: {  	s15 =	simm.s32 $0x0;
	s1 =	sand.u32 $0xFFFFE000, s13;
	[sflag:s12] =	ssyncset.done $0x0  }
0x515: {  	s14 =	simm.s32 $0x7;
	s1 =	ssub.s32 $0x0, s1;
	[sflag:s12] =	ssyncadd.s32 $0xFFFF8000  }
0x516: {  	s1 =	sand.u32 $0xFFFFFC00, s1;
	s16 =	sand.u32 $0xFFFFFF80, s15;
	_ =	swait.ge [sflag:s14], $0x2000  }
0x517: {  	s17 =	sadd.s32 s16, s1;
	s0 =	sor.u32 $0x30, s2;
	[sflag:s14] =	ssyncset.done $0x0  }
0x518: {  	s18 =	sor.u32 s0, s17;
	[sflag:s14] =	ssyncadd.s32 $0xFFFFE000  }
0x519: {  	v3 =	vld [tilespmem:s18+$0x10100];
	_ =	sdelay $0x1  }
0x51a: {  	v9 =	vld [tilespmem:s18+$0x1C100]  }
0x51b: {  	s6 =	sor.u32 $0x10, s2;
	s19 =	sor.u32 s2, s17  }
0x51c: {  	s21 =	sor.u32 $0x20, s2;
	s20 =	sor.u32 s6, s17;
	v5 =	vld [tilespmem:s19+$0x10100]  }
0x51d: {  	s5 =	sor.u32 s21, s17;
	v6 =	vld [tilespmem:s20+$0x10100];
	v3 =	vmul.f32 $3.200000000e+01, v3  }
0x51e: {  	s4 =	sand.u32 $0x3FFFFF80, s15;
	v7 =	vld [tilespmem:s5+$0x10100]  }
0x51f: {  	s1 =	sadd.s32 s4, s1;
	v13 =	vld [tilespmem:s19+$0x1C100];
	v8 =	vadd.f32 v3, v9  }
0x520: {  	s22 =	sadd.s32 $0x12100, s1;
	v4 =	vld [tilespmem:s20+$0x1C100]  }
0x521: {  	s23 =	sor.u32 s0, s22;
	v3 =	vld [tilespmem:s5+$0x1C100];
	[tilespmem:s18+$0x10100] =	vst v8  }
0x522: {  	s24 =	simm.s32 $0x200;
	v5 =	vmul.f32 $3.200000000e+01, v5;
	v8 =	vld [tilespmem:s23+$0x0]  }
0x523: {  	s11 =	sand.u32 $0xFFFFE000, s24;
	v6 =	vmul.f32 $3.200000000e+01, v6  }
0x524: {  	s25 =	ssub.s32 $0x200, s11;
	v5 =	vadd.f32 v5, v13  }
0x525: {  	s26 =	simm.s32 $0x8;
	s15 =	sand.u32 $0xFFFFFC00, s25;
	s14 =	simm.s32 $0x40;
	v7 =	vmul.f32 $3.200000000e+01, v7;
	v6 =	vadd.f32 v6, v4  }
0x526: {  	s12 =	sor.u32 s2, s22;
	s3 =	sand.u32 $0x40, s14;
	[tilespmem:s19+$0x10100] =	vst v5;
	s19 =	sand.u32 $0xFFFFFF80, s26  }
0x527: {  	s4 =	sor.u32 s6, s22;
	s14 =	sor.u32 $0x10, s3;
	[tilespmem:s20+$0x10100] =	vst v6;
	v10 =	vld [tilespmem:s12+$0x0];
	s20 =	sadd.s32 s19, s15;
	v5 =	vadd.f32 v7, v3;
	v7 =	vmul.f32 $3.200000000e+01, v8  }
0x528: {  	s8 =	sor.u32 $0x30, s3;
	v11 =	vld [tilespmem:s4+$0x0];
	s19 =	sor.u32 s14, s20  }
0x529: {  	s10 =	sor.u32 s21, s22;
	s22 =	sor.u32 s8, s20;
	v14 =	vld [tilespmem:s19+$0x10100];
	[tilespmem:s5+$0x10100] =	vst v5;
	v5 =	vadd.f32 v7, v9  }
0x52a: {  	v8 =	vld [tilespmem:s22+$0x1C100]  }
0x52b: {  	[tilespmem:s23+$0x0] =	vst v5;
	v5 =	vld [tilespmem:s22+$0x10100]  }
0x52c: {  	s16 =	sadd.s32 $0x14100, s1;
	s18 =	sor.u32 s3, s20;
	v7 =	vld [tilespmem:s10+$0x0]  }
0x52d: {  	s17 =	sor.u32 s0, s16;
	v6 =	vmul.f32 $3.200000000e+01, v10;
	v10 =	vld [tilespmem:s18+$0x10100]  }
0x52e: {  	s25 =	sor.u32 $0x20, s3;
	v12 =	vld [tilespmem:s17+$0x0]  }
0x52f: {  	s5 =	sor.u32 s25, s20;
	v15 =	vadd.f32 v6, v13;
	v6 =	vld [tilespmem:s18+$0x1C100]  }
0x530: {  	v16 =	vld [tilespmem:s5+$0x10100];
	v17 =	vmul.f32 $3.200000000e+01, v5  }
0x531: {  	v11 =	vmul.f32 $3.200000000e+01, v11;
	s23 =	sand.u32 $0x3FFFFF80, s26;
	v18 =	vmul.f32 $3.200000000e+01, v7;
	v7 =	vld [tilespmem:s5+$0x1C100]  }
0x532: {  	s24 =	sor.u32 s2, s16;
	[tilespmem:s12+$0x0] =	vst v15;
	s15 =	sadd.s32 s23, s15;
	v10 =	vmul.f32 $3.200000000e+01, v10;
	v5 =	vld [tilespmem:s19+$0x1C100];
	v15 =	vadd.f32 v17, v8  }
0x533: {  	v11 =	vadd.f32 v11, v4;
	s9 =	sadd.s32 $0x12100, s15;
	v12 =	vmul.f32 $3.200000000e+01, v12;
	v17 =	vld [tilespmem:s24+$0x0]  }
0x534: {  	s26 =	sor.u32 s8, s9;
	v10 =	vadd.f32 v10, v6;
	[tilespmem:s22+$0x10100] =	vst v15  }
0x535: {  	[tilespmem:s4+$0x0] =	vst v11;
	v11 =	vmul.f32 $3.200000000e+01, v16;
	v12 =	vadd.f32 v12, v9;
	v15 =	vld [tilespmem:s26+$0x0]  }
0x536: {  	s31 =	sadd.s32 $0x16100, s1;
	s20 =	sor.u32 s6, s16;
	v14 =	vmul.f32 $3.200000000e+01, v14;
	v18 =	vadd.f32 v18, v3;
	[tilespmem:s18+$0x10100] =	vst v10  }
0x537: {  	s4 =	simm.s32 $0x400;
	s23 =	sor.u32 s0, s31;
	v16 =	vld [tilespmem:s20+$0x0];
	v10 =	vadd.f32 v11, v7;
	[tilespmem:s17+$0x0] =	vst v12  }
0x538: {  	s1 =	sand.u32 $0xFFFFE000, s4;
	s12 =	sor.u32 s3, s9;
	[tilespmem:s10+$0x0] =	vst v18;
	v14 =	vadd.f32 v14, v5;
	v12 =	vld [tilespmem:s23+$0x0];
	v17 =	vmul.f32 $3.200000000e+01, v17  }
0x539: {  	s29 =	simm.s32 $0x10;
	s1 =	ssub.s32 $0x400, s1;
	v18 =	vld [tilespmem:s12+$0x0];
	s22 =	sor.u32 s21, s16;
	[tilespmem:s5+$0x10100] =	vst v10  }
0x53a: {  	s0 =	sor.u32 s14, s9;
	s16 =	sor.u32 s25, s9;
	s9 =	simm.s32 $0x80;
	v11 =	vld [tilespmem:s22+$0x0];
	[tilespmem:s19+$0x10100] =	vst v14;
	v14 =	vmul.f32 $3.200000000e+01, v15;
	v15 =	vadd.f32 v17, v13  }
0x53b: {  	s30 =	sand.u32 $0x40, s9;
	s5 =	sand.u32 $0xFFFFFF80, s29;
	v19 =	vld [tilespmem:s16+$0x0];
	s19 =	sand.u32 $0xFFFFFC00, s1  }
0x53c: {  	s1 =	sor.u32 s2, s31;
	s7 =	sadd.s32 s5, s19;
	s5 =	sor.u32 $0x30, s30;
	v17 =	vld [tilespmem:s0+$0x0];
	v10 =	vadd.f32 v14, v8;
	[tilespmem:s24+$0x0] =	vst v15  }
0x53d: {  	s28 =	sadd.s32 $0x14100, s15;
	v12 =	vmul.f32 $3.200000000e+01, v12;
	s24 =	sor.u32 s5, s7;
	v14 =	vld [tilespmem:s1+$0x0]  }
0x53e: {  	v16 =	vmul.f32 $3.200000000e+01, v16;
	v15 =	vld [tilespmem:s24+$0x10100];
	[tilespmem:s26+$0x0] =	vst v10;
	s26 =	sor.u32 s8, s28  }
0x53f: {  	v11 =	vmul.f32 $3.200000000e+01, v11;
	v9 =	vadd.f32 v12, v9;
	v20 =	vld [tilespmem:s26+$0x0]  }
0x540: {  	v16 =	vadd.f32 v16, v4;
	s2 =	sor.u32 $0x10, s30;
	v19 =	vmul.f32 $3.200000000e+01, v19;
	v10 =	vld [tilespmem:s24+$0x1C100]  }
0x541: {  	s4 =	sor.u32 $0x20, s30;
	s10 =	sor.u32 s2, s7;
	v11 =	vadd.f32 v11, v3;
	[tilespmem:s23+$0x0] =	vst v9;
	v9 =	vmul.f32 $3.200000000e+01, v17  }
0x542: {  	[tilespmem:s20+$0x0] =	vst v16;
	s11 =	sor.u32 s4, s7;
	v63 =	vld [tilespmem:s10+$0x10100];
	v12 =	vmul.f32 $3.200000000e+01, v18;
	v19 =	vadd.f32 v19, v7  }
0x543: {  	s18 =	sor.u32 s30, s7;
	v16 =	vld [tilespmem:s11+$0x10100];
	[tilespmem:s22+$0x0] =	vst v11;
	v17 =	vadd.f32 v9, v5;
	v15 =	vmul.f32 $3.200000000e+01, v15  }
0x544: {  	v18 =	vld [tilespmem:s18+$0x10100];
	v12 =	vadd.f32 v12, v6;
	[tilespmem:s16+$0x0] =	vst v19;
	v20 =	vmul.f32 $3.200000000e+01, v20  }
0x545: {  	s17 =	sand.u32 $0x3FFFFF80, s29;
	v11 =	vld [tilespmem:s10+$0x1C100];
	[tilespmem:s0+$0x0] =	vst v17;
	v17 =	vmul.f32 $3.200000000e+01, v14;
	v15 =	vadd.f32 v15, v10  }
0x546: {  	s21 =	sor.u32 s21, s31;
	s13 =	sadd.s32 s17, s19;
	v9 =	vld [tilespmem:s18+$0x1C100];
	[tilespmem:s12+$0x0] =	vst v12;
	v20 =	vadd.f32 v20, v8  }
0x547: {  	s29 =	simm.s32 $0x8;
	s23 =	sor.u32 s3, s28;
	v12 =	vld [tilespmem:s11+$0x1C100];
	s0 =	sadd.s32 $0x12100, s13;
	[tilespmem:s24+$0x10100] =	vst v15;
	v15 =	vadd.f32 v17, v13  }
0x548: {  	s20 =	smov.u32 s30;
	s19 =	sadd.s32 $0x16100, s15;
	v14 =	vld [tilespmem:s23+$0x0];
	s12 =	sor.u32 s5, s0;
	[tilespmem:s26+$0x0] =	vst v20  }
0x549: {  	s30 =	sor.u32 s25, s28;
	s22 =	sor.u32 s14, s19;
	v18 =	vmul.f32 $3.200000000e+01, v18;
	v17 =	vld [tilespmem:s12+$0x0];
	s26 =	sor.u32 s8, s19;
	[tilespmem:s1+$0x0] =	vst v15  }
0x54a: {  	s25 =	sor.u32 s25, s19;
	s7 =	sor.u32 s6, s31;
	v13 =	vld [tilespmem:s26+$0x0];
	[dreg:$0x10] =	wrdreg s22  }
0x54b: {  	s6 =	sor.u32 s3, s19;
	v19 =	vmul.f32 $3.200000000e+01, v63;
	v16 =	vmul.f32 $3.200000000e+01, v16;
	s8 =	sor.u32 s14, s28;
	v20 =	vadd.f32 v18, v9;
	[dreg:$0x9] =	wrdreg s25  }
0x54c: {  	s15 =	sor.u32 s20, s0;
	s31 =	sor.u32 s4, s0;
	s24 =	simm.s32 $0x400;
	v15 =	vld [tilespmem:s8+$0x0]  }
0x54d: {  	s28 =	sor.u32 s2, s0;
	v18 =	vadd.f32 v19, v11;
	v19 =	vadd.f32 v16, v12;
	s14 =	simm.s32 $0xC;
	s25 =	smov.u32 s5;
	[tilespmem:s18+$0x10100] =	vst v20;
	v16 =	vld [tilespmem:s30+$0x0]  }
.LBB2_12:
0x54e: {  	s0 =	sshll.u32 s14, $0x7  }
0x54f: {  	v20 =	vld [tilespmem:s15+$0x0];
	s29 =	sadd.s32 $0x4, s29;
	s24 =	sadd.s32 $0x200, s24;
	s5 =	smov.u32 s4;
	[tilespmem:s10+$0x10100] =	vst v18;
	v14 =	vmul.f32 $3.200000000e+01, v14  }
0x550: {  	s4 =	smov.u32 s2;
	s2 =	smov.u32 s20;
	s0 =	sand.u32 $0xFFFFE000, s0;
	[tilespmem:s11+$0x10100] =	vst v19;
	v18 =	vld [tilespmem:s28+$0x0];
	v17 =	vmul.f32 $3.200000000e+01, v17  }
0x551: {  	s9 =	sadd.s32 $0x40, s9;
	s20 =	sshll.u32 s29, $0x1;
	s0 =	ssub.s32 s24, s0;
	v19 =	vld [tilespmem:s31+$0x0];
	v13 =	vmul.f32 $3.200000000e+01, v13;
	v14 =	vadd.f32 v14, v6  }
0x552: {  	s22 =	sand.u32 $0x40, s9;
	s19 =	sand.u32 $0xFFFFFF80, s20;
	v21 =	vld [tilespmem:s7+$0x0];
	s1 =	sand.u32 $0xFFFFFC00, s0;
	v17 =	vadd.f32 v17, v10;
	v15 =	vmul.f32 $3.200000000e+01, v15  }
0x553: {  	s11 =	sadd.s32 s19, s1;
	s19 =	sor.u32 $0x30, s22;
	v13 =	vadd.f32 v13, v8;
	[tilespmem:s23+$0x0] =	vst v14;
	v14 =	vmul.f32 $3.200000000e+01, v16;
	v16 =	vld [tilespmem:s21+$0x0]  }
0x554: {  	s3 =	sadd.s32 $0x14100, s13;
	s0 =	sor.u32 s19, s11;
	v8 =	vmov v10;
	v10 =	vmul.f32 $3.200000000e+01, v20;
	[tilespmem:s12+$0x0] =	vst v17;
	v15 =	vadd.f32 v15, v5;
	v17 =	vld [tilespmem:s6+$0x0]  }
0x555: {  	s12 =	smov.u32 s6;
	v20 =	vld [tilespmem:s0+$0x10100];
	v18 =	vmul.f32 $3.200000000e+01, v18;
	[tilespmem:s26+$0x0] =	vst v13;
	s6 =	smov.u32 s25;
	s25 =	sor.u32 s25, s3;
	v14 =	vadd.f32 v14, v7  }
0x556: {  	v19 =	vmul.f32 $3.200000000e+01, v19;
	v13 =	vadd.f32 v10, v9;
	[tilespmem:s8+$0x0] =	vst v15;
	v22 =	vld [tilespmem:s25+$0x0]  }
0x557: {  	s16 =	sor.u32 $0x10, s22;
	s18 =	sor.u32 s22, s11;
	v10 =	vld [tilespmem:s0+$0x1C100];
	v15 =	vadd.f32 v18, v11;
	[tilespmem:s30+$0x0] =	vst v14;
	v14 =	vmul.f32 $3.200000000e+01, v21  }
0x558: {  	s17 =	sor.u32 $0x20, s22;
	s10 =	sor.u32 s16, s11;
	v18 =	vld [tilespmem:s18+$0x10100];
	[tilespmem:s15+$0x0] =	vst v13;
	v13 =	vadd.f32 v19, v12;
	v16 =	vmul.f32 $3.200000000e+01, v16  }
0x559: {  	s14 =	sadd.s32 $0x4, s14;
	s20 =	sand.u32 $0x3FFFFF80, s20;
	s11 =	sor.u32 s17, s11;
	v19 =	vld [tilespmem:s10+$0x10100];
	[tilespmem:s28+$0x0] =	vst v15;
	v15 =	vmul.f32 $3.200000000e+01, v17;
	v14 =	vadd.f32 v14, v4  }
0x55a: {  	p0 =	slt.u32 s29, $0x1FC;
	s1 =	sadd.s32 s20, s1;
	s20 =	rddreg [dreg:$0x9];
	v20 =	vmul.f32 $3.200000000e+01, v20;
	v17 =	vld [tilespmem:s11+$0x10100];
	[tilespmem:s31+$0x0] =	vst v13;
	v13 =	vadd.f32 v16, v3  }
0x55b: {  	s23 =	sor.u32 s2, s3;
	s8 =	sor.u32 s4, s3;
	s26 =	rddreg [dreg:$0x10];
	v16 =	vmul.f32 $3.200000000e+01, v22;
	v15 =	vadd.f32 v15, v6;
	[tilespmem:s7+$0x0] =	vst v14;
	v6 =	vmov v9;
	v9 =	vld [tilespmem:s18+$0x1C100]  }
0x55c: {  	s30 =	sor.u32 s5, s3;
	v4 =	vmov v5;
	v5 =	vmov v11;
	s7 =	smov.u32 s26;
	v14 =	vadd.f32 v20, v10;
	s26 =	sadd.s32 $0x12100, s1;
	v11 =	vld [tilespmem:s10+$0x1C100];
	[tilespmem:s21+$0x0] =	vst v13  }
0x55d: {  	v3 =	vmov v7;
	v7 =	vmov v12;
	s21 =	smov.u32 s20;
	v16 =	vadd.f32 v16, v8;
	s15 =	sor.u32 s22, s26;
	s20 =	sadd.s32 $0x16100, s13;
	v12 =	vld [tilespmem:s11+$0x1C100];
	[tilespmem:s12+$0x0] =	vst v15  }
.Ltmp5:
0x55e: {  	v13 =	vmul.f32 $3.200000000e+01, v18;
	s28 =	sor.u32 s16, s26;
	[tilespmem:s0+$0x10100] =	vst v14;
	s12 =	sor.u32 s19, s26;
	v14 =	vld [tilespmem:s23+$0x0];
	(pc) =	sbr.rel @p0 .LBB2_12-.Ltmp5, $4  }
0x55f: {  	s31 =	sor.u32 s17, s26;
	s13 =	smov.u32 s1;
	v15 =	vmul.f32 $3.200000000e+01, v19;
	s26 =	sor.u32 s6, s20;
	v19 =	vmul.f32 $3.200000000e+01, v17;
	v17 =	vld [tilespmem:s12+$0x0];
	[tilespmem:s25+$0x0] =	vst v16  }
0x560: {  	s6 =	sor.u32 s2, s20;
	s0 =	sor.u32 s5, s20;
	s2 =	smov.u32 s16;
	v16 =	vadd.f32 v13, v9;
	v13 =	vld [tilespmem:s26+$0x0]  }
0x561: {  	s25 =	sor.u32 s4, s20;
	[dreg:$0x9] =	wrdreg s0;
	s20 =	smov.u32 s22;
	v18 =	vadd.f32 v15, v11;
	v15 =	vld [tilespmem:s8+$0x0]  }
0x562: {  	s4 =	smov.u32 s17;
	[dreg:$0x10] =	wrdreg s25;
	s25 =	smov.u32 s19;
	[tilespmem:s18+$0x10100] =	vst v16;
	v19 =	vadd.f32 v19, v12;
	v16 =	vld [tilespmem:s30+$0x0]  }
0x563: {  	v20 =	vld [tilespmem:s15+$0x0];
	[tilespmem:s10+$0x10100] =	vst v18  }
0x564: {  	v18 =	vld [tilespmem:s28+$0x0];
	[tilespmem:s11+$0x10100] =	vst v19  }
0x565: {  	v17 =	vmul.f32 $3.200000000e+01, v17;
	v19 =	vld [tilespmem:s31+$0x0];
	_ =	sdelay $0x1  }
0x566: {  	v17 =	vadd.f32 v17, v10  }
0x567: {  	s0 =	sadd.s32 $0x14100, s13;
	v20 =	vmul.f32 $3.200000000e+01, v20  }
0x568: {  	s1 =	sor.u32 s25, s0;
	[tilespmem:s12+$0x0] =	vst v17;
	v17 =	vmul.f32 $3.200000000e+01, v18  }
0x569: {  	v18 =	vadd.f32 v20, v9;
	v19 =	vmul.f32 $3.200000000e+01, v19;
	v20 =	vld [tilespmem:s1+$0x0]  }
0x56a: {  	v17 =	vadd.f32 v17, v11  }
0x56b: {  	v14 =	vmul.f32 $3.200000000e+01, v14;
	s3 =	sor.u32 s20, s0;
	[tilespmem:s15+$0x0] =	vst v18;
	v18 =	vadd.f32 v19, v12  }
0x56c: {  	s9 =	sor.u32 s2, s0;
	v15 =	vmul.f32 $3.200000000e+01, v15;
	[tilespmem:s28+$0x0] =	vst v17;
	v17 =	vld [tilespmem:s3+$0x0]  }
0x56d: {  	s0 =	sor.u32 s4, s0;
	v14 =	vadd.f32 v14, v6;
	v16 =	vmul.f32 $3.200000000e+01, v16;
	[tilespmem:s31+$0x0] =	vst v18;
	v18 =	vld [tilespmem:s9+$0x0]  }
0x56e: {  	v15 =	vadd.f32 v15, v5;
	v19 =	vmul.f32 $3.200000000e+01, v20;
	v20 =	vld [tilespmem:s0+$0x0]  }
0x56f: {  	[tilespmem:s23+$0x0] =	vst v14;
	v16 =	vadd.f32 v16, v7  }
0x570: {  	v21 =	vld [tilespmem:s7+$0x0];
	[tilespmem:s8+$0x0] =	vst v15;
	v19 =	vadd.f32 v19, v10  }
0x571: {  	v14 =	vld [tilespmem:s21+$0x0];
	[tilespmem:s30+$0x0] =	vst v16;
	v17 =	vmul.f32 $3.200000000e+01, v17  }
0x572: {  	[tilespmem:s1+$0x0] =	vst v19;
	v19 =	vld [tilespmem:s6+$0x0];
	v18 =	vmul.f32 $3.200000000e+01, v18  }
0x573: {  	s22 =	sadd.s32 $0x16100, s13;
	v17 =	vadd.f32 v17, v9;
	v20 =	vmul.f32 $3.200000000e+01, v20;
	s11 =	rddreg [dreg:$0x10]  }
0x574: {  	v13 =	vmul.f32 $3.200000000e+01, v13;
	s23 =	sor.u32 s25, s22;
	v16 =	vld [tilespmem:s11+$0x0];
	v18 =	vadd.f32 v18, v11  }
0x575: {  	s5 =	sor.u32 s20, s22;
	v21 =	vmul.f32 $3.200000000e+01, v21;
	v15 =	vld [tilespmem:s23+$0x0];
	[tilespmem:s3+$0x0] =	vst v17;
	v20 =	vadd.f32 v20, v12  }
0x576: {  	v8 =	vadd.f32 v13, v8;
	v13 =	vmul.f32 $3.200000000e+01, v14;
	s8 =	rddreg [dreg:$0x9];
	v14 =	vld [tilespmem:s5+$0x0];
	[tilespmem:s9+$0x0] =	vst v18  }
0x577: {  	s25 =	sor.u32 s4, s22;
	v4 =	vadd.f32 v21, v4;
	v17 =	vld [tilespmem:s8+$0x0];
	v18 =	vmul.f32 $3.200000000e+01, v19;
	[tilespmem:s0+$0x0] =	vst v20  }
0x578: {  	s24 =	sor.u32 s2, s22;
	v3 =	vadd.f32 v13, v3;
	v13 =	vld [tilespmem:s25+$0x0]  }
0x579: {  	[tilespmem:s7+$0x0] =	vst v4;
	v19 =	vld [tilespmem:s24+$0x0];
	v6 =	vadd.f32 v18, v6;
	v4 =	vmul.f32 $3.200000000e+01, v16  }
0x57a: {  	[tilespmem:s26+$0x0] =	vst v8;
	v8 =	vmul.f32 $3.200000000e+01, v15  }
0x57b: {  	[tilespmem:s6+$0x0] =	vst v6;
	v6 =	vmul.f32 $3.200000000e+01, v14;
	v4 =	vadd.f32 v4, v5  }
0x57c: {  	[tilespmem:s21+$0x0] =	vst v3;
	v3 =	vadd.f32 v8, v10;
	v8 =	vmul.f32 $3.200000000e+01, v17  }
0x57d: {  	v6 =	vadd.f32 v6, v9;
	[tilespmem:s11+$0x0] =	vst v4;
	v4 =	vmul.f32 $3.200000000e+01, v13  }
0x57e: {  	[tilespmem:s23+$0x0] =	vst v3;
	v5 =	vmul.f32 $3.200000000e+01, v19;
	v3 =	vadd.f32 v8, v7  }
0x57f: {  	[tilespmem:s5+$0x0] =	vst v6;
	v4 =	vadd.f32 v4, v12  }
0x580: {  	[tilespmem:s8+$0x0] =	vst v3;
	v3 =	vadd.f32 v5, v11  }
0x581: {  	[tilespmem:s25+$0x0] =	vst v4  }
0x582: {  	[tilespmem:s24+$0x0] =	vst v3  }
0x583: {  	s1 =	sld [smem:$0x7ED];
	_ =	sdelay $0x1  }
0x584: {  	s4 =	simm.s32 $0x0;
	s5 =	simm.s32 $0x10100;
	s6 =	sld [smem:$0x7EE]  }
0x585: {  	[hbm4b:s1+s4] =	stream.linear.scatter [tilespmem:s5], [sflag:$0xA], $0x2000, $0x38;
	[tilespmem:$0x1E100] =	vst v63  }
0x586: {  	s7 =	simm.s32 $0x12100;
	s8 =	sld [smem:$0x7EF]  }
0x587: {  	[hbm4b:s6+s4] =	stream.linear.scatter [tilespmem:s7], [sflag:$0xA], $0x2000, $0x38;
	[tilespmem:$0x1E100] =	vst v63  }
0x588: {  	s9 =	simm.s32 $0x14100;
	s10 =	sld [smem:$0x7F0]  }
0x589: {  	[hbm4b:s8+s4] =	stream.linear.scatter [tilespmem:s9], [sflag:$0xA], $0x2000, $0x38;
	[tilespmem:$0x1E100] =	vst v63  }
0x58a: {  	s12 =	simm.s32 $0x2;
	s11 =	simm.s32 $0x16100  }
0x58b: {  	[hbm4b:s10+s4] =	stream.linear.scatter [tilespmem:s11], [sflag:$0xA], $0x2000, $0x38;
	[tilespmem:$0x1E100] =	vst v63  }
0x58c: {  	s13 =	simm.s32 $0x0;
	s14 =	simm.s32 $0x5;
	_ =	swait.ge [sflag:s12], $0x8000  }
0x58d: {  	s2 =	sand.u32 $0x40, s4;
	s1 =	sand.u32 $0xFFFFE000, s13;
	[sflag:s12] =	ssyncset.done $0x0  }
0x58e: {  	s15 =	simm.s32 $0x0;
	s1 =	ssub.s32 $0x0, s1;
	[sflag:s12] =	ssyncadd.s32 $0xFFFF8000  }
0x58f: {  	s16 =	sand.u32 $0xFFFFFF80, s15;
	s1 =	sand.u32 $0xFFFFFC00, s1;
	_ =	swait.ge [sflag:s14], $0x2000  }
0x590: {  	s0 =	sor.u32 $0x30, s2;
	s17 =	sadd.s32 s16, s1;
	[sflag:s14] =	ssyncset.done $0x0  }
0x591: {  	s18 =	sor.u32 s0, s17;
	[sflag:s14] =	ssyncadd.s32 $0xFFFFE000  }
0x592: {  	v3 =	vld [tilespmem:s18+$0x100];
	_ =	sdelay $0x1  }
0x593: {  	v9 =	vld [tilespmem:s18+$0x18100]  }
0x594: {  	s6 =	sor.u32 $0x10, s2;
	s19 =	sor.u32 s2, s17  }
0x595: {  	s21 =	sor.u32 $0x20, s2;
	s20 =	sor.u32 s6, s17;
	v5 =	vld [tilespmem:s19+$0x100]  }
0x596: {  	s5 =	sor.u32 s21, s17;
	v6 =	vld [tilespmem:s20+$0x100];
	v3 =	vmul.f32 $3.200000000e+01, v3  }
0x597: {  	s4 =	sand.u32 $0x3FFFFF80, s15;
	v7 =	vld [tilespmem:s5+$0x100]  }
0x598: {  	s1 =	sadd.s32 s4, s1;
	v13 =	vld [tilespmem:s19+$0x18100];
	v8 =	vadd.f32 v3, v9  }
0x599: {  	s22 =	sadd.s32 $0x2100, s1;
	v4 =	vld [tilespmem:s20+$0x18100]  }
0x59a: {  	s23 =	sor.u32 s0, s22;
	v3 =	vld [tilespmem:s5+$0x18100];
	[tilespmem:s18+$0x100] =	vst v8  }
0x59b: {  	s24 =	simm.s32 $0x200;
	v5 =	vmul.f32 $3.200000000e+01, v5;
	v8 =	vld [tilespmem:s23+$0x0]  }
0x59c: {  	s11 =	sand.u32 $0xFFFFE000, s24;
	v6 =	vmul.f32 $3.200000000e+01, v6  }
0x59d: {  	s25 =	ssub.s32 $0x200, s11;
	v5 =	vadd.f32 v5, v13  }
0x59e: {  	s26 =	simm.s32 $0x8;
	s15 =	sand.u32 $0xFFFFFC00, s25;
	s14 =	simm.s32 $0x40;
	v7 =	vmul.f32 $3.200000000e+01, v7;
	v6 =	vadd.f32 v6, v4  }
0x59f: {  	s12 =	sor.u32 s2, s22;
	s3 =	sand.u32 $0x40, s14;
	[tilespmem:s19+$0x100] =	vst v5;
	s19 =	sand.u32 $0xFFFFFF80, s26  }
0x5a0: {  	s4 =	sor.u32 s6, s22;
	s14 =	sor.u32 $0x10, s3;
	[tilespmem:s20+$0x100] =	vst v6;
	v10 =	vld [tilespmem:s12+$0x0];
	s20 =	sadd.s32 s19, s15;
	v5 =	vadd.f32 v7, v3;
	v7 =	vmul.f32 $3.200000000e+01, v8  }
0x5a1: {  	s8 =	sor.u32 $0x30, s3;
	v11 =	vld [tilespmem:s4+$0x0];
	s19 =	sor.u32 s14, s20  }
0x5a2: {  	s10 =	sor.u32 s21, s22;
	s22 =	sor.u32 s8, s20;
	v14 =	vld [tilespmem:s19+$0x100];
	[tilespmem:s5+$0x100] =	vst v5;
	v5 =	vadd.f32 v7, v9  }
0x5a3: {  	v8 =	vld [tilespmem:s22+$0x18100]  }
0x5a4: {  	[tilespmem:s23+$0x0] =	vst v5;
	v5 =	vld [tilespmem:s22+$0x100]  }
0x5a5: {  	s16 =	sadd.s32 $0x4100, s1;
	s18 =	sor.u32 s3, s20;
	v7 =	vld [tilespmem:s10+$0x0]  }
0x5a6: {  	s17 =	sor.u32 s0, s16;
	v6 =	vmul.f32 $3.200000000e+01, v10;
	v10 =	vld [tilespmem:s18+$0x100]  }
0x5a7: {  	s25 =	sor.u32 $0x20, s3;
	v12 =	vld [tilespmem:s17+$0x0]  }
0x5a8: {  	s5 =	sor.u32 s25, s20;
	v15 =	vadd.f32 v6, v13;
	v6 =	vld [tilespmem:s18+$0x18100]  }
0x5a9: {  	v16 =	vld [tilespmem:s5+$0x100];
	v17 =	vmul.f32 $3.200000000e+01, v5  }
0x5aa: {  	v11 =	vmul.f32 $3.200000000e+01, v11;
	s23 =	sand.u32 $0x3FFFFF80, s26;
	v18 =	vmul.f32 $3.200000000e+01, v7;
	v7 =	vld [tilespmem:s5+$0x18100]  }
0x5ab: {  	s24 =	sor.u32 s2, s16;
	[tilespmem:s12+$0x0] =	vst v15;
	s15 =	sadd.s32 s23, s15;
	v10 =	vmul.f32 $3.200000000e+01, v10;
	v5 =	vld [tilespmem:s19+$0x18100];
	v15 =	vadd.f32 v17, v8  }
0x5ac: {  	v11 =	vadd.f32 v11, v4;
	s9 =	sadd.s32 $0x2100, s15;
	v12 =	vmul.f32 $3.200000000e+01, v12;
	v17 =	vld [tilespmem:s24+$0x0]  }
0x5ad: {  	s26 =	sor.u32 s8, s9;
	v10 =	vadd.f32 v10, v6;
	[tilespmem:s22+$0x100] =	vst v15  }
0x5ae: {  	[tilespmem:s4+$0x0] =	vst v11;
	v11 =	vmul.f32 $3.200000000e+01, v16;
	v12 =	vadd.f32 v12, v9;
	v15 =	vld [tilespmem:s26+$0x0]  }
0x5af: {  	s31 =	sadd.s32 $0x6100, s1;
	s20 =	sor.u32 s6, s16;
	v14 =	vmul.f32 $3.200000000e+01, v14;
	v18 =	vadd.f32 v18, v3;
	[tilespmem:s18+$0x100] =	vst v10  }
0x5b0: {  	s4 =	simm.s32 $0x400;
	s23 =	sor.u32 s0, s31;
	v16 =	vld [tilespmem:s20+$0x0];
	v10 =	vadd.f32 v11, v7;
	[tilespmem:s17+$0x0] =	vst v12  }
0x5b1: {  	s1 =	sand.u32 $0xFFFFE000, s4;
	s12 =	sor.u32 s3, s9;
	[tilespmem:s10+$0x0] =	vst v18;
	v14 =	vadd.f32 v14, v5;
	v12 =	vld [tilespmem:s23+$0x0];
	v17 =	vmul.f32 $3.200000000e+01, v17  }
0x5b2: {  	s29 =	simm.s32 $0x10;
	s1 =	ssub.s32 $0x400, s1;
	v18 =	vld [tilespmem:s12+$0x0];
	s22 =	sor.u32 s21, s16;
	[tilespmem:s5+$0x100] =	vst v10  }
0x5b3: {  	s0 =	sor.u32 s14, s9;
	s16 =	sor.u32 s25, s9;
	s9 =	simm.s32 $0x80;
	v11 =	vld [tilespmem:s22+$0x0];
	[tilespmem:s19+$0x100] =	vst v14;
	v14 =	vmul.f32 $3.200000000e+01, v15;
	v15 =	vadd.f32 v17, v13  }
0x5b4: {  	s30 =	sand.u32 $0x40, s9;
	s5 =	sand.u32 $0xFFFFFF80, s29;
	v19 =	vld [tilespmem:s16+$0x0];
	s19 =	sand.u32 $0xFFFFFC00, s1  }
0x5b5: {  	s1 =	sor.u32 s2, s31;
	s7 =	sadd.s32 s5, s19;
	s5 =	sor.u32 $0x30, s30;
	v17 =	vld [tilespmem:s0+$0x0];
	v10 =	vadd.f32 v14, v8;
	[tilespmem:s24+$0x0] =	vst v15  }
0x5b6: {  	s28 =	sadd.s32 $0x4100, s15;
	v12 =	vmul.f32 $3.200000000e+01, v12;
	s24 =	sor.u32 s5, s7;
	v14 =	vld [tilespmem:s1+$0x0]  }
0x5b7: {  	v16 =	vmul.f32 $3.200000000e+01, v16;
	v15 =	vld [tilespmem:s24+$0x100];
	[tilespmem:s26+$0x0] =	vst v10;
	s26 =	sor.u32 s8, s28  }
0x5b8: {  	v11 =	vmul.f32 $3.200000000e+01, v11;
	v9 =	vadd.f32 v12, v9;
	v20 =	vld [tilespmem:s26+$0x0]  }
0x5b9: {  	v16 =	vadd.f32 v16, v4;
	s2 =	sor.u32 $0x10, s30;
	v19 =	vmul.f32 $3.200000000e+01, v19;
	v10 =	vld [tilespmem:s24+$0x18100]  }
0x5ba: {  	s4 =	sor.u32 $0x20, s30;
	s10 =	sor.u32 s2, s7;
	v11 =	vadd.f32 v11, v3;
	[tilespmem:s23+$0x0] =	vst v9;
	v9 =	vmul.f32 $3.200000000e+01, v17  }
0x5bb: {  	[tilespmem:s20+$0x0] =	vst v16;
	s11 =	sor.u32 s4, s7;
	v63 =	vld [tilespmem:s10+$0x100];
	v12 =	vmul.f32 $3.200000000e+01, v18;
	v19 =	vadd.f32 v19, v7  }
0x5bc: {  	s18 =	sor.u32 s30, s7;
	v16 =	vld [tilespmem:s11+$0x100];
	[tilespmem:s22+$0x0] =	vst v11;
	v17 =	vadd.f32 v9, v5;
	v15 =	vmul.f32 $3.200000000e+01, v15  }
0x5bd: {  	v18 =	vld [tilespmem:s18+$0x100];
	v12 =	vadd.f32 v12, v6;
	[tilespmem:s16+$0x0] =	vst v19;
	v20 =	vmul.f32 $3.200000000e+01, v20  }
0x5be: {  	s17 =	sand.u32 $0x3FFFFF80, s29;
	v11 =	vld [tilespmem:s10+$0x18100];
	[tilespmem:s0+$0x0] =	vst v17;
	v17 =	vmul.f32 $3.200000000e+01, v14;
	v15 =	vadd.f32 v15, v10  }
0x5bf: {  	s21 =	sor.u32 s21, s31;
	s13 =	sadd.s32 s17, s19;
	v9 =	vld [tilespmem:s18+$0x18100];
	[tilespmem:s12+$0x0] =	vst v12;
	v20 =	vadd.f32 v20, v8  }
0x5c0: {  	s29 =	simm.s32 $0x8;
	s23 =	sor.u32 s3, s28;
	v12 =	vld [tilespmem:s11+$0x18100];
	s0 =	sadd.s32 $0x2100, s13;
	[tilespmem:s24+$0x100] =	vst v15;
	v15 =	vadd.f32 v17, v13  }
0x5c1: {  	s20 =	smov.u32 s30;
	s19 =	sadd.s32 $0x6100, s15;
	v14 =	vld [tilespmem:s23+$0x0];
	s12 =	sor.u32 s5, s0;
	[tilespmem:s26+$0x0] =	vst v20  }
0x5c2: {  	s30 =	sor.u32 s25, s28;
	s22 =	sor.u32 s14, s19;
	v18 =	vmul.f32 $3.200000000e+01, v18;
	v17 =	vld [tilespmem:s12+$0x0];
	s26 =	sor.u32 s8, s19;
	[tilespmem:s1+$0x0] =	vst v15  }
0x5c3: {  	s25 =	sor.u32 s25, s19;
	s7 =	sor.u32 s6, s31;
	v13 =	vld [tilespmem:s26+$0x0];
	[dreg:$0x11] =	wrdreg s22  }
0x5c4: {  	s6 =	sor.u32 s3, s19;
	v19 =	vmul.f32 $3.200000000e+01, v63;
	v16 =	vmul.f32 $3.200000000e+01, v16;
	s8 =	sor.u32 s14, s28;
	v20 =	vadd.f32 v18, v9;
	[dreg:$0xa] =	wrdreg s25  }
0x5c5: {  	s15 =	sor.u32 s20, s0;
	s31 =	sor.u32 s4, s0;
	s24 =	simm.s32 $0x400;
	v15 =	vld [tilespmem:s8+$0x0]  }
0x5c6: {  	s28 =	sor.u32 s2, s0;
	v18 =	vadd.f32 v19, v11;
	v19 =	vadd.f32 v16, v12;
	s14 =	simm.s32 $0xC;
	s25 =	smov.u32 s5;
	[tilespmem:s18+$0x100] =	vst v20;
	v16 =	vld [tilespmem:s30+$0x0]  }
.LBB2_14:
0x5c7: {  	s0 =	sshll.u32 s14, $0x7  }
0x5c8: {  	v20 =	vld [tilespmem:s15+$0x0];
	s29 =	sadd.s32 $0x4, s29;
	s24 =	sadd.s32 $0x200, s24;
	s5 =	smov.u32 s4;
	[tilespmem:s10+$0x100] =	vst v18;
	v14 =	vmul.f32 $3.200000000e+01, v14  }
0x5c9: {  	s4 =	smov.u32 s2;
	s2 =	smov.u32 s20;
	s0 =	sand.u32 $0xFFFFE000, s0;
	[tilespmem:s11+$0x100] =	vst v19;
	v18 =	vld [tilespmem:s28+$0x0];
	v17 =	vmul.f32 $3.200000000e+01, v17  }
0x5ca: {  	s9 =	sadd.s32 $0x40, s9;
	s20 =	sshll.u32 s29, $0x1;
	s0 =	ssub.s32 s24, s0;
	v19 =	vld [tilespmem:s31+$0x0];
	v13 =	vmul.f32 $3.200000000e+01, v13;
	v14 =	vadd.f32 v14, v6  }
0x5cb: {  	s22 =	sand.u32 $0x40, s9;
	s19 =	sand.u32 $0xFFFFFF80, s20;
	v21 =	vld [tilespmem:s7+$0x0];
	s1 =	sand.u32 $0xFFFFFC00, s0;
	v17 =	vadd.f32 v17, v10;
	v15 =	vmul.f32 $3.200000000e+01, v15  }
0x5cc: {  	s11 =	sadd.s32 s19, s1;
	s19 =	sor.u32 $0x30, s22;
	v13 =	vadd.f32 v13, v8;
	[tilespmem:s23+$0x0] =	vst v14;
	v14 =	vmul.f32 $3.200000000e+01, v16;
	v16 =	vld [tilespmem:s21+$0x0]  }
0x5cd: {  	s3 =	sadd.s32 $0x4100, s13;
	s0 =	sor.u32 s19, s11;
	v8 =	vmov v10;
	v10 =	vmul.f32 $3.200000000e+01, v20;
	[tilespmem:s12+$0x0] =	vst v17;
	v15 =	vadd.f32 v15, v5;
	v17 =	vld [tilespmem:s6+$0x0]  }
0x5ce: {  	s12 =	smov.u32 s6;
	v20 =	vld [tilespmem:s0+$0x100];
	v18 =	vmul.f32 $3.200000000e+01, v18;
	[tilespmem:s26+$0x0] =	vst v13;
	s6 =	smov.u32 s25;
	s25 =	sor.u32 s25, s3;
	v14 =	vadd.f32 v14, v7  }
0x5cf: {  	v19 =	vmul.f32 $3.200000000e+01, v19;
	v13 =	vadd.f32 v10, v9;
	[tilespmem:s8+$0x0] =	vst v15;
	v22 =	vld [tilespmem:s25+$0x0]  }
0x5d0: {  	s16 =	sor.u32 $0x10, s22;
	s18 =	sor.u32 s22, s11;
	v10 =	vld [tilespmem:s0+$0x18100];
	v15 =	vadd.f32 v18, v11;
	[tilespmem:s30+$0x0] =	vst v14;
	v14 =	vmul.f32 $3.200000000e+01, v21  }
0x5d1: {  	s17 =	sor.u32 $0x20, s22;
	s10 =	sor.u32 s16, s11;
	v18 =	vld [tilespmem:s18+$0x100];
	[tilespmem:s15+$0x0] =	vst v13;
	v13 =	vadd.f32 v19, v12;
	v16 =	vmul.f32 $3.200000000e+01, v16  }
0x5d2: {  	s14 =	sadd.s32 $0x4, s14;
	s20 =	sand.u32 $0x3FFFFF80, s20;
	s11 =	sor.u32 s17, s11;
	v19 =	vld [tilespmem:s10+$0x100];
	[tilespmem:s28+$0x0] =	vst v15;
	v15 =	vmul.f32 $3.200000000e+01, v17;
	v14 =	vadd.f32 v14, v4  }
0x5d3: {  	p0 =	slt.u32 s29, $0x1FC;
	s1 =	sadd.s32 s20, s1;
	s20 =	rddreg [dreg:$0xa];
	v20 =	vmul.f32 $3.200000000e+01, v20;
	v17 =	vld [tilespmem:s11+$0x100];
	[tilespmem:s31+$0x0] =	vst v13;
	v13 =	vadd.f32 v16, v3  }
0x5d4: {  	s23 =	sor.u32 s2, s3;
	s8 =	sor.u32 s4, s3;
	s26 =	rddreg [dreg:$0x11];
	v16 =	vmul.f32 $3.200000000e+01, v22;
	v15 =	vadd.f32 v15, v6;
	[tilespmem:s7+$0x0] =	vst v14;
	v6 =	vmov v9;
	v9 =	vld [tilespmem:s18+$0x18100]  }
0x5d5: {  	s30 =	sor.u32 s5, s3;
	v4 =	vmov v5;
	v5 =	vmov v11;
	s7 =	smov.u32 s26;
	v14 =	vadd.f32 v20, v10;
	s26 =	sadd.s32 $0x2100, s1;
	v11 =	vld [tilespmem:s10+$0x18100];
	[tilespmem:s21+$0x0] =	vst v13  }
0x5d6: {  	v3 =	vmov v7;
	v7 =	vmov v12;
	s21 =	smov.u32 s20;
	v16 =	vadd.f32 v16, v8;
	s15 =	sor.u32 s22, s26;
	s20 =	sadd.s32 $0x6100, s13;
	v12 =	vld [tilespmem:s11+$0x18100];
	[tilespmem:s12+$0x0] =	vst v15  }
.Ltmp6:
0x5d7: {  	v13 =	vmul.f32 $3.200000000e+01, v18;
	s28 =	sor.u32 s16, s26;
	[tilespmem:s0+$0x100] =	vst v14;
	s12 =	sor.u32 s19, s26;
	v14 =	vld [tilespmem:s23+$0x0];
	(pc) =	sbr.rel @p0 .LBB2_14-.Ltmp6, $4  }
0x5d8: {  	s31 =	sor.u32 s17, s26;
	s13 =	smov.u32 s1;
	v15 =	vmul.f32 $3.200000000e+01, v19;
	s26 =	sor.u32 s6, s20;
	v19 =	vmul.f32 $3.200000000e+01, v17;
	v17 =	vld [tilespmem:s12+$0x0];
	[tilespmem:s25+$0x0] =	vst v16  }
0x5d9: {  	s6 =	sor.u32 s2, s20;
	s0 =	sor.u32 s5, s20;
	s2 =	smov.u32 s16;
	v16 =	vadd.f32 v13, v9;
	v13 =	vld [tilespmem:s26+$0x0]  }
0x5da: {  	s25 =	sor.u32 s4, s20;
	[dreg:$0xa] =	wrdreg s0;
	s20 =	smov.u32 s22;
	v18 =	vadd.f32 v15, v11;
	v15 =	vld [tilespmem:s8+$0x0]  }
0x5db: {  	s4 =	smov.u32 s17;
	[dreg:$0x11] =	wrdreg s25;
	s25 =	smov.u32 s19;
	[tilespmem:s18+$0x100] =	vst v16;
	v19 =	vadd.f32 v19, v12;
	v16 =	vld [tilespmem:s30+$0x0]  }
0x5dc: {  	v20 =	vld [tilespmem:s15+$0x0];
	[tilespmem:s10+$0x100] =	vst v18  }
0x5dd: {  	v18 =	vld [tilespmem:s28+$0x0];
	[tilespmem:s11+$0x100] =	vst v19  }
0x5de: {  	v17 =	vmul.f32 $3.200000000e+01, v17;
	v19 =	vld [tilespmem:s31+$0x0];
	_ =	sdelay $0x1  }
0x5df: {  	v17 =	vadd.f32 v17, v10  }
0x5e0: {  	s0 =	sadd.s32 $0x4100, s13;
	v20 =	vmul.f32 $3.200000000e+01, v20  }
0x5e1: {  	s1 =	sor.u32 s25, s0;
	[tilespmem:s12+$0x0] =	vst v17;
	v17 =	vmul.f32 $3.200000000e+01, v18  }
0x5e2: {  	v18 =	vadd.f32 v20, v9;
	v19 =	vmul.f32 $3.200000000e+01, v19;
	v20 =	vld [tilespmem:s1+$0x0]  }
0x5e3: {  	v17 =	vadd.f32 v17, v11  }
0x5e4: {  	v14 =	vmul.f32 $3.200000000e+01, v14;
	s3 =	sor.u32 s20, s0;
	[tilespmem:s15+$0x0] =	vst v18;
	v18 =	vadd.f32 v19, v12  }
0x5e5: {  	s9 =	sor.u32 s2, s0;
	v15 =	vmul.f32 $3.200000000e+01, v15;
	[tilespmem:s28+$0x0] =	vst v17;
	v17 =	vld [tilespmem:s3+$0x0]  }
0x5e6: {  	s0 =	sor.u32 s4, s0;
	v14 =	vadd.f32 v14, v6;
	v16 =	vmul.f32 $3.200000000e+01, v16;
	[tilespmem:s31+$0x0] =	vst v18;
	v18 =	vld [tilespmem:s9+$0x0]  }
0x5e7: {  	v15 =	vadd.f32 v15, v5;
	v19 =	vmul.f32 $3.200000000e+01, v20;
	v20 =	vld [tilespmem:s0+$0x0]  }
0x5e8: {  	[tilespmem:s23+$0x0] =	vst v14;
	v16 =	vadd.f32 v16, v7  }
0x5e9: {  	v21 =	vld [tilespmem:s7+$0x0];
	[tilespmem:s8+$0x0] =	vst v15;
	v19 =	vadd.f32 v19, v10  }
0x5ea: {  	v14 =	vld [tilespmem:s21+$0x0];
	[tilespmem:s30+$0x0] =	vst v16;
	v17 =	vmul.f32 $3.200000000e+01, v17  }
0x5eb: {  	[tilespmem:s1+$0x0] =	vst v19;
	v19 =	vld [tilespmem:s6+$0x0];
	v18 =	vmul.f32 $3.200000000e+01, v18  }
0x5ec: {  	s24 =	sadd.s32 $0x6100, s13;
	v17 =	vadd.f32 v17, v9;
	v20 =	vmul.f32 $3.200000000e+01, v20;
	s11 =	rddreg [dreg:$0x11]  }
0x5ed: {  	s25 =	sor.u32 s25, s24;
	v13 =	vmul.f32 $3.200000000e+01, v13;
	v16 =	vld [tilespmem:s11+$0x0];
	v18 =	vadd.f32 v18, v11  }
0x5ee: {  	s5 =	sor.u32 s20, s24;
	v21 =	vmul.f32 $3.200000000e+01, v21;
	v15 =	vld [tilespmem:s25+$0x0];
	[tilespmem:s3+$0x0] =	vst v17;
	v20 =	vadd.f32 v20, v12  }
0x5ef: {  	v8 =	vadd.f32 v13, v8;
	v13 =	vmul.f32 $3.200000000e+01, v14;
	s8 =	rddreg [dreg:$0xa];
	v14 =	vld [tilespmem:s5+$0x0];
	[tilespmem:s9+$0x0] =	vst v18  }
0x5f0: {  	s4 =	sor.u32 s4, s24;
	v4 =	vadd.f32 v21, v4;
	v17 =	vld [tilespmem:s8+$0x0];
	v18 =	vmul.f32 $3.200000000e+01, v19;
	[tilespmem:s0+$0x0] =	vst v20  }
0x5f1: {  	v3 =	vadd.f32 v13, v3;
	s3 =	sor.u32 s2, s24;
	v13 =	vld [tilespmem:s4+$0x0]  }
0x5f2: {  	[tilespmem:s7+$0x0] =	vst v4;
	v19 =	vld [tilespmem:s3+$0x0];
	v6 =	vadd.f32 v18, v6;
	v4 =	vmul.f32 $3.200000000e+01, v16  }
0x5f3: {  	[tilespmem:s26+$0x0] =	vst v8;
	v8 =	vmul.f32 $3.200000000e+01, v15  }
0x5f4: {  	[tilespmem:s6+$0x0] =	vst v6;
	v6 =	vmul.f32 $3.200000000e+01, v14;
	v4 =	vadd.f32 v4, v5  }
0x5f5: {  	[tilespmem:s21+$0x0] =	vst v3;
	v3 =	vadd.f32 v8, v10;
	v8 =	vmul.f32 $3.200000000e+01, v17  }
0x5f6: {  	v6 =	vadd.f32 v6, v9;
	[tilespmem:s11+$0x0] =	vst v4;
	v4 =	vmul.f32 $3.200000000e+01, v13  }
0x5f7: {  	[tilespmem:s25+$0x0] =	vst v3;
	v5 =	vmul.f32 $3.200000000e+01, v19;
	v3 =	vadd.f32 v8, v7  }
0x5f8: {  	[tilespmem:s5+$0x0] =	vst v6;
	v4 =	vadd.f32 v4, v12  }
0x5f9: {  	[tilespmem:s8+$0x0] =	vst v3;
	v3 =	vadd.f32 v5, v11  }
0x5fa: {  	[tilespmem:s4+$0x0] =	vst v4  }
0x5fb: {  	[tilespmem:s3+$0x0] =	vst v3  }
0x5fc: {  	s1 =	sld [smem:$0x7F1];
	_ =	sdelay $0x1  }
0x5fd: {  	s7 =	simm.s32 $0x0;
	s8 =	simm.s32 $0x100;
	s9 =	sld [smem:$0x7F2]  }
0x5fe: {  	[hbm4b:s1+s7] =	stream.linear.scatter [tilespmem:s8], [sflag:$0x8], $0x2000, $0x38;
	[tilespmem:$0x1E100] =	vst v63  }
0x5ff: {  	s10 =	simm.s32 $0x2100;
	s11 =	sld [smem:$0x7F3]  }
0x600: {  	[hbm4b:s9+s7] =	stream.linear.scatter [tilespmem:s10], [sflag:$0x8], $0x2000, $0x38;
	[tilespmem:$0x1E100] =	vst v63  }
0x601: {  	s12 =	simm.s32 $0x4100;
	s13 =	sld [smem:$0x7F4]  }
0x602: {  	[hbm4b:s11+s7] =	stream.linear.scatter [tilespmem:s12], [sflag:$0x8], $0x2000, $0x38;
	[tilespmem:$0x1E100] =	vst v63  }
0x603: {  	s14 =	simm.s32 $0x6100;
	s15 =	simm.s32 $0x3  }
0x604: {  	[hbm4b:s13+s7] =	stream.linear.scatter [tilespmem:s14], [sflag:$0x8], $0x2000, $0x38;
	[tilespmem:$0x1E100] =	vst v63  }
0x605: {  	s16 =	simm.s32 $0x0;
	s17 =	simm.s32 $0x6;
	_ =	swait.ge [sflag:s15], $0x8000  }
0x606: {  	s18 =	simm.s32 $0x0;
	s1 =	sand.u32 $0xFFFFE000, s16;
	[sflag:s15] =	ssyncset.done $0x0  }
0x607: {  	s19 =	sand.u32 $0xFFFFFF80, s18;
	s1 =	ssub.s32 $0x0, s1;
	[sflag:s15] =	ssyncadd.s32 $0xFFFF8000  }
0x608: {  	s2 =	sand.u32 $0x40, s7;
	s1 =	sand.u32 $0xFFFFFC00, s1;
	_ =	swait.ge [sflag:s17], $0x2000  }
0x609: {  	s0 =	sor.u32 $0x30, s2;
	s20 =	sadd.s32 s19, s1;
	[sflag:s17] =	ssyncset.done $0x0  }
0x60a: {  	s21 =	sor.u32 s0, s20;
	[sflag:s17] =	ssyncadd.s32 $0xFFFFE000  }
0x60b: {  	v3 =	vld [tilespmem:s21+$0x8100]  }
0x60c: {  	s22 =	sor.u32 s2, s20;
	v9 =	vld [tilespmem:s21+$0x1A100]  }
0x60d: {  	v5 =	vld [tilespmem:s22+$0x8100]  }
0x60e: {  	s6 =	sor.u32 $0x10, s2  }
0x60f: {  	s23 =	sor.u32 s6, s20;
	v13 =	vld [tilespmem:s22+$0x1A100]  }
0x610: {  	v6 =	vld [tilespmem:s23+$0x8100];
	v3 =	vmul.f32 $3.200000000e+01, v3  }
0x611: {  	s4 =	sand.u32 $0x3FFFFF80, s18;
	s3 =	sor.u32 $0x20, s2  }
0x612: {  	s1 =	sadd.s32 s4, s1;
	s5 =	sor.u32 s3, s20;
	v4 =	vld [tilespmem:s23+$0x1A100];
	v5 =	vmul.f32 $3.200000000e+01, v5;
	v8 =	vadd.f32 v3, v9  }
0x613: {  	s24 =	sadd.s32 $0xA100, s1;
	v7 =	vld [tilespmem:s5+$0x8100]  }
0x614: {  	s25 =	sor.u32 s0, s24;
	v3 =	vld [tilespmem:s5+$0x1A100];
	v5 =	vadd.f32 v5, v13;
	[tilespmem:s21+$0x8100] =	vst v8  }
0x615: {  	s26 =	simm.s32 $0x200;
	v6 =	vmul.f32 $3.200000000e+01, v6;
	v8 =	vld [tilespmem:s25+$0x0]  }
0x616: {  	s11 =	sand.u32 $0xFFFFE000, s26;
	s12 =	sor.u32 s2, s24;
	[tilespmem:s22+$0x8100] =	vst v5  }
0x617: {  	s30 =	simm.s32 $0x8;
	s11 =	ssub.s32 $0x200, s11;
	s14 =	simm.s32 $0x40;
	v6 =	vadd.f32 v6, v4;
	v10 =	vld [tilespmem:s12+$0x0]  }
0x618: {  	s20 =	sand.u32 $0xFFFFFF80, s30;
	s8 =	sand.u32 $0x40, s14;
	s15 =	sand.u32 $0xFFFFFC00, s11;
	v7 =	vmul.f32 $3.200000000e+01, v7  }
0x619: {  	s4 =	sor.u32 s6, s24;
	[tilespmem:s23+$0x8100] =	vst v6;
	s21 =	sadd.s32 s20, s15;
	s23 =	sor.u32 $0x30, s8  }
0x61a: {  	v11 =	vld [tilespmem:s4+$0x0];
	s11 =	sor.u32 s23, s21;
	v5 =	vadd.f32 v7, v3;
	v7 =	vmul.f32 $3.200000000e+01, v8  }
0x61b: {  	s19 =	sor.u32 s8, s21;
	v8 =	vld [tilespmem:s11+$0x1A100]  }
0x61c: {  	s16 =	sor.u32 s3, s24;
	[tilespmem:s5+$0x8100] =	vst v5;
	v6 =	vmul.f32 $3.200000000e+01, v10;
	v10 =	vld [tilespmem:s19+$0x8100];
	v5 =	vadd.f32 v7, v9  }
0x61d: {  	s17 =	sadd.s32 $0xC100, s1;
	v7 =	vld [tilespmem:s16+$0x0]  }
0x61e: {  	s18 =	sor.u32 s0, s17;
	[tilespmem:s25+$0x0] =	vst v5;
	v5 =	vld [tilespmem:s11+$0x8100];
	s25 =	sor.u32 $0x20, s8  }
0x61f: {  	s14 =	sor.u32 $0x10, s8;
	v12 =	vld [tilespmem:s18+$0x0];
	s5 =	sor.u32 s25, s21  }
0x620: {  	s22 =	sor.u32 s14, s21;
	v11 =	vmul.f32 $3.200000000e+01, v11;
	v16 =	vld [tilespmem:s5+$0x8100]  }
0x621: {  	v14 =	vld [tilespmem:s22+$0x8100]  }
0x622: {  	v15 =	vadd.f32 v6, v13;
	v6 =	vld [tilespmem:s19+$0x1A100];
	v11 =	vadd.f32 v11, v4  }
0x623: {  	v18 =	vmul.f32 $3.200000000e+01, v7;
	v7 =	vld [tilespmem:s5+$0x1A100];
	v17 =	vmul.f32 $3.200000000e+01, v5  }
0x624: {  	s24 =	sand.u32 $0x3FFFFF80, s30;
	s7 =	sor.u32 s6, s17;
	[tilespmem:s4+$0x0] =	vst v11;
	v5 =	vld [tilespmem:s22+$0x1A100];
	v12 =	vmul.f32 $3.200000000e+01, v12  }
0x625: {  	s26 =	sor.u32 s2, s17;
	s15 =	sadd.s32 s24, s15;
	[tilespmem:s12+$0x0] =	vst v15;
	v10 =	vmul.f32 $3.200000000e+01, v10;
	v15 =	vadd.f32 v17, v8;
	v11 =	vmul.f32 $3.200000000e+01, v16;
	v16 =	vld [tilespmem:s7+$0x0]  }
0x626: {  	s9 =	sadd.s32 $0xA100, s15;
	v17 =	vld [tilespmem:s26+$0x0];
	v12 =	vadd.f32 v12, v9  }
0x627: {  	s10 =	simm.s32 $0x400;
	s31 =	sadd.s32 $0xE100, s1;
	s30 =	sor.u32 s23, s9;
	v10 =	vadd.f32 v10, v6;
	[tilespmem:s11+$0x8100] =	vst v15  }
0x628: {  	s1 =	sand.u32 $0xFFFFE000, s10;
	s17 =	sor.u32 s3, s17;
	v14 =	vmul.f32 $3.200000000e+01, v14;
	s21 =	sor.u32 s0, s31;
	v18 =	vadd.f32 v18, v3;
	v15 =	vld [tilespmem:s30+$0x0];
	[tilespmem:s18+$0x0] =	vst v12  }
0x629: {  	s1 =	ssub.s32 $0x400, s1;
	s20 =	simm.s32 $0x10;
	s12 =	sor.u32 s8, s9;
	[tilespmem:s19+$0x8100] =	vst v10;
	v10 =	vadd.f32 v11, v7;
	v12 =	vld [tilespmem:s21+$0x0]  }
0x62a: {  	s0 =	sor.u32 s14, s9;
	[tilespmem:s16+$0x0] =	vst v18;
	s16 =	sor.u32 s25, s9;
	v18 =	vld [tilespmem:s12+$0x0];
	s9 =	simm.s32 $0x80;
	v14 =	vadd.f32 v14, v5;
	v16 =	vmul.f32 $3.200000000e+01, v16  }
0x62b: {  	s10 =	sand.u32 $0xFFFFFC00, s1;
	s29 =	sand.u32 $0x40, s9;
	v11 =	vld [tilespmem:s17+$0x0];
	[tilespmem:s5+$0x8100] =	vst v10;
	s5 =	sand.u32 $0xFFFFFF80, s20;
	v17 =	vmul.f32 $3.200000000e+01, v17  }
0x62c: {  	[tilespmem:s22+$0x8100] =	vst v14;
	v19 =	vld [tilespmem:s16+$0x0];
	s22 =	sadd.s32 s5, s10;
	s5 =	sor.u32 $0x20, s29;
	v16 =	vadd.f32 v16, v4  }
0x62d: {  	s1 =	sor.u32 s2, s31;
	s2 =	sor.u32 $0x30, s29;
	s11 =	sor.u32 s5, s22;
	v14 =	vmul.f32 $3.200000000e+01, v15;
	v15 =	vadd.f32 v17, v13;
	v17 =	vld [tilespmem:s0+$0x0]  }
0x62e: {  	s24 =	sor.u32 s2, s22;
	v12 =	vmul.f32 $3.200000000e+01, v12;
	[tilespmem:s7+$0x0] =	vst v16;
	v16 =	vld [tilespmem:s11+$0x8100]  }
0x62f: {  	v10 =	vadd.f32 v14, v8;
	[tilespmem:s26+$0x0] =	vst v15;
	v15 =	vld [tilespmem:s24+$0x8100]  }
0x630: {  	s28 =	sadd.s32 $0xC100, s15;
	v11 =	vmul.f32 $3.200000000e+01, v11;
	v14 =	vld [tilespmem:s1+$0x0];
	v9 =	vadd.f32 v12, v9  }
0x631: {  	v12 =	vmul.f32 $3.200000000e+01, v18;
	[tilespmem:s30+$0x0] =	vst v10;
	s30 =	sor.u32 s23, s28;
	v10 =	vld [tilespmem:s24+$0x1A100]  }
0x632: {  	s4 =	sor.u32 $0x10, s29;
	s19 =	sor.u32 s29, s22;
	v11 =	vadd.f32 v11, v3;
	v20 =	vld [tilespmem:s30+$0x0];
	[tilespmem:s21+$0x0] =	vst v9;
	v9 =	vmul.f32 $3.200000000e+01, v17  }
0x633: {  	s26 =	sor.u32 s4, s22;
	v18 =	vld [tilespmem:s19+$0x8100];
	v12 =	vadd.f32 v12, v6  }
0x634: {  	v63 =	vld [tilespmem:s26+$0x8100];
	[tilespmem:s17+$0x0] =	vst v11;
	v15 =	vmul.f32 $3.200000000e+01, v15;
	v17 =	vadd.f32 v9, v5  }
0x635: {  	v19 =	vmul.f32 $3.200000000e+01, v19;
	v11 =	vld [tilespmem:s26+$0x1A100];
	[tilespmem:s12+$0x0] =	vst v12  }
0x636: {  	s3 =	sor.u32 s3, s31;
	s13 =	sadd.s32 $0xE100, s15;
	s7 =	sand.u32 $0x3FFFFF80, s20;
	v9 =	vld [tilespmem:s19+$0x1A100];
	v15 =	vadd.f32 v15, v10;
	[tilespmem:s0+$0x0] =	vst v17;
	v17 =	vmul.f32 $3.200000000e+01, v14  }
0x637: {  	s20 =	smov.u32 s29;
	s29 =	simm.s32 $0x8;
	v19 =	vadd.f32 v19, v7;
	v12 =	vld [tilespmem:s11+$0x1A100];
	v20 =	vmul.f32 $3.200000000e+01, v20;
	[dreg:$0x13] =	wrdreg s3  }
0x638: {  	s18 =	sadd.s32 s7, s10;
	s7 =	sor.u32 s6, s31;
	s10 =	sor.u32 s8, s28;
	[tilespmem:s24+$0x8100] =	vst v15;
	v15 =	vadd.f32 v17, v13  }
0x639: {  	s22 =	sor.u32 s25, s28;
	s8 =	sor.u32 s8, s13;
	s0 =	sadd.s32 $0xA100, s18;
	[tilespmem:s16+$0x0] =	vst v19;
	v20 =	vadd.f32 v20, v8  }
0x63a: {  	s6 =	sor.u32 s25, s13;
	s25 =	smov.u32 s2;
	v18 =	vmul.f32 $3.200000000e+01, v18;
	s12 =	sor.u32 s2, s0;
	v14 =	vld [tilespmem:s10+$0x0];
	[tilespmem:s1+$0x0] =	vst v15  }
0x63b: {  	s23 =	sor.u32 s23, s13;
	s21 =	smov.u32 s10;
	v17 =	vld [tilespmem:s12+$0x0];
	[tilespmem:s30+$0x0] =	vst v20;
	s30 =	sor.u32 s14, s13  }
0x63c: {  	v16 =	vmul.f32 $3.200000000e+01, v16;
	s3 =	sor.u32 s14, s28;
	s15 =	sor.u32 s20, s0;
	v19 =	vmul.f32 $3.200000000e+01, v63;
	v20 =	vadd.f32 v18, v9;
	v13 =	vld [tilespmem:s23+$0x0];
	[dreg:$0x12] =	wrdreg s30  }
0x63d: {  	s28 =	sor.u32 s4, s0;
	s31 =	sor.u32 s5, s0;
	s24 =	simm.s32 $0x400;
	v15 =	vld [tilespmem:s3+$0x0]  }
0x63e: {  	s10 =	smov.u32 s3;
	v18 =	vadd.f32 v19, v11;
	v19 =	vadd.f32 v16, v12;
	s14 =	simm.s32 $0xC;
	s13 =	smov.u32 s22;
	[tilespmem:s19+$0x8100] =	vst v20;
	v16 =	vld [tilespmem:s22+$0x0]  }
.LBB2_16:
0x63f: {  	s0 =	sshll.u32 s14, $0x7;
	v14 =	vmul.f32 $3.200000000e+01, v14  }
0x640: {  	v20 =	vld [tilespmem:s15+$0x0];
	s29 =	sadd.s32 $0x4, s29;
	s24 =	sadd.s32 $0x200, s24;
	s3 =	smov.u32 s4;
	[tilespmem:s26+$0x8100] =	vst v18  }
0x641: {  	s4 =	smov.u32 s20;
	s9 =	sadd.s32 $0x40, s9;
	s0 =	sand.u32 $0xFFFFE000, s0;
	[tilespmem:s11+$0x8100] =	vst v19;
	v18 =	vld [tilespmem:s28+$0x0];
	v17 =	vmul.f32 $3.200000000e+01, v17;
	v14 =	vadd.f32 v14, v6  }
0x642: {  	s20 =	sshll.u32 s29, $0x1;
	s22 =	sand.u32 $0x40, s9;
	s0 =	ssub.s32 s24, s0;
	v19 =	vld [tilespmem:s31+$0x0];
	v13 =	vmul.f32 $3.200000000e+01, v13  }
0x643: {  	s26 =	sand.u32 $0xFFFFFF80, s20;
	v21 =	vld [tilespmem:s7+$0x0];
	s1 =	sand.u32 $0xFFFFFC00, s0;
	v17 =	vadd.f32 v17, v10;
	v15 =	vmul.f32 $3.200000000e+01, v15;
	[tilespmem:s21+$0x0] =	vst v14;
	s21 =	rddreg [dreg:$0x13]  }
0x644: {  	s19 =	sor.u32 $0x30, s22;
	s30 =	sadd.s32 s26, s1;
	v14 =	vmul.f32 $3.200000000e+01, v16;
	v13 =	vadd.f32 v13, v8;
	v16 =	vld [tilespmem:s21+$0x0]  }
0x645: {  	s2 =	sadd.s32 $0xC100, s18;
	s0 =	sor.u32 s19, s30;
	v8 =	vmov v10;
	v10 =	vmul.f32 $3.200000000e+01, v20;
	[tilespmem:s12+$0x0] =	vst v17;
	v17 =	vld [tilespmem:s8+$0x0];
	v15 =	vadd.f32 v15, v5;
	s12 =	smov.u32 s6  }
0x646: {  	s6 =	smov.u32 s5;
	s5 =	smov.u32 s25;
	s25 =	sor.u32 s25, s2;
	v20 =	vld [tilespmem:s0+$0x8100];
	v18 =	vmul.f32 $3.200000000e+01, v18;
	v14 =	vadd.f32 v14, v7;
	[tilespmem:s23+$0x0] =	vst v13  }
0x647: {  	[dreg:$0x15] =	wrdreg s18;
	v19 =	vmul.f32 $3.200000000e+01, v19;
	v13 =	vadd.f32 v10, v9;
	[tilespmem:s10+$0x0] =	vst v15;
	v22 =	vld [tilespmem:s25+$0x0]  }
0x648: {  	s14 =	sadd.s32 $0x4, s14;
	s16 =	sor.u32 $0x10, s22;
	s18 =	sor.u32 s22, s30;
	v10 =	vld [tilespmem:s0+$0x1A100];
	v15 =	vadd.f32 v18, v11;
	[tilespmem:s13+$0x0] =	vst v14;
	v14 =	vmul.f32 $3.200000000e+01, v21  }
0x649: {  	s17 =	sor.u32 $0x20, s22;
	s20 =	sand.u32 $0x3FFFFF80, s20;
	s26 =	sor.u32 s16, s30;
	v18 =	vld [tilespmem:s18+$0x8100];
	[tilespmem:s15+$0x0] =	vst v13;
	v13 =	vadd.f32 v19, v12;
	v16 =	vmul.f32 $3.200000000e+01, v16  }
0x64a: {  	[dreg:$0x16] =	wrdreg s3;
	s1 =	sadd.s32 s20, s1;
	s11 =	sor.u32 s17, s30;
	v19 =	vld [tilespmem:s26+$0x8100];
	[tilespmem:s28+$0x0] =	vst v15;
	v15 =	vmul.f32 $3.200000000e+01, v17;
	v14 =	vadd.f32 v14, v4  }
0x64b: {  	p0 =	slt.u32 s29, $0x1FC;
	s30 =	sor.u32 s3, s2;
	s20 =	sadd.s32 $0xA100, s1;
	v17 =	vld [tilespmem:s11+$0x8100];
	v20 =	vmul.f32 $3.200000000e+01, v20;
	[tilespmem:s31+$0x0] =	vst v13;
	v13 =	vadd.f32 v16, v3  }
0x64c: {  	s3 =	sor.u32 s6, s2;
	s23 =	sor.u32 s4, s2;
	s10 =	smov.u32 s30;
	v15 =	vadd.f32 v15, v6;
	[tilespmem:s7+$0x0] =	vst v14;
	v6 =	vmov v9;
	v9 =	vld [tilespmem:s18+$0x1A100]  }
0x64d: {  	s13 =	rddreg [dreg:$0x12];
	s15 =	smov.u32 s12;
	s12 =	sor.u32 s19, s20;
	v4 =	vmovc v5;
	v5 =	vmov v11;
	v16 =	vmul.f32 $3.200000000e+01, v22;
	v11 =	vld [tilespmem:s26+$0x1A100];
	v14 =	vadd.f32 v20, v10;
	[tilespmem:s21+$0x0] =	vst v13  }
0x64e: {  	[dreg:$0x13] =	wrdreg s15;
	s15 =	sor.u32 s22, s20;
	s28 =	sor.u32 s16, s20;
	v3 =	vmov v7;
	v7 =	vmov v12;
	[tilespmem:s8+$0x0] =	vst v15;
	v12 =	vld [tilespmem:s11+$0x1A100]  }
0x64f: {  	s31 =	sor.u32 s17, s20;
	s21 =	smov.u32 s23;
	v16 =	vadd.f32 v16, v8;
	[tilespmem:s0+$0x8100] =	vst v14;
	v14 =	vld [tilespmem:s23+$0x0];
	s23 =	rddreg [dreg:$0x15]  }
.Ltmp7:
0x650: {  	s20 =	smov.u32 s22;
	v13 =	vmul.f32 $3.200000000e+01, v18;
	s0 =	sadd.s32 $0xE100, s23;
	(pc) =	sbr.rel @p0 .LBB2_16-.Ltmp7, $4  }
0x651: {  	s7 =	smov.u32 s13;
	s13 =	smov.u32 s3;
	v15 =	vmul.f32 $3.200000000e+01, v19;
	v19 =	vmul.f32 $3.200000000e+01, v17;
	v17 =	vld [tilespmem:s12+$0x0];
	[tilespmem:s25+$0x0] =	vst v16;
	s23 =	sor.u32 s5, s0  }
0x652: {  	v16 =	vadd.f32 v13, v9;
	s8 =	sor.u32 s4, s0;
	s25 =	rddreg [dreg:$0x16];
	s6 =	sor.u32 s6, s0;
	v13 =	vld [tilespmem:s23+$0x0]  }
0x653: {  	s4 =	smov.u32 s16;
	s5 =	smov.u32 s17;
	s2 =	sor.u32 s25, s0;
	v18 =	vadd.f32 v15, v11;
	v15 =	vld [tilespmem:s30+$0x0]  }
0x654: {  	s25 =	smov.u32 s19;
	[dreg:$0x12] =	wrdreg s2;
	[tilespmem:s18+$0x8100] =	vst v16;
	v16 =	vld [tilespmem:s3+$0x0];
	s18 =	smov.u32 s1;
	v19 =	vadd.f32 v19, v12  }
0x655: {  	[tilespmem:s26+$0x8100] =	vst v18;
	v36 =	vld [tilespmem:s15+$0x0]  }
0x656: {  	v20 =	vld [tilespmem:s28+$0x0];
	[tilespmem:s11+$0x8100] =	vst v19  }
0x657: {  	v17 =	vmul.f32 $3.200000000e+01, v17;
	v19 =	vld [tilespmem:s31+$0x0];
	_ =	sdelay $0x1  }
0x658: {  	v17 =	vadd.f32 v17, v10  }
0x659: {  	s0 =	sadd.s32 $0xC100, s18;
	v18 =	vmul.f32 $3.200000000e+01, v36  }
0x65a: {  	s1 =	sor.u32 s25, s0;
	[tilespmem:s12+$0x0] =	vst v17;
	v37 =	vmul.f32 $3.200000000e+01, v20  }
0x65b: {  	v38 =	vld [tilespmem:s1+$0x0];
	v18 =	vadd.f32 v18, v9;
	v19 =	vmul.f32 $3.200000000e+01, v19  }
0x65c: {  	v17 =	vadd.f32 v37, v11  }
0x65d: {  	v14 =	vmul.f32 $3.200000000e+01, v14;
	s2 =	sor.u32 s20, s0;
	[tilespmem:s15+$0x0] =	vst v18;
	v39 =	vadd.f32 v19, v12  }
0x65e: {  	s9 =	sor.u32 s4, s0;
	v15 =	vmul.f32 $3.200000000e+01, v15;
	[tilespmem:s28+$0x0] =	vst v17;
	v40 =	vld [tilespmem:s2+$0x0]  }
0x65f: {  	s0 =	sor.u32 s5, s0;
	v14 =	vadd.f32 v14, v6;
	v16 =	vmul.f32 $3.200000000e+01, v16;
	[tilespmem:s31+$0x0] =	vst v39;
	v41 =	vld [tilespmem:s9+$0x0]  }
0x660: {  	v15 =	vadd.f32 v15, v5;
	v42 =	vmul.f32 $3.200000000e+01, v38;
	v43 =	vld [tilespmem:s0+$0x0]  }
0x661: {  	[tilespmem:s21+$0x0] =	vst v14;
	v16 =	vadd.f32 v16, v7  }
0x662: {  	v21 =	vld [tilespmem:s7+$0x0];
	s21 =	rddreg [dreg:$0x13];
	[tilespmem:s10+$0x0] =	vst v15;
	v19 =	vadd.f32 v42, v10  }
0x663: {  	s18 =	sadd.s32 $0xE100, s18;
	[tilespmem:s13+$0x0] =	vst v16;
	v44 =	vld [tilespmem:s21+$0x0];
	v17 =	vmul.f32 $3.200000000e+01, v40  }
0x664: {  	s19 =	sor.u32 s25, s18;
	v45 =	vld [tilespmem:s8+$0x0];
	[tilespmem:s1+$0x0] =	vst v19;
	v18 =	vmul.f32 $3.200000000e+01, v41  }
0x665: {  	v46 =	vld [tilespmem:s19+$0x0];
	s12 =	rddreg [dreg:$0x12];
	v17 =	vadd.f32 v17, v9;
	v20 =	vmul.f32 $3.200000000e+01, v43  }
0x666: {  	v13 =	vmul.f32 $3.200000000e+01, v13;
	v47 =	vld [tilespmem:s12+$0x0];
	v18 =	vadd.f32 v18, v11  }
0x667: {  	s20 =	sor.u32 s20, s18;
	v48 =	vmul.f32 $3.200000000e+01, v21;
	v49 =	vld [tilespmem:s6+$0x0];
	[tilespmem:s2+$0x0] =	vst v17;
	v20 =	vadd.f32 v20, v12  }
0x668: {  	s3 =	sor.u32 s4, s18;
	v8 =	vadd.f32 v13, v8;
	v50 =	vmul.f32 $3.200000000e+01, v44;
	[tilespmem:s9+$0x0] =	vst v18;
	v51 =	vld [tilespmem:s20+$0x0]  }
0x669: {  	s22 =	sor.u32 s5, s18;
	v4 =	vadd.f32 v48, v4;
	v52 =	vmul.f32 $3.200000000e+01, v45;
	[tilespmem:s0+$0x0] =	vst v20;
	v53 =	vld [tilespmem:s3+$0x0]  }
0x66a: {  	[tilespmem:s23+$0x0] =	vst v8;
	v3 =	vadd.f32 v50, v3;
	v54 =	vmul.f32 $3.200000000e+01, v46;
	v55 =	vld [tilespmem:s22+$0x0]  }
0x66b: {  	v56 =	vadd.f32 v52, v6;
	[tilespmem:s7+$0x0] =	vst v4;
	v57 =	vmul.f32 $3.200000000e+01, v47  }
0x66c: {  	v58 =	vmul.f32 $3.200000000e+01, v49;
	[tilespmem:s21+$0x0] =	vst v3;
	v3 =	vadd.f32 v54, v10  }
0x66d: {  	[tilespmem:s8+$0x0] =	vst v56;
	v60 =	vadd.f32 v57, v5;
	v59 =	vmul.f32 $3.200000000e+01, v51  }
0x66e: {  	[tilespmem:s19+$0x0] =	vst v3;
	v3 =	vadd.f32 v58, v7;
	v61 =	vmul.f32 $3.200000000e+01, v53  }
0x66f: {  	[tilespmem:s12+$0x0] =	vst v60;
	v4 =	vadd.f32 v59, v9;
	v62 =	vmul.f32 $3.200000000e+01, v55  }
0x670: {  	[tilespmem:s6+$0x0] =	vst v3;
	v3 =	vadd.f32 v61, v11  }
0x671: {  	[tilespmem:s20+$0x0] =	vst v4;
	v63 =	vadd.f32 v62, v12  }
0x672: {  	[tilespmem:s3+$0x0] =	vst v3  }
0x673: {  	[tilespmem:s22+$0x0] =	vst v63  }
0x674: {  	s0 =	sld [smem:$0x7F5];
	_ =	sdelay $0x1  }
0x675: {  	s8 =	simm.s32 $0x8100;
	s2 =	simm.s32 $0x0;
	s24 =	sld [smem:$0x7F6]  }
0x676: {  	[hbm4b:s0+s2] =	stream.linear.scatter [tilespmem:s8], [sflag:$0x9], $0x2000, $0x38;
	[tilespmem:$0x1E100] =	vst v63  }
0x677: {  	s9 =	simm.s32 $0xA100;
	s25 =	sld [smem:$0x7F7]  }
0x678: {  	[hbm4b:s24+s2] =	stream.linear.scatter [tilespmem:s9], [sflag:$0x9], $0x2000, $0x38;
	[tilespmem:$0x1E100] =	vst v63  }
0x679: {  	s10 =	simm.s32 $0xC100;
	s26 =	sld [smem:$0x7F8]  }
0x67a: {  	[hbm4b:s25+s2] =	stream.linear.scatter [tilespmem:s10], [sflag:$0x9], $0x2000, $0x38;
	[tilespmem:$0x1E100] =	vst v63  }
0x67b: {  	s11 =	simm.s32 $0xE100;
	s28 =	simm.s32 $0xA  }
0x67c: {  	[hbm4b:s26+s2] =	stream.linear.scatter [tilespmem:s11], [sflag:$0x9], $0x2000, $0x38;
	[tilespmem:$0x1E100] =	vst v63  }
0x67d: {  	_ =	swait.ge [sflag:s28], $0x2000  }
0x67e: {  	[sflag:s28] =	ssyncset.done $0x0  }
0x67f: {  	[sflag:s28] =	ssyncadd.s32 $0xFFFFE000  }
0x680: {  	_ =	swait.ge [sflag:s28], $0x2000  }
0x681: {  	[sflag:s28] =	ssyncset.done $0x0  }
0x682: {  	[sflag:s28] =	ssyncadd.s32 $0xFFFFE000  }
0x683: {  	_ =	swait.ge [sflag:s28], $0x2000  }
0x684: {  	[sflag:s28] =	ssyncset.done $0x0  }
0x685: {  	[sflag:s28] =	ssyncadd.s32 $0xFFFFE000  }
0x686: {  	_ =	swait.ge [sflag:s28], $0x2000  }
0x687: {  	[sflag:s28] =	ssyncset.done $0x0  }
0x688: {  	s1 =	simm.s32 $0x8;
	[sflag:s28] =	ssyncadd.s32 $0xFFFFE000  }
0x689: {  	_ =	swait.ge [sflag:s1], $0x2000  }
0x68a: {  	[sflag:s1] =	ssyncset.done $0x0  }
0x68b: {  	[sflag:s1] =	ssyncadd.s32 $0xFFFFE000  }
0x68c: {  	_ =	swait.ge [sflag:s1], $0x2000  }
0x68d: {  	[sflag:s1] =	ssyncset.done $0x0  }
0x68e: {  	[sflag:s1] =	ssyncadd.s32 $0xFFFFE000  }
0x68f: {  	_ =	swait.ge [sflag:s1], $0x2000  }
0x690: {  	[sflag:s1] =	ssyncset.done $0x0  }
0x691: {  	[sflag:s1] =	ssyncadd.s32 $0xFFFFE000  }
0x692: {  	_ =	swait.ge [sflag:s1], $0x2000  }
0x693: {  	[sflag:s1] =	ssyncset.done $0x0  }
0x694: {  	s29 =	simm.s32 $0x9;
	[sflag:s1] =	ssyncadd.s32 $0xFFFFE000  }
0x695: {  	_ =	swait.ge [sflag:s29], $0x2000  }
0x696: {  	[sflag:s29] =	ssyncset.done $0x0  }
0x697: {  	[sflag:s29] =	ssyncadd.s32 $0xFFFFE000  }
0x698: {  	_ =	swait.ge [sflag:s29], $0x2000  }
0x699: {  	[sflag:s29] =	ssyncset.done $0x0  }
0x69a: {  	[sflag:s29] =	ssyncadd.s32 $0xFFFFE000  }
0x69b: {  	_ =	swait.ge [sflag:s29], $0x2000  }
0x69c: {  	[sflag:s29] =	ssyncset.done $0x0  }
0x69d: {  	[sflag:s29] =	ssyncadd.s32 $0xFFFFE000  }
0x69e: {  	_ =	swait.ge [sflag:s29], $0x2000  }
0x69f: {  	s30 =	sld [smem:$0x7B4]  }
0x6a0: {  	s31 =	sld [smem:$0x7FA];
	_ =	sdelay $0x1  }
0x6a1: {  	s4 =	sadd.s32 $0x1, s30  }
0x6a2: {  	p0 =	sne.s32 s4, s31  }
.Ltmp8:
0x6a3: {  	_ = 	snop;
	(pc) =	sbr.rel @p0 .LBB2_1-.Ltmp8, $3  }
0x6a4: {  	_ =	sdelay $0x1  }
0x6a5: {  	[sflag:s29] =	ssyncset.done $0x0  }
0x6a6: {  	[sflag:s29] =	ssyncadd.s32 $0xFFFFE000  }
0x6a7: {  	_ =	sfence.sel $0x180000  }
0x6a8: {  	[bflag:$0x0] =	sbarrier.arrive $0xFFFF  }
0x6a9: {  	_ =	strace $0x90000047  }
0x6aa: {  	s0 =	stileid.u32;
	[bflag:$0x2] =	sbarrier.arrive $0xFFFF  }
0x6ab: {  	p0 =	sne.s32 s0, $0x0;
	s0 =	rddreg [dreg:$0x4]  }
0x6ac: {  	s0 =	sadd.s32 @!p0 $0x100000, s0  }
0x6ad: {  	[sflag:s0] =	ssyncadd.tile.s32 @!p0 $0x1;
	_ =	shalt  }
.Lfunc_end2:
_tile_overlayer_lowered:
.L_overlay_start_2:
0x6ae: {  	(tag) =	ssettag $0x2  }
0x6af: {  	s0 =	rddreg [dreg:$0x0];
	s2 =	stileid.u32  }
0x6b0: {  	s1 =	rddreg [dreg:$0x1];
	p0 =	sne.s32 s2, $0x0  }
0x6b1: {  	s3 =	rddreg [dreg:$0x2];
	[bflag:$0x3] =	sbarrier.arrive $0xFFFF;
	s2 =	simm.s32 @!p0 $0x1C0B  }
0x6b2: {  	[timem:s3], [sflag:s2] =	dma.local @!p0 [hbm:s0], s1  }
0x6b3: {  	s0 =	simm.s32 @!p0 $0xB  }
0x6b4: {  	_ =	swait.ge @!p0 [sflag:s0], s1  }
0x6b5: {  	s1 =	ssub.s32 @!p0 $0x0, s1;
	[sflag:s0] =	ssyncset.done @!p0 $0x0  }
0x6b6: {  	[sflag:s0] =	ssyncadd.s32 @!p0 s1  }
0x6b7: {  	[bflag:$0x3] =	sbarrier.arrive $0xFFFF  }
0x6b8: {  	_ =	shalt  }

</sc_bundles>
